<compile_context>
chip_gen: v7x
topology: tpu7x:2x2x1
jax: 0.10.2.dev20260603
libtpu: 0.0.44.dev20260713+nightly
codegen_flags: <defaults>
</compile_context>

<pallas_src>
import functools

import jax
import jax.numpy as jnp
from jax import lax
from jax.experimental import pallas as pl
from jax.experimental.pallas import tpu as pltpu
from jax.experimental.pallas import tpu_sc as plsc

B = 4096
L = 200
EMB_DIM = 128
VOCAB = 1000
TBL = 2048

NC = 2
NS = 16
LANES = 16
NW = NC * NS
COLS_PER_W = B // NW
GROUPS = COLS_PER_W // LANES
LT = L // 8


def _pack_pair(t2):
    lo = lax.bitcast_convert_type(t2[0:1, :].astype(jnp.bfloat16), jnp.uint16)
    hi = lax.bitcast_convert_type(t2[1:2, :].astype(jnp.bfloat16), jnp.uint16)
    packed = lo.astype(jnp.uint32) | (hi.astype(jnp.uint32) << 16)
    return lax.bitcast_convert_type(packed, jnp.int32)


def _proj_body(emb_ref, w_ref, b2_ref, out_ref):
    emb = emb_ref[...]
    bh = 0.5 * b2_ref[...]
    dn = (((1,), (1,)), ((), ()))
    tA = lax.dot_general(w_ref[:, :EMB_DIM], emb, dn,
                         preferred_element_type=jnp.float32) + bh.T
    tB = lax.dot_general(w_ref[:, EMB_DIM:], emb, dn,
                         preferred_element_type=jnp.float32) + bh.T
    out_ref[pl.ds(0, VOCAB)] = _pack_pair(tA).reshape(VOCAB)
    out_ref[pl.ds(1024, VOCAB)] = _pack_pair(tB).reshape(VOCAB)


_proj = pl.pallas_call(
    _proj_body,
    out_shape=jax.ShapeDtypeStruct((TBL,), jnp.int32),
)


_sc_mesh = plsc.VectorSubcoreMesh(core_axis_name="c", subcore_axis_name="s")


@functools.partial(
    pl.kernel,
    out_type=jax.ShapeDtypeStruct((2 * B,), jnp.float32),
    mesh=_sc_mesh,
    compiler_params=pltpu.CompilerParams(needs_layout_passes=False,
                                         skip_device_barrier=True),
    scratch_types=[
        pltpu.VMEM((TBL,), jnp.int32),
        pltpu.VMEM((LT, 8, COLS_PER_W), jnp.int32),
        pltpu.VMEM((LT, 8, COLS_PER_W), jnp.int32),
        pltpu.VMEM((2 * COLS_PER_W,), jnp.float32),
        pltpu.VMEM((2 * COLS_PER_W,), jnp.float32),
        pltpu.SemaphoreType.DMA,
        pltpu.SemaphoreType.DMA,
        pltpu.SemaphoreType.DMA,
    ],
)
def _sc_gather(table_hbm, idx1_hbm, idx2_hbm, out_hbm,
               table_v, idx1_v, idx2_v, acc_v, out_v, sem_t, sem_1, sem_2):
    wid = lax.axis_index("s") * NC + lax.axis_index("c")
    base = wid * COLS_PER_W
    d_t = pltpu.async_copy(table_hbm, table_v, sem_t)
    d_1 = pltpu.async_copy(idx1_hbm.at[:, :, pl.ds(base, COLS_PER_W)],
                           idx1_v, sem_1)
    d_2 = pltpu.async_copy(idx2_hbm.at[:, :, pl.ds(base, COLS_PER_W)],
                           idx2_v, sem_2)
    d_t.wait()
    d_1.wait()
    himask = jnp.full((LANES,), -65536, jnp.int32)
    zero = jnp.zeros((LANES,), jnp.float32)

    zeros8 = (zero,) * 8

    def make_step(idx_v, off, g):
        def step(lt, carry):
            acc = list(carry)
            for lm in range(8):
                v = idx_v[lt, lm, pl.ds(g * LANES, LANES)]
                gX = plsc.load_gather(table_v, [v + off] if off else [v])
                k = lm % 4
                acc[2 * k] = acc[2 * k] + plsc.bitcast(gX << 16, jnp.float32)
                acc[2 * k + 1] = acc[2 * k + 1] + plsc.bitcast(
                    gX & himask, jnp.float32)
            return tuple(acc)
        return step

    for g in range(GROUPS):
        acc = plsc.parallel_loop(0, LT, unroll=2, carry=zeros8)(
            make_step(idx1_v, 0, g))
        acc_v[pl.ds(g * LANES, LANES)] = (acc[0] + acc[2]) + (acc[4] + acc[6])
        acc_v[pl.ds(COLS_PER_W + g * LANES, LANES)] = (
            (acc[1] + acc[3]) + (acc[5] + acc[7]))

    d_2.wait()

    for g in range(GROUPS):
        acc = plsc.parallel_loop(0, LT, unroll=2, carry=zeros8)(
            make_step(idx2_v, 1024, g))
        a0 = ((acc[0] + acc[2]) + (acc[4] + acc[6])
              + acc_v[pl.ds(g * LANES, LANES)])
        a1 = ((acc[1] + acc[3]) + (acc[5] + acc[7])
              + acc_v[pl.ds(COLS_PER_W + g * LANES, LANES)])

        l0 = a0 * (1.0 / L)
        l1 = a1 * (1.0 / L)
        act0 = jnp.where(l0 >= 0, l0, 0.01 * l0)
        act1 = jnp.where(l1 >= 0, l1, 0.01 * l1)
        m = jnp.maximum(act0, act1)
        d0 = act0 - m
        d1 = act1 - m
        z = jnp.exp(d0) + jnp.exp(d1)
        w = (z - 1.0) / (z + 1.0)
        w2 = w * w
        logz = w * (2.0 + w2 * (2.0 / 3.0 + w2 * (2.0 / 5.0 + w2 * (2.0 / 7.0))))
        out_v[pl.ds(g * LANES, LANES)] = d0 - logz
        out_v[pl.ds(COLS_PER_W + g * LANES, LANES)] = d1 - logz

    pltpu.sync_copy(out_v.at[pl.ds(0, COLS_PER_W)],
                    out_hbm.at[pl.ds(base, COLS_PER_W)])
    pltpu.sync_copy(out_v.at[pl.ds(COLS_PER_W, COLS_PER_W)],
                    out_hbm.at[pl.ds(B + base, COLS_PER_W)])


def kernel(input_ch1, input_ch2, emb, W, b):
    t = _proj(emb, W, b.reshape(1, 2))
    i1 = input_ch1.T.reshape(LT, 8, B)
    i2 = input_ch2.T.reshape(LT, 8, B)
    out = _sc_gather(t, i1, i2)
    return out.reshape(2, B).T

# --- scband reference (transcript-rebuilt; emitter-appended) ---
"""Pipeline reference for scband-sentence-math-3693671875127 (READ-ONLY COPY).

The authoritative reference and input builder live on the scoring server;
editing this copy changes nothing except your own understanding.
"""

import jax, jax.numpy as jnp
import numpy as np

B = 4096
L = 200
EMB_DIM = 128
HID = 128
VOCAB = 1000


def setup_inputs(seed: int = 0) -> dict:
    key = jax.random.key(seed)
    k1, k2, k3, k4 = jax.random.split(key, 4)
    input_ch1 = jax.random.randint(k1, (B, L), 0, 900, dtype=jnp.int32)
    input_ch2 = jax.random.randint(k2, (B, L), 0, 900, dtype=jnp.int32)
    emb = jax.random.uniform(k3, (VOCAB, EMB_DIM), minval=-0.1, maxval=0.1, dtype=jnp.float32)
    W = jax.random.uniform(k4, (2, 2 * HID), minval=-0.1, maxval=0.1, dtype=jnp.float32)
    b = jnp.zeros((2,), dtype=jnp.float32)
    return {"input_ch1": input_ch1, "input_ch2": input_ch2, "emb": emb, "W": W, "b": b}


def reference(input_ch1, input_ch2, emb, W, b):
    # encoder: embedding lookup -> (dropout disabled, drop_out_flag=False) -> mean over seq dim
    h1 = jnp.mean(jnp.take(emb, input_ch1, axis=0), axis=1)  # [B, EMB_DIM]
    h2 = jnp.mean(jnp.take(emb, input_ch2, axis=0), axis=1)  # [B, EMB_DIM]
    out = jnp.concatenate([h1, h2], axis=1)  # [B, 2*HID]
    # out2tag_logsoftmax: (dropout disabled) -> linear -> leaky_relu -> log_softmax
    logits = out @ W.T + b  # [B, 2]
    act = jax.nn.leaky_relu(logits, negative_slope=0.01)
    return jax.nn.log_softmax(act, axis=1)

if __name__ == "__main__":
    import jax
    _d = setup_inputs()
    print(jax.jit(kernel)(*tuple(_d.values())))

</pallas_src>

<mosaic_0001>
#map = affine_map<(d0, d1) -> (0)>
#map1 = affine_map<(d0, d1) -> (0, 0, 0)>
module attributes {stable_mosaic.version = 14 : i64} {
  func.func @_sc_gather(%arg0: i32, %arg1: i32, %arg2: memref<2048xi32, #tpu.memory_space<hbm>>, %arg3: memref<25x8x4096xi32, #tpu.memory_space<hbm>>, %arg4: memref<25x8x4096xi32, #tpu.memory_space<hbm>>, %arg5: memref<8192xf32, #tpu.memory_space<hbm>>, %arg6: memref<2048xi32, #tpu.memory_space<vmem>>, %arg7: memref<25x8x128xi32, #tpu.memory_space<vmem>>, %arg8: memref<25x8x128xi32, #tpu.memory_space<vmem>>, %arg9: memref<256xf32, #tpu.memory_space<vmem>>, %arg10: memref<256xf32, #tpu.memory_space<vmem>>, %arg11: memref<!tpu.dma_semaphore, #tpu.memory_space<semaphore_mem>>, %arg12: memref<!tpu.dma_semaphore, #tpu.memory_space<semaphore_mem>>, %arg13: memref<!tpu.dma_semaphore, #tpu.memory_space<semaphore_mem>>) attributes {dimension_semantics = [#tpu.dimension_semantics<core_parallel>, #tpu.dimension_semantics<subcore_parallel>], iteration_bounds = array<i64: 2, 16>, scalar_prefetch = 0 : i64, scratch_operands = 8 : i64, tpu.core_type = #tpu.core_type<sc_vector_subcore>, window_params = [{transform_indices = #map}, {transform_indices = #map1}, {transform_indices = #map1}, {transform_indices = #map}]} {
    %mul3A = arith.constant 2 : i32
    %mul3A_0 = arith.muli %arg1, %mul3A : i32
    %add3A = arith.addi %mul3A_0, %arg0 : i32
    %mul3A_1 = arith.constant 128 : i32
    %mul3A_2 = arith.muli %add3A, %mul3A_1 : i32
    tpu.enqueue_dma source(%arg2 : memref<2048xi32, #tpu.memory_space<hbm>>) target(%arg6 : memref<2048xi32, #tpu.memory_space<vmem>>) target_semaphore(%arg11 : memref<!tpu.dma_semaphore, #tpu.memory_space<semaphore_mem>>)
    %dma_start3A = arith.constant 0 : i32
    %dma_start3A_3 = arith.constant 0 : i32
    %dma_start3A_4 = tpu.memref_slice %arg3[%dma_start3A, %dma_start3A_3, %mul3A_2] : memref<25x8x4096xi32, #tpu.memory_space<hbm>> -> memref<25x8x128xi32, #tpu.memory_space<hbm>>
    %dma_start3A_5 = arith.constant 0 : i32
    %dma_start3A_6 = arith.constant 0 : i32
    %dma_start3A_7 = tpu.memref_slice %arg3[%dma_start3A_5, %dma_start3A_6, %mul3A_2] : memref<25x8x4096xi32, #tpu.memory_space<hbm>> -> memref<25x8x128xi32, #tpu.memory_space<hbm>>
    tpu.enqueue_dma source(%dma_start3A_7 : memref<25x8x128xi32, #tpu.memory_space<hbm>>) target(%arg7 : memref<25x8x128xi32, #tpu.memory_space<vmem>>) target_semaphore(%arg12 : memref<!tpu.dma_semaphore, #tpu.memory_space<semaphore_mem>>)
    %dma_start3A_8 = arith.constant 0 : i32
    %dma_start3A_9 = arith.constant 0 : i32
    %dma_start3A_10 = tpu.memref_slice %arg4[%dma_start3A_8, %dma_start3A_9, %mul3A_2] : memref<25x8x4096xi32, #tpu.memory_space<hbm>> -> memref<25x8x128xi32, #tpu.memory_space<hbm>>
    %dma_start3A_11 = arith.constant 0 : i32
    %dma_start3A_12 = arith.constant 0 : i32
    %dma_start3A_13 = tpu.memref_slice %arg4[%dma_start3A_11, %dma_start3A_12, %mul3A_2] : memref<25x8x4096xi32, #tpu.memory_space<hbm>> -> memref<25x8x128xi32, #tpu.memory_space<hbm>>
    tpu.enqueue_dma source(%dma_start3A_13 : memref<25x8x128xi32, #tpu.memory_space<hbm>>) target(%arg8 : memref<25x8x128xi32, #tpu.memory_space<vmem>>) target_semaphore(%arg13 : memref<!tpu.dma_semaphore, #tpu.memory_space<semaphore_mem>>)
    tpu.wait_dma2 semaphore(%arg11 : memref<!tpu.dma_semaphore, #tpu.memory_space<semaphore_mem>>) src(%arg2 : memref<2048xi32, #tpu.memory_space<hbm>>) dst(%arg6 : memref<2048xi32, #tpu.memory_space<vmem>>)
    %dma_wait3A = arith.constant 0 : i32
    %dma_wait3A_14 = arith.constant 0 : i32
    %dma_wait3A_15 = tpu.memref_slice %arg3[%dma_wait3A, %dma_wait3A_14, %mul3A_2] : memref<25x8x4096xi32, #tpu.memory_space<hbm>> -> memref<25x8x128xi32, #tpu.memory_space<hbm>>
    %dma_wait3A_16 = arith.constant 0 : i32
    %dma_wait3A_17 = arith.constant 0 : i32
    %dma_wait3A_18 = tpu.memref_slice %arg3[%dma_wait3A_16, %dma_wait3A_17, %mul3A_2] : memref<25x8x4096xi32, #tpu.memory_space<hbm>> -> memref<25x8x128xi32, #tpu.memory_space<hbm>>
    tpu.wait_dma2 semaphore(%arg12 : memref<!tpu.dma_semaphore, #tpu.memory_space<semaphore_mem>>) src(%dma_wait3A_18 : memref<25x8x128xi32, #tpu.memory_space<hbm>>) dst(%arg7 : memref<25x8x128xi32, #tpu.memory_space<vmem>>)
    %broadcast_in_dim3A = arith.constant -65536 : i32
    %broadcast_in_dim3A_19 = vector.broadcast %broadcast_in_dim3A : i32 to vector<16xi32>
    %broadcast_in_dim3A_20 = arith.constant 0.000000e+00 : f32
    %broadcast_in_dim3A_21 = vector.broadcast %broadcast_in_dim3A_20 : f32 to vector<16xf32>
    %parallel_loop3A = arith.constant 0 : i32
    %parallel_loop3A_22 = arith.constant 25 : i32
    %parallel_loop3A_23 = arith.constant 1 : i32
    %parallel_loop3A_24:8 = scf.for %parallel_loop3A_701 = %parallel_loop3A to %parallel_loop3A_22 step %parallel_loop3A_23 iter_args(%parallel_loop3A_702 = %broadcast_in_dim3A_21, %parallel_loop3A_703 = %broadcast_in_dim3A_21, %parallel_loop3A_704 = %broadcast_in_dim3A_21, %parallel_loop3A_705 = %broadcast_in_dim3A_21, %parallel_loop3A_706 = %broadcast_in_dim3A_21, %parallel_loop3A_707 = %broadcast_in_dim3A_21, %parallel_loop3A_708 = %broadcast_in_dim3A_21, %parallel_loop3A_709 = %broadcast_in_dim3A_21) -> (vector<16xf32>, vector<16xf32>, vector<16xf32>, vector<16xf32>, vector<16xf32>, vector<16xf32>, vector<16xf32>, vector<16xf32>)  : i32 {
      %parallel_loop3A_710 = arith.constant 0 : i32
      %parallel_loop3A_711 = arith.index_cast %parallel_loop3A_701 : i32 to index
      %parallel_loop3A_712 = arith.index_cast %parallel_loop3A_710 : i32 to index
      %parallel_loop3A_713 = arith.constant 0 : index
      %parallel_loop3A_714 = tpu.vector_load %arg7[%parallel_loop3A_711, %parallel_loop3A_712, %parallel_loop3A_713] {strides = array<i32>} : memref<25x8x128xi32, #tpu.memory_space<vmem>>, vector<16xi32>,
      %parallel_loop3A_715 = tpu.vector_load_idx %arg6[%parallel_loop3A_714] : memref<2048xi32, #tpu.memory_space<vmem>>[vector<16xi32>], vector<16xi32>,
      %parallel_loop3A_716 = arith.constant 16 : i32
      %parallel_loop3A_717 = vector.broadcast %parallel_loop3A_716 : i32 to vector<16xi32>
      %parallel_loop3A_718 = arith.shli %parallel_loop3A_715, %parallel_loop3A_717 : vector<16xi32>
      %parallel_loop3A_719 = vector.bitcast %parallel_loop3A_718 : vector<16xi32> to vector<16xf32>
      %parallel_loop3A_720 = arith.addf %parallel_loop3A_702, %parallel_loop3A_719 : vector<16xf32>
      %parallel_loop3A_721 = arith.andi %parallel_loop3A_715, %broadcast_in_dim3A_19 : vector<16xi32>
      %parallel_loop3A_722 = vector.bitcast %parallel_loop3A_721 : vector<16xi32> to vector<16xf32>
      %parallel_loop3A_723 = arith.addf %parallel_loop3A_703, %parallel_loop3A_722 : vector<16xf32>
      %parallel_loop3A_724 = arith.constant 1 : i32
      %parallel_loop3A_725 = arith.index_cast %parallel_loop3A_701 : i32 to index
      %parallel_loop3A_726 = arith.index_cast %parallel_loop3A_724 : i32 to index
      %parallel_loop3A_727 = arith.constant 0 : index
      %parallel_loop3A_728 = tpu.vector_load %arg7[%parallel_loop3A_725, %parallel_loop3A_726, %parallel_loop3A_727] {strides = array<i32>} : memref<25x8x128xi32, #tpu.memory_space<vmem>>, vector<16xi32>,
      %parallel_loop3A_729 = tpu.vector_load_idx %arg6[%parallel_loop3A_728] : memref<2048xi32, #tpu.memory_space<vmem>>[vector<16xi32>], vector<16xi32>,
      %parallel_loop3A_730 = arith.constant 16 : i32
      %parallel_loop3A_731 = vector.broadcast %parallel_loop3A_730 : i32 to vector<16xi32>
      %parallel_loop3A_732 = arith.shli %parallel_loop3A_729, %parallel_loop3A_731 : vector<16xi32>
      %parallel_loop3A_733 = vector.bitcast %parallel_loop3A_732 : vector<16xi32> to vector<16xf32>
      %parallel_loop3A_734 = arith.addf %parallel_loop3A_704, %parallel_loop3A_733 : vector<16xf32>
      %parallel_loop3A_735 = arith.andi %parallel_loop3A_729, %broadcast_in_dim3A_19 : vector<16xi32>
      %parallel_loop3A_736 = vector.bitcast %parallel_loop3A_735 : vector<16xi32> to vector<16xf32>
      %parallel_loop3A_737 = arith.addf %parallel_loop3A_705, %parallel_loop3A_736 : vector<16xf32>
      %parallel_loop3A_738 = arith.constant 2 : i32
      %parallel_loop3A_739 = arith.index_cast %parallel_loop3A_701 : i32 to index
      %parallel_loop3A_740 = arith.index_cast %parallel_loop3A_738 : i32 to index
      %parallel_loop3A_741 = arith.constant 0 : index
      %parallel_loop3A_742 = tpu.vector_load %arg7[%parallel_loop3A_739, %parallel_loop3A_740, %parallel_loop3A_741] {strides = array<i32>} : memref<25x8x128xi32, #tpu.memory_space<vmem>>, vector<16xi32>,
      %parallel_loop3A_743 = tpu.vector_load_idx %arg6[%parallel_loop3A_742] : memref<2048xi32, #tpu.memory_space<vmem>>[vector<16xi32>], vector<16xi32>,
      %parallel_loop3A_744 = arith.constant 16 : i32
      %parallel_loop3A_745 = vector.broadcast %parallel_loop3A_744 : i32 to vector<16xi32>
      %parallel_loop3A_746 = arith.shli %parallel_loop3A_743, %parallel_loop3A_745 : vector<16xi32>
      %parallel_loop3A_747 = vector.bitcast %parallel_loop3A_746 : vector<16xi32> to vector<16xf32>
      %parallel_loop3A_748 = arith.addf %parallel_loop3A_706, %parallel_loop3A_747 : vector<16xf32>
      %parallel_loop3A_749 = arith.andi %parallel_loop3A_743, %broadcast_in_dim3A_19 : vector<16xi32>
      %parallel_loop3A_750 = vector.bitcast %parallel_loop3A_749 : vector<16xi32> to vector<16xf32>
      %parallel_loop3A_751 = arith.addf %parallel_loop3A_707, %parallel_loop3A_750 : vector<16xf32>
      %parallel_loop3A_752 = arith.constant 3 : i32
      %parallel_loop3A_753 = arith.index_cast %parallel_loop3A_701 : i32 to index
      %parallel_loop3A_754 = arith.index_cast %parallel_loop3A_752 : i32 to index
      %parallel_loop3A_755 = arith.constant 0 : index
      %parallel_loop3A_756 = tpu.vector_load %arg7[%parallel_loop3A_753, %parallel_loop3A_754, %parallel_loop3A_755] {strides = array<i32>} : memref<25x8x128xi32, #tpu.memory_space<vmem>>, vector<16xi32>,
      %parallel_loop3A_757 = tpu.vector_load_idx %arg6[%parallel_loop3A_756] : memref<2048xi32, #tpu.memory_space<vmem>>[vector<16xi32>], vector<16xi32>,
      %parallel_loop3A_758 = arith.constant 16 : i32
      %parallel_loop3A_759 = vector.broadcast %parallel_loop3A_758 : i32 to vector<16xi32>
      %parallel_loop3A_760 = arith.shli %parallel_loop3A_757, %parallel_loop3A_759 : vector<16xi32>
      %parallel_loop3A_761 = vector.bitcast %parallel_loop3A_760 : vector<16xi32> to vector<16xf32>
      %parallel_loop3A_762 = arith.addf %parallel_loop3A_708, %parallel_loop3A_761 : vector<16xf32>
      %parallel_loop3A_763 = arith.andi %parallel_loop3A_757, %broadcast_in_dim3A_19 : vector<16xi32>
      %parallel_loop3A_764 = vector.bitcast %parallel_loop3A_763 : vector<16xi32> to vector<16xf32>
      %parallel_loop3A_765 = arith.addf %parallel_loop3A_709, %parallel_loop3A_764 : vector<16xf32>
      %parallel_loop3A_766 = arith.constant 4 : i32
      %parallel_loop3A_767 = arith.index_cast %parallel_loop3A_701 : i32 to index
      %parallel_loop3A_768 = arith.index_cast %parallel_loop3A_766 : i32 to index
      %parallel_loop3A_769 = arith.constant 0 : index
      %parallel_loop3A_770 = tpu.vector_load %arg7[%parallel_loop3A_767, %parallel_loop3A_768, %parallel_loop3A_769] {strides = array<i32>} : memref<25x8x128xi32, #tpu.memory_space<vmem>>, vector<16xi32>,
      %parallel_loop3A_771 = tpu.vector_load_idx %arg6[%parallel_loop3A_770] : memref<2048xi32, #tpu.memory_space<vmem>>[vector<16xi32>], vector<16xi32>,
      %parallel_loop3A_772 = arith.constant 16 : i32
      %parallel_loop3A_773 = vector.broadcast %parallel_loop3A_772 : i32 to vector<16xi32>
      %parallel_loop3A_774 = arith.shli %parallel_loop3A_771, %parallel_loop3A_773 : vector<16xi32>
      %parallel_loop3A_775 = vector.bitcast %parallel_loop3A_774 : vector<16xi32> to vector<16xf32>
      %parallel_loop3A_776 = arith.addf %parallel_loop3A_720, %parallel_loop3A_775 : vector<16xf32>
      %parallel_loop3A_777 = arith.andi %parallel_loop3A_771, %broadcast_in_dim3A_19 : vector<16xi32>
      %parallel_loop3A_778 = vector.bitcast %parallel_loop3A_777 : vector<16xi32> to vector<16xf32>
      %parallel_loop3A_779 = arith.addf %parallel_loop3A_723, %parallel_loop3A_778 : vector<16xf32>
      %parallel_loop3A_780 = arith.constant 5 : i32
      %parallel_loop3A_781 = arith.index_cast %parallel_loop3A_701 : i32 to index
      %parallel_loop3A_782 = arith.index_cast %parallel_loop3A_780 : i32 to index
      %parallel_loop3A_783 = arith.constant 0 : index
      %parallel_loop3A_784 = tpu.vector_load %arg7[%parallel_loop3A_781, %parallel_loop3A_782, %parallel_loop3A_783] {strides = array<i32>} : memref<25x8x128xi32, #tpu.memory_space<vmem>>, vector<16xi32>,
      %parallel_loop3A_785 = tpu.vector_load_idx %arg6[%parallel_loop3A_784] : memref<2048xi32, #tpu.memory_space<vmem>>[vector<16xi32>], vector<16xi32>,
      %parallel_loop3A_786 = arith.constant 16 : i32
      %parallel_loop3A_787 = vector.broadcast %parallel_loop3A_786 : i32 to vector<16xi32>
      %parallel_loop3A_788 = arith.shli %parallel_loop3A_785, %parallel_loop3A_787 : vector<16xi32>
      %parallel_loop3A_789 = vector.bitcast %parallel_loop3A_788 : vector<16xi32> to vector<16xf32>
      %parallel_loop3A_790 = arith.addf %parallel_loop3A_734, %parallel_loop3A_789 : vector<16xf32>
      %parallel_loop3A_791 = arith.andi %parallel_loop3A_785, %broadcast_in_dim3A_19 : vector<16xi32>
      %parallel_loop3A_792 = vector.bitcast %parallel_loop3A_791 : vector<16xi32> to vector<16xf32>
      %parallel_loop3A_793 = arith.addf %parallel_loop3A_737, %parallel_loop3A_792 : vector<16xf32>
      %parallel_loop3A_794 = arith.constant 6 : i32
      %parallel_loop3A_795 = arith.index_cast %parallel_loop3A_701 : i32 to index
      %parallel_loop3A_796 = arith.index_cast %parallel_loop3A_794 : i32 to index
      %parallel_loop3A_797 = arith.constant 0 : index
      %parallel_loop3A_798 = tpu.vector_load %arg7[%parallel_loop3A_795, %parallel_loop3A_796, %parallel_loop3A_797] {strides = array<i32>} : memref<25x8x128xi32, #tpu.memory_space<vmem>>, vector<16xi32>,
      %parallel_loop3A_799 = tpu.vector_load_idx %arg6[%parallel_loop3A_798] : memref<2048xi32, #tpu.memory_space<vmem>>[vector<16xi32>], vector<16xi32>,
      %parallel_loop3A_800 = arith.constant 16 : i32
      %parallel_loop3A_801 = vector.broadcast %parallel_loop3A_800 : i32 to vector<16xi32>
      %parallel_loop3A_802 = arith.shli %parallel_loop3A_799, %parallel_loop3A_801 : vector<16xi32>
      %parallel_loop3A_803 = vector.bitcast %parallel_loop3A_802 : vector<16xi32> to vector<16xf32>
      %parallel_loop3A_804 = arith.addf %parallel_loop3A_748, %parallel_loop3A_803 : vector<16xf32>
      %parallel_loop3A_805 = arith.andi %parallel_loop3A_799, %broadcast_in_dim3A_19 : vector<16xi32>
      %parallel_loop3A_806 = vector.bitcast %parallel_loop3A_805 : vector<16xi32> to vector<16xf32>
      %parallel_loop3A_807 = arith.addf %parallel_loop3A_751, %parallel_loop3A_806 : vector<16xf32>
      %parallel_loop3A_808 = arith.constant 7 : i32
      %parallel_loop3A_809 = arith.index_cast %parallel_loop3A_701 : i32 to index
      %parallel_loop3A_810 = arith.index_cast %parallel_loop3A_808 : i32 to index
      %parallel_loop3A_811 = arith.constant 0 : index
      %parallel_loop3A_812 = tpu.vector_load %arg7[%parallel_loop3A_809, %parallel_loop3A_810, %parallel_loop3A_811] {strides = array<i32>} : memref<25x8x128xi32, #tpu.memory_space<vmem>>, vector<16xi32>,
      %parallel_loop3A_813 = tpu.vector_load_idx %arg6[%parallel_loop3A_812] : memref<2048xi32, #tpu.memory_space<vmem>>[vector<16xi32>], vector<16xi32>,
      %parallel_loop3A_814 = arith.constant 16 : i32
      %parallel_loop3A_815 = vector.broadcast %parallel_loop3A_814 : i32 to vector<16xi32>
      %parallel_loop3A_816 = arith.shli %parallel_loop3A_813, %parallel_loop3A_815 : vector<16xi32>
      %parallel_loop3A_817 = vector.bitcast %parallel_loop3A_816 : vector<16xi32> to vector<16xf32>
      %parallel_loop3A_818 = arith.addf %parallel_loop3A_762, %parallel_loop3A_817 : vector<16xf32>
      %parallel_loop3A_819 = arith.andi %parallel_loop3A_813, %broadcast_in_dim3A_19 : vector<16xi32>
      %parallel_loop3A_820 = vector.bitcast %parallel_loop3A_819 : vector<16xi32> to vector<16xf32>
      %parallel_loop3A_821 = arith.addf %parallel_loop3A_765, %parallel_loop3A_820 : vector<16xf32>
      scf.yield %parallel_loop3A_776, %parallel_loop3A_779, %parallel_loop3A_790, %parallel_loop3A_793, %parallel_loop3A_804, %parallel_loop3A_807, %parallel_loop3A_818, %parallel_loop3A_821 : vector<16xf32>, vector<16xf32>, vector<16xf32>, vector<16xf32>, vector<16xf32>, vector<16xf32>, vector<16xf32>, vector<16xf32>
    } {sc.loop_unroll_factor = 2 : i64, sc.parallel_access}
    %add3A_25 = arith.addf %parallel_loop3A_24#0, %parallel_loop3A_24#2 : vector<16xf32>
    %add3A_26 = arith.addf %parallel_loop3A_24#4, %parallel_loop3A_24#6 : vector<16xf32>
    %add3A_27 = arith.addf %add3A_25, %add3A_26 : vector<16xf32>
    %swap3A = arith.constant 0 : index
    %swap3A_28 = tpu.vector_load %arg9[%swap3A] {strides = array<i32>} : memref<256xf32, #tpu.memory_space<vmem>>, vector<16xf32>,
    tpu.vector_store %arg9[%swap3A], %add3A_27 {strides = array<i32>} : memref<256xf32, #tpu.memory_space<vmem>>, vector<16xf32>,
    %add3A_29 = arith.addf %parallel_loop3A_24#1, %parallel_loop3A_24#3 : vector<16xf32>
    %add3A_30 = arith.addf %parallel_loop3A_24#5, %parallel_loop3A_24#7 : vector<16xf32>
    %add3A_31 = arith.addf %add3A_29, %add3A_30 : vector<16xf32>
    %swap3A_32 = arith.constant 128 : index
    %swap3A_33 = tpu.vector_load %arg9[%swap3A_32] {strides = array<i32>} : memref<256xf32, #tpu.memory_space<vmem>>, vector<16xf32>,
    tpu.vector_store %arg9[%swap3A_32], %add3A_31 {strides = array<i32>} : memref<256xf32, #tpu.memory_space<vmem>>, vector<16xf32>,
    %parallel_loop3A_34 = arith.constant 0 : i32
    %parallel_loop3A_35 = arith.constant 25 : i32
    %parallel_loop3A_36 = arith.constant 1 : i32
    %parallel_loop3A_37:8 = scf.for %parallel_loop3A_701 = %parallel_loop3A_34 to %parallel_loop3A_35 step %parallel_loop3A_36 iter_args(%parallel_loop3A_702 = %broadcast_in_dim3A_21, %parallel_loop3A_703 = %broadcast_in_dim3A_21, %parallel_loop3A_704 = %broadcast_in_dim3A_21, %parallel_loop3A_705 = %broadcast_in_dim3A_21, %parallel_loop3A_706 = %broadcast_in_dim3A_21, %parallel_loop3A_707 = %broadcast_in_dim3A_21, %parallel_loop3A_708 = %broadcast_in_dim3A_21, %parallel_loop3A_709 = %broadcast_in_dim3A_21) -> (vector<16xf32>, vector<16xf32>, vector<16xf32>, vector<16xf32>, vector<16xf32>, vector<16xf32>, vector<16xf32>, vector<16xf32>)  : i32 {
      %parallel_loop3A_710 = arith.constant 0 : i32
      %parallel_loop3A_711 = arith.index_cast %parallel_loop3A_701 : i32 to index
      %parallel_loop3A_712 = arith.index_cast %parallel_loop3A_710 : i32 to index
      %parallel_loop3A_713 = arith.constant 16 : index
      %parallel_loop3A_714 = tpu.vector_load %arg7[%parallel_loop3A_711, %parallel_loop3A_712, %parallel_loop3A_713] {strides = array<i32>} : memref<25x8x128xi32, #tpu.memory_space<vmem>>, vector<16xi32>,
      %parallel_loop3A_715 = tpu.vector_load_idx %arg6[%parallel_loop3A_714] : memref<2048xi32, #tpu.memory_space<vmem>>[vector<16xi32>], vector<16xi32>,
      %parallel_loop3A_716 = arith.constant 16 : i32
      %parallel_loop3A_717 = vector.broadcast %parallel_loop3A_716 : i32 to vector<16xi32>
      %parallel_loop3A_718 = arith.shli %parallel_loop3A_715, %parallel_loop3A_717 : vector<16xi32>
      %parallel_loop3A_719 = vector.bitcast %parallel_loop3A_718 : vector<16xi32> to vector<16xf32>
      %parallel_loop3A_720 = arith.addf %parallel_loop3A_702, %parallel_loop3A_719 : vector<16xf32>
      %parallel_loop3A_721 = arith.andi %parallel_loop3A_715, %broadcast_in_dim3A_19 : vector<16xi32>
      %parallel_loop3A_722 = vector.bitcast %parallel_loop3A_721 : vector<16xi32> to vector<16xf32>
      %parallel_loop3A_723 = arith.addf %parallel_loop3A_703, %parallel_loop3A_722 : vector<16xf32>
      %parallel_loop3A_724 = arith.constant 1 : i32
      %parallel_loop3A_725 = arith.index_cast %parallel_loop3A_701 : i32 to index
      %parallel_loop3A_726 = arith.index_cast %parallel_loop3A_724 : i32 to index
      %parallel_loop3A_727 = arith.constant 16 : index
      %parallel_loop3A_728 = tpu.vector_load %arg7[%parallel_loop3A_725, %parallel_loop3A_726, %parallel_loop3A_727] {strides = array<i32>} : memref<25x8x128xi32, #tpu.memory_space<vmem>>, vector<16xi32>,
      %parallel_loop3A_729 = tpu.vector_load_idx %arg6[%parallel_loop3A_728] : memref<2048xi32, #tpu.memory_space<vmem>>[vector<16xi32>], vector<16xi32>,
      %parallel_loop3A_730 = arith.constant 16 : i32
      %parallel_loop3A_731 = vector.broadcast %parallel_loop3A_730 : i32 to vector<16xi32>
      %parallel_loop3A_732 = arith.shli %parallel_loop3A_729, %parallel_loop3A_731 : vector<16xi32>
      %parallel_loop3A_733 = vector.bitcast %parallel_loop3A_732 : vector<16xi32> to vector<16xf32>
      %parallel_loop3A_734 = arith.addf %parallel_loop3A_704, %parallel_loop3A_733 : vector<16xf32>
      %parallel_loop3A_735 = arith.andi %parallel_loop3A_729, %broadcast_in_dim3A_19 : vector<16xi32>
      %parallel_loop3A_736 = vector.bitcast %parallel_loop3A_735 : vector<16xi32> to vector<16xf32>
      %parallel_loop3A_737 = arith.addf %parallel_loop3A_705, %parallel_loop3A_736 : vector<16xf32>
      %parallel_loop3A_738 = arith.constant 2 : i32
      %parallel_loop3A_739 = arith.index_cast %parallel_loop3A_701 : i32 to index
      %parallel_loop3A_740 = arith.index_cast %parallel_loop3A_738 : i32 to index
      %parallel_loop3A_741 = arith.constant 16 : index
      %parallel_loop3A_742 = tpu.vector_load %arg7[%parallel_loop3A_739, %parallel_loop3A_740, %parallel_loop3A_741] {strides = array<i32>} : memref<25x8x128xi32, #tpu.memory_space<vmem>>, vector<16xi32>,
      %parallel_loop3A_743 = tpu.vector_load_idx %arg6[%parallel_loop3A_742] : memref<2048xi32, #tpu.memory_space<vmem>>[vector<16xi32>], vector<16xi32>,
      %parallel_loop3A_744 = arith.constant 16 : i32
      %parallel_loop3A_745 = vector.broadcast %parallel_loop3A_744 : i32 to vector<16xi32>
      %parallel_loop3A_746 = arith.shli %parallel_loop3A_743, %parallel_loop3A_745 : vector<16xi32>
      %parallel_loop3A_747 = vector.bitcast %parallel_loop3A_746 : vector<16xi32> to vector<16xf32>
      %parallel_loop3A_748 = arith.addf %parallel_loop3A_706, %parallel_loop3A_747 : vector<16xf32>
      %parallel_loop3A_749 = arith.andi %parallel_loop3A_743, %broadcast_in_dim3A_19 : vector<16xi32>
      %parallel_loop3A_750 = vector.bitcast %parallel_loop3A_749 : vector<16xi32> to vector<16xf32>
      %parallel_loop3A_751 = arith.addf %parallel_loop3A_707, %parallel_loop3A_750 : vector<16xf32>
      %parallel_loop3A_752 = arith.constant 3 : i32
      %parallel_loop3A_753 = arith.index_cast %parallel_loop3A_701 : i32 to index
      %parallel_loop3A_754 = arith.index_cast %parallel_loop3A_752 : i32 to index
      %parallel_loop3A_755 = arith.constant 16 : index
      %parallel_loop3A_756 = tpu.vector_load %arg7[%parallel_loop3A_753, %parallel_loop3A_754, %parallel_loop3A_755] {strides = array<i32>} : memref<25x8x128xi32, #tpu.memory_space<vmem>>, vector<16xi32>,
      %parallel_loop3A_757 = tpu.vector_load_idx %arg6[%parallel_loop3A_756] : memref<2048xi32, #tpu.memory_space<vmem>>[vector<16xi32>], vector<16xi32>,
      %parallel_loop3A_758 = arith.constant 16 : i32
      %parallel_loop3A_759 = vector.broadcast %parallel_loop3A_758 : i32 to vector<16xi32>
      %parallel_loop3A_760 = arith.shli %parallel_loop3A_757, %parallel_loop3A_759 : vector<16xi32>
      %parallel_loop3A_761 = vector.bitcast %parallel_loop3A_760 : vector<16xi32> to vector<16xf32>
      %parallel_loop3A_762 = arith.addf %parallel_loop3A_708, %parallel_loop3A_761 : vector<16xf32>
      %parallel_loop3A_763 = arith.andi %parallel_loop3A_757, %broadcast_in_dim3A_19 : vector<16xi32>
      %parallel_loop3A_764 = vector.bitcast %parallel_loop3A_763 : vector<16xi32> to vector<16xf32>
      %parallel_loop3A_765 = arith.addf %parallel_loop3A_709, %parallel_loop3A_764 : vector<16xf32>
      %parallel_loop3A_766 = arith.constant 4 : i32
      %parallel_loop3A_767 = arith.index_cast %parallel_loop3A_701 : i32 to index
      %parallel_loop3A_768 = arith.index_cast %parallel_loop3A_766 : i32 to index
      %parallel_loop3A_769 = arith.constant 16 : index
      %parallel_loop3A_770 = tpu.vector_load %arg7[%parallel_loop3A_767, %parallel_loop3A_768, %parallel_loop3A_769] {strides = array<i32>} : memref<25x8x128xi32, #tpu.memory_space<vmem>>, vector<16xi32>,
      %parallel_loop3A_771 = tpu.vector_load_idx %arg6[%parallel_loop3A_770] : memref<2048xi32, #tpu.memory_space<vmem>>[vector<16xi32>], vector<16xi32>,
      %parallel_loop3A_772 = arith.constant 16 : i32
      %parallel_loop3A_773 = vector.broadcast %parallel_loop3A_772 : i32 to vector<16xi32>
      %parallel_loop3A_774 = arith.shli %parallel_loop3A_771, %parallel_loop3A_773 : vector<16xi32>
      %parallel_loop3A_775 = vector.bitcast %parallel_loop3A_774 : vector<16xi32> to vector<16xf32>
      %parallel_loop3A_776 = arith.addf %parallel_loop3A_720, %parallel_loop3A_775 : vector<16xf32>
      %parallel_loop3A_777 = arith.andi %parallel_loop3A_771, %broadcast_in_dim3A_19 : vector<16xi32>
      %parallel_loop3A_778 = vector.bitcast %parallel_loop3A_777 : vector<16xi32> to vector<16xf32>
      %parallel_loop3A_779 = arith.addf %parallel_loop3A_723, %parallel_loop3A_778 : vector<16xf32>
      %parallel_loop3A_780 = arith.constant 5 : i32
      %parallel_loop3A_781 = arith.index_cast %parallel_loop3A_701 : i32 to index
      %parallel_loop3A_782 = arith.index_cast %parallel_loop3A_780 : i32 to index
      %parallel_loop3A_783 = arith.constant 16 : index
      %parallel_loop3A_784 = tpu.vector_load %arg7[%parallel_loop3A_781, %parallel_loop3A_782, %parallel_loop3A_783] {strides = array<i32>} : memref<25x8x128xi32, #tpu.memory_space<vmem>>, vector<16xi32>,
      %parallel_loop3A_785 = tpu.vector_load_idx %arg6[%parallel_loop3A_784] : memref<2048xi32, #tpu.memory_space<vmem>>[vector<16xi32>], vector<16xi32>,
      %parallel_loop3A_786 = arith.constant 16 : i32
      %parallel_loop3A_787 = vector.broadcast %parallel_loop3A_786 : i32 to vector<16xi32>
      %parallel_loop3A_788 = arith.shli %parallel_loop3A_785, %parallel_loop3A_787 : vector<16xi32>
      %parallel_loop3A_789 = vector.bitcast %parallel_loop3A_788 : vector<16xi32> to vector<16xf32>
      %parallel_loop3A_790 = arith.addf %parallel_loop3A_734, %parallel_loop3A_789 : vector<16xf32>
      %parallel_loop3A_791 = arith.andi %parallel_loop3A_785, %broadcast_in_dim3A_19 : vector<16xi32>
      %parallel_loop3A_792 = vector.bitcast %parallel_loop3A_791 : vector<16xi32> to vector<16xf32>
      %parallel_loop3A_793 = arith.addf %parallel_loop3A_737, %parallel_loop3A_792 : vector<16xf32>
      %parallel_loop3A_794 = arith.constant 6 : i32
      %parallel_loop3A_795 = arith.index_cast %parallel_loop3A_701 : i32 to index
      %parallel_loop3A_796 = arith.index_cast %parallel_loop3A_794 : i32 to index
      %parallel_loop3A_797 = arith.constant 16 : index
      %parallel_loop3A_798 = tpu.vector_load %arg7[%parallel_loop3A_795, %parallel_loop3A_796, %parallel_loop3A_797] {strides = array<i32>} : memref<25x8x128xi32, #tpu.memory_space<vmem>>, vector<16xi32>,
      %parallel_loop3A_799 = tpu.vector_load_idx %arg6[%parallel_loop3A_798] : memref<2048xi32, #tpu.memory_space<vmem>>[vector<16xi32>], vector<16xi32>,
      %parallel_loop3A_800 = arith.constant 16 : i32
      %parallel_loop3A_801 = vector.broadcast %parallel_loop3A_800 : i32 to vector<16xi32>
      %parallel_loop3A_802 = arith.shli %parallel_loop3A_799, %parallel_loop3A_801 : vector<16xi32>
      %parallel_loop3A_803 = vector.bitcast %parallel_loop3A_802 : vector<16xi32> to vector<16xf32>
      %parallel_loop3A_804 = arith.addf %parallel_loop3A_748, %parallel_loop3A_803 : vector<16xf32>
      %parallel_loop3A_805 = arith.andi %parallel_loop3A_799, %broadcast_in_dim3A_19 : vector<16xi32>
      %parallel_loop3A_806 = vector.bitcast %parallel_loop3A_805 : vector<16xi32> to vector<16xf32>
      %parallel_loop3A_807 = arith.addf %parallel_loop3A_751, %parallel_loop3A_806 : vector<16xf32>
      %parallel_loop3A_808 = arith.constant 7 : i32
      %parallel_loop3A_809 = arith.index_cast %parallel_loop3A_701 : i32 to index
      %parallel_loop3A_810 = arith.index_cast %parallel_loop3A_808 : i32 to index
      %parallel_loop3A_811 = arith.constant 16 : index
      %parallel_loop3A_812 = tpu.vector_load %arg7[%parallel_loop3A_809, %parallel_loop3A_810, %parallel_loop3A_811] {strides = array<i32>} : memref<25x8x128xi32, #tpu.memory_space<vmem>>, vector<16xi32>,
      %parallel_loop3A_813 = tpu.vector_load_idx %arg6[%parallel_loop3A_812] : memref<2048xi32, #tpu.memory_space<vmem>>[vector<16xi32>], vector<16xi32>,
      %parallel_loop3A_814 = arith.constant 16 : i32
      %parallel_loop3A_815 = vector.broadcast %parallel_loop3A_814 : i32 to vector<16xi32>
      %parallel_loop3A_816 = arith.shli %parallel_loop3A_813, %parallel_loop3A_815 : vector<16xi32>
      %parallel_loop3A_817 = vector.bitcast %parallel_loop3A_816 : vector<16xi32> to vector<16xf32>
      %parallel_loop3A_818 = arith.addf %parallel_loop3A_762, %parallel_loop3A_817 : vector<16xf32>
      %parallel_loop3A_819 = arith.andi %parallel_loop3A_813, %broadcast_in_dim3A_19 : vector<16xi32>
      %parallel_loop3A_820 = vector.bitcast %parallel_loop3A_819 : vector<16xi32> to vector<16xf32>
      %parallel_loop3A_821 = arith.addf %parallel_loop3A_765, %parallel_loop3A_820 : vector<16xf32>
      scf.yield %parallel_loop3A_776, %parallel_loop3A_779, %parallel_loop3A_790, %parallel_loop3A_793, %parallel_loop3A_804, %parallel_loop3A_807, %parallel_loop3A_818, %parallel_loop3A_821 : vector<16xf32>, vector<16xf32>, vector<16xf32>, vector<16xf32>, vector<16xf32>, vector<16xf32>, vector<16xf32>, vector<16xf32>
    } {sc.loop_unroll_factor = 2 : i64, sc.parallel_access}
    %add3A_38 = arith.addf %parallel_loop3A_37#0, %parallel_loop3A_37#2 : vector<16xf32>
    %add3A_39 = arith.addf %parallel_loop3A_37#4, %parallel_loop3A_37#6 : vector<16xf32>
    %add3A_40 = arith.addf %add3A_38, %add3A_39 : vector<16xf32>
    %swap3A_41 = arith.constant 16 : index
    %swap3A_42 = tpu.vector_load %arg9[%swap3A_41] {strides = array<i32>} : memref<256xf32, #tpu.memory_space<vmem>>, vector<16xf32>,
    tpu.vector_store %arg9[%swap3A_41], %add3A_40 {strides = array<i32>} : memref<256xf32, #tpu.memory_space<vmem>>, vector<16xf32>,
    %add3A_43 = arith.addf %parallel_loop3A_37#1, %parallel_loop3A_37#3 : vector<16xf32>
    %add3A_44 = arith.addf %parallel_loop3A_37#5, %parallel_loop3A_37#7 : vector<16xf32>
    %add3A_45 = arith.addf %add3A_43, %add3A_44 : vector<16xf32>
    %swap3A_46 = arith.constant 144 : index
    %swap3A_47 = tpu.vector_load %arg9[%swap3A_46] {strides = array<i32>} : memref<256xf32, #tpu.memory_space<vmem>>, vector<16xf32>,
    tpu.vector_store %arg9[%swap3A_46], %add3A_45 {strides = array<i32>} : memref<256xf32, #tpu.memory_space<vmem>>, vector<16xf32>,
    %parallel_loop3A_48 = arith.constant 0 : i32
    %parallel_loop3A_49 = arith.constant 25 : i32
    %parallel_loop3A_50 = arith.constant 1 : i32
    %parallel_loop3A_51:8 = scf.for %parallel_loop3A_701 = %parallel_loop3A_48 to %parallel_loop3A_49 step %parallel_loop3A_50 iter_args(%parallel_loop3A_702 = %broadcast_in_dim3A_21, %parallel_loop3A_703 = %broadcast_in_dim3A_21, %parallel_loop3A_704 = %broadcast_in_dim3A_21, %parallel_loop3A_705 = %broadcast_in_dim3A_21, %parallel_loop3A_706 = %broadcast_in_dim3A_21, %parallel_loop3A_707 = %broadcast_in_dim3A_21, %parallel_loop3A_708 = %broadcast_in_dim3A_21, %parallel_loop3A_709 = %broadcast_in_dim3A_21) -> (vector<16xf32>, vector<16xf32>, vector<16xf32>, vector<16xf32>, vector<16xf32>, vector<16xf32>, vector<16xf32>, vector<16xf32>)  : i32 {
      %parallel_loop3A_710 = arith.constant 0 : i32
      %parallel_loop3A_711 = arith.index_cast %parallel_loop3A_701 : i32 to index
      %parallel_loop3A_712 = arith.index_cast %parallel_loop3A_710 : i32 to index
      %parallel_loop3A_713 = arith.constant 32 : index
      %parallel_loop3A_714 = tpu.vector_load %arg7[%parallel_loop3A_711, %parallel_loop3A_712, %parallel_loop3A_713] {strides = array<i32>} : memref<25x8x128xi32, #tpu.memory_space<vmem>>, vector<16xi32>,
      %parallel_loop3A_715 = tpu.vector_load_idx %arg6[%parallel_loop3A_714] : memref<2048xi32, #tpu.memory_space<vmem>>[vector<16xi32>], vector<16xi32>,
      %parallel_loop3A_716 = arith.constant 16 : i32
      %parallel_loop3A_717 = vector.broadcast %parallel_loop3A_716 : i32 to vector<16xi32>
      %parallel_loop3A_718 = arith.shli %parallel_loop3A_715, %parallel_loop3A_717 : vector<16xi32>
      %parallel_loop3A_719 = vector.bitcast %parallel_loop3A_718 : vector<16xi32> to vector<16xf32>
      %parallel_loop3A_720 = arith.addf %parallel_loop3A_702, %parallel_loop3A_719 : vector<16xf32>
      %parallel_loop3A_721 = arith.andi %parallel_loop3A_715, %broadcast_in_dim3A_19 : vector<16xi32>
      %parallel_loop3A_722 = vector.bitcast %parallel_loop3A_721 : vector<16xi32> to vector<16xf32>
      %parallel_loop3A_723 = arith.addf %parallel_loop3A_703, %parallel_loop3A_722 : vector<16xf32>
      %parallel_loop3A_724 = arith.constant 1 : i32
      %parallel_loop3A_725 = arith.index_cast %parallel_loop3A_701 : i32 to index
      %parallel_loop3A_726 = arith.index_cast %parallel_loop3A_724 : i32 to index
      %parallel_loop3A_727 = arith.constant 32 : index
      %parallel_loop3A_728 = tpu.vector_load %arg7[%parallel_loop3A_725, %parallel_loop3A_726, %parallel_loop3A_727] {strides = array<i32>} : memref<25x8x128xi32, #tpu.memory_space<vmem>>, vector<16xi32>,
      %parallel_loop3A_729 = tpu.vector_load_idx %arg6[%parallel_loop3A_728] : memref<2048xi32, #tpu.memory_space<vmem>>[vector<16xi32>], vector<16xi32>,
      %parallel_loop3A_730 = arith.constant 16 : i32
      %parallel_loop3A_731 = vector.broadcast %parallel_loop3A_730 : i32 to vector<16xi32>
      %parallel_loop3A_732 = arith.shli %parallel_loop3A_729, %parallel_loop3A_731 : vector<16xi32>
      %parallel_loop3A_733 = vector.bitcast %parallel_loop3A_732 : vector<16xi32> to vector<16xf32>
      %parallel_loop3A_734 = arith.addf %parallel_loop3A_704, %parallel_loop3A_733 : vector<16xf32>
      %parallel_loop3A_735 = arith.andi %parallel_loop3A_729, %broadcast_in_dim3A_19 : vector<16xi32>
      %parallel_loop3A_736 = vector.bitcast %parallel_loop3A_735 : vector<16xi32> to vector<16xf32>
      %parallel_loop3A_737 = arith.addf %parallel_loop3A_705, %parallel_loop3A_736 : vector<16xf32>
      %parallel_loop3A_738 = arith.constant 2 : i32
      %parallel_loop3A_739 = arith.index_cast %parallel_loop3A_701 : i32 to index
      %parallel_loop3A_740 = arith.index_cast %parallel_loop3A_738 : i32 to index
      %parallel_loop3A_741 = arith.constant 32 : index
      %parallel_loop3A_742 = tpu.vector_load %arg7[%parallel_loop3A_739, %parallel_loop3A_740, %parallel_loop3A_741] {strides = array<i32>} : memref<25x8x128xi32, #tpu.memory_space<vmem>>, vector<16xi32>,
      %parallel_loop3A_743 = tpu.vector_load_idx %arg6[%parallel_loop3A_742] : memref<2048xi32, #tpu.memory_space<vmem>>[vector<16xi32>], vector<16xi32>,
      %parallel_loop3A_744 = arith.constant 16 : i32
      %parallel_loop3A_745 = vector.broadcast %parallel_loop3A_744 : i32 to vector<16xi32>
      %parallel_loop3A_746 = arith.shli %parallel_loop3A_743, %parallel_loop3A_745 : vector<16xi32>
      %parallel_loop3A_747 = vector.bitcast %parallel_loop3A_746 : vector<16xi32> to vector<16xf32>
      %parallel_loop3A_748 = arith.addf %parallel_loop3A_706, %parallel_loop3A_747 : vector<16xf32>
      %parallel_loop3A_749 = arith.andi %parallel_loop3A_743, %broadcast_in_dim3A_19 : vector<16xi32>
      %parallel_loop3A_750 = vector.bitcast %parallel_loop3A_749 : vector<16xi32> to vector<16xf32>
      %parallel_loop3A_751 = arith.addf %parallel_loop3A_707, %parallel_loop3A_750 : vector<16xf32>
      %parallel_loop3A_752 = arith.constant 3 : i32
      %parallel_loop3A_753 = arith.index_cast %parallel_loop3A_701 : i32 to index
      %parallel_loop3A_754 = arith.index_cast %parallel_loop3A_752 : i32 to index
      %parallel_loop3A_755 = arith.constant 32 : index
      %parallel_loop3A_756 = tpu.vector_load %arg7[%parallel_loop3A_753, %parallel_loop3A_754, %parallel_loop3A_755] {strides = array<i32>} : memref<25x8x128xi32, #tpu.memory_space<vmem>>, vector<16xi32>,
      %parallel_loop3A_757 = tpu.vector_load_idx %arg6[%parallel_loop3A_756] : memref<2048xi32, #tpu.memory_space<vmem>>[vector<16xi32>], vector<16xi32>,
      %parallel_loop3A_758 = arith.constant 16 : i32
      %parallel_loop3A_759 = vector.broadcast %parallel_loop3A_758 : i32 to vector<16xi32>
      %parallel_loop3A_760 = arith.shli %parallel_loop3A_757, %parallel_loop3A_759 : vector<16xi32>
      %parallel_loop3A_761 = vector.bitcast %parallel_loop3A_760 : vector<16xi32> to vector<16xf32>
      %parallel_loop3A_762 = arith.addf %parallel_loop3A_708, %parallel_loop3A_761 : vector<16xf32>
      %parallel_loop3A_763 = arith.andi %parallel_loop3A_757, %broadcast_in_dim3A_19 : vector<16xi32>
      %parallel_loop3A_764 = vector.bitcast %parallel_loop3A_763 : vector<16xi32> to vector<16xf32>
      %parallel_loop3A_765 = arith.addf %parallel_loop3A_709, %parallel_loop3A_764 : vector<16xf32>
      %parallel_loop3A_766 = arith.constant 4 : i32
      %parallel_loop3A_767 = arith.index_cast %parallel_loop3A_701 : i32 to index
      %parallel_loop3A_768 = arith.index_cast %parallel_loop3A_766 : i32 to index
      %parallel_loop3A_769 = arith.constant 32 : index
      %parallel_loop3A_770 = tpu.vector_load %arg7[%parallel_loop3A_767, %parallel_loop3A_768, %parallel_loop3A_769] {strides = array<i32>} : memref<25x8x128xi32, #tpu.memory_space<vmem>>, vector<16xi32>,
      %parallel_loop3A_771 = tpu.vector_load_idx %arg6[%parallel_loop3A_770] : memref<2048xi32, #tpu.memory_space<vmem>>[vector<16xi32>], vector<16xi32>,
      %parallel_loop3A_772 = arith.constant 16 : i32
      %parallel_loop3A_773 = vector.broadcast %parallel_loop3A_772 : i32 to vector<16xi32>
      %parallel_loop3A_774 = arith.shli %parallel_loop3A_771, %parallel_loop3A_773 : vector<16xi32>
      %parallel_loop3A_775 = vector.bitcast %parallel_loop3A_774 : vector<16xi32> to vector<16xf32>
      %parallel_loop3A_776 = arith.addf %parallel_loop3A_720, %parallel_loop3A_775 : vector<16xf32>
      %parallel_loop3A_777 = arith.andi %parallel_loop3A_771, %broadcast_in_dim3A_19 : vector<16xi32>
      %parallel_loop3A_778 = vector.bitcast %parallel_loop3A_777 : vector<16xi32> to vector<16xf32>
      %parallel_loop3A_779 = arith.addf %parallel_loop3A_723, %parallel_loop3A_778 : vector<16xf32>
      %parallel_loop3A_780 = arith.constant 5 : i32
      %parallel_loop3A_781 = arith.index_cast %parallel_loop3A_701 : i32 to index
      %parallel_loop3A_782 = arith.index_cast %parallel_loop3A_780 : i32 to index
      %parallel_loop3A_783 = arith.constant 32 : index
      %parallel_loop3A_784 = tpu.vector_load %arg7[%parallel_loop3A_781, %parallel_loop3A_782, %parallel_loop3A_783] {strides = array<i32>} : memref<25x8x128xi32, #tpu.memory_space<vmem>>, vector<16xi32>,
      %parallel_loop3A_785 = tpu.vector_load_idx %arg6[%parallel_loop3A_784] : memref<2048xi32, #tpu.memory_space<vmem>>[vector<16xi32>], vector<16xi32>,
      %parallel_loop3A_786 = arith.constant 16 : i32
      %parallel_loop3A_787 = vector.broadcast %parallel_loop3A_786 : i32 to vector<16xi32>
      %parallel_loop3A_788 = arith.shli %parallel_loop3A_785, %parallel_loop3A_787 : vector<16xi32>
      %parallel_loop3A_789 = vector.bitcast %parallel_loop3A_788 : vector<16xi32> to vector<16xf32>
      %parallel_loop3A_790 = arith.addf %parallel_loop3A_734, %parallel_loop3A_789 : vector<16xf32>
      %parallel_loop3A_791 = arith.andi %parallel_loop3A_785, %broadcast_in_dim3A_19 : vector<16xi32>
      %parallel_loop3A_792 = vector.bitcast %parallel_loop3A_791 : vector<16xi32> to vector<16xf32>
      %parallel_loop3A_793 = arith.addf %parallel_loop3A_737, %parallel_loop3A_792 : vector<16xf32>
      %parallel_loop3A_794 = arith.constant 6 : i32
      %parallel_loop3A_795 = arith.index_cast %parallel_loop3A_701 : i32 to index
      %parallel_loop3A_796 = arith.index_cast %parallel_loop3A_794 : i32 to index
      %parallel_loop3A_797 = arith.constant 32 : index
      %parallel_loop3A_798 = tpu.vector_load %arg7[%parallel_loop3A_795, %parallel_loop3A_796, %parallel_loop3A_797] {strides = array<i32>} : memref<25x8x128xi32, #tpu.memory_space<vmem>>, vector<16xi32>,
      %parallel_loop3A_799 = tpu.vector_load_idx %arg6[%parallel_loop3A_798] : memref<2048xi32, #tpu.memory_space<vmem>>[vector<16xi32>], vector<16xi32>,
      %parallel_loop3A_800 = arith.constant 16 : i32
      %parallel_loop3A_801 = vector.broadcast %parallel_loop3A_800 : i32 to vector<16xi32>
      %parallel_loop3A_802 = arith.shli %parallel_loop3A_799, %parallel_loop3A_801 : vector<16xi32>
      %parallel_loop3A_803 = vector.bitcast %parallel_loop3A_802 : vector<16xi32> to vector<16xf32>
      %parallel_loop3A_804 = arith.addf %parallel_loop3A_748, %parallel_loop3A_803 : vector<16xf32>
      %parallel_loop3A_805 = arith.andi %parallel_loop3A_799, %broadcast_in_dim3A_19 : vector<16xi32>
      %parallel_loop3A_806 = vector.bitcast %parallel_loop3A_805 : vector<16xi32> to vector<16xf32>
      %parallel_loop3A_807 = arith.addf %parallel_loop3A_751, %parallel_loop3A_806 : vector<16xf32>
      %parallel_loop3A_808 = arith.constant 7 : i32
      %parallel_loop3A_809 = arith.index_cast %parallel_loop3A_701 : i32 to index
      %parallel_loop3A_810 = arith.index_cast %parallel_loop3A_808 : i32 to index
      %parallel_loop3A_811 = arith.constant 32 : index
      %parallel_loop3A_812 = tpu.vector_load %arg7[%parallel_loop3A_809, %parallel_loop3A_810, %parallel_loop3A_811] {strides = array<i32>} : memref<25x8x128xi32, #tpu.memory_space<vmem>>, vector<16xi32>,
      %parallel_loop3A_813 = tpu.vector_load_idx %arg6[%parallel_loop3A_812] : memref<2048xi32, #tpu.memory_space<vmem>>[vector<16xi32>], vector<16xi32>,
      %parallel_loop3A_814 = arith.constant 16 : i32
      %parallel_loop3A_815 = vector.broadcast %parallel_loop3A_814 : i32 to vector<16xi32>
      %parallel_loop3A_816 = arith.shli %parallel_loop3A_813, %parallel_loop3A_815 : vector<16xi32>
      %parallel_loop3A_817 = vector.bitcast %parallel_loop3A_816 : vector<16xi32> to vector<16xf32>
      %parallel_loop3A_818 = arith.addf %parallel_loop3A_762, %parallel_loop3A_817 : vector<16xf32>
      %parallel_loop3A_819 = arith.andi %parallel_loop3A_813, %broadcast_in_dim3A_19 : vector<16xi32>
      %parallel_loop3A_820 = vector.bitcast %parallel_loop3A_819 : vector<16xi32> to vector<16xf32>
      %parallel_loop3A_821 = arith.addf %parallel_loop3A_765, %parallel_loop3A_820 : vector<16xf32>
      scf.yield %parallel_loop3A_776, %parallel_loop3A_779, %parallel_loop3A_790, %parallel_loop3A_793, %parallel_loop3A_804, %parallel_loop3A_807, %parallel_loop3A_818, %parallel_loop3A_821 : vector<16xf32>, vector<16xf32>, vector<16xf32>, vector<16xf32>, vector<16xf32>, vector<16xf32>, vector<16xf32>, vector<16xf32>
    } {sc.loop_unroll_factor = 2 : i64, sc.parallel_access}
    %add3A_52 = arith.addf %parallel_loop3A_51#0, %parallel_loop3A_51#2 : vector<16xf32>
    %add3A_53 = arith.addf %parallel_loop3A_51#4, %parallel_loop3A_51#6 : vector<16xf32>
    %add3A_54 = arith.addf %add3A_52, %add3A_53 : vector<16xf32>
    %swap3A_55 = arith.constant 32 : index
    %swap3A_56 = tpu.vector_load %arg9[%swap3A_55] {strides = array<i32>} : memref<256xf32, #tpu.memory_space<vmem>>, vector<16xf32>,
    tpu.vector_store %arg9[%swap3A_55], %add3A_54 {strides = array<i32>} : memref<256xf32, #tpu.memory_space<vmem>>, vector<16xf32>,
    %add3A_57 = arith.addf %parallel_loop3A_51#1, %parallel_loop3A_51#3 : vector<16xf32>
    %add3A_58 = arith.addf %parallel_loop3A_51#5, %parallel_loop3A_51#7 : vector<16xf32>
    %add3A_59 = arith.addf %add3A_57, %add3A_58 : vector<16xf32>
    %swap3A_60 = arith.constant 160 : index
    %swap3A_61 = tpu.vector_load %arg9[%swap3A_60] {strides = array<i32>} : memref<256xf32, #tpu.memory_space<vmem>>, vector<16xf32>,
    tpu.vector_store %arg9[%swap3A_60], %add3A_59 {strides = array<i32>} : memref<256xf32, #tpu.memory_space<vmem>>, vector<16xf32>,
    %parallel_loop3A_62 = arith.constant 0 : i32
    %parallel_loop3A_63 = arith.constant 25 : i32
    %parallel_loop3A_64 = arith.constant 1 : i32
    %parallel_loop3A_65:8 = scf.for %parallel_loop3A_701 = %parallel_loop3A_62 to %parallel_loop3A_63 step %parallel_loop3A_64 iter_args(%parallel_loop3A_702 = %broadcast_in_dim3A_21, %parallel_loop3A_703 = %broadcast_in_dim3A_21, %parallel_loop3A_704 = %broadcast_in_dim3A_21, %parallel_loop3A_705 = %broadcast_in_dim3A_21, %parallel_loop3A_706 = %broadcast_in_dim3A_21, %parallel_loop3A_707 = %broadcast_in_dim3A_21, %parallel_loop3A_708 = %broadcast_in_dim3A_21, %parallel_loop3A_709 = %broadcast_in_dim3A_21) -> (vector<16xf32>, vector<16xf32>, vector<16xf32>, vector<16xf32>, vector<16xf32>, vector<16xf32>, vector<16xf32>, vector<16xf32>)  : i32 {
      %parallel_loop3A_710 = arith.constant 0 : i32
      %parallel_loop3A_711 = arith.index_cast %parallel_loop3A_701 : i32 to index
      %parallel_loop3A_712 = arith.index_cast %parallel_loop3A_710 : i32 to index
      %parallel_loop3A_713 = arith.constant 48 : index
      %parallel_loop3A_714 = tpu.vector_load %arg7[%parallel_loop3A_711, %parallel_loop3A_712, %parallel_loop3A_713] {strides = array<i32>} : memref<25x8x128xi32, #tpu.memory_space<vmem>>, vector<16xi32>,
      %parallel_loop3A_715 = tpu.vector_load_idx %arg6[%parallel_loop3A_714] : memref<2048xi32, #tpu.memory_space<vmem>>[vector<16xi32>], vector<16xi32>,
      %parallel_loop3A_716 = arith.constant 16 : i32
      %parallel_loop3A_717 = vector.broadcast %parallel_loop3A_716 : i32 to vector<16xi32>
      %parallel_loop3A_718 = arith.shli %parallel_loop3A_715, %parallel_loop3A_717 : vector<16xi32>
      %parallel_loop3A_719 = vector.bitcast %parallel_loop3A_718 : vector<16xi32> to vector<16xf32>
      %parallel_loop3A_720 = arith.addf %parallel_loop3A_702, %parallel_loop3A_719 : vector<16xf32>
      %parallel_loop3A_721 = arith.andi %parallel_loop3A_715, %broadcast_in_dim3A_19 : vector<16xi32>
      %parallel_loop3A_722 = vector.bitcast %parallel_loop3A_721 : vector<16xi32> to vector<16xf32>
      %parallel_loop3A_723 = arith.addf %parallel_loop3A_703, %parallel_loop3A_722 : vector<16xf32>
      %parallel_loop3A_724 = arith.constant 1 : i32
      %parallel_loop3A_725 = arith.index_cast %parallel_loop3A_701 : i32 to index
      %parallel_loop3A_726 = arith.index_cast %parallel_loop3A_724 : i32 to index
      %parallel_loop3A_727 = arith.constant 48 : index
      %parallel_loop3A_728 = tpu.vector_load %arg7[%parallel_loop3A_725, %parallel_loop3A_726, %parallel_loop3A_727] {strides = array<i32>} : memref<25x8x128xi32, #tpu.memory_space<vmem>>, vector<16xi32>,
      %parallel_loop3A_729 = tpu.vector_load_idx %arg6[%parallel_loop3A_728] : memref<2048xi32, #tpu.memory_space<vmem>>[vector<16xi32>], vector<16xi32>,
      %parallel_loop3A_730 = arith.constant 16 : i32
      %parallel_loop3A_731 = vector.broadcast %parallel_loop3A_730 : i32 to vector<16xi32>
      %parallel_loop3A_732 = arith.shli %parallel_loop3A_729, %parallel_loop3A_731 : vector<16xi32>
      %parallel_loop3A_733 = vector.bitcast %parallel_loop3A_732 : vector<16xi32> to vector<16xf32>
      %parallel_loop3A_734 = arith.addf %parallel_loop3A_704, %parallel_loop3A_733 : vector<16xf32>
      %parallel_loop3A_735 = arith.andi %parallel_loop3A_729, %broadcast_in_dim3A_19 : vector<16xi32>
      %parallel_loop3A_736 = vector.bitcast %parallel_loop3A_735 : vector<16xi32> to vector<16xf32>
      %parallel_loop3A_737 = arith.addf %parallel_loop3A_705, %parallel_loop3A_736 : vector<16xf32>
      %parallel_loop3A_738 = arith.constant 2 : i32
      %parallel_loop3A_739 = arith.index_cast %parallel_loop3A_701 : i32 to index
      %parallel_loop3A_740 = arith.index_cast %parallel_loop3A_738 : i32 to index
      %parallel_loop3A_741 = arith.constant 48 : index
      %parallel_loop3A_742 = tpu.vector_load %arg7[%parallel_loop3A_739, %parallel_loop3A_740, %parallel_loop3A_741] {strides = array<i32>} : memref<25x8x128xi32, #tpu.memory_space<vmem>>, vector<16xi32>,
      %parallel_loop3A_743 = tpu.vector_load_idx %arg6[%parallel_loop3A_742] : memref<2048xi32, #tpu.memory_space<vmem>>[vector<16xi32>], vector<16xi32>,
      %parallel_loop3A_744 = arith.constant 16 : i32
      %parallel_loop3A_745 = vector.broadcast %parallel_loop3A_744 : i32 to vector<16xi32>
      %parallel_loop3A_746 = arith.shli %parallel_loop3A_743, %parallel_loop3A_745 : vector<16xi32>
      %parallel_loop3A_747 = vector.bitcast %parallel_loop3A_746 : vector<16xi32> to vector<16xf32>
      %parallel_loop3A_748 = arith.addf %parallel_loop3A_706, %parallel_loop3A_747 : vector<16xf32>
      %parallel_loop3A_749 = arith.andi %parallel_loop3A_743, %broadcast_in_dim3A_19 : vector<16xi32>
      %parallel_loop3A_750 = vector.bitcast %parallel_loop3A_749 : vector<16xi32> to vector<16xf32>
      %parallel_loop3A_751 = arith.addf %parallel_loop3A_707, %parallel_loop3A_750 : vector<16xf32>
      %parallel_loop3A_752 = arith.constant 3 : i32
      %parallel_loop3A_753 = arith.index_cast %parallel_loop3A_701 : i32 to index
      %parallel_loop3A_754 = arith.index_cast %parallel_loop3A_752 : i32 to index
      %parallel_loop3A_755 = arith.constant 48 : index
      %parallel_loop3A_756 = tpu.vector_load %arg7[%parallel_loop3A_753, %parallel_loop3A_754, %parallel_loop3A_755] {strides = array<i32>} : memref<25x8x128xi32, #tpu.memory_space<vmem>>, vector<16xi32>,
      %parallel_loop3A_757 = tpu.vector_load_idx %arg6[%parallel_loop3A_756] : memref<2048xi32, #tpu.memory_space<vmem>>[vector<16xi32>], vector<16xi32>,
      %parallel_loop3A_758 = arith.constant 16 : i32
      %parallel_loop3A_759 = vector.broadcast %parallel_loop3A_758 : i32 to vector<16xi32>
      %parallel_loop3A_760 = arith.shli %parallel_loop3A_757, %parallel_loop3A_759 : vector<16xi32>
      %parallel_loop3A_761 = vector.bitcast %parallel_loop3A_760 : vector<16xi32> to vector<16xf32>
      %parallel_loop3A_762 = arith.addf %parallel_loop3A_708, %parallel_loop3A_761 : vector<16xf32>
      %parallel_loop3A_763 = arith.andi %parallel_loop3A_757, %broadcast_in_dim3A_19 : vector<16xi32>
      %parallel_loop3A_764 = vector.bitcast %parallel_loop3A_763 : vector<16xi32> to vector<16xf32>
      %parallel_loop3A_765 = arith.addf %parallel_loop3A_709, %parallel_loop3A_764 : vector<16xf32>
      %parallel_loop3A_766 = arith.constant 4 : i32
      %parallel_loop3A_767 = arith.index_cast %parallel_loop3A_701 : i32 to index
      %parallel_loop3A_768 = arith.index_cast %parallel_loop3A_766 : i32 to index
      %parallel_loop3A_769 = arith.constant 48 : index
      %parallel_loop3A_770 = tpu.vector_load %arg7[%parallel_loop3A_767, %parallel_loop3A_768, %parallel_loop3A_769] {strides = array<i32>} : memref<25x8x128xi32, #tpu.memory_space<vmem>>, vector<16xi32>,
      %parallel_loop3A_771 = tpu.vector_load_idx %arg6[%parallel_loop3A_770] : memref<2048xi32, #tpu.memory_space<vmem>>[vector<16xi32>], vector<16xi32>,
      %parallel_loop3A_772 = arith.constant 16 : i32
      %parallel_loop3A_773 = vector.broadcast %parallel_loop3A_772 : i32 to vector<16xi32>
      %parallel_loop3A_774 = arith.shli %parallel_loop3A_771, %parallel_loop3A_773 : vector<16xi32>
      %parallel_loop3A_775 = vector.bitcast %parallel_loop3A_774 : vector<16xi32> to vector<16xf32>
      %parallel_loop3A_776 = arith.addf %parallel_loop3A_720, %parallel_loop3A_775 : vector<16xf32>
      %parallel_loop3A_777 = arith.andi %parallel_loop3A_771, %broadcast_in_dim3A_19 : vector<16xi32>
      %parallel_loop3A_778 = vector.bitcast %parallel_loop3A_777 : vector<16xi32> to vector<16xf32>
      %parallel_loop3A_779 = arith.addf %parallel_loop3A_723, %parallel_loop3A_778 : vector<16xf32>
      %parallel_loop3A_780 = arith.constant 5 : i32
      %parallel_loop3A_781 = arith.index_cast %parallel_loop3A_701 : i32 to index
      %parallel_loop3A_782 = arith.index_cast %parallel_loop3A_780 : i32 to index
      %parallel_loop3A_783 = arith.constant 48 : index
      %parallel_loop3A_784 = tpu.vector_load %arg7[%parallel_loop3A_781, %parallel_loop3A_782, %parallel_loop3A_783] {strides = array<i32>} : memref<25x8x128xi32, #tpu.memory_space<vmem>>, vector<16xi32>,
      %parallel_loop3A_785 = tpu.vector_load_idx %arg6[%parallel_loop3A_784] : memref<2048xi32, #tpu.memory_space<vmem>>[vector<16xi32>], vector<16xi32>,
      %parallel_loop3A_786 = arith.constant 16 : i32
      %parallel_loop3A_787 = vector.broadcast %parallel_loop3A_786 : i32 to vector<16xi32>
      %parallel_loop3A_788 = arith.shli %parallel_loop3A_785, %parallel_loop3A_787 : vector<16xi32>
      %parallel_loop3A_789 = vector.bitcast %parallel_loop3A_788 : vector<16xi32> to vector<16xf32>
      %parallel_loop3A_790 = arith.addf %parallel_loop3A_734, %parallel_loop3A_789 : vector<16xf32>
      %parallel_loop3A_791 = arith.andi %parallel_loop3A_785, %broadcast_in_dim3A_19 : vector<16xi32>
      %parallel_loop3A_792 = vector.bitcast %parallel_loop3A_791 : vector<16xi32> to vector<16xf32>
      %parallel_loop3A_793 = arith.addf %parallel_loop3A_737, %parallel_loop3A_792 : vector<16xf32>
      %parallel_loop3A_794 = arith.constant 6 : i32
      %parallel_loop3A_795 = arith.index_cast %parallel_loop3A_701 : i32 to index
      %parallel_loop3A_796 = arith.index_cast %parallel_loop3A_794 : i32 to index
      %parallel_loop3A_797 = arith.constant 48 : index
      %parallel_loop3A_798 = tpu.vector_load %arg7[%parallel_loop3A_795, %parallel_loop3A_796, %parallel_loop3A_797] {strides = array<i32>} : memref<25x8x128xi32, #tpu.memory_space<vmem>>, vector<16xi32>,
      %parallel_loop3A_799 = tpu.vector_load_idx %arg6[%parallel_loop3A_798] : memref<2048xi32, #tpu.memory_space<vmem>>[vector<16xi32>], vector<16xi32>,
      %parallel_loop3A_800 = arith.constant 16 : i32
      %parallel_loop3A_801 = vector.broadcast %parallel_loop3A_800 : i32 to vector<16xi32>
      %parallel_loop3A_802 = arith.shli %parallel_loop3A_799, %parallel_loop3A_801 : vector<16xi32>
      %parallel_loop3A_803 = vector.bitcast %parallel_loop3A_802 : vector<16xi32> to vector<16xf32>
      %parallel_loop3A_804 = arith.addf %parallel_loop3A_748, %parallel_loop3A_803 : vector<16xf32>
      %parallel_loop3A_805 = arith.andi %parallel_loop3A_799, %broadcast_in_dim3A_19 : vector<16xi32>
      %parallel_loop3A_806 = vector.bitcast %parallel_loop3A_805 : vector<16xi32> to vector<16xf32>
      %parallel_loop3A_807 = arith.addf %parallel_loop3A_751, %parallel_loop3A_806 : vector<16xf32>
      %parallel_loop3A_808 = arith.constant 7 : i32
      %parallel_loop3A_809 = arith.index_cast %parallel_loop3A_701 : i32 to index
      %parallel_loop3A_810 = arith.index_cast %parallel_loop3A_808 : i32 to index
      %parallel_loop3A_811 = arith.constant 48 : index
      %parallel_loop3A_812 = tpu.vector_load %arg7[%parallel_loop3A_809, %parallel_loop3A_810, %parallel_loop3A_811] {strides = array<i32>} : memref<25x8x128xi32, #tpu.memory_space<vmem>>, vector<16xi32>,
      %parallel_loop3A_813 = tpu.vector_load_idx %arg6[%parallel_loop3A_812] : memref<2048xi32, #tpu.memory_space<vmem>>[vector<16xi32>], vector<16xi32>,
      %parallel_loop3A_814 = arith.constant 16 : i32
      %parallel_loop3A_815 = vector.broadcast %parallel_loop3A_814 : i32 to vector<16xi32>
      %parallel_loop3A_816 = arith.shli %parallel_loop3A_813, %parallel_loop3A_815 : vector<16xi32>
      %parallel_loop3A_817 = vector.bitcast %parallel_loop3A_816 : vector<16xi32> to vector<16xf32>
      %parallel_loop3A_818 = arith.addf %parallel_loop3A_762, %parallel_loop3A_817 : vector<16xf32>
      %parallel_loop3A_819 = arith.andi %parallel_loop3A_813, %broadcast_in_dim3A_19 : vector<16xi32>
      %parallel_loop3A_820 = vector.bitcast %parallel_loop3A_819 : vector<16xi32> to vector<16xf32>
      %parallel_loop3A_821 = arith.addf %parallel_loop3A_765, %parallel_loop3A_820 : vector<16xf32>
      scf.yield %parallel_loop3A_776, %parallel_loop3A_779, %parallel_loop3A_790, %parallel_loop3A_793, %parallel_loop3A_804, %parallel_loop3A_807, %parallel_loop3A_818, %parallel_loop3A_821 : vector<16xf32>, vector<16xf32>, vector<16xf32>, vector<16xf32>, vector<16xf32>, vector<16xf32>, vector<16xf32>, vector<16xf32>
    } {sc.loop_unroll_factor = 2 : i64, sc.parallel_access}
    %add3A_66 = arith.addf %parallel_loop3A_65#0, %parallel_loop3A_65#2 : vector<16xf32>
    %add3A_67 = arith.addf %parallel_loop3A_65#4, %parallel_loop3A_65#6 : vector<16xf32>
    %add3A_68 = arith.addf %add3A_66, %add3A_67 : vector<16xf32>
    %swap3A_69 = arith.constant 48 : index
    %swap3A_70 = tpu.vector_load %arg9[%swap3A_69] {strides = array<i32>} : memref<256xf32, #tpu.memory_space<vmem>>, vector<16xf32>,
    tpu.vector_store %arg9[%swap3A_69], %add3A_68 {strides = array<i32>} : memref<256xf32, #tpu.memory_space<vmem>>, vector<16xf32>,
    %add3A_71 = arith.addf %parallel_loop3A_65#1, %parallel_loop3A_65#3 : vector<16xf32>
    %add3A_72 = arith.addf %parallel_loop3A_65#5, %parallel_loop3A_65#7 : vector<16xf32>
    %add3A_73 = arith.addf %add3A_71, %add3A_72 : vector<16xf32>
    %swap3A_74 = arith.constant 176 : index
    %swap3A_75 = tpu.vector_load %arg9[%swap3A_74] {strides = array<i32>} : memref<256xf32, #tpu.memory_space<vmem>>, vector<16xf32>,
    tpu.vector_store %arg9[%swap3A_74], %add3A_73 {strides = array<i32>} : memref<256xf32, #tpu.memory_space<vmem>>, vector<16xf32>,
    %parallel_loop3A_76 = arith.constant 0 : i32
    %parallel_loop3A_77 = arith.constant 25 : i32
    %parallel_loop3A_78 = arith.constant 1 : i32
    %parallel_loop3A_79:8 = scf.for %parallel_loop3A_701 = %parallel_loop3A_76 to %parallel_loop3A_77 step %parallel_loop3A_78 iter_args(%parallel_loop3A_702 = %broadcast_in_dim3A_21, %parallel_loop3A_703 = %broadcast_in_dim3A_21, %parallel_loop3A_704 = %broadcast_in_dim3A_21, %parallel_loop3A_705 = %broadcast_in_dim3A_21, %parallel_loop3A_706 = %broadcast_in_dim3A_21, %parallel_loop3A_707 = %broadcast_in_dim3A_21, %parallel_loop3A_708 = %broadcast_in_dim3A_21, %parallel_loop3A_709 = %broadcast_in_dim3A_21) -> (vector<16xf32>, vector<16xf32>, vector<16xf32>, vector<16xf32>, vector<16xf32>, vector<16xf32>, vector<16xf32>, vector<16xf32>)  : i32 {
      %parallel_loop3A_710 = arith.constant 0 : i32
      %parallel_loop3A_711 = arith.index_cast %parallel_loop3A_701 : i32 to index
      %parallel_loop3A_712 = arith.index_cast %parallel_loop3A_710 : i32 to index
      %parallel_loop3A_713 = arith.constant 64 : index
      %parallel_loop3A_714 = tpu.vector_load %arg7[%parallel_loop3A_711, %parallel_loop3A_712, %parallel_loop3A_713] {strides = array<i32>} : memref<25x8x128xi32, #tpu.memory_space<vmem>>, vector<16xi32>,
      %parallel_loop3A_715 = tpu.vector_load_idx %arg6[%parallel_loop3A_714] : memref<2048xi32, #tpu.memory_space<vmem>>[vector<16xi32>], vector<16xi32>,
      %parallel_loop3A_716 = arith.constant 16 : i32
      %parallel_loop3A_717 = vector.broadcast %parallel_loop3A_716 : i32 to vector<16xi32>
      %parallel_loop3A_718 = arith.shli %parallel_loop3A_715, %parallel_loop3A_717 : vector<16xi32>
      %parallel_loop3A_719 = vector.bitcast %parallel_loop3A_718 : vector<16xi32> to vector<16xf32>
      %parallel_loop3A_720 = arith.addf %parallel_loop3A_702, %parallel_loop3A_719 : vector<16xf32>
      %parallel_loop3A_721 = arith.andi %parallel_loop3A_715, %broadcast_in_dim3A_19 : vector<16xi32>
      %parallel_loop3A_722 = vector.bitcast %parallel_loop3A_721 : vector<16xi32> to vector<16xf32>
      %parallel_loop3A_723 = arith.addf %parallel_loop3A_703, %parallel_loop3A_722 : vector<16xf32>
      %parallel_loop3A_724 = arith.constant 1 : i32
      %parallel_loop3A_725 = arith.index_cast %parallel_loop3A_701 : i32 to index
      %parallel_loop3A_726 = arith.index_cast %parallel_loop3A_724 : i32 to index
      %parallel_loop3A_727 = arith.constant 64 : index
      %parallel_loop3A_728 = tpu.vector_load %arg7[%parallel_loop3A_725, %parallel_loop3A_726, %parallel_loop3A_727] {strides = array<i32>} : memref<25x8x128xi32, #tpu.memory_space<vmem>>, vector<16xi32>,
      %parallel_loop3A_729 = tpu.vector_load_idx %arg6[%parallel_loop3A_728] : memref<2048xi32, #tpu.memory_space<vmem>>[vector<16xi32>], vector<16xi32>,
      %parallel_loop3A_730 = arith.constant 16 : i32
      %parallel_loop3A_731 = vector.broadcast %parallel_loop3A_730 : i32 to vector<16xi32>
      %parallel_loop3A_732 = arith.shli %parallel_loop3A_729, %parallel_loop3A_731 : vector<16xi32>
      %parallel_loop3A_733 = vector.bitcast %parallel_loop3A_732 : vector<16xi32> to vector<16xf32>
      %parallel_loop3A_734 = arith.addf %parallel_loop3A_704, %parallel_loop3A_733 : vector<16xf32>
      %parallel_loop3A_735 = arith.andi %parallel_loop3A_729, %broadcast_in_dim3A_19 : vector<16xi32>
      %parallel_loop3A_736 = vector.bitcast %parallel_loop3A_735 : vector<16xi32> to vector<16xf32>
      %parallel_loop3A_737 = arith.addf %parallel_loop3A_705, %parallel_loop3A_736 : vector<16xf32>
      %parallel_loop3A_738 = arith.constant 2 : i32
      %parallel_loop3A_739 = arith.index_cast %parallel_loop3A_701 : i32 to index
      %parallel_loop3A_740 = arith.index_cast %parallel_loop3A_738 : i32 to index
      %parallel_loop3A_741 = arith.constant 64 : index
      %parallel_loop3A_742 = tpu.vector_load %arg7[%parallel_loop3A_739, %parallel_loop3A_740, %parallel_loop3A_741] {strides = array<i32>} : memref<25x8x128xi32, #tpu.memory_space<vmem>>, vector<16xi32>,
      %parallel_loop3A_743 = tpu.vector_load_idx %arg6[%parallel_loop3A_742] : memref<2048xi32, #tpu.memory_space<vmem>>[vector<16xi32>], vector<16xi32>,
      %parallel_loop3A_744 = arith.constant 16 : i32
      %parallel_loop3A_745 = vector.broadcast %parallel_loop3A_744 : i32 to vector<16xi32>
      %parallel_loop3A_746 = arith.shli %parallel_loop3A_743, %parallel_loop3A_745 : vector<16xi32>
      %parallel_loop3A_747 = vector.bitcast %parallel_loop3A_746 : vector<16xi32> to vector<16xf32>
      %parallel_loop3A_748 = arith.addf %parallel_loop3A_706, %parallel_loop3A_747 : vector<16xf32>
      %parallel_loop3A_749 = arith.andi %parallel_loop3A_743, %broadcast_in_dim3A_19 : vector<16xi32>
      %parallel_loop3A_750 = vector.bitcast %parallel_loop3A_749 : vector<16xi32> to vector<16xf32>
      %parallel_loop3A_751 = arith.addf %parallel_loop3A_707, %parallel_loop3A_750 : vector<16xf32>
      %parallel_loop3A_752 = arith.constant 3 : i32
      %parallel_loop3A_753 = arith.index_cast %parallel_loop3A_701 : i32 to index
      %parallel_loop3A_754 = arith.index_cast %parallel_loop3A_752 : i32 to index
      %parallel_loop3A_755 = arith.constant 64 : index
      %parallel_loop3A_756 = tpu.vector_load %arg7[%parallel_loop3A_753, %parallel_loop3A_754, %parallel_loop3A_755] {strides = array<i32>} : memref<25x8x128xi32, #tpu.memory_space<vmem>>, vector<16xi32>,
      %parallel_loop3A_757 = tpu.vector_load_idx %arg6[%parallel_loop3A_756] : memref<2048xi32, #tpu.memory_space<vmem>>[vector<16xi32>], vector<16xi32>,
      %parallel_loop3A_758 = arith.constant 16 : i32
      %parallel_loop3A_759 = vector.broadcast %parallel_loop3A_758 : i32 to vector<16xi32>
      %parallel_loop3A_760 = arith.shli %parallel_loop3A_757, %parallel_loop3A_759 : vector<16xi32>
      %parallel_loop3A_761 = vector.bitcast %parallel_loop3A_760 : vector<16xi32> to vector<16xf32>
      %parallel_loop3A_762 = arith.addf %parallel_loop3A_708, %parallel_loop3A_761 : vector<16xf32>
      %parallel_loop3A_763 = arith.andi %parallel_loop3A_757, %broadcast_in_dim3A_19 : vector<16xi32>
      %parallel_loop3A_764 = vector.bitcast %parallel_loop3A_763 : vector<16xi32> to vector<16xf32>
      %parallel_loop3A_765 = arith.addf %parallel_loop3A_709, %parallel_loop3A_764 : vector<16xf32>
      %parallel_loop3A_766 = arith.constant 4 : i32
      %parallel_loop3A_767 = arith.index_cast %parallel_loop3A_701 : i32 to index
      %parallel_loop3A_768 = arith.index_cast %parallel_loop3A_766 : i32 to index
      %parallel_loop3A_769 = arith.constant 64 : index
      %parallel_loop3A_770 = tpu.vector_load %arg7[%parallel_loop3A_767, %parallel_loop3A_768, %parallel_loop3A_769] {strides = array<i32>} : memref<25x8x128xi32, #tpu.memory_space<vmem>>, vector<16xi32>,
      %parallel_loop3A_771 = tpu.vector_load_idx %arg6[%parallel_loop3A_770] : memref<2048xi32, #tpu.memory_space<vmem>>[vector<16xi32>], vector<16xi32>,
      %parallel_loop3A_772 = arith.constant 16 : i32
      %parallel_loop3A_773 = vector.broadcast %parallel_loop3A_772 : i32 to vector<16xi32>
      %parallel_loop3A_774 = arith.shli %parallel_loop3A_771, %parallel_loop3A_773 : vector<16xi32>
      %parallel_loop3A_775 = vector.bitcast %parallel_loop3A_774 : vector<16xi32> to vector<16xf32>
      %parallel_loop3A_776 = arith.addf %parallel_loop3A_720, %parallel_loop3A_775 : vector<16xf32>
      %parallel_loop3A_777 = arith.andi %parallel_loop3A_771, %broadcast_in_dim3A_19 : vector<16xi32>
      %parallel_loop3A_778 = vector.bitcast %parallel_loop3A_777 : vector<16xi32> to vector<16xf32>
      %parallel_loop3A_779 = arith.addf %parallel_loop3A_723, %parallel_loop3A_778 : vector<16xf32>
      %parallel_loop3A_780 = arith.constant 5 : i32
      %parallel_loop3A_781 = arith.index_cast %parallel_loop3A_701 : i32 to index
      %parallel_loop3A_782 = arith.index_cast %parallel_loop3A_780 : i32 to index
      %parallel_loop3A_783 = arith.constant 64 : index
      %parallel_loop3A_784 = tpu.vector_load %arg7[%parallel_loop3A_781, %parallel_loop3A_782, %parallel_loop3A_783] {strides = array<i32>} : memref<25x8x128xi32, #tpu.memory_space<vmem>>, vector<16xi32>,
      %parallel_loop3A_785 = tpu.vector_load_idx %arg6[%parallel_loop3A_784] : memref<2048xi32, #tpu.memory_space<vmem>>[vector<16xi32>], vector<16xi32>,
      %parallel_loop3A_786 = arith.constant 16 : i32
      %parallel_loop3A_787 = vector.broadcast %parallel_loop3A_786 : i32 to vector<16xi32>
      %parallel_loop3A_788 = arith.shli %parallel_loop3A_785, %parallel_loop3A_787 : vector<16xi32>
      %parallel_loop3A_789 = vector.bitcast %parallel_loop3A_788 : vector<16xi32> to vector<16xf32>
      %parallel_loop3A_790 = arith.addf %parallel_loop3A_734, %parallel_loop3A_789 : vector<16xf32>
      %parallel_loop3A_791 = arith.andi %parallel_loop3A_785, %broadcast_in_dim3A_19 : vector<16xi32>
      %parallel_loop3A_792 = vector.bitcast %parallel_loop3A_791 : vector<16xi32> to vector<16xf32>
      %parallel_loop3A_793 = arith.addf %parallel_loop3A_737, %parallel_loop3A_792 : vector<16xf32>
      %parallel_loop3A_794 = arith.constant 6 : i32
      %parallel_loop3A_795 = arith.index_cast %parallel_loop3A_701 : i32 to index
      %parallel_loop3A_796 = arith.index_cast %parallel_loop3A_794 : i32 to index
      %parallel_loop3A_797 = arith.constant 64 : index
      %parallel_loop3A_798 = tpu.vector_load %arg7[%parallel_loop3A_795, %parallel_loop3A_796, %parallel_loop3A_797] {strides = array<i32>} : memref<25x8x128xi32, #tpu.memory_space<vmem>>, vector<16xi32>,
      %parallel_loop3A_799 = tpu.vector_load_idx %arg6[%parallel_loop3A_798] : memref<2048xi32, #tpu.memory_space<vmem>>[vector<16xi32>], vector<16xi32>,
      %parallel_loop3A_800 = arith.constant 16 : i32
      %parallel_loop3A_801 = vector.broadcast %parallel_loop3A_800 : i32 to vector<16xi32>
      %parallel_loop3A_802 = arith.shli %parallel_loop3A_799, %parallel_loop3A_801 : vector<16xi32>
      %parallel_loop3A_803 = vector.bitcast %parallel_loop3A_802 : vector<16xi32> to vector<16xf32>
      %parallel_loop3A_804 = arith.addf %parallel_loop3A_748, %parallel_loop3A_803 : vector<16xf32>
      %parallel_loop3A_805 = arith.andi %parallel_loop3A_799, %broadcast_in_dim3A_19 : vector<16xi32>
      %parallel_loop3A_806 = vector.bitcast %parallel_loop3A_805 : vector<16xi32> to vector<16xf32>
      %parallel_loop3A_807 = arith.addf %parallel_loop3A_751, %parallel_loop3A_806 : vector<16xf32>
      %parallel_loop3A_808 = arith.constant 7 : i32
      %parallel_loop3A_809 = arith.index_cast %parallel_loop3A_701 : i32 to index
      %parallel_loop3A_810 = arith.index_cast %parallel_loop3A_808 : i32 to index
      %parallel_loop3A_811 = arith.constant 64 : index
      %parallel_loop3A_812 = tpu.vector_load %arg7[%parallel_loop3A_809, %parallel_loop3A_810, %parallel_loop3A_811] {strides = array<i32>} : memref<25x8x128xi32, #tpu.memory_space<vmem>>, vector<16xi32>,
      %parallel_loop3A_813 = tpu.vector_load_idx %arg6[%parallel_loop3A_812] : memref<2048xi32, #tpu.memory_space<vmem>>[vector<16xi32>], vector<16xi32>,
      %parallel_loop3A_814 = arith.constant 16 : i32
      %parallel_loop3A_815 = vector.broadcast %parallel_loop3A_814 : i32 to vector<16xi32>
      %parallel_loop3A_816 = arith.shli %parallel_loop3A_813, %parallel_loop3A_815 : vector<16xi32>
      %parallel_loop3A_817 = vector.bitcast %parallel_loop3A_816 : vector<16xi32> to vector<16xf32>
      %parallel_loop3A_818 = arith.addf %parallel_loop3A_762, %parallel_loop3A_817 : vector<16xf32>
      %parallel_loop3A_819 = arith.andi %parallel_loop3A_813, %broadcast_in_dim3A_19 : vector<16xi32>
      %parallel_loop3A_820 = vector.bitcast %parallel_loop3A_819 : vector<16xi32> to vector<16xf32>
      %parallel_loop3A_821 = arith.addf %parallel_loop3A_765, %parallel_loop3A_820 : vector<16xf32>
      scf.yield %parallel_loop3A_776, %parallel_loop3A_779, %parallel_loop3A_790, %parallel_loop3A_793, %parallel_loop3A_804, %parallel_loop3A_807, %parallel_loop3A_818, %parallel_loop3A_821 : vector<16xf32>, vector<16xf32>, vector<16xf32>, vector<16xf32>, vector<16xf32>, vector<16xf32>, vector<16xf32>, vector<16xf32>
    } {sc.loop_unroll_factor = 2 : i64, sc.parallel_access}
    %add3A_80 = arith.addf %parallel_loop3A_79#0, %parallel_loop3A_79#2 : vector<16xf32>
    %add3A_81 = arith.addf %parallel_loop3A_79#4, %parallel_loop3A_79#6 : vector<16xf32>
    %add3A_82 = arith.addf %add3A_80, %add3A_81 : vector<16xf32>
    %swap3A_83 = arith.constant 64 : index
    %swap3A_84 = tpu.vector_load %arg9[%swap3A_83] {strides = array<i32>} : memref<256xf32, #tpu.memory_space<vmem>>, vector<16xf32>,
    tpu.vector_store %arg9[%swap3A_83], %add3A_82 {strides = array<i32>} : memref<256xf32, #tpu.memory_space<vmem>>, vector<16xf32>,
    %add3A_85 = arith.addf %parallel_loop3A_79#1, %parallel_loop3A_79#3 : vector<16xf32>
    %add3A_86 = arith.addf %parallel_loop3A_79#5, %parallel_loop3A_79#7 : vector<16xf32>
    %add3A_87 = arith.addf %add3A_85, %add3A_86 : vector<16xf32>
    %swap3A_88 = arith.constant 192 : index
    %swap3A_89 = tpu.vector_load %arg9[%swap3A_88] {strides = array<i32>} : memref<256xf32, #tpu.memory_space<vmem>>, vector<16xf32>,
    tpu.vector_store %arg9[%swap3A_88], %add3A_87 {strides = array<i32>} : memref<256xf32, #tpu.memory_space<vmem>>, vector<16xf32>,
    %parallel_loop3A_90 = arith.constant 0 : i32
    %parallel_loop3A_91 = arith.constant 25 : i32
    %parallel_loop3A_92 = arith.constant 1 : i32
    %parallel_loop3A_93:8 = scf.for %parallel_loop3A_701 = %parallel_loop3A_90 to %parallel_loop3A_91 step %parallel_loop3A_92 iter_args(%parallel_loop3A_702 = %broadcast_in_dim3A_21, %parallel_loop3A_703 = %broadcast_in_dim3A_21, %parallel_loop3A_704 = %broadcast_in_dim3A_21, %parallel_loop3A_705 = %broadcast_in_dim3A_21, %parallel_loop3A_706 = %broadcast_in_dim3A_21, %parallel_loop3A_707 = %broadcast_in_dim3A_21, %parallel_loop3A_708 = %broadcast_in_dim3A_21, %parallel_loop3A_709 = %broadcast_in_dim3A_21) -> (vector<16xf32>, vector<16xf32>, vector<16xf32>, vector<16xf32>, vector<16xf32>, vector<16xf32>, vector<16xf32>, vector<16xf32>)  : i32 {
      %parallel_loop3A_710 = arith.constant 0 : i32
      %parallel_loop3A_711 = arith.index_cast %parallel_loop3A_701 : i32 to index
      %parallel_loop3A_712 = arith.index_cast %parallel_loop3A_710 : i32 to index
      %parallel_loop3A_713 = arith.constant 80 : index
      %parallel_loop3A_714 = tpu.vector_load %arg7[%parallel_loop3A_711, %parallel_loop3A_712, %parallel_loop3A_713] {strides = array<i32>} : memref<25x8x128xi32, #tpu.memory_space<vmem>>, vector<16xi32>,
      %parallel_loop3A_715 = tpu.vector_load_idx %arg6[%parallel_loop3A_714] : memref<2048xi32, #tpu.memory_space<vmem>>[vector<16xi32>], vector<16xi32>,
      %parallel_loop3A_716 = arith.constant 16 : i32
      %parallel_loop3A_717 = vector.broadcast %parallel_loop3A_716 : i32 to vector<16xi32>
      %parallel_loop3A_718 = arith.shli %parallel_loop3A_715, %parallel_loop3A_717 : vector<16xi32>
      %parallel_loop3A_719 = vector.bitcast %parallel_loop3A_718 : vector<16xi32> to vector<16xf32>
      %parallel_loop3A_720 = arith.addf %parallel_loop3A_702, %parallel_loop3A_719 : vector<16xf32>
      %parallel_loop3A_721 = arith.andi %parallel_loop3A_715, %broadcast_in_dim3A_19 : vector<16xi32>
      %parallel_loop3A_722 = vector.bitcast %parallel_loop3A_721 : vector<16xi32> to vector<16xf32>
      %parallel_loop3A_723 = arith.addf %parallel_loop3A_703, %parallel_loop3A_722 : vector<16xf32>
      %parallel_loop3A_724 = arith.constant 1 : i32
      %parallel_loop3A_725 = arith.index_cast %parallel_loop3A_701 : i32 to index
      %parallel_loop3A_726 = arith.index_cast %parallel_loop3A_724 : i32 to index
      %parallel_loop3A_727 = arith.constant 80 : index
      %parallel_loop3A_728 = tpu.vector_load %arg7[%parallel_loop3A_725, %parallel_loop3A_726, %parallel_loop3A_727] {strides = array<i32>} : memref<25x8x128xi32, #tpu.memory_space<vmem>>, vector<16xi32>,
      %parallel_loop3A_729 = tpu.vector_load_idx %arg6[%parallel_loop3A_728] : memref<2048xi32, #tpu.memory_space<vmem>>[vector<16xi32>], vector<16xi32>,
      %parallel_loop3A_730 = arith.constant 16 : i32
      %parallel_loop3A_731 = vector.broadcast %parallel_loop3A_730 : i32 to vector<16xi32>
      %parallel_loop3A_732 = arith.shli %parallel_loop3A_729, %parallel_loop3A_731 : vector<16xi32>
      %parallel_loop3A_733 = vector.bitcast %parallel_loop3A_732 : vector<16xi32> to vector<16xf32>
      %parallel_loop3A_734 = arith.addf %parallel_loop3A_704, %parallel_loop3A_733 : vector<16xf32>
      %parallel_loop3A_735 = arith.andi %parallel_loop3A_729, %broadcast_in_dim3A_19 : vector<16xi32>
      %parallel_loop3A_736 = vector.bitcast %parallel_loop3A_735 : vector<16xi32> to vector<16xf32>
      %parallel_loop3A_737 = arith.addf %parallel_loop3A_705, %parallel_loop3A_736 : vector<16xf32>
      %parallel_loop3A_738 = arith.constant 2 : i32
      %parallel_loop3A_739 = arith.index_cast %parallel_loop3A_701 : i32 to index
      %parallel_loop3A_740 = arith.index_cast %parallel_loop3A_738 : i32 to index
      %parallel_loop3A_741 = arith.constant 80 : index
      %parallel_loop3A_742 = tpu.vector_load %arg7[%parallel_loop3A_739, %parallel_loop3A_740, %parallel_loop3A_741] {strides = array<i32>} : memref<25x8x128xi32, #tpu.memory_space<vmem>>, vector<16xi32>,
      %parallel_loop3A_743 = tpu.vector_load_idx %arg6[%parallel_loop3A_742] : memref<2048xi32, #tpu.memory_space<vmem>>[vector<16xi32>], vector<16xi32>,
      %parallel_loop3A_744 = arith.constant 16 : i32
      %parallel_loop3A_745 = vector.broadcast %parallel_loop3A_744 : i32 to vector<16xi32>
      %parallel_loop3A_746 = arith.shli %parallel_loop3A_743, %parallel_loop3A_745 : vector<16xi32>
      %parallel_loop3A_747 = vector.bitcast %parallel_loop3A_746 : vector<16xi32> to vector<16xf32>
      %parallel_loop3A_748 = arith.addf %parallel_loop3A_706, %parallel_loop3A_747 : vector<16xf32>
      %parallel_loop3A_749 = arith.andi %parallel_loop3A_743, %broadcast_in_dim3A_19 : vector<16xi32>
      %parallel_loop3A_750 = vector.bitcast %parallel_loop3A_749 : vector<16xi32> to vector<16xf32>
      %parallel_loop3A_751 = arith.addf %parallel_loop3A_707, %parallel_loop3A_750 : vector<16xf32>
      %parallel_loop3A_752 = arith.constant 3 : i32
      %parallel_loop3A_753 = arith.index_cast %parallel_loop3A_701 : i32 to index
      %parallel_loop3A_754 = arith.index_cast %parallel_loop3A_752 : i32 to index
      %parallel_loop3A_755 = arith.constant 80 : index
      %parallel_loop3A_756 = tpu.vector_load %arg7[%parallel_loop3A_753, %parallel_loop3A_754, %parallel_loop3A_755] {strides = array<i32>} : memref<25x8x128xi32, #tpu.memory_space<vmem>>, vector<16xi32>,
      %parallel_loop3A_757 = tpu.vector_load_idx %arg6[%parallel_loop3A_756] : memref<2048xi32, #tpu.memory_space<vmem>>[vector<16xi32>], vector<16xi32>,
      %parallel_loop3A_758 = arith.constant 16 : i32
      %parallel_loop3A_759 = vector.broadcast %parallel_loop3A_758 : i32 to vector<16xi32>
      %parallel_loop3A_760 = arith.shli %parallel_loop3A_757, %parallel_loop3A_759 : vector<16xi32>
      %parallel_loop3A_761 = vector.bitcast %parallel_loop3A_760 : vector<16xi32> to vector<16xf32>
      %parallel_loop3A_762 = arith.addf %parallel_loop3A_708, %parallel_loop3A_761 : vector<16xf32>
      %parallel_loop3A_763 = arith.andi %parallel_loop3A_757, %broadcast_in_dim3A_19 : vector<16xi32>
      %parallel_loop3A_764 = vector.bitcast %parallel_loop3A_763 : vector<16xi32> to vector<16xf32>
      %parallel_loop3A_765 = arith.addf %parallel_loop3A_709, %parallel_loop3A_764 : vector<16xf32>
      %parallel_loop3A_766 = arith.constant 4 : i32
      %parallel_loop3A_767 = arith.index_cast %parallel_loop3A_701 : i32 to index
      %parallel_loop3A_768 = arith.index_cast %parallel_loop3A_766 : i32 to index
      %parallel_loop3A_769 = arith.constant 80 : index
      %parallel_loop3A_770 = tpu.vector_load %arg7[%parallel_loop3A_767, %parallel_loop3A_768, %parallel_loop3A_769] {strides = array<i32>} : memref<25x8x128xi32, #tpu.memory_space<vmem>>, vector<16xi32>,
      %parallel_loop3A_771 = tpu.vector_load_idx %arg6[%parallel_loop3A_770] : memref<2048xi32, #tpu.memory_space<vmem>>[vector<16xi32>], vector<16xi32>,
      %parallel_loop3A_772 = arith.constant 16 : i32
      %parallel_loop3A_773 = vector.broadcast %parallel_loop3A_772 : i32 to vector<16xi32>
      %parallel_loop3A_774 = arith.shli %parallel_loop3A_771, %parallel_loop3A_773 : vector<16xi32>
      %parallel_loop3A_775 = vector.bitcast %parallel_loop3A_774 : vector<16xi32> to vector<16xf32>
      %parallel_loop3A_776 = arith.addf %parallel_loop3A_720, %parallel_loop3A_775 : vector<16xf32>
      %parallel_loop3A_777 = arith.andi %parallel_loop3A_771, %broadcast_in_dim3A_19 : vector<16xi32>
      %parallel_loop3A_778 = vector.bitcast %parallel_loop3A_777 : vector<16xi32> to vector<16xf32>
      %parallel_loop3A_779 = arith.addf %parallel_loop3A_723, %parallel_loop3A_778 : vector<16xf32>
      %parallel_loop3A_780 = arith.constant 5 : i32
      %parallel_loop3A_781 = arith.index_cast %parallel_loop3A_701 : i32 to index
      %parallel_loop3A_782 = arith.index_cast %parallel_loop3A_780 : i32 to index
      %parallel_loop3A_783 = arith.constant 80 : index
      %parallel_loop3A_784 = tpu.vector_load %arg7[%parallel_loop3A_781, %parallel_loop3A_782, %parallel_loop3A_783] {strides = array<i32>} : memref<25x8x128xi32, #tpu.memory_space<vmem>>, vector<16xi32>,
      %parallel_loop3A_785 = tpu.vector_load_idx %arg6[%parallel_loop3A_784] : memref<2048xi32, #tpu.memory_space<vmem>>[vector<16xi32>], vector<16xi32>,
      %parallel_loop3A_786 = arith.constant 16 : i32
      %parallel_loop3A_787 = vector.broadcast %parallel_loop3A_786 : i32 to vector<16xi32>
      %parallel_loop3A_788 = arith.shli %parallel_loop3A_785, %parallel_loop3A_787 : vector<16xi32>
      %parallel_loop3A_789 = vector.bitcast %parallel_loop3A_788 : vector<16xi32> to vector<16xf32>
      %parallel_loop3A_790 = arith.addf %parallel_loop3A_734, %parallel_loop3A_789 : vector<16xf32>
      %parallel_loop3A_791 = arith.andi %parallel_loop3A_785, %broadcast_in_dim3A_19 : vector<16xi32>
      %parallel_loop3A_792 = vector.bitcast %parallel_loop3A_791 : vector<16xi32> to vector<16xf32>
      %parallel_loop3A_793 = arith.addf %parallel_loop3A_737, %parallel_loop3A_792 : vector<16xf32>
      %parallel_loop3A_794 = arith.constant 6 : i32
      %parallel_loop3A_795 = arith.index_cast %parallel_loop3A_701 : i32 to index
      %parallel_loop3A_796 = arith.index_cast %parallel_loop3A_794 : i32 to index
      %parallel_loop3A_797 = arith.constant 80 : index
      %parallel_loop3A_798 = tpu.vector_load %arg7[%parallel_loop3A_795, %parallel_loop3A_796, %parallel_loop3A_797] {strides = array<i32>} : memref<25x8x128xi32, #tpu.memory_space<vmem>>, vector<16xi32>,
      %parallel_loop3A_799 = tpu.vector_load_idx %arg6[%parallel_loop3A_798] : memref<2048xi32, #tpu.memory_space<vmem>>[vector<16xi32>], vector<16xi32>,
      %parallel_loop3A_800 = arith.constant 16 : i32
      %parallel_loop3A_801 = vector.broadcast %parallel_loop3A_800 : i32 to vector<16xi32>
      %parallel_loop3A_802 = arith.shli %parallel_loop3A_799, %parallel_loop3A_801 : vector<16xi32>
      %parallel_loop3A_803 = vector.bitcast %parallel_loop3A_802 : vector<16xi32> to vector<16xf32>
      %parallel_loop3A_804 = arith.addf %parallel_loop3A_748, %parallel_loop3A_803 : vector<16xf32>
      %parallel_loop3A_805 = arith.andi %parallel_loop3A_799, %broadcast_in_dim3A_19 : vector<16xi32>
      %parallel_loop3A_806 = vector.bitcast %parallel_loop3A_805 : vector<16xi32> to vector<16xf32>
      %parallel_loop3A_807 = arith.addf %parallel_loop3A_751, %parallel_loop3A_806 : vector<16xf32>
      %parallel_loop3A_808 = arith.constant 7 : i32
      %parallel_loop3A_809 = arith.index_cast %parallel_loop3A_701 : i32 to index
      %parallel_loop3A_810 = arith.index_cast %parallel_loop3A_808 : i32 to index
      %parallel_loop3A_811 = arith.constant 80 : index
      %parallel_loop3A_812 = tpu.vector_load %arg7[%parallel_loop3A_809, %parallel_loop3A_810, %parallel_loop3A_811] {strides = array<i32>} : memref<25x8x128xi32, #tpu.memory_space<vmem>>, vector<16xi32>,
      %parallel_loop3A_813 = tpu.vector_load_idx %arg6[%parallel_loop3A_812] : memref<2048xi32, #tpu.memory_space<vmem>>[vector<16xi32>], vector<16xi32>,
      %parallel_loop3A_814 = arith.constant 16 : i32
      %parallel_loop3A_815 = vector.broadcast %parallel_loop3A_814 : i32 to vector<16xi32>
      %parallel_loop3A_816 = arith.shli %parallel_loop3A_813, %parallel_loop3A_815 : vector<16xi32>
      %parallel_loop3A_817 = vector.bitcast %parallel_loop3A_816 : vector<16xi32> to vector<16xf32>
      %parallel_loop3A_818 = arith.addf %parallel_loop3A_762, %parallel_loop3A_817 : vector<16xf32>
      %parallel_loop3A_819 = arith.andi %parallel_loop3A_813, %broadcast_in_dim3A_19 : vector<16xi32>
      %parallel_loop3A_820 = vector.bitcast %parallel_loop3A_819 : vector<16xi32> to vector<16xf32>
      %parallel_loop3A_821 = arith.addf %parallel_loop3A_765, %parallel_loop3A_820 : vector<16xf32>
      scf.yield %parallel_loop3A_776, %parallel_loop3A_779, %parallel_loop3A_790, %parallel_loop3A_793, %parallel_loop3A_804, %parallel_loop3A_807, %parallel_loop3A_818, %parallel_loop3A_821 : vector<16xf32>, vector<16xf32>, vector<16xf32>, vector<16xf32>, vector<16xf32>, vector<16xf32>, vector<16xf32>, vector<16xf32>
    } {sc.loop_unroll_factor = 2 : i64, sc.parallel_access}
    %add3A_94 = arith.addf %parallel_loop3A_93#0, %parallel_loop3A_93#2 : vector<16xf32>
    %add3A_95 = arith.addf %parallel_loop3A_93#4, %parallel_loop3A_93#6 : vector<16xf32>
    %add3A_96 = arith.addf %add3A_94, %add3A_95 : vector<16xf32>
    %swap3A_97 = arith.constant 80 : index
    %swap3A_98 = tpu.vector_load %arg9[%swap3A_97] {strides = array<i32>} : memref<256xf32, #tpu.memory_space<vmem>>, vector<16xf32>,
    tpu.vector_store %arg9[%swap3A_97], %add3A_96 {strides = array<i32>} : memref<256xf32, #tpu.memory_space<vmem>>, vector<16xf32>,
    %add3A_99 = arith.addf %parallel_loop3A_93#1, %parallel_loop3A_93#3 : vector<16xf32>
    %add3A_100 = arith.addf %parallel_loop3A_93#5, %parallel_loop3A_93#7 : vector<16xf32>
    %add3A_101 = arith.addf %add3A_99, %add3A_100 : vector<16xf32>
    %swap3A_102 = arith.constant 208 : index
    %swap3A_103 = tpu.vector_load %arg9[%swap3A_102] {strides = array<i32>} : memref<256xf32, #tpu.memory_space<vmem>>, vector<16xf32>,
    tpu.vector_store %arg9[%swap3A_102], %add3A_101 {strides = array<i32>} : memref<256xf32, #tpu.memory_space<vmem>>, vector<16xf32>,
    %parallel_loop3A_104 = arith.constant 0 : i32
    %parallel_loop3A_105 = arith.constant 25 : i32
    %parallel_loop3A_106 = arith.constant 1 : i32
    %parallel_loop3A_107:8 = scf.for %parallel_loop3A_701 = %parallel_loop3A_104 to %parallel_loop3A_105 step %parallel_loop3A_106 iter_args(%parallel_loop3A_702 = %broadcast_in_dim3A_21, %parallel_loop3A_703 = %broadcast_in_dim3A_21, %parallel_loop3A_704 = %broadcast_in_dim3A_21, %parallel_loop3A_705 = %broadcast_in_dim3A_21, %parallel_loop3A_706 = %broadcast_in_dim3A_21, %parallel_loop3A_707 = %broadcast_in_dim3A_21, %parallel_loop3A_708 = %broadcast_in_dim3A_21, %parallel_loop3A_709 = %broadcast_in_dim3A_21) -> (vector<16xf32>, vector<16xf32>, vector<16xf32>, vector<16xf32>, vector<16xf32>, vector<16xf32>, vector<16xf32>, vector<16xf32>)  : i32 {
      %parallel_loop3A_710 = arith.constant 0 : i32
      %parallel_loop3A_711 = arith.index_cast %parallel_loop3A_701 : i32 to index
      %parallel_loop3A_712 = arith.index_cast %parallel_loop3A_710 : i32 to index
      %parallel_loop3A_713 = arith.constant 96 : index
      %parallel_loop3A_714 = tpu.vector_load %arg7[%parallel_loop3A_711, %parallel_loop3A_712, %parallel_loop3A_713] {strides = array<i32>} : memref<25x8x128xi32, #tpu.memory_space<vmem>>, vector<16xi32>,
      %parallel_loop3A_715 = tpu.vector_load_idx %arg6[%parallel_loop3A_714] : memref<2048xi32, #tpu.memory_space<vmem>>[vector<16xi32>], vector<16xi32>,
      %parallel_loop3A_716 = arith.constant 16 : i32
      %parallel_loop3A_717 = vector.broadcast %parallel_loop3A_716 : i32 to vector<16xi32>
      %parallel_loop3A_718 = arith.shli %parallel_loop3A_715, %parallel_loop3A_717 : vector<16xi32>
      %parallel_loop3A_719 = vector.bitcast %parallel_loop3A_718 : vector<16xi32> to vector<16xf32>
      %parallel_loop3A_720 = arith.addf %parallel_loop3A_702, %parallel_loop3A_719 : vector<16xf32>
      %parallel_loop3A_721 = arith.andi %parallel_loop3A_715, %broadcast_in_dim3A_19 : vector<16xi32>
      %parallel_loop3A_722 = vector.bitcast %parallel_loop3A_721 : vector<16xi32> to vector<16xf32>
      %parallel_loop3A_723 = arith.addf %parallel_loop3A_703, %parallel_loop3A_722 : vector<16xf32>
      %parallel_loop3A_724 = arith.constant 1 : i32
      %parallel_loop3A_725 = arith.index_cast %parallel_loop3A_701 : i32 to index
      %parallel_loop3A_726 = arith.index_cast %parallel_loop3A_724 : i32 to index
      %parallel_loop3A_727 = arith.constant 96 : index
      %parallel_loop3A_728 = tpu.vector_load %arg7[%parallel_loop3A_725, %parallel_loop3A_726, %parallel_loop3A_727] {strides = array<i32>} : memref<25x8x128xi32, #tpu.memory_space<vmem>>, vector<16xi32>,
      %parallel_loop3A_729 = tpu.vector_load_idx %arg6[%parallel_loop3A_728] : memref<2048xi32, #tpu.memory_space<vmem>>[vector<16xi32>], vector<16xi32>,
      %parallel_loop3A_730 = arith.constant 16 : i32
      %parallel_loop3A_731 = vector.broadcast %parallel_loop3A_730 : i32 to vector<16xi32>
      %parallel_loop3A_732 = arith.shli %parallel_loop3A_729, %parallel_loop3A_731 : vector<16xi32>
      %parallel_loop3A_733 = vector.bitcast %parallel_loop3A_732 : vector<16xi32> to vector<16xf32>
      %parallel_loop3A_734 = arith.addf %parallel_loop3A_704, %parallel_loop3A_733 : vector<16xf32>
      %parallel_loop3A_735 = arith.andi %parallel_loop3A_729, %broadcast_in_dim3A_19 : vector<16xi32>
      %parallel_loop3A_736 = vector.bitcast %parallel_loop3A_735 : vector<16xi32> to vector<16xf32>
      %parallel_loop3A_737 = arith.addf %parallel_loop3A_705, %parallel_loop3A_736 : vector<16xf32>
      %parallel_loop3A_738 = arith.constant 2 : i32
      %parallel_loop3A_739 = arith.index_cast %parallel_loop3A_701 : i32 to index
      %parallel_loop3A_740 = arith.index_cast %parallel_loop3A_738 : i32 to index
      %parallel_loop3A_741 = arith.constant 96 : index
      %parallel_loop3A_742 = tpu.vector_load %arg7[%parallel_loop3A_739, %parallel_loop3A_740, %parallel_loop3A_741] {strides = array<i32>} : memref<25x8x128xi32, #tpu.memory_space<vmem>>, vector<16xi32>,
      %parallel_loop3A_743 = tpu.vector_load_idx %arg6[%parallel_loop3A_742] : memref<2048xi32, #tpu.memory_space<vmem>>[vector<16xi32>], vector<16xi32>,
      %parallel_loop3A_744 = arith.constant 16 : i32
      %parallel_loop3A_745 = vector.broadcast %parallel_loop3A_744 : i32 to vector<16xi32>
      %parallel_loop3A_746 = arith.shli %parallel_loop3A_743, %parallel_loop3A_745 : vector<16xi32>
      %parallel_loop3A_747 = vector.bitcast %parallel_loop3A_746 : vector<16xi32> to vector<16xf32>
      %parallel_loop3A_748 = arith.addf %parallel_loop3A_706, %parallel_loop3A_747 : vector<16xf32>
      %parallel_loop3A_749 = arith.andi %parallel_loop3A_743, %broadcast_in_dim3A_19 : vector<16xi32>
      %parallel_loop3A_750 = vector.bitcast %parallel_loop3A_749 : vector<16xi32> to vector<16xf32>
      %parallel_loop3A_751 = arith.addf %parallel_loop3A_707, %parallel_loop3A_750 : vector<16xf32>
      %parallel_loop3A_752 = arith.constant 3 : i32
      %parallel_loop3A_753 = arith.index_cast %parallel_loop3A_701 : i32 to index
      %parallel_loop3A_754 = arith.index_cast %parallel_loop3A_752 : i32 to index
      %parallel_loop3A_755 = arith.constant 96 : index
      %parallel_loop3A_756 = tpu.vector_load %arg7[%parallel_loop3A_753, %parallel_loop3A_754, %parallel_loop3A_755] {strides = array<i32>} : memref<25x8x128xi32, #tpu.memory_space<vmem>>, vector<16xi32>,
      %parallel_loop3A_757 = tpu.vector_load_idx %arg6[%parallel_loop3A_756] : memref<2048xi32, #tpu.memory_space<vmem>>[vector<16xi32>], vector<16xi32>,
      %parallel_loop3A_758 = arith.constant 16 : i32
      %parallel_loop3A_759 = vector.broadcast %parallel_loop3A_758 : i32 to vector<16xi32>
      %parallel_loop3A_760 = arith.shli %parallel_loop3A_757, %parallel_loop3A_759 : vector<16xi32>
      %parallel_loop3A_761 = vector.bitcast %parallel_loop3A_760 : vector<16xi32> to vector<16xf32>
      %parallel_loop3A_762 = arith.addf %parallel_loop3A_708, %parallel_loop3A_761 : vector<16xf32>
      %parallel_loop3A_763 = arith.andi %parallel_loop3A_757, %broadcast_in_dim3A_19 : vector<16xi32>
      %parallel_loop3A_764 = vector.bitcast %parallel_loop3A_763 : vector<16xi32> to vector<16xf32>
      %parallel_loop3A_765 = arith.addf %parallel_loop3A_709, %parallel_loop3A_764 : vector<16xf32>
      %parallel_loop3A_766 = arith.constant 4 : i32
      %parallel_loop3A_767 = arith.index_cast %parallel_loop3A_701 : i32 to index
      %parallel_loop3A_768 = arith.index_cast %parallel_loop3A_766 : i32 to index
      %parallel_loop3A_769 = arith.constant 96 : index
      %parallel_loop3A_770 = tpu.vector_load %arg7[%parallel_loop3A_767, %parallel_loop3A_768, %parallel_loop3A_769] {strides = array<i32>} : memref<25x8x128xi32, #tpu.memory_space<vmem>>, vector<16xi32>,
      %parallel_loop3A_771 = tpu.vector_load_idx %arg6[%parallel_loop3A_770] : memref<2048xi32, #tpu.memory_space<vmem>>[vector<16xi32>], vector<16xi32>,
      %parallel_loop3A_772 = arith.constant 16 : i32
      %parallel_loop3A_773 = vector.broadcast %parallel_loop3A_772 : i32 to vector<16xi32>
      %parallel_loop3A_774 = arith.shli %parallel_loop3A_771, %parallel_loop3A_773 : vector<16xi32>
      %parallel_loop3A_775 = vector.bitcast %parallel_loop3A_774 : vector<16xi32> to vector<16xf32>
      %parallel_loop3A_776 = arith.addf %parallel_loop3A_720, %parallel_loop3A_775 : vector<16xf32>
      %parallel_loop3A_777 = arith.andi %parallel_loop3A_771, %broadcast_in_dim3A_19 : vector<16xi32>
      %parallel_loop3A_778 = vector.bitcast %parallel_loop3A_777 : vector<16xi32> to vector<16xf32>
      %parallel_loop3A_779 = arith.addf %parallel_loop3A_723, %parallel_loop3A_778 : vector<16xf32>
      %parallel_loop3A_780 = arith.constant 5 : i32
      %parallel_loop3A_781 = arith.index_cast %parallel_loop3A_701 : i32 to index
      %parallel_loop3A_782 = arith.index_cast %parallel_loop3A_780 : i32 to index
      %parallel_loop3A_783 = arith.constant 96 : index
      %parallel_loop3A_784 = tpu.vector_load %arg7[%parallel_loop3A_781, %parallel_loop3A_782, %parallel_loop3A_783] {strides = array<i32>} : memref<25x8x128xi32, #tpu.memory_space<vmem>>, vector<16xi32>,
      %parallel_loop3A_785 = tpu.vector_load_idx %arg6[%parallel_loop3A_784] : memref<2048xi32, #tpu.memory_space<vmem>>[vector<16xi32>], vector<16xi32>,
      %parallel_loop3A_786 = arith.constant 16 : i32
      %parallel_loop3A_787 = vector.broadcast %parallel_loop3A_786 : i32 to vector<16xi32>
      %parallel_loop3A_788 = arith.shli %parallel_loop3A_785, %parallel_loop3A_787 : vector<16xi32>
      %parallel_loop3A_789 = vector.bitcast %parallel_loop3A_788 : vector<16xi32> to vector<16xf32>
      %parallel_loop3A_790 = arith.addf %parallel_loop3A_734, %parallel_loop3A_789 : vector<16xf32>
      %parallel_loop3A_791 = arith.andi %parallel_loop3A_785, %broadcast_in_dim3A_19 : vector<16xi32>
      %parallel_loop3A_792 = vector.bitcast %parallel_loop3A_791 : vector<16xi32> to vector<16xf32>
      %parallel_loop3A_793 = arith.addf %parallel_loop3A_737, %parallel_loop3A_792 : vector<16xf32>
      %parallel_loop3A_794 = arith.constant 6 : i32
      %parallel_loop3A_795 = arith.index_cast %parallel_loop3A_701 : i32 to index
      %parallel_loop3A_796 = arith.index_cast %parallel_loop3A_794 : i32 to index
      %parallel_loop3A_797 = arith.constant 96 : index
      %parallel_loop3A_798 = tpu.vector_load %arg7[%parallel_loop3A_795, %parallel_loop3A_796, %parallel_loop3A_797] {strides = array<i32>} : memref<25x8x128xi32, #tpu.memory_space<vmem>>, vector<16xi32>,
      %parallel_loop3A_799 = tpu.vector_load_idx %arg6[%parallel_loop3A_798] : memref<2048xi32, #tpu.memory_space<vmem>>[vector<16xi32>], vector<16xi32>,
      %parallel_loop3A_800 = arith.constant 16 : i32
      %parallel_loop3A_801 = vector.broadcast %parallel_loop3A_800 : i32 to vector<16xi32>
      %parallel_loop3A_802 = arith.shli %parallel_loop3A_799, %parallel_loop3A_801 : vector<16xi32>
      %parallel_loop3A_803 = vector.bitcast %parallel_loop3A_802 : vector<16xi32> to vector<16xf32>
      %parallel_loop3A_804 = arith.addf %parallel_loop3A_748, %parallel_loop3A_803 : vector<16xf32>
      %parallel_loop3A_805 = arith.andi %parallel_loop3A_799, %broadcast_in_dim3A_19 : vector<16xi32>
      %parallel_loop3A_806 = vector.bitcast %parallel_loop3A_805 : vector<16xi32> to vector<16xf32>
      %parallel_loop3A_807 = arith.addf %parallel_loop3A_751, %parallel_loop3A_806 : vector<16xf32>
      %parallel_loop3A_808 = arith.constant 7 : i32
      %parallel_loop3A_809 = arith.index_cast %parallel_loop3A_701 : i32 to index
      %parallel_loop3A_810 = arith.index_cast %parallel_loop3A_808 : i32 to index
      %parallel_loop3A_811 = arith.constant 96 : index
      %parallel_loop3A_812 = tpu.vector_load %arg7[%parallel_loop3A_809, %parallel_loop3A_810, %parallel_loop3A_811] {strides = array<i32>} : memref<25x8x128xi32, #tpu.memory_space<vmem>>, vector<16xi32>,
      %parallel_loop3A_813 = tpu.vector_load_idx %arg6[%parallel_loop3A_812] : memref<2048xi32, #tpu.memory_space<vmem>>[vector<16xi32>], vector<16xi32>,
      %parallel_loop3A_814 = arith.constant 16 : i32
      %parallel_loop3A_815 = vector.broadcast %parallel_loop3A_814 : i32 to vector<16xi32>
      %parallel_loop3A_816 = arith.shli %parallel_loop3A_813, %parallel_loop3A_815 : vector<16xi32>
      %parallel_loop3A_817 = vector.bitcast %parallel_loop3A_816 : vector<16xi32> to vector<16xf32>
      %parallel_loop3A_818 = arith.addf %parallel_loop3A_762, %parallel_loop3A_817 : vector<16xf32>
      %parallel_loop3A_819 = arith.andi %parallel_loop3A_813, %broadcast_in_dim3A_19 : vector<16xi32>
      %parallel_loop3A_820 = vector.bitcast %parallel_loop3A_819 : vector<16xi32> to vector<16xf32>
      %parallel_loop3A_821 = arith.addf %parallel_loop3A_765, %parallel_loop3A_820 : vector<16xf32>
      scf.yield %parallel_loop3A_776, %parallel_loop3A_779, %parallel_loop3A_790, %parallel_loop3A_793, %parallel_loop3A_804, %parallel_loop3A_807, %parallel_loop3A_818, %parallel_loop3A_821 : vector<16xf32>, vector<16xf32>, vector<16xf32>, vector<16xf32>, vector<16xf32>, vector<16xf32>, vector<16xf32>, vector<16xf32>
    } {sc.loop_unroll_factor = 2 : i64, sc.parallel_access}
    %add3A_108 = arith.addf %parallel_loop3A_107#0, %parallel_loop3A_107#2 : vector<16xf32>
    %add3A_109 = arith.addf %parallel_loop3A_107#4, %parallel_loop3A_107#6 : vector<16xf32>
    %add3A_110 = arith.addf %add3A_108, %add3A_109 : vector<16xf32>
    %swap3A_111 = arith.constant 96 : index
    %swap3A_112 = tpu.vector_load %arg9[%swap3A_111] {strides = array<i32>} : memref<256xf32, #tpu.memory_space<vmem>>, vector<16xf32>,
    tpu.vector_store %arg9[%swap3A_111], %add3A_110 {strides = array<i32>} : memref<256xf32, #tpu.memory_space<vmem>>, vector<16xf32>,
    %add3A_113 = arith.addf %parallel_loop3A_107#1, %parallel_loop3A_107#3 : vector<16xf32>
    %add3A_114 = arith.addf %parallel_loop3A_107#5, %parallel_loop3A_107#7 : vector<16xf32>
    %add3A_115 = arith.addf %add3A_113, %add3A_114 : vector<16xf32>
    %swap3A_116 = arith.constant 224 : index
    %swap3A_117 = tpu.vector_load %arg9[%swap3A_116] {strides = array<i32>} : memref<256xf32, #tpu.memory_space<vmem>>, vector<16xf32>,
    tpu.vector_store %arg9[%swap3A_116], %add3A_115 {strides = array<i32>} : memref<256xf32, #tpu.memory_space<vmem>>, vector<16xf32>,
    %parallel_loop3A_118 = arith.constant 0 : i32
    %parallel_loop3A_119 = arith.constant 25 : i32
    %parallel_loop3A_120 = arith.constant 1 : i32
    %parallel_loop3A_121:8 = scf.for %parallel_loop3A_701 = %parallel_loop3A_118 to %parallel_loop3A_119 step %parallel_loop3A_120 iter_args(%parallel_loop3A_702 = %broadcast_in_dim3A_21, %parallel_loop3A_703 = %broadcast_in_dim3A_21, %parallel_loop3A_704 = %broadcast_in_dim3A_21, %parallel_loop3A_705 = %broadcast_in_dim3A_21, %parallel_loop3A_706 = %broadcast_in_dim3A_21, %parallel_loop3A_707 = %broadcast_in_dim3A_21, %parallel_loop3A_708 = %broadcast_in_dim3A_21, %parallel_loop3A_709 = %broadcast_in_dim3A_21) -> (vector<16xf32>, vector<16xf32>, vector<16xf32>, vector<16xf32>, vector<16xf32>, vector<16xf32>, vector<16xf32>, vector<16xf32>)  : i32 {
      %parallel_loop3A_710 = arith.constant 0 : i32
      %parallel_loop3A_711 = arith.index_cast %parallel_loop3A_701 : i32 to index
      %parallel_loop3A_712 = arith.index_cast %parallel_loop3A_710 : i32 to index
      %parallel_loop3A_713 = arith.constant 112 : index
      %parallel_loop3A_714 = tpu.vector_load %arg7[%parallel_loop3A_711, %parallel_loop3A_712, %parallel_loop3A_713] {strides = array<i32>} : memref<25x8x128xi32, #tpu.memory_space<vmem>>, vector<16xi32>,
      %parallel_loop3A_715 = tpu.vector_load_idx %arg6[%parallel_loop3A_714] : memref<2048xi32, #tpu.memory_space<vmem>>[vector<16xi32>], vector<16xi32>,
      %parallel_loop3A_716 = arith.constant 16 : i32
      %parallel_loop3A_717 = vector.broadcast %parallel_loop3A_716 : i32 to vector<16xi32>
      %parallel_loop3A_718 = arith.shli %parallel_loop3A_715, %parallel_loop3A_717 : vector<16xi32>
      %parallel_loop3A_719 = vector.bitcast %parallel_loop3A_718 : vector<16xi32> to vector<16xf32>
      %parallel_loop3A_720 = arith.addf %parallel_loop3A_702, %parallel_loop3A_719 : vector<16xf32>
      %parallel_loop3A_721 = arith.andi %parallel_loop3A_715, %broadcast_in_dim3A_19 : vector<16xi32>
      %parallel_loop3A_722 = vector.bitcast %parallel_loop3A_721 : vector<16xi32> to vector<16xf32>
      %parallel_loop3A_723 = arith.addf %parallel_loop3A_703, %parallel_loop3A_722 : vector<16xf32>
      %parallel_loop3A_724 = arith.constant 1 : i32
      %parallel_loop3A_725 = arith.index_cast %parallel_loop3A_701 : i32 to index
      %parallel_loop3A_726 = arith.index_cast %parallel_loop3A_724 : i32 to index
      %parallel_loop3A_727 = arith.constant 112 : index
      %parallel_loop3A_728 = tpu.vector_load %arg7[%parallel_loop3A_725, %parallel_loop3A_726, %parallel_loop3A_727] {strides = array<i32>} : memref<25x8x128xi32, #tpu.memory_space<vmem>>, vector<16xi32>,
      %parallel_loop3A_729 = tpu.vector_load_idx %arg6[%parallel_loop3A_728] : memref<2048xi32, #tpu.memory_space<vmem>>[vector<16xi32>], vector<16xi32>,
      %parallel_loop3A_730 = arith.constant 16 : i32
      %parallel_loop3A_731 = vector.broadcast %parallel_loop3A_730 : i32 to vector<16xi32>
      %parallel_loop3A_732 = arith.shli %parallel_loop3A_729, %parallel_loop3A_731 : vector<16xi32>
      %parallel_loop3A_733 = vector.bitcast %parallel_loop3A_732 : vector<16xi32> to vector<16xf32>
      %parallel_loop3A_734 = arith.addf %parallel_loop3A_704, %parallel_loop3A_733 : vector<16xf32>
      %parallel_loop3A_735 = arith.andi %parallel_loop3A_729, %broadcast_in_dim3A_19 : vector<16xi32>
      %parallel_loop3A_736 = vector.bitcast %parallel_loop3A_735 : vector<16xi32> to vector<16xf32>
      %parallel_loop3A_737 = arith.addf %parallel_loop3A_705, %parallel_loop3A_736 : vector<16xf32>
      %parallel_loop3A_738 = arith.constant 2 : i32
      %parallel_loop3A_739 = arith.index_cast %parallel_loop3A_701 : i32 to index
      %parallel_loop3A_740 = arith.index_cast %parallel_loop3A_738 : i32 to index
      %parallel_loop3A_741 = arith.constant 112 : index
      %parallel_loop3A_742 = tpu.vector_load %arg7[%parallel_loop3A_739, %parallel_loop3A_740, %parallel_loop3A_741] {strides = array<i32>} : memref<25x8x128xi32, #tpu.memory_space<vmem>>, vector<16xi32>,
      %parallel_loop3A_743 = tpu.vector_load_idx %arg6[%parallel_loop3A_742] : memref<2048xi32, #tpu.memory_space<vmem>>[vector<16xi32>], vector<16xi32>,
      %parallel_loop3A_744 = arith.constant 16 : i32
      %parallel_loop3A_745 = vector.broadcast %parallel_loop3A_744 : i32 to vector<16xi32>
      %parallel_loop3A_746 = arith.shli %parallel_loop3A_743, %parallel_loop3A_745 : vector<16xi32>
      %parallel_loop3A_747 = vector.bitcast %parallel_loop3A_746 : vector<16xi32> to vector<16xf32>
      %parallel_loop3A_748 = arith.addf %parallel_loop3A_706, %parallel_loop3A_747 : vector<16xf32>
      %parallel_loop3A_749 = arith.andi %parallel_loop3A_743, %broadcast_in_dim3A_19 : vector<16xi32>
      %parallel_loop3A_750 = vector.bitcast %parallel_loop3A_749 : vector<16xi32> to vector<16xf32>
      %parallel_loop3A_751 = arith.addf %parallel_loop3A_707, %parallel_loop3A_750 : vector<16xf32>
      %parallel_loop3A_752 = arith.constant 3 : i32
      %parallel_loop3A_753 = arith.index_cast %parallel_loop3A_701 : i32 to index
      %parallel_loop3A_754 = arith.index_cast %parallel_loop3A_752 : i32 to index
      %parallel_loop3A_755 = arith.constant 112 : index
      %parallel_loop3A_756 = tpu.vector_load %arg7[%parallel_loop3A_753, %parallel_loop3A_754, %parallel_loop3A_755] {strides = array<i32>} : memref<25x8x128xi32, #tpu.memory_space<vmem>>, vector<16xi32>,
      %parallel_loop3A_757 = tpu.vector_load_idx %arg6[%parallel_loop3A_756] : memref<2048xi32, #tpu.memory_space<vmem>>[vector<16xi32>], vector<16xi32>,
      %parallel_loop3A_758 = arith.constant 16 : i32
      %parallel_loop3A_759 = vector.broadcast %parallel_loop3A_758 : i32 to vector<16xi32>
      %parallel_loop3A_760 = arith.shli %parallel_loop3A_757, %parallel_loop3A_759 : vector<16xi32>
      %parallel_loop3A_761 = vector.bitcast %parallel_loop3A_760 : vector<16xi32> to vector<16xf32>
      %parallel_loop3A_762 = arith.addf %parallel_loop3A_708, %parallel_loop3A_761 : vector<16xf32>
      %parallel_loop3A_763 = arith.andi %parallel_loop3A_757, %broadcast_in_dim3A_19 : vector<16xi32>
      %parallel_loop3A_764 = vector.bitcast %parallel_loop3A_763 : vector<16xi32> to vector<16xf32>
      %parallel_loop3A_765 = arith.addf %parallel_loop3A_709, %parallel_loop3A_764 : vector<16xf32>
      %parallel_loop3A_766 = arith.constant 4 : i32
      %parallel_loop3A_767 = arith.index_cast %parallel_loop3A_701 : i32 to index
      %parallel_loop3A_768 = arith.index_cast %parallel_loop3A_766 : i32 to index
      %parallel_loop3A_769 = arith.constant 112 : index
      %parallel_loop3A_770 = tpu.vector_load %arg7[%parallel_loop3A_767, %parallel_loop3A_768, %parallel_loop3A_769] {strides = array<i32>} : memref<25x8x128xi32, #tpu.memory_space<vmem>>, vector<16xi32>,
      %parallel_loop3A_771 = tpu.vector_load_idx %arg6[%parallel_loop3A_770] : memref<2048xi32, #tpu.memory_space<vmem>>[vector<16xi32>], vector<16xi32>,
      %parallel_loop3A_772 = arith.constant 16 : i32
      %parallel_loop3A_773 = vector.broadcast %parallel_loop3A_772 : i32 to vector<16xi32>
      %parallel_loop3A_774 = arith.shli %parallel_loop3A_771, %parallel_loop3A_773 : vector<16xi32>
      %parallel_loop3A_775 = vector.bitcast %parallel_loop3A_774 : vector<16xi32> to vector<16xf32>
      %parallel_loop3A_776 = arith.addf %parallel_loop3A_720, %parallel_loop3A_775 : vector<16xf32>
      %parallel_loop3A_777 = arith.andi %parallel_loop3A_771, %broadcast_in_dim3A_19 : vector<16xi32>
      %parallel_loop3A_778 = vector.bitcast %parallel_loop3A_777 : vector<16xi32> to vector<16xf32>
      %parallel_loop3A_779 = arith.addf %parallel_loop3A_723, %parallel_loop3A_778 : vector<16xf32>
      %parallel_loop3A_780 = arith.constant 5 : i32
      %parallel_loop3A_781 = arith.index_cast %parallel_loop3A_701 : i32 to index
      %parallel_loop3A_782 = arith.index_cast %parallel_loop3A_780 : i32 to index
      %parallel_loop3A_783 = arith.constant 112 : index
      %parallel_loop3A_784 = tpu.vector_load %arg7[%parallel_loop3A_781, %parallel_loop3A_782, %parallel_loop3A_783] {strides = array<i32>} : memref<25x8x128xi32, #tpu.memory_space<vmem>>, vector<16xi32>,
      %parallel_loop3A_785 = tpu.vector_load_idx %arg6[%parallel_loop3A_784] : memref<2048xi32, #tpu.memory_space<vmem>>[vector<16xi32>], vector<16xi32>,
      %parallel_loop3A_786 = arith.constant 16 : i32
      %parallel_loop3A_787 = vector.broadcast %parallel_loop3A_786 : i32 to vector<16xi32>
      %parallel_loop3A_788 = arith.shli %parallel_loop3A_785, %parallel_loop3A_787 : vector<16xi32>
      %parallel_loop3A_789 = vector.bitcast %parallel_loop3A_788 : vector<16xi32> to vector<16xf32>
      %parallel_loop3A_790 = arith.addf %parallel_loop3A_734, %parallel_loop3A_789 : vector<16xf32>
      %parallel_loop3A_791 = arith.andi %parallel_loop3A_785, %broadcast_in_dim3A_19 : vector<16xi32>
      %parallel_loop3A_792 = vector.bitcast %parallel_loop3A_791 : vector<16xi32> to vector<16xf32>
      %parallel_loop3A_793 = arith.addf %parallel_loop3A_737, %parallel_loop3A_792 : vector<16xf32>
      %parallel_loop3A_794 = arith.constant 6 : i32
      %parallel_loop3A_795 = arith.index_cast %parallel_loop3A_701 : i32 to index
      %parallel_loop3A_796 = arith.index_cast %parallel_loop3A_794 : i32 to index
      %parallel_loop3A_797 = arith.constant 112 : index
      %parallel_loop3A_798 = tpu.vector_load %arg7[%parallel_loop3A_795, %parallel_loop3A_796, %parallel_loop3A_797] {strides = array<i32>} : memref<25x8x128xi32, #tpu.memory_space<vmem>>, vector<16xi32>,
      %parallel_loop3A_799 = tpu.vector_load_idx %arg6[%parallel_loop3A_798] : memref<2048xi32, #tpu.memory_space<vmem>>[vector<16xi32>], vector<16xi32>,
      %parallel_loop3A_800 = arith.constant 16 : i32
      %parallel_loop3A_801 = vector.broadcast %parallel_loop3A_800 : i32 to vector<16xi32>
      %parallel_loop3A_802 = arith.shli %parallel_loop3A_799, %parallel_loop3A_801 : vector<16xi32>
      %parallel_loop3A_803 = vector.bitcast %parallel_loop3A_802 : vector<16xi32> to vector<16xf32>
      %parallel_loop3A_804 = arith.addf %parallel_loop3A_748, %parallel_loop3A_803 : vector<16xf32>
      %parallel_loop3A_805 = arith.andi %parallel_loop3A_799, %broadcast_in_dim3A_19 : vector<16xi32>
      %parallel_loop3A_806 = vector.bitcast %parallel_loop3A_805 : vector<16xi32> to vector<16xf32>
      %parallel_loop3A_807 = arith.addf %parallel_loop3A_751, %parallel_loop3A_806 : vector<16xf32>
      %parallel_loop3A_808 = arith.constant 7 : i32
      %parallel_loop3A_809 = arith.index_cast %parallel_loop3A_701 : i32 to index
      %parallel_loop3A_810 = arith.index_cast %parallel_loop3A_808 : i32 to index
      %parallel_loop3A_811 = arith.constant 112 : index
      %parallel_loop3A_812 = tpu.vector_load %arg7[%parallel_loop3A_809, %parallel_loop3A_810, %parallel_loop3A_811] {strides = array<i32>} : memref<25x8x128xi32, #tpu.memory_space<vmem>>, vector<16xi32>,
      %parallel_loop3A_813 = tpu.vector_load_idx %arg6[%parallel_loop3A_812] : memref<2048xi32, #tpu.memory_space<vmem>>[vector<16xi32>], vector<16xi32>,
      %parallel_loop3A_814 = arith.constant 16 : i32
      %parallel_loop3A_815 = vector.broadcast %parallel_loop3A_814 : i32 to vector<16xi32>
      %parallel_loop3A_816 = arith.shli %parallel_loop3A_813, %parallel_loop3A_815 : vector<16xi32>
      %parallel_loop3A_817 = vector.bitcast %parallel_loop3A_816 : vector<16xi32> to vector<16xf32>
      %parallel_loop3A_818 = arith.addf %parallel_loop3A_762, %parallel_loop3A_817 : vector<16xf32>
      %parallel_loop3A_819 = arith.andi %parallel_loop3A_813, %broadcast_in_dim3A_19 : vector<16xi32>
      %parallel_loop3A_820 = vector.bitcast %parallel_loop3A_819 : vector<16xi32> to vector<16xf32>
      %parallel_loop3A_821 = arith.addf %parallel_loop3A_765, %parallel_loop3A_820 : vector<16xf32>
      scf.yield %parallel_loop3A_776, %parallel_loop3A_779, %parallel_loop3A_790, %parallel_loop3A_793, %parallel_loop3A_804, %parallel_loop3A_807, %parallel_loop3A_818, %parallel_loop3A_821 : vector<16xf32>, vector<16xf32>, vector<16xf32>, vector<16xf32>, vector<16xf32>, vector<16xf32>, vector<16xf32>, vector<16xf32>
    } {sc.loop_unroll_factor = 2 : i64, sc.parallel_access}
    %add3A_122 = arith.addf %parallel_loop3A_121#0, %parallel_loop3A_121#2 : vector<16xf32>
    %add3A_123 = arith.addf %parallel_loop3A_121#4, %parallel_loop3A_121#6 : vector<16xf32>
    %add3A_124 = arith.addf %add3A_122, %add3A_123 : vector<16xf32>
    %swap3A_125 = arith.constant 112 : index
    %swap3A_126 = tpu.vector_load %arg9[%swap3A_125] {strides = array<i32>} : memref<256xf32, #tpu.memory_space<vmem>>, vector<16xf32>,
    tpu.vector_store %arg9[%swap3A_125], %add3A_124 {strides = array<i32>} : memref<256xf32, #tpu.memory_space<vmem>>, vector<16xf32>,
    %add3A_127 = arith.addf %parallel_loop3A_121#1, %parallel_loop3A_121#3 : vector<16xf32>
    %add3A_128 = arith.addf %parallel_loop3A_121#5, %parallel_loop3A_121#7 : vector<16xf32>
    %add3A_129 = arith.addf %add3A_127, %add3A_128 : vector<16xf32>
    %swap3A_130 = arith.constant 240 : index
    %swap3A_131 = tpu.vector_load %arg9[%swap3A_130] {strides = array<i32>} : memref<256xf32, #tpu.memory_space<vmem>>, vector<16xf32>,
    tpu.vector_store %arg9[%swap3A_130], %add3A_129 {strides = array<i32>} : memref<256xf32, #tpu.memory_space<vmem>>, vector<16xf32>,
    %dma_wait3A_132 = arith.constant 0 : i32
    %dma_wait3A_133 = arith.constant 0 : i32
    %dma_wait3A_134 = tpu.memref_slice %arg4[%dma_wait3A_132, %dma_wait3A_133, %mul3A_2] : memref<25x8x4096xi32, #tpu.memory_space<hbm>> -> memref<25x8x128xi32, #tpu.memory_space<hbm>>
    %dma_wait3A_135 = arith.constant 0 : i32
    %dma_wait3A_136 = arith.constant 0 : i32
    %dma_wait3A_137 = tpu.memref_slice %arg4[%dma_wait3A_135, %dma_wait3A_136, %mul3A_2] : memref<25x8x4096xi32, #tpu.memory_space<hbm>> -> memref<25x8x128xi32, #tpu.memory_space<hbm>>
    tpu.wait_dma2 semaphore(%arg13 : memref<!tpu.dma_semaphore, #tpu.memory_space<semaphore_mem>>) src(%dma_wait3A_137 : memref<25x8x128xi32, #tpu.memory_space<hbm>>) dst(%arg8 : memref<25x8x128xi32, #tpu.memory_space<vmem>>)
    %parallel_loop3A_138 = arith.constant 0 : i32
    %parallel_loop3A_139 = arith.constant 25 : i32
    %parallel_loop3A_140 = arith.constant 1 : i32
    %parallel_loop3A_141:8 = scf.for %parallel_loop3A_701 = %parallel_loop3A_138 to %parallel_loop3A_139 step %parallel_loop3A_140 iter_args(%parallel_loop3A_702 = %broadcast_in_dim3A_21, %parallel_loop3A_703 = %broadcast_in_dim3A_21, %parallel_loop3A_704 = %broadcast_in_dim3A_21, %parallel_loop3A_705 = %broadcast_in_dim3A_21, %parallel_loop3A_706 = %broadcast_in_dim3A_21, %parallel_loop3A_707 = %broadcast_in_dim3A_21, %parallel_loop3A_708 = %broadcast_in_dim3A_21, %parallel_loop3A_709 = %broadcast_in_dim3A_21) -> (vector<16xf32>, vector<16xf32>, vector<16xf32>, vector<16xf32>, vector<16xf32>, vector<16xf32>, vector<16xf32>, vector<16xf32>)  : i32 {
      %parallel_loop3A_710 = arith.constant 0 : i32
      %parallel_loop3A_711 = arith.index_cast %parallel_loop3A_701 : i32 to index
      %parallel_loop3A_712 = arith.index_cast %parallel_loop3A_710 : i32 to index
      %parallel_loop3A_713 = arith.constant 0 : index
      %parallel_loop3A_714 = tpu.vector_load %arg8[%parallel_loop3A_711, %parallel_loop3A_712, %parallel_loop3A_713] {strides = array<i32>} : memref<25x8x128xi32, #tpu.memory_space<vmem>>, vector<16xi32>,
      %parallel_loop3A_715 = arith.constant 1024 : i32
      %parallel_loop3A_716 = vector.broadcast %parallel_loop3A_715 : i32 to vector<16xi32>
      %parallel_loop3A_717 = arith.addi %parallel_loop3A_714, %parallel_loop3A_716 : vector<16xi32>
      %parallel_loop3A_718 = tpu.vector_load_idx %arg6[%parallel_loop3A_717] : memref<2048xi32, #tpu.memory_space<vmem>>[vector<16xi32>], vector<16xi32>,
      %parallel_loop3A_719 = arith.constant 16 : i32
      %parallel_loop3A_720 = vector.broadcast %parallel_loop3A_719 : i32 to vector<16xi32>
      %parallel_loop3A_721 = arith.shli %parallel_loop3A_718, %parallel_loop3A_720 : vector<16xi32>
      %parallel_loop3A_722 = vector.bitcast %parallel_loop3A_721 : vector<16xi32> to vector<16xf32>
      %parallel_loop3A_723 = arith.addf %parallel_loop3A_702, %parallel_loop3A_722 : vector<16xf32>
      %parallel_loop3A_724 = arith.andi %parallel_loop3A_718, %broadcast_in_dim3A_19 : vector<16xi32>
      %parallel_loop3A_725 = vector.bitcast %parallel_loop3A_724 : vector<16xi32> to vector<16xf32>
      %parallel_loop3A_726 = arith.addf %parallel_loop3A_703, %parallel_loop3A_725 : vector<16xf32>
      %parallel_loop3A_727 = arith.constant 1 : i32
      %parallel_loop3A_728 = arith.index_cast %parallel_loop3A_701 : i32 to index
      %parallel_loop3A_729 = arith.index_cast %parallel_loop3A_727 : i32 to index
      %parallel_loop3A_730 = arith.constant 0 : index
      %parallel_loop3A_731 = tpu.vector_load %arg8[%parallel_loop3A_728, %parallel_loop3A_729, %parallel_loop3A_730] {strides = array<i32>} : memref<25x8x128xi32, #tpu.memory_space<vmem>>, vector<16xi32>,
      %parallel_loop3A_732 = arith.constant 1024 : i32
      %parallel_loop3A_733 = vector.broadcast %parallel_loop3A_732 : i32 to vector<16xi32>
      %parallel_loop3A_734 = arith.addi %parallel_loop3A_731, %parallel_loop3A_733 : vector<16xi32>
      %parallel_loop3A_735 = tpu.vector_load_idx %arg6[%parallel_loop3A_734] : memref<2048xi32, #tpu.memory_space<vmem>>[vector<16xi32>], vector<16xi32>,
      %parallel_loop3A_736 = arith.constant 16 : i32
      %parallel_loop3A_737 = vector.broadcast %parallel_loop3A_736 : i32 to vector<16xi32>
      %parallel_loop3A_738 = arith.shli %parallel_loop3A_735, %parallel_loop3A_737 : vector<16xi32>
      %parallel_loop3A_739 = vector.bitcast %parallel_loop3A_738 : vector<16xi32> to vector<16xf32>
      %parallel_loop3A_740 = arith.addf %parallel_loop3A_704, %parallel_loop3A_739 : vector<16xf32>
      %parallel_loop3A_741 = arith.andi %parallel_loop3A_735, %broadcast_in_dim3A_19 : vector<16xi32>
      %parallel_loop3A_742 = vector.bitcast %parallel_loop3A_741 : vector<16xi32> to vector<16xf32>
      %parallel_loop3A_743 = arith.addf %parallel_loop3A_705, %parallel_loop3A_742 : vector<16xf32>
      %parallel_loop3A_744 = arith.constant 2 : i32
      %parallel_loop3A_745 = arith.index_cast %parallel_loop3A_701 : i32 to index
      %parallel_loop3A_746 = arith.index_cast %parallel_loop3A_744 : i32 to index
      %parallel_loop3A_747 = arith.constant 0 : index
      %parallel_loop3A_748 = tpu.vector_load %arg8[%parallel_loop3A_745, %parallel_loop3A_746, %parallel_loop3A_747] {strides = array<i32>} : memref<25x8x128xi32, #tpu.memory_space<vmem>>, vector<16xi32>,
      %parallel_loop3A_749 = arith.constant 1024 : i32
      %parallel_loop3A_750 = vector.broadcast %parallel_loop3A_749 : i32 to vector<16xi32>
      %parallel_loop3A_751 = arith.addi %parallel_loop3A_748, %parallel_loop3A_750 : vector<16xi32>
      %parallel_loop3A_752 = tpu.vector_load_idx %arg6[%parallel_loop3A_751] : memref<2048xi32, #tpu.memory_space<vmem>>[vector<16xi32>], vector<16xi32>,
      %parallel_loop3A_753 = arith.constant 16 : i32
      %parallel_loop3A_754 = vector.broadcast %parallel_loop3A_753 : i32 to vector<16xi32>
      %parallel_loop3A_755 = arith.shli %parallel_loop3A_752, %parallel_loop3A_754 : vector<16xi32>
      %parallel_loop3A_756 = vector.bitcast %parallel_loop3A_755 : vector<16xi32> to vector<16xf32>
      %parallel_loop3A_757 = arith.addf %parallel_loop3A_706, %parallel_loop3A_756 : vector<16xf32>
      %parallel_loop3A_758 = arith.andi %parallel_loop3A_752, %broadcast_in_dim3A_19 : vector<16xi32>
      %parallel_loop3A_759 = vector.bitcast %parallel_loop3A_758 : vector<16xi32> to vector<16xf32>
      %parallel_loop3A_760 = arith.addf %parallel_loop3A_707, %parallel_loop3A_759 : vector<16xf32>
      %parallel_loop3A_761 = arith.constant 3 : i32
      %parallel_loop3A_762 = arith.index_cast %parallel_loop3A_701 : i32 to index
      %parallel_loop3A_763 = arith.index_cast %parallel_loop3A_761 : i32 to index
      %parallel_loop3A_764 = arith.constant 0 : index
      %parallel_loop3A_765 = tpu.vector_load %arg8[%parallel_loop3A_762, %parallel_loop3A_763, %parallel_loop3A_764] {strides = array<i32>} : memref<25x8x128xi32, #tpu.memory_space<vmem>>, vector<16xi32>,
      %parallel_loop3A_766 = arith.constant 1024 : i32
      %parallel_loop3A_767 = vector.broadcast %parallel_loop3A_766 : i32 to vector<16xi32>
      %parallel_loop3A_768 = arith.addi %parallel_loop3A_765, %parallel_loop3A_767 : vector<16xi32>
      %parallel_loop3A_769 = tpu.vector_load_idx %arg6[%parallel_loop3A_768] : memref<2048xi32, #tpu.memory_space<vmem>>[vector<16xi32>], vector<16xi32>,
      %parallel_loop3A_770 = arith.constant 16 : i32
      %parallel_loop3A_771 = vector.broadcast %parallel_loop3A_770 : i32 to vector<16xi32>
      %parallel_loop3A_772 = arith.shli %parallel_loop3A_769, %parallel_loop3A_771 : vector<16xi32>
      %parallel_loop3A_773 = vector.bitcast %parallel_loop3A_772 : vector<16xi32> to vector<16xf32>
      %parallel_loop3A_774 = arith.addf %parallel_loop3A_708, %parallel_loop3A_773 : vector<16xf32>
      %parallel_loop3A_775 = arith.andi %parallel_loop3A_769, %broadcast_in_dim3A_19 : vector<16xi32>
      %parallel_loop3A_776 = vector.bitcast %parallel_loop3A_775 : vector<16xi32> to vector<16xf32>
      %parallel_loop3A_777 = arith.addf %parallel_loop3A_709, %parallel_loop3A_776 : vector<16xf32>
      %parallel_loop3A_778 = arith.constant 4 : i32
      %parallel_loop3A_779 = arith.index_cast %parallel_loop3A_701 : i32 to index
      %parallel_loop3A_780 = arith.index_cast %parallel_loop3A_778 : i32 to index
      %parallel_loop3A_781 = arith.constant 0 : index
      %parallel_loop3A_782 = tpu.vector_load %arg8[%parallel_loop3A_779, %parallel_loop3A_780, %parallel_loop3A_781] {strides = array<i32>} : memref<25x8x128xi32, #tpu.memory_space<vmem>>, vector<16xi32>,
      %parallel_loop3A_783 = arith.constant 1024 : i32
      %parallel_loop3A_784 = vector.broadcast %parallel_loop3A_783 : i32 to vector<16xi32>
      %parallel_loop3A_785 = arith.addi %parallel_loop3A_782, %parallel_loop3A_784 : vector<16xi32>
      %parallel_loop3A_786 = tpu.vector_load_idx %arg6[%parallel_loop3A_785] : memref<2048xi32, #tpu.memory_space<vmem>>[vector<16xi32>], vector<16xi32>,
      %parallel_loop3A_787 = arith.constant 16 : i32
      %parallel_loop3A_788 = vector.broadcast %parallel_loop3A_787 : i32 to vector<16xi32>
      %parallel_loop3A_789 = arith.shli %parallel_loop3A_786, %parallel_loop3A_788 : vector<16xi32>
      %parallel_loop3A_790 = vector.bitcast %parallel_loop3A_789 : vector<16xi32> to vector<16xf32>
      %parallel_loop3A_791 = arith.addf %parallel_loop3A_723, %parallel_loop3A_790 : vector<16xf32>
      %parallel_loop3A_792 = arith.andi %parallel_loop3A_786, %broadcast_in_dim3A_19 : vector<16xi32>
      %parallel_loop3A_793 = vector.bitcast %parallel_loop3A_792 : vector<16xi32> to vector<16xf32>
      %parallel_loop3A_794 = arith.addf %parallel_loop3A_726, %parallel_loop3A_793 : vector<16xf32>
      %parallel_loop3A_795 = arith.constant 5 : i32
      %parallel_loop3A_796 = arith.index_cast %parallel_loop3A_701 : i32 to index
      %parallel_loop3A_797 = arith.index_cast %parallel_loop3A_795 : i32 to index
      %parallel_loop3A_798 = arith.constant 0 : index
      %parallel_loop3A_799 = tpu.vector_load %arg8[%parallel_loop3A_796, %parallel_loop3A_797, %parallel_loop3A_798] {strides = array<i32>} : memref<25x8x128xi32, #tpu.memory_space<vmem>>, vector<16xi32>,
      %parallel_loop3A_800 = arith.constant 1024 : i32
      %parallel_loop3A_801 = vector.broadcast %parallel_loop3A_800 : i32 to vector<16xi32>
      %parallel_loop3A_802 = arith.addi %parallel_loop3A_799, %parallel_loop3A_801 : vector<16xi32>
      %parallel_loop3A_803 = tpu.vector_load_idx %arg6[%parallel_loop3A_802] : memref<2048xi32, #tpu.memory_space<vmem>>[vector<16xi32>], vector<16xi32>,
      %parallel_loop3A_804 = arith.constant 16 : i32
      %parallel_loop3A_805 = vector.broadcast %parallel_loop3A_804 : i32 to vector<16xi32>
      %parallel_loop3A_806 = arith.shli %parallel_loop3A_803, %parallel_loop3A_805 : vector<16xi32>
      %parallel_loop3A_807 = vector.bitcast %parallel_loop3A_806 : vector<16xi32> to vector<16xf32>
      %parallel_loop3A_808 = arith.addf %parallel_loop3A_740, %parallel_loop3A_807 : vector<16xf32>
      %parallel_loop3A_809 = arith.andi %parallel_loop3A_803, %broadcast_in_dim3A_19 : vector<16xi32>
      %parallel_loop3A_810 = vector.bitcast %parallel_loop3A_809 : vector<16xi32> to vector<16xf32>
      %parallel_loop3A_811 = arith.addf %parallel_loop3A_743, %parallel_loop3A_810 : vector<16xf32>
      %parallel_loop3A_812 = arith.constant 6 : i32
      %parallel_loop3A_813 = arith.index_cast %parallel_loop3A_701 : i32 to index
      %parallel_loop3A_814 = arith.index_cast %parallel_loop3A_812 : i32 to index
      %parallel_loop3A_815 = arith.constant 0 : index
      %parallel_loop3A_816 = tpu.vector_load %arg8[%parallel_loop3A_813, %parallel_loop3A_814, %parallel_loop3A_815] {strides = array<i32>} : memref<25x8x128xi32, #tpu.memory_space<vmem>>, vector<16xi32>,
      %parallel_loop3A_817 = arith.constant 1024 : i32
      %parallel_loop3A_818 = vector.broadcast %parallel_loop3A_817 : i32 to vector<16xi32>
      %parallel_loop3A_819 = arith.addi %parallel_loop3A_816, %parallel_loop3A_818 : vector<16xi32>
      %parallel_loop3A_820 = tpu.vector_load_idx %arg6[%parallel_loop3A_819] : memref<2048xi32, #tpu.memory_space<vmem>>[vector<16xi32>], vector<16xi32>,
      %parallel_loop3A_821 = arith.constant 16 : i32
      %parallel_loop3A_822 = vector.broadcast %parallel_loop3A_821 : i32 to vector<16xi32>
      %parallel_loop3A_823 = arith.shli %parallel_loop3A_820, %parallel_loop3A_822 : vector<16xi32>
      %parallel_loop3A_824 = vector.bitcast %parallel_loop3A_823 : vector<16xi32> to vector<16xf32>
      %parallel_loop3A_825 = arith.addf %parallel_loop3A_757, %parallel_loop3A_824 : vector<16xf32>
      %parallel_loop3A_826 = arith.andi %parallel_loop3A_820, %broadcast_in_dim3A_19 : vector<16xi32>
      %parallel_loop3A_827 = vector.bitcast %parallel_loop3A_826 : vector<16xi32> to vector<16xf32>
      %parallel_loop3A_828 = arith.addf %parallel_loop3A_760, %parallel_loop3A_827 : vector<16xf32>
      %parallel_loop3A_829 = arith.constant 7 : i32
      %parallel_loop3A_830 = arith.index_cast %parallel_loop3A_701 : i32 to index
      %parallel_loop3A_831 = arith.index_cast %parallel_loop3A_829 : i32 to index
      %parallel_loop3A_832 = arith.constant 0 : index
      %parallel_loop3A_833 = tpu.vector_load %arg8[%parallel_loop3A_830, %parallel_loop3A_831, %parallel_loop3A_832] {strides = array<i32>} : memref<25x8x128xi32, #tpu.memory_space<vmem>>, vector<16xi32>,
      %parallel_loop3A_834 = arith.constant 1024 : i32
      %parallel_loop3A_835 = vector.broadcast %parallel_loop3A_834 : i32 to vector<16xi32>
      %parallel_loop3A_836 = arith.addi %parallel_loop3A_833, %parallel_loop3A_835 : vector<16xi32>
      %parallel_loop3A_837 = tpu.vector_load_idx %arg6[%parallel_loop3A_836] : memref<2048xi32, #tpu.memory_space<vmem>>[vector<16xi32>], vector<16xi32>,
      %parallel_loop3A_838 = arith.constant 16 : i32
      %parallel_loop3A_839 = vector.broadcast %parallel_loop3A_838 : i32 to vector<16xi32>
      %parallel_loop3A_840 = arith.shli %parallel_loop3A_837, %parallel_loop3A_839 : vector<16xi32>
      %parallel_loop3A_841 = vector.bitcast %parallel_loop3A_840 : vector<16xi32> to vector<16xf32>
      %parallel_loop3A_842 = arith.addf %parallel_loop3A_774, %parallel_loop3A_841 : vector<16xf32>
      %parallel_loop3A_843 = arith.andi %parallel_loop3A_837, %broadcast_in_dim3A_19 : vector<16xi32>
      %parallel_loop3A_844 = vector.bitcast %parallel_loop3A_843 : vector<16xi32> to vector<16xf32>
      %parallel_loop3A_845 = arith.addf %parallel_loop3A_777, %parallel_loop3A_844 : vector<16xf32>
      scf.yield %parallel_loop3A_791, %parallel_loop3A_794, %parallel_loop3A_808, %parallel_loop3A_811, %parallel_loop3A_825, %parallel_loop3A_828, %parallel_loop3A_842, %parallel_loop3A_845 : vector<16xf32>, vector<16xf32>, vector<16xf32>, vector<16xf32>, vector<16xf32>, vector<16xf32>, vector<16xf32>, vector<16xf32>
    } {sc.loop_unroll_factor = 2 : i64, sc.parallel_access}
    %add3A_142 = arith.addf %parallel_loop3A_141#0, %parallel_loop3A_141#2 : vector<16xf32>
    %add3A_143 = arith.addf %parallel_loop3A_141#4, %parallel_loop3A_141#6 : vector<16xf32>
    %add3A_144 = arith.addf %add3A_142, %add3A_143 : vector<16xf32>
    %get3A = arith.constant 0 : index
    %get3A_145 = tpu.vector_load %arg9[%get3A] {strides = array<i32>} : memref<256xf32, #tpu.memory_space<vmem>>, vector<16xf32>,
    %add3A_146 = arith.addf %add3A_144, %get3A_145 : vector<16xf32>
    %add3A_147 = arith.addf %parallel_loop3A_141#1, %parallel_loop3A_141#3 : vector<16xf32>
    %add3A_148 = arith.addf %parallel_loop3A_141#5, %parallel_loop3A_141#7 : vector<16xf32>
    %add3A_149 = arith.addf %add3A_147, %add3A_148 : vector<16xf32>
    %get3A_150 = arith.constant 128 : index
    %get3A_151 = tpu.vector_load %arg9[%get3A_150] {strides = array<i32>} : memref<256xf32, #tpu.memory_space<vmem>>, vector<16xf32>,
    %add3A_152 = arith.addf %add3A_149, %get3A_151 : vector<16xf32>
    %mul3A_153 = arith.constant 5.000000e-03 : f32
    %mul3A_154 = vector.broadcast %mul3A_153 : f32 to vector<16xf32>
    %mul3A_155 = arith.mulf %add3A_146, %mul3A_154 : vector<16xf32>
    %mul3A_156 = arith.constant 5.000000e-03 : f32
    %mul3A_157 = vector.broadcast %mul3A_156 : f32 to vector<16xf32>
    %mul3A_158 = arith.mulf %add3A_152, %mul3A_157 : vector<16xf32>
    %ge3A = arith.constant 0.000000e+00 : f32
    %ge3A_159 = vector.broadcast %ge3A : f32 to vector<16xf32>
    %ge3A_160 = arith.cmpf oge, %mul3A_155, %ge3A_159 : vector<16xf32>
    %mul3A_161 = arith.constant 0.00999999977 : f32
    %mul3A_162 = vector.broadcast %mul3A_161 : f32 to vector<16xf32>
    %mul3A_163 = arith.mulf %mul3A_162, %mul3A_155 : vector<16xf32>
    %select_n3A = arith.select %ge3A_160, %mul3A_155, %mul3A_163 : vector<16xi1>, vector<16xf32>
    %ge3A_164 = arith.constant 0.000000e+00 : f32
    %ge3A_165 = vector.broadcast %ge3A_164 : f32 to vector<16xf32>
    %ge3A_166 = arith.cmpf oge, %mul3A_158, %ge3A_165 : vector<16xf32>
    %mul3A_167 = arith.constant 0.00999999977 : f32
    %mul3A_168 = vector.broadcast %mul3A_167 : f32 to vector<16xf32>
    %mul3A_169 = arith.mulf %mul3A_168, %mul3A_158 : vector<16xf32>
    %select_n3A_170 = arith.select %ge3A_166, %mul3A_158, %mul3A_169 : vector<16xi1>, vector<16xf32>
    %max3A = arith.maximumf %select_n3A, %select_n3A_170 : vector<16xf32>
    %sub3A = arith.subf %select_n3A, %max3A : vector<16xf32>
    %sub3A_171 = arith.subf %select_n3A_170, %max3A : vector<16xf32>
    %exp3A = math.exp %sub3A : vector<16xf32>
    %exp3A_172 = math.exp %sub3A_171 : vector<16xf32>
    %add3A_173 = arith.addf %exp3A, %exp3A_172 : vector<16xf32>
    %sub3A_174 = arith.constant 1.000000e+00 : f32
    %sub3A_175 = vector.broadcast %sub3A_174 : f32 to vector<16xf32>
    %sub3A_176 = arith.subf %add3A_173, %sub3A_175 : vector<16xf32>
    %add3A_177 = arith.constant 1.000000e+00 : f32
    %add3A_178 = vector.broadcast %add3A_177 : f32 to vector<16xf32>
    %add3A_179 = arith.addf %add3A_173, %add3A_178 : vector<16xf32>
    %div3A = arith.divf %sub3A_176, %add3A_179 : vector<16xf32>
    %mul3A_180 = arith.mulf %div3A, %div3A : vector<16xf32>
    %mul3A_181 = arith.constant 0.285714298 : f32
    %mul3A_182 = vector.broadcast %mul3A_181 : f32 to vector<16xf32>
    %mul3A_183 = arith.mulf %mul3A_180, %mul3A_182 : vector<16xf32>
    %add3A_184 = arith.constant 4.000000e-01 : f32
    %add3A_185 = vector.broadcast %add3A_184 : f32 to vector<16xf32>
    %add3A_186 = arith.addf %add3A_185, %mul3A_183 : vector<16xf32>
    %mul3A_187 = arith.mulf %mul3A_180, %add3A_186 : vector<16xf32>
    %add3A_188 = arith.constant 0.666666686 : f32
    %add3A_189 = vector.broadcast %add3A_188 : f32 to vector<16xf32>
    %add3A_190 = arith.addf %add3A_189, %mul3A_187 : vector<16xf32>
    %mul3A_191 = arith.mulf %mul3A_180, %add3A_190 : vector<16xf32>
    %add3A_192 = arith.constant 2.000000e+00 : f32
    %add3A_193 = vector.broadcast %add3A_192 : f32 to vector<16xf32>
    %add3A_194 = arith.addf %add3A_193, %mul3A_191 : vector<16xf32>
    %mul3A_195 = arith.mulf %div3A, %add3A_194 : vector<16xf32>
    %sub3A_196 = arith.subf %sub3A, %mul3A_195 : vector<16xf32>
    %swap3A_197 = arith.constant 0 : index
    %swap3A_198 = tpu.vector_load %arg10[%swap3A_197] {strides = array<i32>} : memref<256xf32, #tpu.memory_space<vmem>>, vector<16xf32>,
    tpu.vector_store %arg10[%swap3A_197], %sub3A_196 {strides = array<i32>} : memref<256xf32, #tpu.memory_space<vmem>>, vector<16xf32>,
    %sub3A_199 = arith.subf %sub3A_171, %mul3A_195 : vector<16xf32>
    %swap3A_200 = arith.constant 128 : index
    %swap3A_201 = tpu.vector_load %arg10[%swap3A_200] {strides = array<i32>} : memref<256xf32, #tpu.memory_space<vmem>>, vector<16xf32>,
    tpu.vector_store %arg10[%swap3A_200], %sub3A_199 {strides = array<i32>} : memref<256xf32, #tpu.memory_space<vmem>>, vector<16xf32>,
    %parallel_loop3A_202 = arith.constant 0 : i32
    %parallel_loop3A_203 = arith.constant 25 : i32
    %parallel_loop3A_204 = arith.constant 1 : i32
    %parallel_loop3A_205:8 = scf.for %parallel_loop3A_701 = %parallel_loop3A_202 to %parallel_loop3A_203 step %parallel_loop3A_204 iter_args(%parallel_loop3A_702 = %broadcast_in_dim3A_21, %parallel_loop3A_703 = %broadcast_in_dim3A_21, %parallel_loop3A_704 = %broadcast_in_dim3A_21, %parallel_loop3A_705 = %broadcast_in_dim3A_21, %parallel_loop3A_706 = %broadcast_in_dim3A_21, %parallel_loop3A_707 = %broadcast_in_dim3A_21, %parallel_loop3A_708 = %broadcast_in_dim3A_21, %parallel_loop3A_709 = %broadcast_in_dim3A_21) -> (vector<16xf32>, vector<16xf32>, vector<16xf32>, vector<16xf32>, vector<16xf32>, vector<16xf32>, vector<16xf32>, vector<16xf32>)  : i32 {
      %parallel_loop3A_710 = arith.constant 0 : i32
      %parallel_loop3A_711 = arith.index_cast %parallel_loop3A_701 : i32 to index
      %parallel_loop3A_712 = arith.index_cast %parallel_loop3A_710 : i32 to index
      %parallel_loop3A_713 = arith.constant 16 : index
      %parallel_loop3A_714 = tpu.vector_load %arg8[%parallel_loop3A_711, %parallel_loop3A_712, %parallel_loop3A_713] {strides = array<i32>} : memref<25x8x128xi32, #tpu.memory_space<vmem>>, vector<16xi32>,
      %parallel_loop3A_715 = arith.constant 1024 : i32
      %parallel_loop3A_716 = vector.broadcast %parallel_loop3A_715 : i32 to vector<16xi32>
      %parallel_loop3A_717 = arith.addi %parallel_loop3A_714, %parallel_loop3A_716 : vector<16xi32>
      %parallel_loop3A_718 = tpu.vector_load_idx %arg6[%parallel_loop3A_717] : memref<2048xi32, #tpu.memory_space<vmem>>[vector<16xi32>], vector<16xi32>,
      %parallel_loop3A_719 = arith.constant 16 : i32
      %parallel_loop3A_720 = vector.broadcast %parallel_loop3A_719 : i32 to vector<16xi32>
      %parallel_loop3A_721 = arith.shli %parallel_loop3A_718, %parallel_loop3A_720 : vector<16xi32>
      %parallel_loop3A_722 = vector.bitcast %parallel_loop3A_721 : vector<16xi32> to vector<16xf32>
      %parallel_loop3A_723 = arith.addf %parallel_loop3A_702, %parallel_loop3A_722 : vector<16xf32>
      %parallel_loop3A_724 = arith.andi %parallel_loop3A_718, %broadcast_in_dim3A_19 : vector<16xi32>
      %parallel_loop3A_725 = vector.bitcast %parallel_loop3A_724 : vector<16xi32> to vector<16xf32>
      %parallel_loop3A_726 = arith.addf %parallel_loop3A_703, %parallel_loop3A_725 : vector<16xf32>
      %parallel_loop3A_727 = arith.constant 1 : i32
      %parallel_loop3A_728 = arith.index_cast %parallel_loop3A_701 : i32 to index
      %parallel_loop3A_729 = arith.index_cast %parallel_loop3A_727 : i32 to index
      %parallel_loop3A_730 = arith.constant 16 : index
      %parallel_loop3A_731 = tpu.vector_load %arg8[%parallel_loop3A_728, %parallel_loop3A_729, %parallel_loop3A_730] {strides = array<i32>} : memref<25x8x128xi32, #tpu.memory_space<vmem>>, vector<16xi32>,
      %parallel_loop3A_732 = arith.constant 1024 : i32
      %parallel_loop3A_733 = vector.broadcast %parallel_loop3A_732 : i32 to vector<16xi32>
      %parallel_loop3A_734 = arith.addi %parallel_loop3A_731, %parallel_loop3A_733 : vector<16xi32>
      %parallel_loop3A_735 = tpu.vector_load_idx %arg6[%parallel_loop3A_734] : memref<2048xi32, #tpu.memory_space<vmem>>[vector<16xi32>], vector<16xi32>,
      %parallel_loop3A_736 = arith.constant 16 : i32
      %parallel_loop3A_737 = vector.broadcast %parallel_loop3A_736 : i32 to vector<16xi32>
      %parallel_loop3A_738 = arith.shli %parallel_loop3A_735, %parallel_loop3A_737 : vector<16xi32>
      %parallel_loop3A_739 = vector.bitcast %parallel_loop3A_738 : vector<16xi32> to vector<16xf32>
      %parallel_loop3A_740 = arith.addf %parallel_loop3A_704, %parallel_loop3A_739 : vector<16xf32>
      %parallel_loop3A_741 = arith.andi %parallel_loop3A_735, %broadcast_in_dim3A_19 : vector<16xi32>
      %parallel_loop3A_742 = vector.bitcast %parallel_loop3A_741 : vector<16xi32> to vector<16xf32>
      %parallel_loop3A_743 = arith.addf %parallel_loop3A_705, %parallel_loop3A_742 : vector<16xf32>
      %parallel_loop3A_744 = arith.constant 2 : i32
      %parallel_loop3A_745 = arith.index_cast %parallel_loop3A_701 : i32 to index
      %parallel_loop3A_746 = arith.index_cast %parallel_loop3A_744 : i32 to index
      %parallel_loop3A_747 = arith.constant 16 : index
      %parallel_loop3A_748 = tpu.vector_load %arg8[%parallel_loop3A_745, %parallel_loop3A_746, %parallel_loop3A_747] {strides = array<i32>} : memref<25x8x128xi32, #tpu.memory_space<vmem>>, vector<16xi32>,
      %parallel_loop3A_749 = arith.constant 1024 : i32
      %parallel_loop3A_750 = vector.broadcast %parallel_loop3A_749 : i32 to vector<16xi32>
      %parallel_loop3A_751 = arith.addi %parallel_loop3A_748, %parallel_loop3A_750 : vector<16xi32>
      %parallel_loop3A_752 = tpu.vector_load_idx %arg6[%parallel_loop3A_751] : memref<2048xi32, #tpu.memory_space<vmem>>[vector<16xi32>], vector<16xi32>,
      %parallel_loop3A_753 = arith.constant 16 : i32
      %parallel_loop3A_754 = vector.broadcast %parallel_loop3A_753 : i32 to vector<16xi32>
      %parallel_loop3A_755 = arith.shli %parallel_loop3A_752, %parallel_loop3A_754 : vector<16xi32>
      %parallel_loop3A_756 = vector.bitcast %parallel_loop3A_755 : vector<16xi32> to vector<16xf32>
      %parallel_loop3A_757 = arith.addf %parallel_loop3A_706, %parallel_loop3A_756 : vector<16xf32>
      %parallel_loop3A_758 = arith.andi %parallel_loop3A_752, %broadcast_in_dim3A_19 : vector<16xi32>
      %parallel_loop3A_759 = vector.bitcast %parallel_loop3A_758 : vector<16xi32> to vector<16xf32>
      %parallel_loop3A_760 = arith.addf %parallel_loop3A_707, %parallel_loop3A_759 : vector<16xf32>
      %parallel_loop3A_761 = arith.constant 3 : i32
      %parallel_loop3A_762 = arith.index_cast %parallel_loop3A_701 : i32 to index
      %parallel_loop3A_763 = arith.index_cast %parallel_loop3A_761 : i32 to index
      %parallel_loop3A_764 = arith.constant 16 : index
      %parallel_loop3A_765 = tpu.vector_load %arg8[%parallel_loop3A_762, %parallel_loop3A_763, %parallel_loop3A_764] {strides = array<i32>} : memref<25x8x128xi32, #tpu.memory_space<vmem>>, vector<16xi32>,
      %parallel_loop3A_766 = arith.constant 1024 : i32
      %parallel_loop3A_767 = vector.broadcast %parallel_loop3A_766 : i32 to vector<16xi32>
      %parallel_loop3A_768 = arith.addi %parallel_loop3A_765, %parallel_loop3A_767 : vector<16xi32>
      %parallel_loop3A_769 = tpu.vector_load_idx %arg6[%parallel_loop3A_768] : memref<2048xi32, #tpu.memory_space<vmem>>[vector<16xi32>], vector<16xi32>,
      %parallel_loop3A_770 = arith.constant 16 : i32
      %parallel_loop3A_771 = vector.broadcast %parallel_loop3A_770 : i32 to vector<16xi32>
      %parallel_loop3A_772 = arith.shli %parallel_loop3A_769, %parallel_loop3A_771 : vector<16xi32>
      %parallel_loop3A_773 = vector.bitcast %parallel_loop3A_772 : vector<16xi32> to vector<16xf32>
      %parallel_loop3A_774 = arith.addf %parallel_loop3A_708, %parallel_loop3A_773 : vector<16xf32>
      %parallel_loop3A_775 = arith.andi %parallel_loop3A_769, %broadcast_in_dim3A_19 : vector<16xi32>
      %parallel_loop3A_776 = vector.bitcast %parallel_loop3A_775 : vector<16xi32> to vector<16xf32>
      %parallel_loop3A_777 = arith.addf %parallel_loop3A_709, %parallel_loop3A_776 : vector<16xf32>
      %parallel_loop3A_778 = arith.constant 4 : i32
      %parallel_loop3A_779 = arith.index_cast %parallel_loop3A_701 : i32 to index
      %parallel_loop3A_780 = arith.index_cast %parallel_loop3A_778 : i32 to index
      %parallel_loop3A_781 = arith.constant 16 : index
      %parallel_loop3A_782 = tpu.vector_load %arg8[%parallel_loop3A_779, %parallel_loop3A_780, %parallel_loop3A_781] {strides = array<i32>} : memref<25x8x128xi32, #tpu.memory_space<vmem>>, vector<16xi32>,
      %parallel_loop3A_783 = arith.constant 1024 : i32
      %parallel_loop3A_784 = vector.broadcast %parallel_loop3A_783 : i32 to vector<16xi32>
      %parallel_loop3A_785 = arith.addi %parallel_loop3A_782, %parallel_loop3A_784 : vector<16xi32>
      %parallel_loop3A_786 = tpu.vector_load_idx %arg6[%parallel_loop3A_785] : memref<2048xi32, #tpu.memory_space<vmem>>[vector<16xi32>], vector<16xi32>,
      %parallel_loop3A_787 = arith.constant 16 : i32
      %parallel_loop3A_788 = vector.broadcast %parallel_loop3A_787 : i32 to vector<16xi32>
      %parallel_loop3A_789 = arith.shli %parallel_loop3A_786, %parallel_loop3A_788 : vector<16xi32>
      %parallel_loop3A_790 = vector.bitcast %parallel_loop3A_789 : vector<16xi32> to vector<16xf32>
      %parallel_loop3A_791 = arith.addf %parallel_loop3A_723, %parallel_loop3A_790 : vector<16xf32>
      %parallel_loop3A_792 = arith.andi %parallel_loop3A_786, %broadcast_in_dim3A_19 : vector<16xi32>
      %parallel_loop3A_793 = vector.bitcast %parallel_loop3A_792 : vector<16xi32> to vector<16xf32>
      %parallel_loop3A_794 = arith.addf %parallel_loop3A_726, %parallel_loop3A_793 : vector<16xf32>
      %parallel_loop3A_795 = arith.constant 5 : i32
      %parallel_loop3A_796 = arith.index_cast %parallel_loop3A_701 : i32 to index
      %parallel_loop3A_797 = arith.index_cast %parallel_loop3A_795 : i32 to index
      %parallel_loop3A_798 = arith.constant 16 : index
      %parallel_loop3A_799 = tpu.vector_load %arg8[%parallel_loop3A_796, %parallel_loop3A_797, %parallel_loop3A_798] {strides = array<i32>} : memref<25x8x128xi32, #tpu.memory_space<vmem>>, vector<16xi32>,
      %parallel_loop3A_800 = arith.constant 1024 : i32
      %parallel_loop3A_801 = vector.broadcast %parallel_loop3A_800 : i32 to vector<16xi32>
      %parallel_loop3A_802 = arith.addi %parallel_loop3A_799, %parallel_loop3A_801 : vector<16xi32>
      %parallel_loop3A_803 = tpu.vector_load_idx %arg6[%parallel_loop3A_802] : memref<2048xi32, #tpu.memory_space<vmem>>[vector<16xi32>], vector<16xi32>,
      %parallel_loop3A_804 = arith.constant 16 : i32
      %parallel_loop3A_805 = vector.broadcast %parallel_loop3A_804 : i32 to vector<16xi32>
      %parallel_loop3A_806 = arith.shli %parallel_loop3A_803, %parallel_loop3A_805 : vector<16xi32>
      %parallel_loop3A_807 = vector.bitcast %parallel_loop3A_806 : vector<16xi32> to vector<16xf32>
      %parallel_loop3A_808 = arith.addf %parallel_loop3A_740, %parallel_loop3A_807 : vector<16xf32>
      %parallel_loop3A_809 = arith.andi %parallel_loop3A_803, %broadcast_in_dim3A_19 : vector<16xi32>
      %parallel_loop3A_810 = vector.bitcast %parallel_loop3A_809 : vector<16xi32> to vector<16xf32>
      %parallel_loop3A_811 = arith.addf %parallel_loop3A_743, %parallel_loop3A_810 : vector<16xf32>
      %parallel_loop3A_812 = arith.constant 6 : i32
      %parallel_loop3A_813 = arith.index_cast %parallel_loop3A_701 : i32 to index
      %parallel_loop3A_814 = arith.index_cast %parallel_loop3A_812 : i32 to index
      %parallel_loop3A_815 = arith.constant 16 : index
      %parallel_loop3A_816 = tpu.vector_load %arg8[%parallel_loop3A_813, %parallel_loop3A_814, %parallel_loop3A_815] {strides = array<i32>} : memref<25x8x128xi32, #tpu.memory_space<vmem>>, vector<16xi32>,
      %parallel_loop3A_817 = arith.constant 1024 : i32
      %parallel_loop3A_818 = vector.broadcast %parallel_loop3A_817 : i32 to vector<16xi32>
      %parallel_loop3A_819 = arith.addi %parallel_loop3A_816, %parallel_loop3A_818 : vector<16xi32>
      %parallel_loop3A_820 = tpu.vector_load_idx %arg6[%parallel_loop3A_819] : memref<2048xi32, #tpu.memory_space<vmem>>[vector<16xi32>], vector<16xi32>,
      %parallel_loop3A_821 = arith.constant 16 : i32
      %parallel_loop3A_822 = vector.broadcast %parallel_loop3A_821 : i32 to vector<16xi32>
      %parallel_loop3A_823 = arith.shli %parallel_loop3A_820, %parallel_loop3A_822 : vector<16xi32>
      %parallel_loop3A_824 = vector.bitcast %parallel_loop3A_823 : vector<16xi32> to vector<16xf32>
      %parallel_loop3A_825 = arith.addf %parallel_loop3A_757, %parallel_loop3A_824 : vector<16xf32>
      %parallel_loop3A_826 = arith.andi %parallel_loop3A_820, %broadcast_in_dim3A_19 : vector<16xi32>
      %parallel_loop3A_827 = vector.bitcast %parallel_loop3A_826 : vector<16xi32> to vector<16xf32>
      %parallel_loop3A_828 = arith.addf %parallel_loop3A_760, %parallel_loop3A_827 : vector<16xf32>
      %parallel_loop3A_829 = arith.constant 7 : i32
      %parallel_loop3A_830 = arith.index_cast %parallel_loop3A_701 : i32 to index
      %parallel_loop3A_831 = arith.index_cast %parallel_loop3A_829 : i32 to index
      %parallel_loop3A_832 = arith.constant 16 : index
      %parallel_loop3A_833 = tpu.vector_load %arg8[%parallel_loop3A_830, %parallel_loop3A_831, %parallel_loop3A_832] {strides = array<i32>} : memref<25x8x128xi32, #tpu.memory_space<vmem>>, vector<16xi32>,
      %parallel_loop3A_834 = arith.constant 1024 : i32
      %parallel_loop3A_835 = vector.broadcast %parallel_loop3A_834 : i32 to vector<16xi32>
      %parallel_loop3A_836 = arith.addi %parallel_loop3A_833, %parallel_loop3A_835 : vector<16xi32>
      %parallel_loop3A_837 = tpu.vector_load_idx %arg6[%parallel_loop3A_836] : memref<2048xi32, #tpu.memory_space<vmem>>[vector<16xi32>], vector<16xi32>,
      %parallel_loop3A_838 = arith.constant 16 : i32
      %parallel_loop3A_839 = vector.broadcast %parallel_loop3A_838 : i32 to vector<16xi32>
      %parallel_loop3A_840 = arith.shli %parallel_loop3A_837, %parallel_loop3A_839 : vector<16xi32>
      %parallel_loop3A_841 = vector.bitcast %parallel_loop3A_840 : vector<16xi32> to vector<16xf32>
      %parallel_loop3A_842 = arith.addf %parallel_loop3A_774, %parallel_loop3A_841 : vector<16xf32>
      %parallel_loop3A_843 = arith.andi %parallel_loop3A_837, %broadcast_in_dim3A_19 : vector<16xi32>
      %parallel_loop3A_844 = vector.bitcast %parallel_loop3A_843 : vector<16xi32> to vector<16xf32>
      %parallel_loop3A_845 = arith.addf %parallel_loop3A_777, %parallel_loop3A_844 : vector<16xf32>
      scf.yield %parallel_loop3A_791, %parallel_loop3A_794, %parallel_loop3A_808, %parallel_loop3A_811, %parallel_loop3A_825, %parallel_loop3A_828, %parallel_loop3A_842, %parallel_loop3A_845 : vector<16xf32>, vector<16xf32>, vector<16xf32>, vector<16xf32>, vector<16xf32>, vector<16xf32>, vector<16xf32>, vector<16xf32>
    } {sc.loop_unroll_factor = 2 : i64, sc.parallel_access}
    %add3A_206 = arith.addf %parallel_loop3A_205#0, %parallel_loop3A_205#2 : vector<16xf32>
    %add3A_207 = arith.addf %parallel_loop3A_205#4, %parallel_loop3A_205#6 : vector<16xf32>
    %add3A_208 = arith.addf %add3A_206, %add3A_207 : vector<16xf32>
    %get3A_209 = arith.constant 16 : index
    %get3A_210 = tpu.vector_load %arg9[%get3A_209] {strides = array<i32>} : memref<256xf32, #tpu.memory_space<vmem>>, vector<16xf32>,
    %add3A_211 = arith.addf %add3A_208, %get3A_210 : vector<16xf32>
    %add3A_212 = arith.addf %parallel_loop3A_205#1, %parallel_loop3A_205#3 : vector<16xf32>
    %add3A_213 = arith.addf %parallel_loop3A_205#5, %parallel_loop3A_205#7 : vector<16xf32>
    %add3A_214 = arith.addf %add3A_212, %add3A_213 : vector<16xf32>
    %get3A_215 = arith.constant 144 : index
    %get3A_216 = tpu.vector_load %arg9[%get3A_215] {strides = array<i32>} : memref<256xf32, #tpu.memory_space<vmem>>, vector<16xf32>,
    %add3A_217 = arith.addf %add3A_214, %get3A_216 : vector<16xf32>
    %mul3A_218 = arith.constant 5.000000e-03 : f32
    %mul3A_219 = vector.broadcast %mul3A_218 : f32 to vector<16xf32>
    %mul3A_220 = arith.mulf %add3A_211, %mul3A_219 : vector<16xf32>
    %mul3A_221 = arith.constant 5.000000e-03 : f32
    %mul3A_222 = vector.broadcast %mul3A_221 : f32 to vector<16xf32>
    %mul3A_223 = arith.mulf %add3A_217, %mul3A_222 : vector<16xf32>
    %ge3A_224 = arith.constant 0.000000e+00 : f32
    %ge3A_225 = vector.broadcast %ge3A_224 : f32 to vector<16xf32>
    %ge3A_226 = arith.cmpf oge, %mul3A_220, %ge3A_225 : vector<16xf32>
    %mul3A_227 = arith.constant 0.00999999977 : f32
    %mul3A_228 = vector.broadcast %mul3A_227 : f32 to vector<16xf32>
    %mul3A_229 = arith.mulf %mul3A_228, %mul3A_220 : vector<16xf32>
    %select_n3A_230 = arith.select %ge3A_226, %mul3A_220, %mul3A_229 : vector<16xi1>, vector<16xf32>
    %ge3A_231 = arith.constant 0.000000e+00 : f32
    %ge3A_232 = vector.broadcast %ge3A_231 : f32 to vector<16xf32>
    %ge3A_233 = arith.cmpf oge, %mul3A_223, %ge3A_232 : vector<16xf32>
    %mul3A_234 = arith.constant 0.00999999977 : f32
    %mul3A_235 = vector.broadcast %mul3A_234 : f32 to vector<16xf32>
    %mul3A_236 = arith.mulf %mul3A_235, %mul3A_223 : vector<16xf32>
    %select_n3A_237 = arith.select %ge3A_233, %mul3A_223, %mul3A_236 : vector<16xi1>, vector<16xf32>
    %max3A_238 = arith.maximumf %select_n3A_230, %select_n3A_237 : vector<16xf32>
    %sub3A_239 = arith.subf %select_n3A_230, %max3A_238 : vector<16xf32>
    %sub3A_240 = arith.subf %select_n3A_237, %max3A_238 : vector<16xf32>
    %exp3A_241 = math.exp %sub3A_239 : vector<16xf32>
    %exp3A_242 = math.exp %sub3A_240 : vector<16xf32>
    %add3A_243 = arith.addf %exp3A_241, %exp3A_242 : vector<16xf32>
    %sub3A_244 = arith.constant 1.000000e+00 : f32
    %sub3A_245 = vector.broadcast %sub3A_244 : f32 to vector<16xf32>
    %sub3A_246 = arith.subf %add3A_243, %sub3A_245 : vector<16xf32>
    %add3A_247 = arith.constant 1.000000e+00 : f32
    %add3A_248 = vector.broadcast %add3A_247 : f32 to vector<16xf32>
    %add3A_249 = arith.addf %add3A_243, %add3A_248 : vector<16xf32>
    %div3A_250 = arith.divf %sub3A_246, %add3A_249 : vector<16xf32>
    %mul3A_251 = arith.mulf %div3A_250, %div3A_250 : vector<16xf32>
    %mul3A_252 = arith.constant 0.285714298 : f32
    %mul3A_253 = vector.broadcast %mul3A_252 : f32 to vector<16xf32>
    %mul3A_254 = arith.mulf %mul3A_251, %mul3A_253 : vector<16xf32>
    %add3A_255 = arith.constant 4.000000e-01 : f32
    %add3A_256 = vector.broadcast %add3A_255 : f32 to vector<16xf32>
    %add3A_257 = arith.addf %add3A_256, %mul3A_254 : vector<16xf32>
    %mul3A_258 = arith.mulf %mul3A_251, %add3A_257 : vector<16xf32>
    %add3A_259 = arith.constant 0.666666686 : f32
    %add3A_260 = vector.broadcast %add3A_259 : f32 to vector<16xf32>
    %add3A_261 = arith.addf %add3A_260, %mul3A_258 : vector<16xf32>
    %mul3A_262 = arith.mulf %mul3A_251, %add3A_261 : vector<16xf32>
    %add3A_263 = arith.constant 2.000000e+00 : f32
    %add3A_264 = vector.broadcast %add3A_263 : f32 to vector<16xf32>
    %add3A_265 = arith.addf %add3A_264, %mul3A_262 : vector<16xf32>
    %mul3A_266 = arith.mulf %div3A_250, %add3A_265 : vector<16xf32>
    %sub3A_267 = arith.subf %sub3A_239, %mul3A_266 : vector<16xf32>
    %swap3A_268 = arith.constant 16 : index
    %swap3A_269 = tpu.vector_load %arg10[%swap3A_268] {strides = array<i32>} : memref<256xf32, #tpu.memory_space<vmem>>, vector<16xf32>,
    tpu.vector_store %arg10[%swap3A_268], %sub3A_267 {strides = array<i32>} : memref<256xf32, #tpu.memory_space<vmem>>, vector<16xf32>,
    %sub3A_270 = arith.subf %sub3A_240, %mul3A_266 : vector<16xf32>
    %swap3A_271 = arith.constant 144 : index
    %swap3A_272 = tpu.vector_load %arg10[%swap3A_271] {strides = array<i32>} : memref<256xf32, #tpu.memory_space<vmem>>, vector<16xf32>,
    tpu.vector_store %arg10[%swap3A_271], %sub3A_270 {strides = array<i32>} : memref<256xf32, #tpu.memory_space<vmem>>, vector<16xf32>,
    %parallel_loop3A_273 = arith.constant 0 : i32
    %parallel_loop3A_274 = arith.constant 25 : i32
    %parallel_loop3A_275 = arith.constant 1 : i32
    %parallel_loop3A_276:8 = scf.for %parallel_loop3A_701 = %parallel_loop3A_273 to %parallel_loop3A_274 step %parallel_loop3A_275 iter_args(%parallel_loop3A_702 = %broadcast_in_dim3A_21, %parallel_loop3A_703 = %broadcast_in_dim3A_21, %parallel_loop3A_704 = %broadcast_in_dim3A_21, %parallel_loop3A_705 = %broadcast_in_dim3A_21, %parallel_loop3A_706 = %broadcast_in_dim3A_21, %parallel_loop3A_707 = %broadcast_in_dim3A_21, %parallel_loop3A_708 = %broadcast_in_dim3A_21, %parallel_loop3A_709 = %broadcast_in_dim3A_21) -> (vector<16xf32>, vector<16xf32>, vector<16xf32>, vector<16xf32>, vector<16xf32>, vector<16xf32>, vector<16xf32>, vector<16xf32>)  : i32 {
      %parallel_loop3A_710 = arith.constant 0 : i32
      %parallel_loop3A_711 = arith.index_cast %parallel_loop3A_701 : i32 to index
      %parallel_loop3A_712 = arith.index_cast %parallel_loop3A_710 : i32 to index
      %parallel_loop3A_713 = arith.constant 32 : index
      %parallel_loop3A_714 = tpu.vector_load %arg8[%parallel_loop3A_711, %parallel_loop3A_712, %parallel_loop3A_713] {strides = array<i32>} : memref<25x8x128xi32, #tpu.memory_space<vmem>>, vector<16xi32>,
      %parallel_loop3A_715 = arith.constant 1024 : i32
      %parallel_loop3A_716 = vector.broadcast %parallel_loop3A_715 : i32 to vector<16xi32>
      %parallel_loop3A_717 = arith.addi %parallel_loop3A_714, %parallel_loop3A_716 : vector<16xi32>
      %parallel_loop3A_718 = tpu.vector_load_idx %arg6[%parallel_loop3A_717] : memref<2048xi32, #tpu.memory_space<vmem>>[vector<16xi32>], vector<16xi32>,
      %parallel_loop3A_719 = arith.constant 16 : i32
      %parallel_loop3A_720 = vector.broadcast %parallel_loop3A_719 : i32 to vector<16xi32>
      %parallel_loop3A_721 = arith.shli %parallel_loop3A_718, %parallel_loop3A_720 : vector<16xi32>
      %parallel_loop3A_722 = vector.bitcast %parallel_loop3A_721 : vector<16xi32> to vector<16xf32>
      %parallel_loop3A_723 = arith.addf %parallel_loop3A_702, %parallel_loop3A_722 : vector<16xf32>
      %parallel_loop3A_724 = arith.andi %parallel_loop3A_718, %broadcast_in_dim3A_19 : vector<16xi32>
      %parallel_loop3A_725 = vector.bitcast %parallel_loop3A_724 : vector<16xi32> to vector<16xf32>
      %parallel_loop3A_726 = arith.addf %parallel_loop3A_703, %parallel_loop3A_725 : vector<16xf32>
      %parallel_loop3A_727 = arith.constant 1 : i32
      %parallel_loop3A_728 = arith.index_cast %parallel_loop3A_701 : i32 to index
      %parallel_loop3A_729 = arith.index_cast %parallel_loop3A_727 : i32 to index
      %parallel_loop3A_730 = arith.constant 32 : index
      %parallel_loop3A_731 = tpu.vector_load %arg8[%parallel_loop3A_728, %parallel_loop3A_729, %parallel_loop3A_730] {strides = array<i32>} : memref<25x8x128xi32, #tpu.memory_space<vmem>>, vector<16xi32>,
      %parallel_loop3A_732 = arith.constant 1024 : i32
      %parallel_loop3A_733 = vector.broadcast %parallel_loop3A_732 : i32 to vector<16xi32>
      %parallel_loop3A_734 = arith.addi %parallel_loop3A_731, %parallel_loop3A_733 : vector<16xi32>
      %parallel_loop3A_735 = tpu.vector_load_idx %arg6[%parallel_loop3A_734] : memref<2048xi32, #tpu.memory_space<vmem>>[vector<16xi32>], vector<16xi32>,
      %parallel_loop3A_736 = arith.constant 16 : i32
      %parallel_loop3A_737 = vector.broadcast %parallel_loop3A_736 : i32 to vector<16xi32>
      %parallel_loop3A_738 = arith.shli %parallel_loop3A_735, %parallel_loop3A_737 : vector<16xi32>
      %parallel_loop3A_739 = vector.bitcast %parallel_loop3A_738 : vector<16xi32> to vector<16xf32>
      %parallel_loop3A_740 = arith.addf %parallel_loop3A_704, %parallel_loop3A_739 : vector<16xf32>
      %parallel_loop3A_741 = arith.andi %parallel_loop3A_735, %broadcast_in_dim3A_19 : vector<16xi32>
      %parallel_loop3A_742 = vector.bitcast %parallel_loop3A_741 : vector<16xi32> to vector<16xf32>
      %parallel_loop3A_743 = arith.addf %parallel_loop3A_705, %parallel_loop3A_742 : vector<16xf32>
      %parallel_loop3A_744 = arith.constant 2 : i32
      %parallel_loop3A_745 = arith.index_cast %parallel_loop3A_701 : i32 to index
      %parallel_loop3A_746 = arith.index_cast %parallel_loop3A_744 : i32 to index
      %parallel_loop3A_747 = arith.constant 32 : index
      %parallel_loop3A_748 = tpu.vector_load %arg8[%parallel_loop3A_745, %parallel_loop3A_746, %parallel_loop3A_747] {strides = array<i32>} : memref<25x8x128xi32, #tpu.memory_space<vmem>>, vector<16xi32>,
      %parallel_loop3A_749 = arith.constant 1024 : i32
      %parallel_loop3A_750 = vector.broadcast %parallel_loop3A_749 : i32 to vector<16xi32>
      %parallel_loop3A_751 = arith.addi %parallel_loop3A_748, %parallel_loop3A_750 : vector<16xi32>
      %parallel_loop3A_752 = tpu.vector_load_idx %arg6[%parallel_loop3A_751] : memref<2048xi32, #tpu.memory_space<vmem>>[vector<16xi32>], vector<16xi32>,
      %parallel_loop3A_753 = arith.constant 16 : i32
      %parallel_loop3A_754 = vector.broadcast %parallel_loop3A_753 : i32 to vector<16xi32>
      %parallel_loop3A_755 = arith.shli %parallel_loop3A_752, %parallel_loop3A_754 : vector<16xi32>
      %parallel_loop3A_756 = vector.bitcast %parallel_loop3A_755 : vector<16xi32> to vector<16xf32>
      %parallel_loop3A_757 = arith.addf %parallel_loop3A_706, %parallel_loop3A_756 : vector<16xf32>
      %parallel_loop3A_758 = arith.andi %parallel_loop3A_752, %broadcast_in_dim3A_19 : vector<16xi32>
      %parallel_loop3A_759 = vector.bitcast %parallel_loop3A_758 : vector<16xi32> to vector<16xf32>
      %parallel_loop3A_760 = arith.addf %parallel_loop3A_707, %parallel_loop3A_759 : vector<16xf32>
      %parallel_loop3A_761 = arith.constant 3 : i32
      %parallel_loop3A_762 = arith.index_cast %parallel_loop3A_701 : i32 to index
      %parallel_loop3A_763 = arith.index_cast %parallel_loop3A_761 : i32 to index
      %parallel_loop3A_764 = arith.constant 32 : index
      %parallel_loop3A_765 = tpu.vector_load %arg8[%parallel_loop3A_762, %parallel_loop3A_763, %parallel_loop3A_764] {strides = array<i32>} : memref<25x8x128xi32, #tpu.memory_space<vmem>>, vector<16xi32>,
      %parallel_loop3A_766 = arith.constant 1024 : i32
      %parallel_loop3A_767 = vector.broadcast %parallel_loop3A_766 : i32 to vector<16xi32>
      %parallel_loop3A_768 = arith.addi %parallel_loop3A_765, %parallel_loop3A_767 : vector<16xi32>
      %parallel_loop3A_769 = tpu.vector_load_idx %arg6[%parallel_loop3A_768] : memref<2048xi32, #tpu.memory_space<vmem>>[vector<16xi32>], vector<16xi32>,
      %parallel_loop3A_770 = arith.constant 16 : i32
      %parallel_loop3A_771 = vector.broadcast %parallel_loop3A_770 : i32 to vector<16xi32>
      %parallel_loop3A_772 = arith.shli %parallel_loop3A_769, %parallel_loop3A_771 : vector<16xi32>
      %parallel_loop3A_773 = vector.bitcast %parallel_loop3A_772 : vector<16xi32> to vector<16xf32>
      %parallel_loop3A_774 = arith.addf %parallel_loop3A_708, %parallel_loop3A_773 : vector<16xf32>
      %parallel_loop3A_775 = arith.andi %parallel_loop3A_769, %broadcast_in_dim3A_19 : vector<16xi32>
      %parallel_loop3A_776 = vector.bitcast %parallel_loop3A_775 : vector<16xi32> to vector<16xf32>
      %parallel_loop3A_777 = arith.addf %parallel_loop3A_709, %parallel_loop3A_776 : vector<16xf32>
      %parallel_loop3A_778 = arith.constant 4 : i32
      %parallel_loop3A_779 = arith.index_cast %parallel_loop3A_701 : i32 to index
      %parallel_loop3A_780 = arith.index_cast %parallel_loop3A_778 : i32 to index
      %parallel_loop3A_781 = arith.constant 32 : index
      %parallel_loop3A_782 = tpu.vector_load %arg8[%parallel_loop3A_779, %parallel_loop3A_780, %parallel_loop3A_781] {strides = array<i32>} : memref<25x8x128xi32, #tpu.memory_space<vmem>>, vector<16xi32>,
      %parallel_loop3A_783 = arith.constant 1024 : i32
      %parallel_loop3A_784 = vector.broadcast %parallel_loop3A_783 : i32 to vector<16xi32>
      %parallel_loop3A_785 = arith.addi %parallel_loop3A_782, %parallel_loop3A_784 : vector<16xi32>
      %parallel_loop3A_786 = tpu.vector_load_idx %arg6[%parallel_loop3A_785] : memref<2048xi32, #tpu.memory_space<vmem>>[vector<16xi32>], vector<16xi32>,
      %parallel_loop3A_787 = arith.constant 16 : i32
      %parallel_loop3A_788 = vector.broadcast %parallel_loop3A_787 : i32 to vector<16xi32>
      %parallel_loop3A_789 = arith.shli %parallel_loop3A_786, %parallel_loop3A_788 : vector<16xi32>
      %parallel_loop3A_790 = vector.bitcast %parallel_loop3A_789 : vector<16xi32> to vector<16xf32>
      %parallel_loop3A_791 = arith.addf %parallel_loop3A_723, %parallel_loop3A_790 : vector<16xf32>
      %parallel_loop3A_792 = arith.andi %parallel_loop3A_786, %broadcast_in_dim3A_19 : vector<16xi32>
      %parallel_loop3A_793 = vector.bitcast %parallel_loop3A_792 : vector<16xi32> to vector<16xf32>
      %parallel_loop3A_794 = arith.addf %parallel_loop3A_726, %parallel_loop3A_793 : vector<16xf32>
      %parallel_loop3A_795 = arith.constant 5 : i32
      %parallel_loop3A_796 = arith.index_cast %parallel_loop3A_701 : i32 to index
      %parallel_loop3A_797 = arith.index_cast %parallel_loop3A_795 : i32 to index
      %parallel_loop3A_798 = arith.constant 32 : index
      %parallel_loop3A_799 = tpu.vector_load %arg8[%parallel_loop3A_796, %parallel_loop3A_797, %parallel_loop3A_798] {strides = array<i32>} : memref<25x8x128xi32, #tpu.memory_space<vmem>>, vector<16xi32>,
      %parallel_loop3A_800 = arith.constant 1024 : i32
      %parallel_loop3A_801 = vector.broadcast %parallel_loop3A_800 : i32 to vector<16xi32>
      %parallel_loop3A_802 = arith.addi %parallel_loop3A_799, %parallel_loop3A_801 : vector<16xi32>
      %parallel_loop3A_803 = tpu.vector_load_idx %arg6[%parallel_loop3A_802] : memref<2048xi32, #tpu.memory_space<vmem>>[vector<16xi32>], vector<16xi32>,
      %parallel_loop3A_804 = arith.constant 16 : i32
      %parallel_loop3A_805 = vector.broadcast %parallel_loop3A_804 : i32 to vector<16xi32>
      %parallel_loop3A_806 = arith.shli %parallel_loop3A_803, %parallel_loop3A_805 : vector<16xi32>
      %parallel_loop3A_807 = vector.bitcast %parallel_loop3A_806 : vector<16xi32> to vector<16xf32>
      %parallel_loop3A_808 = arith.addf %parallel_loop3A_740, %parallel_loop3A_807 : vector<16xf32>
      %parallel_loop3A_809 = arith.andi %parallel_loop3A_803, %broadcast_in_dim3A_19 : vector<16xi32>
      %parallel_loop3A_810 = vector.bitcast %parallel_loop3A_809 : vector<16xi32> to vector<16xf32>
      %parallel_loop3A_811 = arith.addf %parallel_loop3A_743, %parallel_loop3A_810 : vector<16xf32>
      %parallel_loop3A_812 = arith.constant 6 : i32
      %parallel_loop3A_813 = arith.index_cast %parallel_loop3A_701 : i32 to index
      %parallel_loop3A_814 = arith.index_cast %parallel_loop3A_812 : i32 to index
      %parallel_loop3A_815 = arith.constant 32 : index
      %parallel_loop3A_816 = tpu.vector_load %arg8[%parallel_loop3A_813, %parallel_loop3A_814, %parallel_loop3A_815] {strides = array<i32>} : memref<25x8x128xi32, #tpu.memory_space<vmem>>, vector<16xi32>,
      %parallel_loop3A_817 = arith.constant 1024 : i32
      %parallel_loop3A_818 = vector.broadcast %parallel_loop3A_817 : i32 to vector<16xi32>
      %parallel_loop3A_819 = arith.addi %parallel_loop3A_816, %parallel_loop3A_818 : vector<16xi32>
      %parallel_loop3A_820 = tpu.vector_load_idx %arg6[%parallel_loop3A_819] : memref<2048xi32, #tpu.memory_space<vmem>>[vector<16xi32>], vector<16xi32>,
      %parallel_loop3A_821 = arith.constant 16 : i32
      %parallel_loop3A_822 = vector.broadcast %parallel_loop3A_821 : i32 to vector<16xi32>
      %parallel_loop3A_823 = arith.shli %parallel_loop3A_820, %parallel_loop3A_822 : vector<16xi32>
      %parallel_loop3A_824 = vector.bitcast %parallel_loop3A_823 : vector<16xi32> to vector<16xf32>
      %parallel_loop3A_825 = arith.addf %parallel_loop3A_757, %parallel_loop3A_824 : vector<16xf32>
      %parallel_loop3A_826 = arith.andi %parallel_loop3A_820, %broadcast_in_dim3A_19 : vector<16xi32>
      %parallel_loop3A_827 = vector.bitcast %parallel_loop3A_826 : vector<16xi32> to vector<16xf32>
      %parallel_loop3A_828 = arith.addf %parallel_loop3A_760, %parallel_loop3A_827 : vector<16xf32>
      %parallel_loop3A_829 = arith.constant 7 : i32
      %parallel_loop3A_830 = arith.index_cast %parallel_loop3A_701 : i32 to index
      %parallel_loop3A_831 = arith.index_cast %parallel_loop3A_829 : i32 to index
      %parallel_loop3A_832 = arith.constant 32 : index
      %parallel_loop3A_833 = tpu.vector_load %arg8[%parallel_loop3A_830, %parallel_loop3A_831, %parallel_loop3A_832] {strides = array<i32>} : memref<25x8x128xi32, #tpu.memory_space<vmem>>, vector<16xi32>,
      %parallel_loop3A_834 = arith.constant 1024 : i32
      %parallel_loop3A_835 = vector.broadcast %parallel_loop3A_834 : i32 to vector<16xi32>
      %parallel_loop3A_836 = arith.addi %parallel_loop3A_833, %parallel_loop3A_835 : vector<16xi32>
      %parallel_loop3A_837 = tpu.vector_load_idx %arg6[%parallel_loop3A_836] : memref<2048xi32, #tpu.memory_space<vmem>>[vector<16xi32>], vector<16xi32>,
      %parallel_loop3A_838 = arith.constant 16 : i32
      %parallel_loop3A_839 = vector.broadcast %parallel_loop3A_838 : i32 to vector<16xi32>
      %parallel_loop3A_840 = arith.shli %parallel_loop3A_837, %parallel_loop3A_839 : vector<16xi32>
      %parallel_loop3A_841 = vector.bitcast %parallel_loop3A_840 : vector<16xi32> to vector<16xf32>
      %parallel_loop3A_842 = arith.addf %parallel_loop3A_774, %parallel_loop3A_841 : vector<16xf32>
      %parallel_loop3A_843 = arith.andi %parallel_loop3A_837, %broadcast_in_dim3A_19 : vector<16xi32>
      %parallel_loop3A_844 = vector.bitcast %parallel_loop3A_843 : vector<16xi32> to vector<16xf32>
      %parallel_loop3A_845 = arith.addf %parallel_loop3A_777, %parallel_loop3A_844 : vector<16xf32>
      scf.yield %parallel_loop3A_791, %parallel_loop3A_794, %parallel_loop3A_808, %parallel_loop3A_811, %parallel_loop3A_825, %parallel_loop3A_828, %parallel_loop3A_842, %parallel_loop3A_845 : vector<16xf32>, vector<16xf32>, vector<16xf32>, vector<16xf32>, vector<16xf32>, vector<16xf32>, vector<16xf32>, vector<16xf32>
    } {sc.loop_unroll_factor = 2 : i64, sc.parallel_access}
    %add3A_277 = arith.addf %parallel_loop3A_276#0, %parallel_loop3A_276#2 : vector<16xf32>
    %add3A_278 = arith.addf %parallel_loop3A_276#4, %parallel_loop3A_276#6 : vector<16xf32>
    %add3A_279 = arith.addf %add3A_277, %add3A_278 : vector<16xf32>
    %get3A_280 = arith.constant 32 : index
    %get3A_281 = tpu.vector_load %arg9[%get3A_280] {strides = array<i32>} : memref<256xf32, #tpu.memory_space<vmem>>, vector<16xf32>,
    %add3A_282 = arith.addf %add3A_279, %get3A_281 : vector<16xf32>
    %add3A_283 = arith.addf %parallel_loop3A_276#1, %parallel_loop3A_276#3 : vector<16xf32>
    %add3A_284 = arith.addf %parallel_loop3A_276#5, %parallel_loop3A_276#7 : vector<16xf32>
    %add3A_285 = arith.addf %add3A_283, %add3A_284 : vector<16xf32>
    %get3A_286 = arith.constant 160 : index
    %get3A_287 = tpu.vector_load %arg9[%get3A_286] {strides = array<i32>} : memref<256xf32, #tpu.memory_space<vmem>>, vector<16xf32>,
    %add3A_288 = arith.addf %add3A_285, %get3A_287 : vector<16xf32>
    %mul3A_289 = arith.constant 5.000000e-03 : f32
    %mul3A_290 = vector.broadcast %mul3A_289 : f32 to vector<16xf32>
    %mul3A_291 = arith.mulf %add3A_282, %mul3A_290 : vector<16xf32>
    %mul3A_292 = arith.constant 5.000000e-03 : f32
    %mul3A_293 = vector.broadcast %mul3A_292 : f32 to vector<16xf32>
    %mul3A_294 = arith.mulf %add3A_288, %mul3A_293 : vector<16xf32>
    %ge3A_295 = arith.constant 0.000000e+00 : f32
    %ge3A_296 = vector.broadcast %ge3A_295 : f32 to vector<16xf32>
    %ge3A_297 = arith.cmpf oge, %mul3A_291, %ge3A_296 : vector<16xf32>
    %mul3A_298 = arith.constant 0.00999999977 : f32
    %mul3A_299 = vector.broadcast %mul3A_298 : f32 to vector<16xf32>
    %mul3A_300 = arith.mulf %mul3A_299, %mul3A_291 : vector<16xf32>
    %select_n3A_301 = arith.select %ge3A_297, %mul3A_291, %mul3A_300 : vector<16xi1>, vector<16xf32>
    %ge3A_302 = arith.constant 0.000000e+00 : f32
    %ge3A_303 = vector.broadcast %ge3A_302 : f32 to vector<16xf32>
    %ge3A_304 = arith.cmpf oge, %mul3A_294, %ge3A_303 : vector<16xf32>
    %mul3A_305 = arith.constant 0.00999999977 : f32
    %mul3A_306 = vector.broadcast %mul3A_305 : f32 to vector<16xf32>
    %mul3A_307 = arith.mulf %mul3A_306, %mul3A_294 : vector<16xf32>
    %select_n3A_308 = arith.select %ge3A_304, %mul3A_294, %mul3A_307 : vector<16xi1>, vector<16xf32>
    %max3A_309 = arith.maximumf %select_n3A_301, %select_n3A_308 : vector<16xf32>
    %sub3A_310 = arith.subf %select_n3A_301, %max3A_309 : vector<16xf32>
    %sub3A_311 = arith.subf %select_n3A_308, %max3A_309 : vector<16xf32>
    %exp3A_312 = math.exp %sub3A_310 : vector<16xf32>
    %exp3A_313 = math.exp %sub3A_311 : vector<16xf32>
    %add3A_314 = arith.addf %exp3A_312, %exp3A_313 : vector<16xf32>
    %sub3A_315 = arith.constant 1.000000e+00 : f32
    %sub3A_316 = vector.broadcast %sub3A_315 : f32 to vector<16xf32>
    %sub3A_317 = arith.subf %add3A_314, %sub3A_316 : vector<16xf32>
    %add3A_318 = arith.constant 1.000000e+00 : f32
    %add3A_319 = vector.broadcast %add3A_318 : f32 to vector<16xf32>
    %add3A_320 = arith.addf %add3A_314, %add3A_319 : vector<16xf32>
    %div3A_321 = arith.divf %sub3A_317, %add3A_320 : vector<16xf32>
    %mul3A_322 = arith.mulf %div3A_321, %div3A_321 : vector<16xf32>
    %mul3A_323 = arith.constant 0.285714298 : f32
    %mul3A_324 = vector.broadcast %mul3A_323 : f32 to vector<16xf32>
    %mul3A_325 = arith.mulf %mul3A_322, %mul3A_324 : vector<16xf32>
    %add3A_326 = arith.constant 4.000000e-01 : f32
    %add3A_327 = vector.broadcast %add3A_326 : f32 to vector<16xf32>
    %add3A_328 = arith.addf %add3A_327, %mul3A_325 : vector<16xf32>
    %mul3A_329 = arith.mulf %mul3A_322, %add3A_328 : vector<16xf32>
    %add3A_330 = arith.constant 0.666666686 : f32
    %add3A_331 = vector.broadcast %add3A_330 : f32 to vector<16xf32>
    %add3A_332 = arith.addf %add3A_331, %mul3A_329 : vector<16xf32>
    %mul3A_333 = arith.mulf %mul3A_322, %add3A_332 : vector<16xf32>
    %add3A_334 = arith.constant 2.000000e+00 : f32
    %add3A_335 = vector.broadcast %add3A_334 : f32 to vector<16xf32>
    %add3A_336 = arith.addf %add3A_335, %mul3A_333 : vector<16xf32>
    %mul3A_337 = arith.mulf %div3A_321, %add3A_336 : vector<16xf32>
    %sub3A_338 = arith.subf %sub3A_310, %mul3A_337 : vector<16xf32>
    %swap3A_339 = arith.constant 32 : index
    %swap3A_340 = tpu.vector_load %arg10[%swap3A_339] {strides = array<i32>} : memref<256xf32, #tpu.memory_space<vmem>>, vector<16xf32>,
    tpu.vector_store %arg10[%swap3A_339], %sub3A_338 {strides = array<i32>} : memref<256xf32, #tpu.memory_space<vmem>>, vector<16xf32>,
    %sub3A_341 = arith.subf %sub3A_311, %mul3A_337 : vector<16xf32>
    %swap3A_342 = arith.constant 160 : index
    %swap3A_343 = tpu.vector_load %arg10[%swap3A_342] {strides = array<i32>} : memref<256xf32, #tpu.memory_space<vmem>>, vector<16xf32>,
    tpu.vector_store %arg10[%swap3A_342], %sub3A_341 {strides = array<i32>} : memref<256xf32, #tpu.memory_space<vmem>>, vector<16xf32>,
    %parallel_loop3A_344 = arith.constant 0 : i32
    %parallel_loop3A_345 = arith.constant 25 : i32
    %parallel_loop3A_346 = arith.constant 1 : i32
    %parallel_loop3A_347:8 = scf.for %parallel_loop3A_701 = %parallel_loop3A_344 to %parallel_loop3A_345 step %parallel_loop3A_346 iter_args(%parallel_loop3A_702 = %broadcast_in_dim3A_21, %parallel_loop3A_703 = %broadcast_in_dim3A_21, %parallel_loop3A_704 = %broadcast_in_dim3A_21, %parallel_loop3A_705 = %broadcast_in_dim3A_21, %parallel_loop3A_706 = %broadcast_in_dim3A_21, %parallel_loop3A_707 = %broadcast_in_dim3A_21, %parallel_loop3A_708 = %broadcast_in_dim3A_21, %parallel_loop3A_709 = %broadcast_in_dim3A_21) -> (vector<16xf32>, vector<16xf32>, vector<16xf32>, vector<16xf32>, vector<16xf32>, vector<16xf32>, vector<16xf32>, vector<16xf32>)  : i32 {
      %parallel_loop3A_710 = arith.constant 0 : i32
      %parallel_loop3A_711 = arith.index_cast %parallel_loop3A_701 : i32 to index
      %parallel_loop3A_712 = arith.index_cast %parallel_loop3A_710 : i32 to index
      %parallel_loop3A_713 = arith.constant 48 : index
      %parallel_loop3A_714 = tpu.vector_load %arg8[%parallel_loop3A_711, %parallel_loop3A_712, %parallel_loop3A_713] {strides = array<i32>} : memref<25x8x128xi32, #tpu.memory_space<vmem>>, vector<16xi32>,
      %parallel_loop3A_715 = arith.constant 1024 : i32
      %parallel_loop3A_716 = vector.broadcast %parallel_loop3A_715 : i32 to vector<16xi32>
      %parallel_loop3A_717 = arith.addi %parallel_loop3A_714, %parallel_loop3A_716 : vector<16xi32>
      %parallel_loop3A_718 = tpu.vector_load_idx %arg6[%parallel_loop3A_717] : memref<2048xi32, #tpu.memory_space<vmem>>[vector<16xi32>], vector<16xi32>,
      %parallel_loop3A_719 = arith.constant 16 : i32
      %parallel_loop3A_720 = vector.broadcast %parallel_loop3A_719 : i32 to vector<16xi32>
      %parallel_loop3A_721 = arith.shli %parallel_loop3A_718, %parallel_loop3A_720 : vector<16xi32>
      %parallel_loop3A_722 = vector.bitcast %parallel_loop3A_721 : vector<16xi32> to vector<16xf32>
      %parallel_loop3A_723 = arith.addf %parallel_loop3A_702, %parallel_loop3A_722 : vector<16xf32>
      %parallel_loop3A_724 = arith.andi %parallel_loop3A_718, %broadcast_in_dim3A_19 : vector<16xi32>
      %parallel_loop3A_725 = vector.bitcast %parallel_loop3A_724 : vector<16xi32> to vector<16xf32>
      %parallel_loop3A_726 = arith.addf %parallel_loop3A_703, %parallel_loop3A_725 : vector<16xf32>
      %parallel_loop3A_727 = arith.constant 1 : i32
      %parallel_loop3A_728 = arith.index_cast %parallel_loop3A_701 : i32 to index
      %parallel_loop3A_729 = arith.index_cast %parallel_loop3A_727 : i32 to index
      %parallel_loop3A_730 = arith.constant 48 : index
      %parallel_loop3A_731 = tpu.vector_load %arg8[%parallel_loop3A_728, %parallel_loop3A_729, %parallel_loop3A_730] {strides = array<i32>} : memref<25x8x128xi32, #tpu.memory_space<vmem>>, vector<16xi32>,
      %parallel_loop3A_732 = arith.constant 1024 : i32
      %parallel_loop3A_733 = vector.broadcast %parallel_loop3A_732 : i32 to vector<16xi32>
      %parallel_loop3A_734 = arith.addi %parallel_loop3A_731, %parallel_loop3A_733 : vector<16xi32>
      %parallel_loop3A_735 = tpu.vector_load_idx %arg6[%parallel_loop3A_734] : memref<2048xi32, #tpu.memory_space<vmem>>[vector<16xi32>], vector<16xi32>,
      %parallel_loop3A_736 = arith.constant 16 : i32
      %parallel_loop3A_737 = vector.broadcast %parallel_loop3A_736 : i32 to vector<16xi32>
      %parallel_loop3A_738 = arith.shli %parallel_loop3A_735, %parallel_loop3A_737 : vector<16xi32>
      %parallel_loop3A_739 = vector.bitcast %parallel_loop3A_738 : vector<16xi32> to vector<16xf32>
      %parallel_loop3A_740 = arith.addf %parallel_loop3A_704, %parallel_loop3A_739 : vector<16xf32>
      %parallel_loop3A_741 = arith.andi %parallel_loop3A_735, %broadcast_in_dim3A_19 : vector<16xi32>
      %parallel_loop3A_742 = vector.bitcast %parallel_loop3A_741 : vector<16xi32> to vector<16xf32>
      %parallel_loop3A_743 = arith.addf %parallel_loop3A_705, %parallel_loop3A_742 : vector<16xf32>
      %parallel_loop3A_744 = arith.constant 2 : i32
      %parallel_loop3A_745 = arith.index_cast %parallel_loop3A_701 : i32 to index
      %parallel_loop3A_746 = arith.index_cast %parallel_loop3A_744 : i32 to index
      %parallel_loop3A_747 = arith.constant 48 : index
      %parallel_loop3A_748 = tpu.vector_load %arg8[%parallel_loop3A_745, %parallel_loop3A_746, %parallel_loop3A_747] {strides = array<i32>} : memref<25x8x128xi32, #tpu.memory_space<vmem>>, vector<16xi32>,
      %parallel_loop3A_749 = arith.constant 1024 : i32
      %parallel_loop3A_750 = vector.broadcast %parallel_loop3A_749 : i32 to vector<16xi32>
      %parallel_loop3A_751 = arith.addi %parallel_loop3A_748, %parallel_loop3A_750 : vector<16xi32>
      %parallel_loop3A_752 = tpu.vector_load_idx %arg6[%parallel_loop3A_751] : memref<2048xi32, #tpu.memory_space<vmem>>[vector<16xi32>], vector<16xi32>,
      %parallel_loop3A_753 = arith.constant 16 : i32
      %parallel_loop3A_754 = vector.broadcast %parallel_loop3A_753 : i32 to vector<16xi32>
      %parallel_loop3A_755 = arith.shli %parallel_loop3A_752, %parallel_loop3A_754 : vector<16xi32>
      %parallel_loop3A_756 = vector.bitcast %parallel_loop3A_755 : vector<16xi32> to vector<16xf32>
      %parallel_loop3A_757 = arith.addf %parallel_loop3A_706, %parallel_loop3A_756 : vector<16xf32>
      %parallel_loop3A_758 = arith.andi %parallel_loop3A_752, %broadcast_in_dim3A_19 : vector<16xi32>
      %parallel_loop3A_759 = vector.bitcast %parallel_loop3A_758 : vector<16xi32> to vector<16xf32>
      %parallel_loop3A_760 = arith.addf %parallel_loop3A_707, %parallel_loop3A_759 : vector<16xf32>
      %parallel_loop3A_761 = arith.constant 3 : i32
      %parallel_loop3A_762 = arith.index_cast %parallel_loop3A_701 : i32 to index
      %parallel_loop3A_763 = arith.index_cast %parallel_loop3A_761 : i32 to index
      %parallel_loop3A_764 = arith.constant 48 : index
      %parallel_loop3A_765 = tpu.vector_load %arg8[%parallel_loop3A_762, %parallel_loop3A_763, %parallel_loop3A_764] {strides = array<i32>} : memref<25x8x128xi32, #tpu.memory_space<vmem>>, vector<16xi32>,
      %parallel_loop3A_766 = arith.constant 1024 : i32
      %parallel_loop3A_767 = vector.broadcast %parallel_loop3A_766 : i32 to vector<16xi32>
      %parallel_loop3A_768 = arith.addi %parallel_loop3A_765, %parallel_loop3A_767 : vector<16xi32>
      %parallel_loop3A_769 = tpu.vector_load_idx %arg6[%parallel_loop3A_768] : memref<2048xi32, #tpu.memory_space<vmem>>[vector<16xi32>], vector<16xi32>,
      %parallel_loop3A_770 = arith.constant 16 : i32
      %parallel_loop3A_771 = vector.broadcast %parallel_loop3A_770 : i32 to vector<16xi32>
      %parallel_loop3A_772 = arith.shli %parallel_loop3A_769, %parallel_loop3A_771 : vector<16xi32>
      %parallel_loop3A_773 = vector.bitcast %parallel_loop3A_772 : vector<16xi32> to vector<16xf32>
      %parallel_loop3A_774 = arith.addf %parallel_loop3A_708, %parallel_loop3A_773 : vector<16xf32>
      %parallel_loop3A_775 = arith.andi %parallel_loop3A_769, %broadcast_in_dim3A_19 : vector<16xi32>
      %parallel_loop3A_776 = vector.bitcast %parallel_loop3A_775 : vector<16xi32> to vector<16xf32>
      %parallel_loop3A_777 = arith.addf %parallel_loop3A_709, %parallel_loop3A_776 : vector<16xf32>
      %parallel_loop3A_778 = arith.constant 4 : i32
      %parallel_loop3A_779 = arith.index_cast %parallel_loop3A_701 : i32 to index
      %parallel_loop3A_780 = arith.index_cast %parallel_loop3A_778 : i32 to index
      %parallel_loop3A_781 = arith.constant 48 : index
      %parallel_loop3A_782 = tpu.vector_load %arg8[%parallel_loop3A_779, %parallel_loop3A_780, %parallel_loop3A_781] {strides = array<i32>} : memref<25x8x128xi32, #tpu.memory_space<vmem>>, vector<16xi32>,
      %parallel_loop3A_783 = arith.constant 1024 : i32
      %parallel_loop3A_784 = vector.broadcast %parallel_loop3A_783 : i32 to vector<16xi32>
      %parallel_loop3A_785 = arith.addi %parallel_loop3A_782, %parallel_loop3A_784 : vector<16xi32>
      %parallel_loop3A_786 = tpu.vector_load_idx %arg6[%parallel_loop3A_785] : memref<2048xi32, #tpu.memory_space<vmem>>[vector<16xi32>], vector<16xi32>,
      %parallel_loop3A_787 = arith.constant 16 : i32
      %parallel_loop3A_788 = vector.broadcast %parallel_loop3A_787 : i32 to vector<16xi32>
      %parallel_loop3A_789 = arith.shli %parallel_loop3A_786, %parallel_loop3A_788 : vector<16xi32>
      %parallel_loop3A_790 = vector.bitcast %parallel_loop3A_789 : vector<16xi32> to vector<16xf32>
      %parallel_loop3A_791 = arith.addf %parallel_loop3A_723, %parallel_loop3A_790 : vector<16xf32>
      %parallel_loop3A_792 = arith.andi %parallel_loop3A_786, %broadcast_in_dim3A_19 : vector<16xi32>
      %parallel_loop3A_793 = vector.bitcast %parallel_loop3A_792 : vector<16xi32> to vector<16xf32>
      %parallel_loop3A_794 = arith.addf %parallel_loop3A_726, %parallel_loop3A_793 : vector<16xf32>
      %parallel_loop3A_795 = arith.constant 5 : i32
      %parallel_loop3A_796 = arith.index_cast %parallel_loop3A_701 : i32 to index
      %parallel_loop3A_797 = arith.index_cast %parallel_loop3A_795 : i32 to index
      %parallel_loop3A_798 = arith.constant 48 : index
      %parallel_loop3A_799 = tpu.vector_load %arg8[%parallel_loop3A_796, %parallel_loop3A_797, %parallel_loop3A_798] {strides = array<i32>} : memref<25x8x128xi32, #tpu.memory_space<vmem>>, vector<16xi32>,
      %parallel_loop3A_800 = arith.constant 1024 : i32
      %parallel_loop3A_801 = vector.broadcast %parallel_loop3A_800 : i32 to vector<16xi32>
      %parallel_loop3A_802 = arith.addi %parallel_loop3A_799, %parallel_loop3A_801 : vector<16xi32>
      %parallel_loop3A_803 = tpu.vector_load_idx %arg6[%parallel_loop3A_802] : memref<2048xi32, #tpu.memory_space<vmem>>[vector<16xi32>], vector<16xi32>,
      %parallel_loop3A_804 = arith.constant 16 : i32
      %parallel_loop3A_805 = vector.broadcast %parallel_loop3A_804 : i32 to vector<16xi32>
      %parallel_loop3A_806 = arith.shli %parallel_loop3A_803, %parallel_loop3A_805 : vector<16xi32>
      %parallel_loop3A_807 = vector.bitcast %parallel_loop3A_806 : vector<16xi32> to vector<16xf32>
      %parallel_loop3A_808 = arith.addf %parallel_loop3A_740, %parallel_loop3A_807 : vector<16xf32>
      %parallel_loop3A_809 = arith.andi %parallel_loop3A_803, %broadcast_in_dim3A_19 : vector<16xi32>
      %parallel_loop3A_810 = vector.bitcast %parallel_loop3A_809 : vector<16xi32> to vector<16xf32>
      %parallel_loop3A_811 = arith.addf %parallel_loop3A_743, %parallel_loop3A_810 : vector<16xf32>
      %parallel_loop3A_812 = arith.constant 6 : i32
      %parallel_loop3A_813 = arith.index_cast %parallel_loop3A_701 : i32 to index
      %parallel_loop3A_814 = arith.index_cast %parallel_loop3A_812 : i32 to index
      %parallel_loop3A_815 = arith.constant 48 : index
      %parallel_loop3A_816 = tpu.vector_load %arg8[%parallel_loop3A_813, %parallel_loop3A_814, %parallel_loop3A_815] {strides = array<i32>} : memref<25x8x128xi32, #tpu.memory_space<vmem>>, vector<16xi32>,
      %parallel_loop3A_817 = arith.constant 1024 : i32
      %parallel_loop3A_818 = vector.broadcast %parallel_loop3A_817 : i32 to vector<16xi32>
      %parallel_loop3A_819 = arith.addi %parallel_loop3A_816, %parallel_loop3A_818 : vector<16xi32>
      %parallel_loop3A_820 = tpu.vector_load_idx %arg6[%parallel_loop3A_819] : memref<2048xi32, #tpu.memory_space<vmem>>[vector<16xi32>], vector<16xi32>,
      %parallel_loop3A_821 = arith.constant 16 : i32
      %parallel_loop3A_822 = vector.broadcast %parallel_loop3A_821 : i32 to vector<16xi32>
      %parallel_loop3A_823 = arith.shli %parallel_loop3A_820, %parallel_loop3A_822 : vector<16xi32>
      %parallel_loop3A_824 = vector.bitcast %parallel_loop3A_823 : vector<16xi32> to vector<16xf32>
      %parallel_loop3A_825 = arith.addf %parallel_loop3A_757, %parallel_loop3A_824 : vector<16xf32>
      %parallel_loop3A_826 = arith.andi %parallel_loop3A_820, %broadcast_in_dim3A_19 : vector<16xi32>
      %parallel_loop3A_827 = vector.bitcast %parallel_loop3A_826 : vector<16xi32> to vector<16xf32>
      %parallel_loop3A_828 = arith.addf %parallel_loop3A_760, %parallel_loop3A_827 : vector<16xf32>
      %parallel_loop3A_829 = arith.constant 7 : i32
      %parallel_loop3A_830 = arith.index_cast %parallel_loop3A_701 : i32 to index
      %parallel_loop3A_831 = arith.index_cast %parallel_loop3A_829 : i32 to index
      %parallel_loop3A_832 = arith.constant 48 : index
      %parallel_loop3A_833 = tpu.vector_load %arg8[%parallel_loop3A_830, %parallel_loop3A_831, %parallel_loop3A_832] {strides = array<i32>} : memref<25x8x128xi32, #tpu.memory_space<vmem>>, vector<16xi32>,
      %parallel_loop3A_834 = arith.constant 1024 : i32
      %parallel_loop3A_835 = vector.broadcast %parallel_loop3A_834 : i32 to vector<16xi32>
      %parallel_loop3A_836 = arith.addi %parallel_loop3A_833, %parallel_loop3A_835 : vector<16xi32>
      %parallel_loop3A_837 = tpu.vector_load_idx %arg6[%parallel_loop3A_836] : memref<2048xi32, #tpu.memory_space<vmem>>[vector<16xi32>], vector<16xi32>,
      %parallel_loop3A_838 = arith.constant 16 : i32
      %parallel_loop3A_839 = vector.broadcast %parallel_loop3A_838 : i32 to vector<16xi32>
      %parallel_loop3A_840 = arith.shli %parallel_loop3A_837, %parallel_loop3A_839 : vector<16xi32>
      %parallel_loop3A_841 = vector.bitcast %parallel_loop3A_840 : vector<16xi32> to vector<16xf32>
      %parallel_loop3A_842 = arith.addf %parallel_loop3A_774, %parallel_loop3A_841 : vector<16xf32>
      %parallel_loop3A_843 = arith.andi %parallel_loop3A_837, %broadcast_in_dim3A_19 : vector<16xi32>
      %parallel_loop3A_844 = vector.bitcast %parallel_loop3A_843 : vector<16xi32> to vector<16xf32>
      %parallel_loop3A_845 = arith.addf %parallel_loop3A_777, %parallel_loop3A_844 : vector<16xf32>
      scf.yield %parallel_loop3A_791, %parallel_loop3A_794, %parallel_loop3A_808, %parallel_loop3A_811, %parallel_loop3A_825, %parallel_loop3A_828, %parallel_loop3A_842, %parallel_loop3A_845 : vector<16xf32>, vector<16xf32>, vector<16xf32>, vector<16xf32>, vector<16xf32>, vector<16xf32>, vector<16xf32>, vector<16xf32>
    } {sc.loop_unroll_factor = 2 : i64, sc.parallel_access}
    %add3A_348 = arith.addf %parallel_loop3A_347#0, %parallel_loop3A_347#2 : vector<16xf32>
    %add3A_349 = arith.addf %parallel_loop3A_347#4, %parallel_loop3A_347#6 : vector<16xf32>
    %add3A_350 = arith.addf %add3A_348, %add3A_349 : vector<16xf32>
    %get3A_351 = arith.constant 48 : index
    %get3A_352 = tpu.vector_load %arg9[%get3A_351] {strides = array<i32>} : memref<256xf32, #tpu.memory_space<vmem>>, vector<16xf32>,
    %add3A_353 = arith.addf %add3A_350, %get3A_352 : vector<16xf32>
    %add3A_354 = arith.addf %parallel_loop3A_347#1, %parallel_loop3A_347#3 : vector<16xf32>
    %add3A_355 = arith.addf %parallel_loop3A_347#5, %parallel_loop3A_347#7 : vector<16xf32>
    %add3A_356 = arith.addf %add3A_354, %add3A_355 : vector<16xf32>
    %get3A_357 = arith.constant 176 : index
    %get3A_358 = tpu.vector_load %arg9[%get3A_357] {strides = array<i32>} : memref<256xf32, #tpu.memory_space<vmem>>, vector<16xf32>,
    %add3A_359 = arith.addf %add3A_356, %get3A_358 : vector<16xf32>
    %mul3A_360 = arith.constant 5.000000e-03 : f32
    %mul3A_361 = vector.broadcast %mul3A_360 : f32 to vector<16xf32>
    %mul3A_362 = arith.mulf %add3A_353, %mul3A_361 : vector<16xf32>
    %mul3A_363 = arith.constant 5.000000e-03 : f32
    %mul3A_364 = vector.broadcast %mul3A_363 : f32 to vector<16xf32>
    %mul3A_365 = arith.mulf %add3A_359, %mul3A_364 : vector<16xf32>
    %ge3A_366 = arith.constant 0.000000e+00 : f32
    %ge3A_367 = vector.broadcast %ge3A_366 : f32 to vector<16xf32>
    %ge3A_368 = arith.cmpf oge, %mul3A_362, %ge3A_367 : vector<16xf32>
    %mul3A_369 = arith.constant 0.00999999977 : f32
    %mul3A_370 = vector.broadcast %mul3A_369 : f32 to vector<16xf32>
    %mul3A_371 = arith.mulf %mul3A_370, %mul3A_362 : vector<16xf32>
    %select_n3A_372 = arith.select %ge3A_368, %mul3A_362, %mul3A_371 : vector<16xi1>, vector<16xf32>
    %ge3A_373 = arith.constant 0.000000e+00 : f32
    %ge3A_374 = vector.broadcast %ge3A_373 : f32 to vector<16xf32>
    %ge3A_375 = arith.cmpf oge, %mul3A_365, %ge3A_374 : vector<16xf32>
    %mul3A_376 = arith.constant 0.00999999977 : f32
    %mul3A_377 = vector.broadcast %mul3A_376 : f32 to vector<16xf32>
    %mul3A_378 = arith.mulf %mul3A_377, %mul3A_365 : vector<16xf32>
    %select_n3A_379 = arith.select %ge3A_375, %mul3A_365, %mul3A_378 : vector<16xi1>, vector<16xf32>
    %max3A_380 = arith.maximumf %select_n3A_372, %select_n3A_379 : vector<16xf32>
    %sub3A_381 = arith.subf %select_n3A_372, %max3A_380 : vector<16xf32>
    %sub3A_382 = arith.subf %select_n3A_379, %max3A_380 : vector<16xf32>
    %exp3A_383 = math.exp %sub3A_381 : vector<16xf32>
    %exp3A_384 = math.exp %sub3A_382 : vector<16xf32>
    %add3A_385 = arith.addf %exp3A_383, %exp3A_384 : vector<16xf32>
    %sub3A_386 = arith.constant 1.000000e+00 : f32
    %sub3A_387 = vector.broadcast %sub3A_386 : f32 to vector<16xf32>
    %sub3A_388 = arith.subf %add3A_385, %sub3A_387 : vector<16xf32>
    %add3A_389 = arith.constant 1.000000e+00 : f32
    %add3A_390 = vector.broadcast %add3A_389 : f32 to vector<16xf32>
    %add3A_391 = arith.addf %add3A_385, %add3A_390 : vector<16xf32>
    %div3A_392 = arith.divf %sub3A_388, %add3A_391 : vector<16xf32>
    %mul3A_393 = arith.mulf %div3A_392, %div3A_392 : vector<16xf32>
    %mul3A_394 = arith.constant 0.285714298 : f32
    %mul3A_395 = vector.broadcast %mul3A_394 : f32 to vector<16xf32>
    %mul3A_396 = arith.mulf %mul3A_393, %mul3A_395 : vector<16xf32>
    %add3A_397 = arith.constant 4.000000e-01 : f32
    %add3A_398 = vector.broadcast %add3A_397 : f32 to vector<16xf32>
    %add3A_399 = arith.addf %add3A_398, %mul3A_396 : vector<16xf32>
    %mul3A_400 = arith.mulf %mul3A_393, %add3A_399 : vector<16xf32>
    %add3A_401 = arith.constant 0.666666686 : f32
    %add3A_402 = vector.broadcast %add3A_401 : f32 to vector<16xf32>
    %add3A_403 = arith.addf %add3A_402, %mul3A_400 : vector<16xf32>
    %mul3A_404 = arith.mulf %mul3A_393, %add3A_403 : vector<16xf32>
    %add3A_405 = arith.constant 2.000000e+00 : f32
    %add3A_406 = vector.broadcast %add3A_405 : f32 to vector<16xf32>
    %add3A_407 = arith.addf %add3A_406, %mul3A_404 : vector<16xf32>
    %mul3A_408 = arith.mulf %div3A_392, %add3A_407 : vector<16xf32>
    %sub3A_409 = arith.subf %sub3A_381, %mul3A_408 : vector<16xf32>
    %swap3A_410 = arith.constant 48 : index
    %swap3A_411 = tpu.vector_load %arg10[%swap3A_410] {strides = array<i32>} : memref<256xf32, #tpu.memory_space<vmem>>, vector<16xf32>,
    tpu.vector_store %arg10[%swap3A_410], %sub3A_409 {strides = array<i32>} : memref<256xf32, #tpu.memory_space<vmem>>, vector<16xf32>,
    %sub3A_412 = arith.subf %sub3A_382, %mul3A_408 : vector<16xf32>
    %swap3A_413 = arith.constant 176 : index
    %swap3A_414 = tpu.vector_load %arg10[%swap3A_413] {strides = array<i32>} : memref<256xf32, #tpu.memory_space<vmem>>, vector<16xf32>,
    tpu.vector_store %arg10[%swap3A_413], %sub3A_412 {strides = array<i32>} : memref<256xf32, #tpu.memory_space<vmem>>, vector<16xf32>,
    %parallel_loop3A_415 = arith.constant 0 : i32
    %parallel_loop3A_416 = arith.constant 25 : i32
    %parallel_loop3A_417 = arith.constant 1 : i32
    %parallel_loop3A_418:8 = scf.for %parallel_loop3A_701 = %parallel_loop3A_415 to %parallel_loop3A_416 step %parallel_loop3A_417 iter_args(%parallel_loop3A_702 = %broadcast_in_dim3A_21, %parallel_loop3A_703 = %broadcast_in_dim3A_21, %parallel_loop3A_704 = %broadcast_in_dim3A_21, %parallel_loop3A_705 = %broadcast_in_dim3A_21, %parallel_loop3A_706 = %broadcast_in_dim3A_21, %parallel_loop3A_707 = %broadcast_in_dim3A_21, %parallel_loop3A_708 = %broadcast_in_dim3A_21, %parallel_loop3A_709 = %broadcast_in_dim3A_21) -> (vector<16xf32>, vector<16xf32>, vector<16xf32>, vector<16xf32>, vector<16xf32>, vector<16xf32>, vector<16xf32>, vector<16xf32>)  : i32 {
      %parallel_loop3A_710 = arith.constant 0 : i32
      %parallel_loop3A_711 = arith.index_cast %parallel_loop3A_701 : i32 to index
      %parallel_loop3A_712 = arith.index_cast %parallel_loop3A_710 : i32 to index
      %parallel_loop3A_713 = arith.constant 64 : index
      %parallel_loop3A_714 = tpu.vector_load %arg8[%parallel_loop3A_711, %parallel_loop3A_712, %parallel_loop3A_713] {strides = array<i32>} : memref<25x8x128xi32, #tpu.memory_space<vmem>>, vector<16xi32>,
      %parallel_loop3A_715 = arith.constant 1024 : i32
      %parallel_loop3A_716 = vector.broadcast %parallel_loop3A_715 : i32 to vector<16xi32>
      %parallel_loop3A_717 = arith.addi %parallel_loop3A_714, %parallel_loop3A_716 : vector<16xi32>
      %parallel_loop3A_718 = tpu.vector_load_idx %arg6[%parallel_loop3A_717] : memref<2048xi32, #tpu.memory_space<vmem>>[vector<16xi32>], vector<16xi32>,
      %parallel_loop3A_719 = arith.constant 16 : i32
      %parallel_loop3A_720 = vector.broadcast %parallel_loop3A_719 : i32 to vector<16xi32>
      %parallel_loop3A_721 = arith.shli %parallel_loop3A_718, %parallel_loop3A_720 : vector<16xi32>
      %parallel_loop3A_722 = vector.bitcast %parallel_loop3A_721 : vector<16xi32> to vector<16xf32>
      %parallel_loop3A_723 = arith.addf %parallel_loop3A_702, %parallel_loop3A_722 : vector<16xf32>
      %parallel_loop3A_724 = arith.andi %parallel_loop3A_718, %broadcast_in_dim3A_19 : vector<16xi32>
      %parallel_loop3A_725 = vector.bitcast %parallel_loop3A_724 : vector<16xi32> to vector<16xf32>
      %parallel_loop3A_726 = arith.addf %parallel_loop3A_703, %parallel_loop3A_725 : vector<16xf32>
      %parallel_loop3A_727 = arith.constant 1 : i32
      %parallel_loop3A_728 = arith.index_cast %parallel_loop3A_701 : i32 to index
      %parallel_loop3A_729 = arith.index_cast %parallel_loop3A_727 : i32 to index
      %parallel_loop3A_730 = arith.constant 64 : index
      %parallel_loop3A_731 = tpu.vector_load %arg8[%parallel_loop3A_728, %parallel_loop3A_729, %parallel_loop3A_730] {strides = array<i32>} : memref<25x8x128xi32, #tpu.memory_space<vmem>>, vector<16xi32>,
      %parallel_loop3A_732 = arith.constant 1024 : i32
      %parallel_loop3A_733 = vector.broadcast %parallel_loop3A_732 : i32 to vector<16xi32>
      %parallel_loop3A_734 = arith.addi %parallel_loop3A_731, %parallel_loop3A_733 : vector<16xi32>
      %parallel_loop3A_735 = tpu.vector_load_idx %arg6[%parallel_loop3A_734] : memref<2048xi32, #tpu.memory_space<vmem>>[vector<16xi32>], vector<16xi32>,
      %parallel_loop3A_736 = arith.constant 16 : i32
      %parallel_loop3A_737 = vector.broadcast %parallel_loop3A_736 : i32 to vector<16xi32>
      %parallel_loop3A_738 = arith.shli %parallel_loop3A_735, %parallel_loop3A_737 : vector<16xi32>
      %parallel_loop3A_739 = vector.bitcast %parallel_loop3A_738 : vector<16xi32> to vector<16xf32>
      %parallel_loop3A_740 = arith.addf %parallel_loop3A_704, %parallel_loop3A_739 : vector<16xf32>
      %parallel_loop3A_741 = arith.andi %parallel_loop3A_735, %broadcast_in_dim3A_19 : vector<16xi32>
      %parallel_loop3A_742 = vector.bitcast %parallel_loop3A_741 : vector<16xi32> to vector<16xf32>
      %parallel_loop3A_743 = arith.addf %parallel_loop3A_705, %parallel_loop3A_742 : vector<16xf32>
      %parallel_loop3A_744 = arith.constant 2 : i32
      %parallel_loop3A_745 = arith.index_cast %parallel_loop3A_701 : i32 to index
      %parallel_loop3A_746 = arith.index_cast %parallel_loop3A_744 : i32 to index
      %parallel_loop3A_747 = arith.constant 64 : index
      %parallel_loop3A_748 = tpu.vector_load %arg8[%parallel_loop3A_745, %parallel_loop3A_746, %parallel_loop3A_747] {strides = array<i32>} : memref<25x8x128xi32, #tpu.memory_space<vmem>>, vector<16xi32>,
      %parallel_loop3A_749 = arith.constant 1024 : i32
      %parallel_loop3A_750 = vector.broadcast %parallel_loop3A_749 : i32 to vector<16xi32>
      %parallel_loop3A_751 = arith.addi %parallel_loop3A_748, %parallel_loop3A_750 : vector<16xi32>
      %parallel_loop3A_752 = tpu.vector_load_idx %arg6[%parallel_loop3A_751] : memref<2048xi32, #tpu.memory_space<vmem>>[vector<16xi32>], vector<16xi32>,
      %parallel_loop3A_753 = arith.constant 16 : i32
      %parallel_loop3A_754 = vector.broadcast %parallel_loop3A_753 : i32 to vector<16xi32>
      %parallel_loop3A_755 = arith.shli %parallel_loop3A_752, %parallel_loop3A_754 : vector<16xi32>
      %parallel_loop3A_756 = vector.bitcast %parallel_loop3A_755 : vector<16xi32> to vector<16xf32>
      %parallel_loop3A_757 = arith.addf %parallel_loop3A_706, %parallel_loop3A_756 : vector<16xf32>
      %parallel_loop3A_758 = arith.andi %parallel_loop3A_752, %broadcast_in_dim3A_19 : vector<16xi32>
      %parallel_loop3A_759 = vector.bitcast %parallel_loop3A_758 : vector<16xi32> to vector<16xf32>
      %parallel_loop3A_760 = arith.addf %parallel_loop3A_707, %parallel_loop3A_759 : vector<16xf32>
      %parallel_loop3A_761 = arith.constant 3 : i32
      %parallel_loop3A_762 = arith.index_cast %parallel_loop3A_701 : i32 to index
      %parallel_loop3A_763 = arith.index_cast %parallel_loop3A_761 : i32 to index
      %parallel_loop3A_764 = arith.constant 64 : index
      %parallel_loop3A_765 = tpu.vector_load %arg8[%parallel_loop3A_762, %parallel_loop3A_763, %parallel_loop3A_764] {strides = array<i32>} : memref<25x8x128xi32, #tpu.memory_space<vmem>>, vector<16xi32>,
      %parallel_loop3A_766 = arith.constant 1024 : i32
      %parallel_loop3A_767 = vector.broadcast %parallel_loop3A_766 : i32 to vector<16xi32>
      %parallel_loop3A_768 = arith.addi %parallel_loop3A_765, %parallel_loop3A_767 : vector<16xi32>
      %parallel_loop3A_769 = tpu.vector_load_idx %arg6[%parallel_loop3A_768] : memref<2048xi32, #tpu.memory_space<vmem>>[vector<16xi32>], vector<16xi32>,
      %parallel_loop3A_770 = arith.constant 16 : i32
      %parallel_loop3A_771 = vector.broadcast %parallel_loop3A_770 : i32 to vector<16xi32>
      %parallel_loop3A_772 = arith.shli %parallel_loop3A_769, %parallel_loop3A_771 : vector<16xi32>
      %parallel_loop3A_773 = vector.bitcast %parallel_loop3A_772 : vector<16xi32> to vector<16xf32>
      %parallel_loop3A_774 = arith.addf %parallel_loop3A_708, %parallel_loop3A_773 : vector<16xf32>
      %parallel_loop3A_775 = arith.andi %parallel_loop3A_769, %broadcast_in_dim3A_19 : vector<16xi32>
      %parallel_loop3A_776 = vector.bitcast %parallel_loop3A_775 : vector<16xi32> to vector<16xf32>
      %parallel_loop3A_777 = arith.addf %parallel_loop3A_709, %parallel_loop3A_776 : vector<16xf32>
      %parallel_loop3A_778 = arith.constant 4 : i32
      %parallel_loop3A_779 = arith.index_cast %parallel_loop3A_701 : i32 to index
      %parallel_loop3A_780 = arith.index_cast %parallel_loop3A_778 : i32 to index
      %parallel_loop3A_781 = arith.constant 64 : index
      %parallel_loop3A_782 = tpu.vector_load %arg8[%parallel_loop3A_779, %parallel_loop3A_780, %parallel_loop3A_781] {strides = array<i32>} : memref<25x8x128xi32, #tpu.memory_space<vmem>>, vector<16xi32>,
      %parallel_loop3A_783 = arith.constant 1024 : i32
      %parallel_loop3A_784 = vector.broadcast %parallel_loop3A_783 : i32 to vector<16xi32>
      %parallel_loop3A_785 = arith.addi %parallel_loop3A_782, %parallel_loop3A_784 : vector<16xi32>
      %parallel_loop3A_786 = tpu.vector_load_idx %arg6[%parallel_loop3A_785] : memref<2048xi32, #tpu.memory_space<vmem>>[vector<16xi32>], vector<16xi32>,
      %parallel_loop3A_787 = arith.constant 16 : i32
      %parallel_loop3A_788 = vector.broadcast %parallel_loop3A_787 : i32 to vector<16xi32>
      %parallel_loop3A_789 = arith.shli %parallel_loop3A_786, %parallel_loop3A_788 : vector<16xi32>
      %parallel_loop3A_790 = vector.bitcast %parallel_loop3A_789 : vector<16xi32> to vector<16xf32>
      %parallel_loop3A_791 = arith.addf %parallel_loop3A_723, %parallel_loop3A_790 : vector<16xf32>
      %parallel_loop3A_792 = arith.andi %parallel_loop3A_786, %broadcast_in_dim3A_19 : vector<16xi32>
      %parallel_loop3A_793 = vector.bitcast %parallel_loop3A_792 : vector<16xi32> to vector<16xf32>
      %parallel_loop3A_794 = arith.addf %parallel_loop3A_726, %parallel_loop3A_793 : vector<16xf32>
      %parallel_loop3A_795 = arith.constant 5 : i32
      %parallel_loop3A_796 = arith.index_cast %parallel_loop3A_701 : i32 to index
      %parallel_loop3A_797 = arith.index_cast %parallel_loop3A_795 : i32 to index
      %parallel_loop3A_798 = arith.constant 64 : index
      %parallel_loop3A_799 = tpu.vector_load %arg8[%parallel_loop3A_796, %parallel_loop3A_797, %parallel_loop3A_798] {strides = array<i32>} : memref<25x8x128xi32, #tpu.memory_space<vmem>>, vector<16xi32>,
      %parallel_loop3A_800 = arith.constant 1024 : i32
      %parallel_loop3A_801 = vector.broadcast %parallel_loop3A_800 : i32 to vector<16xi32>
      %parallel_loop3A_802 = arith.addi %parallel_loop3A_799, %parallel_loop3A_801 : vector<16xi32>
      %parallel_loop3A_803 = tpu.vector_load_idx %arg6[%parallel_loop3A_802] : memref<2048xi32, #tpu.memory_space<vmem>>[vector<16xi32>], vector<16xi32>,
      %parallel_loop3A_804 = arith.constant 16 : i32
      %parallel_loop3A_805 = vector.broadcast %parallel_loop3A_804 : i32 to vector<16xi32>
      %parallel_loop3A_806 = arith.shli %parallel_loop3A_803, %parallel_loop3A_805 : vector<16xi32>
      %parallel_loop3A_807 = vector.bitcast %parallel_loop3A_806 : vector<16xi32> to vector<16xf32>
      %parallel_loop3A_808 = arith.addf %parallel_loop3A_740, %parallel_loop3A_807 : vector<16xf32>
      %parallel_loop3A_809 = arith.andi %parallel_loop3A_803, %broadcast_in_dim3A_19 : vector<16xi32>
      %parallel_loop3A_810 = vector.bitcast %parallel_loop3A_809 : vector<16xi32> to vector<16xf32>
      %parallel_loop3A_811 = arith.addf %parallel_loop3A_743, %parallel_loop3A_810 : vector<16xf32>
      %parallel_loop3A_812 = arith.constant 6 : i32
      %parallel_loop3A_813 = arith.index_cast %parallel_loop3A_701 : i32 to index
      %parallel_loop3A_814 = arith.index_cast %parallel_loop3A_812 : i32 to index
      %parallel_loop3A_815 = arith.constant 64 : index
      %parallel_loop3A_816 = tpu.vector_load %arg8[%parallel_loop3A_813, %parallel_loop3A_814, %parallel_loop3A_815] {strides = array<i32>} : memref<25x8x128xi32, #tpu.memory_space<vmem>>, vector<16xi32>,
      %parallel_loop3A_817 = arith.constant 1024 : i32
      %parallel_loop3A_818 = vector.broadcast %parallel_loop3A_817 : i32 to vector<16xi32>
      %parallel_loop3A_819 = arith.addi %parallel_loop3A_816, %parallel_loop3A_818 : vector<16xi32>
      %parallel_loop3A_820 = tpu.vector_load_idx %arg6[%parallel_loop3A_819] : memref<2048xi32, #tpu.memory_space<vmem>>[vector<16xi32>], vector<16xi32>,
      %parallel_loop3A_821 = arith.constant 16 : i32
      %parallel_loop3A_822 = vector.broadcast %parallel_loop3A_821 : i32 to vector<16xi32>
      %parallel_loop3A_823 = arith.shli %parallel_loop3A_820, %parallel_loop3A_822 : vector<16xi32>
      %parallel_loop3A_824 = vector.bitcast %parallel_loop3A_823 : vector<16xi32> to vector<16xf32>
      %parallel_loop3A_825 = arith.addf %parallel_loop3A_757, %parallel_loop3A_824 : vector<16xf32>
      %parallel_loop3A_826 = arith.andi %parallel_loop3A_820, %broadcast_in_dim3A_19 : vector<16xi32>
      %parallel_loop3A_827 = vector.bitcast %parallel_loop3A_826 : vector<16xi32> to vector<16xf32>
      %parallel_loop3A_828 = arith.addf %parallel_loop3A_760, %parallel_loop3A_827 : vector<16xf32>
      %parallel_loop3A_829 = arith.constant 7 : i32
      %parallel_loop3A_830 = arith.index_cast %parallel_loop3A_701 : i32 to index
      %parallel_loop3A_831 = arith.index_cast %parallel_loop3A_829 : i32 to index
      %parallel_loop3A_832 = arith.constant 64 : index
      %parallel_loop3A_833 = tpu.vector_load %arg8[%parallel_loop3A_830, %parallel_loop3A_831, %parallel_loop3A_832] {strides = array<i32>} : memref<25x8x128xi32, #tpu.memory_space<vmem>>, vector<16xi32>,
      %parallel_loop3A_834 = arith.constant 1024 : i32
      %parallel_loop3A_835 = vector.broadcast %parallel_loop3A_834 : i32 to vector<16xi32>
      %parallel_loop3A_836 = arith.addi %parallel_loop3A_833, %parallel_loop3A_835 : vector<16xi32>
      %parallel_loop3A_837 = tpu.vector_load_idx %arg6[%parallel_loop3A_836] : memref<2048xi32, #tpu.memory_space<vmem>>[vector<16xi32>], vector<16xi32>,
      %parallel_loop3A_838 = arith.constant 16 : i32
      %parallel_loop3A_839 = vector.broadcast %parallel_loop3A_838 : i32 to vector<16xi32>
      %parallel_loop3A_840 = arith.shli %parallel_loop3A_837, %parallel_loop3A_839 : vector<16xi32>
      %parallel_loop3A_841 = vector.bitcast %parallel_loop3A_840 : vector<16xi32> to vector<16xf32>
      %parallel_loop3A_842 = arith.addf %parallel_loop3A_774, %parallel_loop3A_841 : vector<16xf32>
      %parallel_loop3A_843 = arith.andi %parallel_loop3A_837, %broadcast_in_dim3A_19 : vector<16xi32>
      %parallel_loop3A_844 = vector.bitcast %parallel_loop3A_843 : vector<16xi32> to vector<16xf32>
      %parallel_loop3A_845 = arith.addf %parallel_loop3A_777, %parallel_loop3A_844 : vector<16xf32>
      scf.yield %parallel_loop3A_791, %parallel_loop3A_794, %parallel_loop3A_808, %parallel_loop3A_811, %parallel_loop3A_825, %parallel_loop3A_828, %parallel_loop3A_842, %parallel_loop3A_845 : vector<16xf32>, vector<16xf32>, vector<16xf32>, vector<16xf32>, vector<16xf32>, vector<16xf32>, vector<16xf32>, vector<16xf32>
    } {sc.loop_unroll_factor = 2 : i64, sc.parallel_access}
    %add3A_419 = arith.addf %parallel_loop3A_418#0, %parallel_loop3A_418#2 : vector<16xf32>
    %add3A_420 = arith.addf %parallel_loop3A_418#4, %parallel_loop3A_418#6 : vector<16xf32>
    %add3A_421 = arith.addf %add3A_419, %add3A_420 : vector<16xf32>
    %get3A_422 = arith.constant 64 : index
    %get3A_423 = tpu.vector_load %arg9[%get3A_422] {strides = array<i32>} : memref<256xf32, #tpu.memory_space<vmem>>, vector<16xf32>,
    %add3A_424 = arith.addf %add3A_421, %get3A_423 : vector<16xf32>
    %add3A_425 = arith.addf %parallel_loop3A_418#1, %parallel_loop3A_418#3 : vector<16xf32>
    %add3A_426 = arith.addf %parallel_loop3A_418#5, %parallel_loop3A_418#7 : vector<16xf32>
    %add3A_427 = arith.addf %add3A_425, %add3A_426 : vector<16xf32>
    %get3A_428 = arith.constant 192 : index
    %get3A_429 = tpu.vector_load %arg9[%get3A_428] {strides = array<i32>} : memref<256xf32, #tpu.memory_space<vmem>>, vector<16xf32>,
    %add3A_430 = arith.addf %add3A_427, %get3A_429 : vector<16xf32>
    %mul3A_431 = arith.constant 5.000000e-03 : f32
    %mul3A_432 = vector.broadcast %mul3A_431 : f32 to vector<16xf32>
    %mul3A_433 = arith.mulf %add3A_424, %mul3A_432 : vector<16xf32>
    %mul3A_434 = arith.constant 5.000000e-03 : f32
    %mul3A_435 = vector.broadcast %mul3A_434 : f32 to vector<16xf32>
    %mul3A_436 = arith.mulf %add3A_430, %mul3A_435 : vector<16xf32>
    %ge3A_437 = arith.constant 0.000000e+00 : f32
    %ge3A_438 = vector.broadcast %ge3A_437 : f32 to vector<16xf32>
    %ge3A_439 = arith.cmpf oge, %mul3A_433, %ge3A_438 : vector<16xf32>
    %mul3A_440 = arith.constant 0.00999999977 : f32
    %mul3A_441 = vector.broadcast %mul3A_440 : f32 to vector<16xf32>
    %mul3A_442 = arith.mulf %mul3A_441, %mul3A_433 : vector<16xf32>
    %select_n3A_443 = arith.select %ge3A_439, %mul3A_433, %mul3A_442 : vector<16xi1>, vector<16xf32>
    %ge3A_444 = arith.constant 0.000000e+00 : f32
    %ge3A_445 = vector.broadcast %ge3A_444 : f32 to vector<16xf32>
    %ge3A_446 = arith.cmpf oge, %mul3A_436, %ge3A_445 : vector<16xf32>
    %mul3A_447 = arith.constant 0.00999999977 : f32
    %mul3A_448 = vector.broadcast %mul3A_447 : f32 to vector<16xf32>
    %mul3A_449 = arith.mulf %mul3A_448, %mul3A_436 : vector<16xf32>
    %select_n3A_450 = arith.select %ge3A_446, %mul3A_436, %mul3A_449 : vector<16xi1>, vector<16xf32>
    %max3A_451 = arith.maximumf %select_n3A_443, %select_n3A_450 : vector<16xf32>
    %sub3A_452 = arith.subf %select_n3A_443, %max3A_451 : vector<16xf32>
    %sub3A_453 = arith.subf %select_n3A_450, %max3A_451 : vector<16xf32>
    %exp3A_454 = math.exp %sub3A_452 : vector<16xf32>
    %exp3A_455 = math.exp %sub3A_453 : vector<16xf32>
    %add3A_456 = arith.addf %exp3A_454, %exp3A_455 : vector<16xf32>
    %sub3A_457 = arith.constant 1.000000e+00 : f32
    %sub3A_458 = vector.broadcast %sub3A_457 : f32 to vector<16xf32>
    %sub3A_459 = arith.subf %add3A_456, %sub3A_458 : vector<16xf32>
    %add3A_460 = arith.constant 1.000000e+00 : f32
    %add3A_461 = vector.broadcast %add3A_460 : f32 to vector<16xf32>
    %add3A_462 = arith.addf %add3A_456, %add3A_461 : vector<16xf32>
    %div3A_463 = arith.divf %sub3A_459, %add3A_462 : vector<16xf32>
    %mul3A_464 = arith.mulf %div3A_463, %div3A_463 : vector<16xf32>
    %mul3A_465 = arith.constant 0.285714298 : f32
    %mul3A_466 = vector.broadcast %mul3A_465 : f32 to vector<16xf32>
    %mul3A_467 = arith.mulf %mul3A_464, %mul3A_466 : vector<16xf32>
    %add3A_468 = arith.constant 4.000000e-01 : f32
    %add3A_469 = vector.broadcast %add3A_468 : f32 to vector<16xf32>
    %add3A_470 = arith.addf %add3A_469, %mul3A_467 : vector<16xf32>
    %mul3A_471 = arith.mulf %mul3A_464, %add3A_470 : vector<16xf32>
    %add3A_472 = arith.constant 0.666666686 : f32
    %add3A_473 = vector.broadcast %add3A_472 : f32 to vector<16xf32>
    %add3A_474 = arith.addf %add3A_473, %mul3A_471 : vector<16xf32>
    %mul3A_475 = arith.mulf %mul3A_464, %add3A_474 : vector<16xf32>
    %add3A_476 = arith.constant 2.000000e+00 : f32
    %add3A_477 = vector.broadcast %add3A_476 : f32 to vector<16xf32>
    %add3A_478 = arith.addf %add3A_477, %mul3A_475 : vector<16xf32>
    %mul3A_479 = arith.mulf %div3A_463, %add3A_478 : vector<16xf32>
    %sub3A_480 = arith.subf %sub3A_452, %mul3A_479 : vector<16xf32>
    %swap3A_481 = arith.constant 64 : index
    %swap3A_482 = tpu.vector_load %arg10[%swap3A_481] {strides = array<i32>} : memref<256xf32, #tpu.memory_space<vmem>>, vector<16xf32>,
    tpu.vector_store %arg10[%swap3A_481], %sub3A_480 {strides = array<i32>} : memref<256xf32, #tpu.memory_space<vmem>>, vector<16xf32>,
    %sub3A_483 = arith.subf %sub3A_453, %mul3A_479 : vector<16xf32>
    %swap3A_484 = arith.constant 192 : index
    %swap3A_485 = tpu.vector_load %arg10[%swap3A_484] {strides = array<i32>} : memref<256xf32, #tpu.memory_space<vmem>>, vector<16xf32>,
    tpu.vector_store %arg10[%swap3A_484], %sub3A_483 {strides = array<i32>} : memref<256xf32, #tpu.memory_space<vmem>>, vector<16xf32>,
    %parallel_loop3A_486 = arith.constant 0 : i32
    %parallel_loop3A_487 = arith.constant 25 : i32
    %parallel_loop3A_488 = arith.constant 1 : i32
    %parallel_loop3A_489:8 = scf.for %parallel_loop3A_701 = %parallel_loop3A_486 to %parallel_loop3A_487 step %parallel_loop3A_488 iter_args(%parallel_loop3A_702 = %broadcast_in_dim3A_21, %parallel_loop3A_703 = %broadcast_in_dim3A_21, %parallel_loop3A_704 = %broadcast_in_dim3A_21, %parallel_loop3A_705 = %broadcast_in_dim3A_21, %parallel_loop3A_706 = %broadcast_in_dim3A_21, %parallel_loop3A_707 = %broadcast_in_dim3A_21, %parallel_loop3A_708 = %broadcast_in_dim3A_21, %parallel_loop3A_709 = %broadcast_in_dim3A_21) -> (vector<16xf32>, vector<16xf32>, vector<16xf32>, vector<16xf32>, vector<16xf32>, vector<16xf32>, vector<16xf32>, vector<16xf32>)  : i32 {
      %parallel_loop3A_710 = arith.constant 0 : i32
      %parallel_loop3A_711 = arith.index_cast %parallel_loop3A_701 : i32 to index
      %parallel_loop3A_712 = arith.index_cast %parallel_loop3A_710 : i32 to index
      %parallel_loop3A_713 = arith.constant 80 : index
      %parallel_loop3A_714 = tpu.vector_load %arg8[%parallel_loop3A_711, %parallel_loop3A_712, %parallel_loop3A_713] {strides = array<i32>} : memref<25x8x128xi32, #tpu.memory_space<vmem>>, vector<16xi32>,
      %parallel_loop3A_715 = arith.constant 1024 : i32
      %parallel_loop3A_716 = vector.broadcast %parallel_loop3A_715 : i32 to vector<16xi32>
      %parallel_loop3A_717 = arith.addi %parallel_loop3A_714, %parallel_loop3A_716 : vector<16xi32>
      %parallel_loop3A_718 = tpu.vector_load_idx %arg6[%parallel_loop3A_717] : memref<2048xi32, #tpu.memory_space<vmem>>[vector<16xi32>], vector<16xi32>,
      %parallel_loop3A_719 = arith.constant 16 : i32
      %parallel_loop3A_720 = vector.broadcast %parallel_loop3A_719 : i32 to vector<16xi32>
      %parallel_loop3A_721 = arith.shli %parallel_loop3A_718, %parallel_loop3A_720 : vector<16xi32>
      %parallel_loop3A_722 = vector.bitcast %parallel_loop3A_721 : vector<16xi32> to vector<16xf32>
      %parallel_loop3A_723 = arith.addf %parallel_loop3A_702, %parallel_loop3A_722 : vector<16xf32>
      %parallel_loop3A_724 = arith.andi %parallel_loop3A_718, %broadcast_in_dim3A_19 : vector<16xi32>
      %parallel_loop3A_725 = vector.bitcast %parallel_loop3A_724 : vector<16xi32> to vector<16xf32>
      %parallel_loop3A_726 = arith.addf %parallel_loop3A_703, %parallel_loop3A_725 : vector<16xf32>
      %parallel_loop3A_727 = arith.constant 1 : i32
      %parallel_loop3A_728 = arith.index_cast %parallel_loop3A_701 : i32 to index
      %parallel_loop3A_729 = arith.index_cast %parallel_loop3A_727 : i32 to index
      %parallel_loop3A_730 = arith.constant 80 : index
      %parallel_loop3A_731 = tpu.vector_load %arg8[%parallel_loop3A_728, %parallel_loop3A_729, %parallel_loop3A_730] {strides = array<i32>} : memref<25x8x128xi32, #tpu.memory_space<vmem>>, vector<16xi32>,
      %parallel_loop3A_732 = arith.constant 1024 : i32
      %parallel_loop3A_733 = vector.broadcast %parallel_loop3A_732 : i32 to vector<16xi32>
      %parallel_loop3A_734 = arith.addi %parallel_loop3A_731, %parallel_loop3A_733 : vector<16xi32>
      %parallel_loop3A_735 = tpu.vector_load_idx %arg6[%parallel_loop3A_734] : memref<2048xi32, #tpu.memory_space<vmem>>[vector<16xi32>], vector<16xi32>,
      %parallel_loop3A_736 = arith.constant 16 : i32
      %parallel_loop3A_737 = vector.broadcast %parallel_loop3A_736 : i32 to vector<16xi32>
      %parallel_loop3A_738 = arith.shli %parallel_loop3A_735, %parallel_loop3A_737 : vector<16xi32>
      %parallel_loop3A_739 = vector.bitcast %parallel_loop3A_738 : vector<16xi32> to vector<16xf32>
      %parallel_loop3A_740 = arith.addf %parallel_loop3A_704, %parallel_loop3A_739 : vector<16xf32>
      %parallel_loop3A_741 = arith.andi %parallel_loop3A_735, %broadcast_in_dim3A_19 : vector<16xi32>
      %parallel_loop3A_742 = vector.bitcast %parallel_loop3A_741 : vector<16xi32> to vector<16xf32>
      %parallel_loop3A_743 = arith.addf %parallel_loop3A_705, %parallel_loop3A_742 : vector<16xf32>
      %parallel_loop3A_744 = arith.constant 2 : i32
      %parallel_loop3A_745 = arith.index_cast %parallel_loop3A_701 : i32 to index
      %parallel_loop3A_746 = arith.index_cast %parallel_loop3A_744 : i32 to index
      %parallel_loop3A_747 = arith.constant 80 : index
      %parallel_loop3A_748 = tpu.vector_load %arg8[%parallel_loop3A_745, %parallel_loop3A_746, %parallel_loop3A_747] {strides = array<i32>} : memref<25x8x128xi32, #tpu.memory_space<vmem>>, vector<16xi32>,
      %parallel_loop3A_749 = arith.constant 1024 : i32
      %parallel_loop3A_750 = vector.broadcast %parallel_loop3A_749 : i32 to vector<16xi32>
      %parallel_loop3A_751 = arith.addi %parallel_loop3A_748, %parallel_loop3A_750 : vector<16xi32>
      %parallel_loop3A_752 = tpu.vector_load_idx %arg6[%parallel_loop3A_751] : memref<2048xi32, #tpu.memory_space<vmem>>[vector<16xi32>], vector<16xi32>,
      %parallel_loop3A_753 = arith.constant 16 : i32
      %parallel_loop3A_754 = vector.broadcast %parallel_loop3A_753 : i32 to vector<16xi32>
      %parallel_loop3A_755 = arith.shli %parallel_loop3A_752, %parallel_loop3A_754 : vector<16xi32>
      %parallel_loop3A_756 = vector.bitcast %parallel_loop3A_755 : vector<16xi32> to vector<16xf32>
      %parallel_loop3A_757 = arith.addf %parallel_loop3A_706, %parallel_loop3A_756 : vector<16xf32>
      %parallel_loop3A_758 = arith.andi %parallel_loop3A_752, %broadcast_in_dim3A_19 : vector<16xi32>
      %parallel_loop3A_759 = vector.bitcast %parallel_loop3A_758 : vector<16xi32> to vector<16xf32>
      %parallel_loop3A_760 = arith.addf %parallel_loop3A_707, %parallel_loop3A_759 : vector<16xf32>
      %parallel_loop3A_761 = arith.constant 3 : i32
      %parallel_loop3A_762 = arith.index_cast %parallel_loop3A_701 : i32 to index
      %parallel_loop3A_763 = arith.index_cast %parallel_loop3A_761 : i32 to index
      %parallel_loop3A_764 = arith.constant 80 : index
      %parallel_loop3A_765 = tpu.vector_load %arg8[%parallel_loop3A_762, %parallel_loop3A_763, %parallel_loop3A_764] {strides = array<i32>} : memref<25x8x128xi32, #tpu.memory_space<vmem>>, vector<16xi32>,
      %parallel_loop3A_766 = arith.constant 1024 : i32
      %parallel_loop3A_767 = vector.broadcast %parallel_loop3A_766 : i32 to vector<16xi32>
      %parallel_loop3A_768 = arith.addi %parallel_loop3A_765, %parallel_loop3A_767 : vector<16xi32>
      %parallel_loop3A_769 = tpu.vector_load_idx %arg6[%parallel_loop3A_768] : memref<2048xi32, #tpu.memory_space<vmem>>[vector<16xi32>], vector<16xi32>,
      %parallel_loop3A_770 = arith.constant 16 : i32
      %parallel_loop3A_771 = vector.broadcast %parallel_loop3A_770 : i32 to vector<16xi32>
      %parallel_loop3A_772 = arith.shli %parallel_loop3A_769, %parallel_loop3A_771 : vector<16xi32>
      %parallel_loop3A_773 = vector.bitcast %parallel_loop3A_772 : vector<16xi32> to vector<16xf32>
      %parallel_loop3A_774 = arith.addf %parallel_loop3A_708, %parallel_loop3A_773 : vector<16xf32>
      %parallel_loop3A_775 = arith.andi %parallel_loop3A_769, %broadcast_in_dim3A_19 : vector<16xi32>
      %parallel_loop3A_776 = vector.bitcast %parallel_loop3A_775 : vector<16xi32> to vector<16xf32>
      %parallel_loop3A_777 = arith.addf %parallel_loop3A_709, %parallel_loop3A_776 : vector<16xf32>
      %parallel_loop3A_778 = arith.constant 4 : i32
      %parallel_loop3A_779 = arith.index_cast %parallel_loop3A_701 : i32 to index
      %parallel_loop3A_780 = arith.index_cast %parallel_loop3A_778 : i32 to index
      %parallel_loop3A_781 = arith.constant 80 : index
      %parallel_loop3A_782 = tpu.vector_load %arg8[%parallel_loop3A_779, %parallel_loop3A_780, %parallel_loop3A_781] {strides = array<i32>} : memref<25x8x128xi32, #tpu.memory_space<vmem>>, vector<16xi32>,
      %parallel_loop3A_783 = arith.constant 1024 : i32
      %parallel_loop3A_784 = vector.broadcast %parallel_loop3A_783 : i32 to vector<16xi32>
      %parallel_loop3A_785 = arith.addi %parallel_loop3A_782, %parallel_loop3A_784 : vector<16xi32>
      %parallel_loop3A_786 = tpu.vector_load_idx %arg6[%parallel_loop3A_785] : memref<2048xi32, #tpu.memory_space<vmem>>[vector<16xi32>], vector<16xi32>,
      %parallel_loop3A_787 = arith.constant 16 : i32
      %parallel_loop3A_788 = vector.broadcast %parallel_loop3A_787 : i32 to vector<16xi32>
      %parallel_loop3A_789 = arith.shli %parallel_loop3A_786, %parallel_loop3A_788 : vector<16xi32>
      %parallel_loop3A_790 = vector.bitcast %parallel_loop3A_789 : vector<16xi32> to vector<16xf32>
      %parallel_loop3A_791 = arith.addf %parallel_loop3A_723, %parallel_loop3A_790 : vector<16xf32>
      %parallel_loop3A_792 = arith.andi %parallel_loop3A_786, %broadcast_in_dim3A_19 : vector<16xi32>
      %parallel_loop3A_793 = vector.bitcast %parallel_loop3A_792 : vector<16xi32> to vector<16xf32>
      %parallel_loop3A_794 = arith.addf %parallel_loop3A_726, %parallel_loop3A_793 : vector<16xf32>
      %parallel_loop3A_795 = arith.constant 5 : i32
      %parallel_loop3A_796 = arith.index_cast %parallel_loop3A_701 : i32 to index
      %parallel_loop3A_797 = arith.index_cast %parallel_loop3A_795 : i32 to index
      %parallel_loop3A_798 = arith.constant 80 : index
      %parallel_loop3A_799 = tpu.vector_load %arg8[%parallel_loop3A_796, %parallel_loop3A_797, %parallel_loop3A_798] {strides = array<i32>} : memref<25x8x128xi32, #tpu.memory_space<vmem>>, vector<16xi32>,
      %parallel_loop3A_800 = arith.constant 1024 : i32
      %parallel_loop3A_801 = vector.broadcast %parallel_loop3A_800 : i32 to vector<16xi32>
      %parallel_loop3A_802 = arith.addi %parallel_loop3A_799, %parallel_loop3A_801 : vector<16xi32>
      %parallel_loop3A_803 = tpu.vector_load_idx %arg6[%parallel_loop3A_802] : memref<2048xi32, #tpu.memory_space<vmem>>[vector<16xi32>], vector<16xi32>,
      %parallel_loop3A_804 = arith.constant 16 : i32
      %parallel_loop3A_805 = vector.broadcast %parallel_loop3A_804 : i32 to vector<16xi32>
      %parallel_loop3A_806 = arith.shli %parallel_loop3A_803, %parallel_loop3A_805 : vector<16xi32>
      %parallel_loop3A_807 = vector.bitcast %parallel_loop3A_806 : vector<16xi32> to vector<16xf32>
      %parallel_loop3A_808 = arith.addf %parallel_loop3A_740, %parallel_loop3A_807 : vector<16xf32>
      %parallel_loop3A_809 = arith.andi %parallel_loop3A_803, %broadcast_in_dim3A_19 : vector<16xi32>
      %parallel_loop3A_810 = vector.bitcast %parallel_loop3A_809 : vector<16xi32> to vector<16xf32>
      %parallel_loop3A_811 = arith.addf %parallel_loop3A_743, %parallel_loop3A_810 : vector<16xf32>
      %parallel_loop3A_812 = arith.constant 6 : i32
      %parallel_loop3A_813 = arith.index_cast %parallel_loop3A_701 : i32 to index
      %parallel_loop3A_814 = arith.index_cast %parallel_loop3A_812 : i32 to index
      %parallel_loop3A_815 = arith.constant 80 : index
      %parallel_loop3A_816 = tpu.vector_load %arg8[%parallel_loop3A_813, %parallel_loop3A_814, %parallel_loop3A_815] {strides = array<i32>} : memref<25x8x128xi32, #tpu.memory_space<vmem>>, vector<16xi32>,
      %parallel_loop3A_817 = arith.constant 1024 : i32
      %parallel_loop3A_818 = vector.broadcast %parallel_loop3A_817 : i32 to vector<16xi32>
      %parallel_loop3A_819 = arith.addi %parallel_loop3A_816, %parallel_loop3A_818 : vector<16xi32>
      %parallel_loop3A_820 = tpu.vector_load_idx %arg6[%parallel_loop3A_819] : memref<2048xi32, #tpu.memory_space<vmem>>[vector<16xi32>], vector<16xi32>,
      %parallel_loop3A_821 = arith.constant 16 : i32
      %parallel_loop3A_822 = vector.broadcast %parallel_loop3A_821 : i32 to vector<16xi32>
      %parallel_loop3A_823 = arith.shli %parallel_loop3A_820, %parallel_loop3A_822 : vector<16xi32>
      %parallel_loop3A_824 = vector.bitcast %parallel_loop3A_823 : vector<16xi32> to vector<16xf32>
      %parallel_loop3A_825 = arith.addf %parallel_loop3A_757, %parallel_loop3A_824 : vector<16xf32>
      %parallel_loop3A_826 = arith.andi %parallel_loop3A_820, %broadcast_in_dim3A_19 : vector<16xi32>
      %parallel_loop3A_827 = vector.bitcast %parallel_loop3A_826 : vector<16xi32> to vector<16xf32>
      %parallel_loop3A_828 = arith.addf %parallel_loop3A_760, %parallel_loop3A_827 : vector<16xf32>
      %parallel_loop3A_829 = arith.constant 7 : i32
      %parallel_loop3A_830 = arith.index_cast %parallel_loop3A_701 : i32 to index
      %parallel_loop3A_831 = arith.index_cast %parallel_loop3A_829 : i32 to index
      %parallel_loop3A_832 = arith.constant 80 : index
      %parallel_loop3A_833 = tpu.vector_load %arg8[%parallel_loop3A_830, %parallel_loop3A_831, %parallel_loop3A_832] {strides = array<i32>} : memref<25x8x128xi32, #tpu.memory_space<vmem>>, vector<16xi32>,
      %parallel_loop3A_834 = arith.constant 1024 : i32
      %parallel_loop3A_835 = vector.broadcast %parallel_loop3A_834 : i32 to vector<16xi32>
      %parallel_loop3A_836 = arith.addi %parallel_loop3A_833, %parallel_loop3A_835 : vector<16xi32>
      %parallel_loop3A_837 = tpu.vector_load_idx %arg6[%parallel_loop3A_836] : memref<2048xi32, #tpu.memory_space<vmem>>[vector<16xi32>], vector<16xi32>,
      %parallel_loop3A_838 = arith.constant 16 : i32
      %parallel_loop3A_839 = vector.broadcast %parallel_loop3A_838 : i32 to vector<16xi32>
      %parallel_loop3A_840 = arith.shli %parallel_loop3A_837, %parallel_loop3A_839 : vector<16xi32>
      %parallel_loop3A_841 = vector.bitcast %parallel_loop3A_840 : vector<16xi32> to vector<16xf32>
      %parallel_loop3A_842 = arith.addf %parallel_loop3A_774, %parallel_loop3A_841 : vector<16xf32>
      %parallel_loop3A_843 = arith.andi %parallel_loop3A_837, %broadcast_in_dim3A_19 : vector<16xi32>
      %parallel_loop3A_844 = vector.bitcast %parallel_loop3A_843 : vector<16xi32> to vector<16xf32>
      %parallel_loop3A_845 = arith.addf %parallel_loop3A_777, %parallel_loop3A_844 : vector<16xf32>
      scf.yield %parallel_loop3A_791, %parallel_loop3A_794, %parallel_loop3A_808, %parallel_loop3A_811, %parallel_loop3A_825, %parallel_loop3A_828, %parallel_loop3A_842, %parallel_loop3A_845 : vector<16xf32>, vector<16xf32>, vector<16xf32>, vector<16xf32>, vector<16xf32>, vector<16xf32>, vector<16xf32>, vector<16xf32>
    } {sc.loop_unroll_factor = 2 : i64, sc.parallel_access}
    %add3A_490 = arith.addf %parallel_loop3A_489#0, %parallel_loop3A_489#2 : vector<16xf32>
    %add3A_491 = arith.addf %parallel_loop3A_489#4, %parallel_loop3A_489#6 : vector<16xf32>
    %add3A_492 = arith.addf %add3A_490, %add3A_491 : vector<16xf32>
    %get3A_493 = arith.constant 80 : index
    %get3A_494 = tpu.vector_load %arg9[%get3A_493] {strides = array<i32>} : memref<256xf32, #tpu.memory_space<vmem>>, vector<16xf32>,
    %add3A_495 = arith.addf %add3A_492, %get3A_494 : vector<16xf32>
    %add3A_496 = arith.addf %parallel_loop3A_489#1, %parallel_loop3A_489#3 : vector<16xf32>
    %add3A_497 = arith.addf %parallel_loop3A_489#5, %parallel_loop3A_489#7 : vector<16xf32>
    %add3A_498 = arith.addf %add3A_496, %add3A_497 : vector<16xf32>
    %get3A_499 = arith.constant 208 : index
    %get3A_500 = tpu.vector_load %arg9[%get3A_499] {strides = array<i32>} : memref<256xf32, #tpu.memory_space<vmem>>, vector<16xf32>,
    %add3A_501 = arith.addf %add3A_498, %get3A_500 : vector<16xf32>
    %mul3A_502 = arith.constant 5.000000e-03 : f32
    %mul3A_503 = vector.broadcast %mul3A_502 : f32 to vector<16xf32>
    %mul3A_504 = arith.mulf %add3A_495, %mul3A_503 : vector<16xf32>
    %mul3A_505 = arith.constant 5.000000e-03 : f32
    %mul3A_506 = vector.broadcast %mul3A_505 : f32 to vector<16xf32>
    %mul3A_507 = arith.mulf %add3A_501, %mul3A_506 : vector<16xf32>
    %ge3A_508 = arith.constant 0.000000e+00 : f32
    %ge3A_509 = vector.broadcast %ge3A_508 : f32 to vector<16xf32>
    %ge3A_510 = arith.cmpf oge, %mul3A_504, %ge3A_509 : vector<16xf32>
    %mul3A_511 = arith.constant 0.00999999977 : f32
    %mul3A_512 = vector.broadcast %mul3A_511 : f32 to vector<16xf32>
    %mul3A_513 = arith.mulf %mul3A_512, %mul3A_504 : vector<16xf32>
    %select_n3A_514 = arith.select %ge3A_510, %mul3A_504, %mul3A_513 : vector<16xi1>, vector<16xf32>
    %ge3A_515 = arith.constant 0.000000e+00 : f32
    %ge3A_516 = vector.broadcast %ge3A_515 : f32 to vector<16xf32>
    %ge3A_517 = arith.cmpf oge, %mul3A_507, %ge3A_516 : vector<16xf32>
    %mul3A_518 = arith.constant 0.00999999977 : f32
    %mul3A_519 = vector.broadcast %mul3A_518 : f32 to vector<16xf32>
    %mul3A_520 = arith.mulf %mul3A_519, %mul3A_507 : vector<16xf32>
    %select_n3A_521 = arith.select %ge3A_517, %mul3A_507, %mul3A_520 : vector<16xi1>, vector<16xf32>
    %max3A_522 = arith.maximumf %select_n3A_514, %select_n3A_521 : vector<16xf32>
    %sub3A_523 = arith.subf %select_n3A_514, %max3A_522 : vector<16xf32>
    %sub3A_524 = arith.subf %select_n3A_521, %max3A_522 : vector<16xf32>
    %exp3A_525 = math.exp %sub3A_523 : vector<16xf32>
    %exp3A_526 = math.exp %sub3A_524 : vector<16xf32>
    %add3A_527 = arith.addf %exp3A_525, %exp3A_526 : vector<16xf32>
    %sub3A_528 = arith.constant 1.000000e+00 : f32
    %sub3A_529 = vector.broadcast %sub3A_528 : f32 to vector<16xf32>
    %sub3A_530 = arith.subf %add3A_527, %sub3A_529 : vector<16xf32>
    %add3A_531 = arith.constant 1.000000e+00 : f32
    %add3A_532 = vector.broadcast %add3A_531 : f32 to vector<16xf32>
    %add3A_533 = arith.addf %add3A_527, %add3A_532 : vector<16xf32>
    %div3A_534 = arith.divf %sub3A_530, %add3A_533 : vector<16xf32>
    %mul3A_535 = arith.mulf %div3A_534, %div3A_534 : vector<16xf32>
    %mul3A_536 = arith.constant 0.285714298 : f32
    %mul3A_537 = vector.broadcast %mul3A_536 : f32 to vector<16xf32>
    %mul3A_538 = arith.mulf %mul3A_535, %mul3A_537 : vector<16xf32>
    %add3A_539 = arith.constant 4.000000e-01 : f32
    %add3A_540 = vector.broadcast %add3A_539 : f32 to vector<16xf32>
    %add3A_541 = arith.addf %add3A_540, %mul3A_538 : vector<16xf32>
    %mul3A_542 = arith.mulf %mul3A_535, %add3A_541 : vector<16xf32>
    %add3A_543 = arith.constant 0.666666686 : f32
    %add3A_544 = vector.broadcast %add3A_543 : f32 to vector<16xf32>
    %add3A_545 = arith.addf %add3A_544, %mul3A_542 : vector<16xf32>
    %mul3A_546 = arith.mulf %mul3A_535, %add3A_545 : vector<16xf32>
    %add3A_547 = arith.constant 2.000000e+00 : f32
    %add3A_548 = vector.broadcast %add3A_547 : f32 to vector<16xf32>
    %add3A_549 = arith.addf %add3A_548, %mul3A_546 : vector<16xf32>
    %mul3A_550 = arith.mulf %div3A_534, %add3A_549 : vector<16xf32>
    %sub3A_551 = arith.subf %sub3A_523, %mul3A_550 : vector<16xf32>
    %swap3A_552 = arith.constant 80 : index
    %swap3A_553 = tpu.vector_load %arg10[%swap3A_552] {strides = array<i32>} : memref<256xf32, #tpu.memory_space<vmem>>, vector<16xf32>,
    tpu.vector_store %arg10[%swap3A_552], %sub3A_551 {strides = array<i32>} : memref<256xf32, #tpu.memory_space<vmem>>, vector<16xf32>,
    %sub3A_554 = arith.subf %sub3A_524, %mul3A_550 : vector<16xf32>
    %swap3A_555 = arith.constant 208 : index
    %swap3A_556 = tpu.vector_load %arg10[%swap3A_555] {strides = array<i32>} : memref<256xf32, #tpu.memory_space<vmem>>, vector<16xf32>,
    tpu.vector_store %arg10[%swap3A_555], %sub3A_554 {strides = array<i32>} : memref<256xf32, #tpu.memory_space<vmem>>, vector<16xf32>,
    %parallel_loop3A_557 = arith.constant 0 : i32
    %parallel_loop3A_558 = arith.constant 25 : i32
    %parallel_loop3A_559 = arith.constant 1 : i32
    %parallel_loop3A_560:8 = scf.for %parallel_loop3A_701 = %parallel_loop3A_557 to %parallel_loop3A_558 step %parallel_loop3A_559 iter_args(%parallel_loop3A_702 = %broadcast_in_dim3A_21, %parallel_loop3A_703 = %broadcast_in_dim3A_21, %parallel_loop3A_704 = %broadcast_in_dim3A_21, %parallel_loop3A_705 = %broadcast_in_dim3A_21, %parallel_loop3A_706 = %broadcast_in_dim3A_21, %parallel_loop3A_707 = %broadcast_in_dim3A_21, %parallel_loop3A_708 = %broadcast_in_dim3A_21, %parallel_loop3A_709 = %broadcast_in_dim3A_21) -> (vector<16xf32>, vector<16xf32>, vector<16xf32>, vector<16xf32>, vector<16xf32>, vector<16xf32>, vector<16xf32>, vector<16xf32>)  : i32 {
      %parallel_loop3A_710 = arith.constant 0 : i32
      %parallel_loop3A_711 = arith.index_cast %parallel_loop3A_701 : i32 to index
      %parallel_loop3A_712 = arith.index_cast %parallel_loop3A_710 : i32 to index
      %parallel_loop3A_713 = arith.constant 96 : index
      %parallel_loop3A_714 = tpu.vector_load %arg8[%parallel_loop3A_711, %parallel_loop3A_712, %parallel_loop3A_713] {strides = array<i32>} : memref<25x8x128xi32, #tpu.memory_space<vmem>>, vector<16xi32>,
      %parallel_loop3A_715 = arith.constant 1024 : i32
      %parallel_loop3A_716 = vector.broadcast %parallel_loop3A_715 : i32 to vector<16xi32>
      %parallel_loop3A_717 = arith.addi %parallel_loop3A_714, %parallel_loop3A_716 : vector<16xi32>
      %parallel_loop3A_718 = tpu.vector_load_idx %arg6[%parallel_loop3A_717] : memref<2048xi32, #tpu.memory_space<vmem>>[vector<16xi32>], vector<16xi32>,
      %parallel_loop3A_719 = arith.constant 16 : i32
      %parallel_loop3A_720 = vector.broadcast %parallel_loop3A_719 : i32 to vector<16xi32>
      %parallel_loop3A_721 = arith.shli %parallel_loop3A_718, %parallel_loop3A_720 : vector<16xi32>
      %parallel_loop3A_722 = vector.bitcast %parallel_loop3A_721 : vector<16xi32> to vector<16xf32>
      %parallel_loop3A_723 = arith.addf %parallel_loop3A_702, %parallel_loop3A_722 : vector<16xf32>
      %parallel_loop3A_724 = arith.andi %parallel_loop3A_718, %broadcast_in_dim3A_19 : vector<16xi32>
      %parallel_loop3A_725 = vector.bitcast %parallel_loop3A_724 : vector<16xi32> to vector<16xf32>
      %parallel_loop3A_726 = arith.addf %parallel_loop3A_703, %parallel_loop3A_725 : vector<16xf32>
      %parallel_loop3A_727 = arith.constant 1 : i32
      %parallel_loop3A_728 = arith.index_cast %parallel_loop3A_701 : i32 to index
      %parallel_loop3A_729 = arith.index_cast %parallel_loop3A_727 : i32 to index
      %parallel_loop3A_730 = arith.constant 96 : index
      %parallel_loop3A_731 = tpu.vector_load %arg8[%parallel_loop3A_728, %parallel_loop3A_729, %parallel_loop3A_730] {strides = array<i32>} : memref<25x8x128xi32, #tpu.memory_space<vmem>>, vector<16xi32>,
      %parallel_loop3A_732 = arith.constant 1024 : i32
      %parallel_loop3A_733 = vector.broadcast %parallel_loop3A_732 : i32 to vector<16xi32>
      %parallel_loop3A_734 = arith.addi %parallel_loop3A_731, %parallel_loop3A_733 : vector<16xi32>
      %parallel_loop3A_735 = tpu.vector_load_idx %arg6[%parallel_loop3A_734] : memref<2048xi32, #tpu.memory_space<vmem>>[vector<16xi32>], vector<16xi32>,
      %parallel_loop3A_736 = arith.constant 16 : i32
      %parallel_loop3A_737 = vector.broadcast %parallel_loop3A_736 : i32 to vector<16xi32>
      %parallel_loop3A_738 = arith.shli %parallel_loop3A_735, %parallel_loop3A_737 : vector<16xi32>
      %parallel_loop3A_739 = vector.bitcast %parallel_loop3A_738 : vector<16xi32> to vector<16xf32>
      %parallel_loop3A_740 = arith.addf %parallel_loop3A_704, %parallel_loop3A_739 : vector<16xf32>
      %parallel_loop3A_741 = arith.andi %parallel_loop3A_735, %broadcast_in_dim3A_19 : vector<16xi32>
      %parallel_loop3A_742 = vector.bitcast %parallel_loop3A_741 : vector<16xi32> to vector<16xf32>
      %parallel_loop3A_743 = arith.addf %parallel_loop3A_705, %parallel_loop3A_742 : vector<16xf32>
      %parallel_loop3A_744 = arith.constant 2 : i32
      %parallel_loop3A_745 = arith.index_cast %parallel_loop3A_701 : i32 to index
      %parallel_loop3A_746 = arith.index_cast %parallel_loop3A_744 : i32 to index
      %parallel_loop3A_747 = arith.constant 96 : index
      %parallel_loop3A_748 = tpu.vector_load %arg8[%parallel_loop3A_745, %parallel_loop3A_746, %parallel_loop3A_747] {strides = array<i32>} : memref<25x8x128xi32, #tpu.memory_space<vmem>>, vector<16xi32>,
      %parallel_loop3A_749 = arith.constant 1024 : i32
      %parallel_loop3A_750 = vector.broadcast %parallel_loop3A_749 : i32 to vector<16xi32>
      %parallel_loop3A_751 = arith.addi %parallel_loop3A_748, %parallel_loop3A_750 : vector<16xi32>
      %parallel_loop3A_752 = tpu.vector_load_idx %arg6[%parallel_loop3A_751] : memref<2048xi32, #tpu.memory_space<vmem>>[vector<16xi32>], vector<16xi32>,
      %parallel_loop3A_753 = arith.constant 16 : i32
      %parallel_loop3A_754 = vector.broadcast %parallel_loop3A_753 : i32 to vector<16xi32>
      %parallel_loop3A_755 = arith.shli %parallel_loop3A_752, %parallel_loop3A_754 : vector<16xi32>
      %parallel_loop3A_756 = vector.bitcast %parallel_loop3A_755 : vector<16xi32> to vector<16xf32>
      %parallel_loop3A_757 = arith.addf %parallel_loop3A_706, %parallel_loop3A_756 : vector<16xf32>
      %parallel_loop3A_758 = arith.andi %parallel_loop3A_752, %broadcast_in_dim3A_19 : vector<16xi32>
      %parallel_loop3A_759 = vector.bitcast %parallel_loop3A_758 : vector<16xi32> to vector<16xf32>
      %parallel_loop3A_760 = arith.addf %parallel_loop3A_707, %parallel_loop3A_759 : vector<16xf32>
      %parallel_loop3A_761 = arith.constant 3 : i32
      %parallel_loop3A_762 = arith.index_cast %parallel_loop3A_701 : i32 to index
      %parallel_loop3A_763 = arith.index_cast %parallel_loop3A_761 : i32 to index
      %parallel_loop3A_764 = arith.constant 96 : index
      %parallel_loop3A_765 = tpu.vector_load %arg8[%parallel_loop3A_762, %parallel_loop3A_763, %parallel_loop3A_764] {strides = array<i32>} : memref<25x8x128xi32, #tpu.memory_space<vmem>>, vector<16xi32>,
      %parallel_loop3A_766 = arith.constant 1024 : i32
      %parallel_loop3A_767 = vector.broadcast %parallel_loop3A_766 : i32 to vector<16xi32>
      %parallel_loop3A_768 = arith.addi %parallel_loop3A_765, %parallel_loop3A_767 : vector<16xi32>
      %parallel_loop3A_769 = tpu.vector_load_idx %arg6[%parallel_loop3A_768] : memref<2048xi32, #tpu.memory_space<vmem>>[vector<16xi32>], vector<16xi32>,
      %parallel_loop3A_770 = arith.constant 16 : i32
      %parallel_loop3A_771 = vector.broadcast %parallel_loop3A_770 : i32 to vector<16xi32>
      %parallel_loop3A_772 = arith.shli %parallel_loop3A_769, %parallel_loop3A_771 : vector<16xi32>
      %parallel_loop3A_773 = vector.bitcast %parallel_loop3A_772 : vector<16xi32> to vector<16xf32>
      %parallel_loop3A_774 = arith.addf %parallel_loop3A_708, %parallel_loop3A_773 : vector<16xf32>
      %parallel_loop3A_775 = arith.andi %parallel_loop3A_769, %broadcast_in_dim3A_19 : vector<16xi32>
      %parallel_loop3A_776 = vector.bitcast %parallel_loop3A_775 : vector<16xi32> to vector<16xf32>
      %parallel_loop3A_777 = arith.addf %parallel_loop3A_709, %parallel_loop3A_776 : vector<16xf32>
      %parallel_loop3A_778 = arith.constant 4 : i32
      %parallel_loop3A_779 = arith.index_cast %parallel_loop3A_701 : i32 to index
      %parallel_loop3A_780 = arith.index_cast %parallel_loop3A_778 : i32 to index
      %parallel_loop3A_781 = arith.constant 96 : index
      %parallel_loop3A_782 = tpu.vector_load %arg8[%parallel_loop3A_779, %parallel_loop3A_780, %parallel_loop3A_781] {strides = array<i32>} : memref<25x8x128xi32, #tpu.memory_space<vmem>>, vector<16xi32>,
      %parallel_loop3A_783 = arith.constant 1024 : i32
      %parallel_loop3A_784 = vector.broadcast %parallel_loop3A_783 : i32 to vector<16xi32>
      %parallel_loop3A_785 = arith.addi %parallel_loop3A_782, %parallel_loop3A_784 : vector<16xi32>
      %parallel_loop3A_786 = tpu.vector_load_idx %arg6[%parallel_loop3A_785] : memref<2048xi32, #tpu.memory_space<vmem>>[vector<16xi32>], vector<16xi32>,
      %parallel_loop3A_787 = arith.constant 16 : i32
      %parallel_loop3A_788 = vector.broadcast %parallel_loop3A_787 : i32 to vector<16xi32>
      %parallel_loop3A_789 = arith.shli %parallel_loop3A_786, %parallel_loop3A_788 : vector<16xi32>
      %parallel_loop3A_790 = vector.bitcast %parallel_loop3A_789 : vector<16xi32> to vector<16xf32>
      %parallel_loop3A_791 = arith.addf %parallel_loop3A_723, %parallel_loop3A_790 : vector<16xf32>
      %parallel_loop3A_792 = arith.andi %parallel_loop3A_786, %broadcast_in_dim3A_19 : vector<16xi32>
      %parallel_loop3A_793 = vector.bitcast %parallel_loop3A_792 : vector<16xi32> to vector<16xf32>
      %parallel_loop3A_794 = arith.addf %parallel_loop3A_726, %parallel_loop3A_793 : vector<16xf32>
      %parallel_loop3A_795 = arith.constant 5 : i32
      %parallel_loop3A_796 = arith.index_cast %parallel_loop3A_701 : i32 to index
      %parallel_loop3A_797 = arith.index_cast %parallel_loop3A_795 : i32 to index
      %parallel_loop3A_798 = arith.constant 96 : index
      %parallel_loop3A_799 = tpu.vector_load %arg8[%parallel_loop3A_796, %parallel_loop3A_797, %parallel_loop3A_798] {strides = array<i32>} : memref<25x8x128xi32, #tpu.memory_space<vmem>>, vector<16xi32>,
      %parallel_loop3A_800 = arith.constant 1024 : i32
      %parallel_loop3A_801 = vector.broadcast %parallel_loop3A_800 : i32 to vector<16xi32>
      %parallel_loop3A_802 = arith.addi %parallel_loop3A_799, %parallel_loop3A_801 : vector<16xi32>
      %parallel_loop3A_803 = tpu.vector_load_idx %arg6[%parallel_loop3A_802] : memref<2048xi32, #tpu.memory_space<vmem>>[vector<16xi32>], vector<16xi32>,
      %parallel_loop3A_804 = arith.constant 16 : i32
      %parallel_loop3A_805 = vector.broadcast %parallel_loop3A_804 : i32 to vector<16xi32>
      %parallel_loop3A_806 = arith.shli %parallel_loop3A_803, %parallel_loop3A_805 : vector<16xi32>
      %parallel_loop3A_807 = vector.bitcast %parallel_loop3A_806 : vector<16xi32> to vector<16xf32>
      %parallel_loop3A_808 = arith.addf %parallel_loop3A_740, %parallel_loop3A_807 : vector<16xf32>
      %parallel_loop3A_809 = arith.andi %parallel_loop3A_803, %broadcast_in_dim3A_19 : vector<16xi32>
      %parallel_loop3A_810 = vector.bitcast %parallel_loop3A_809 : vector<16xi32> to vector<16xf32>
      %parallel_loop3A_811 = arith.addf %parallel_loop3A_743, %parallel_loop3A_810 : vector<16xf32>
      %parallel_loop3A_812 = arith.constant 6 : i32
      %parallel_loop3A_813 = arith.index_cast %parallel_loop3A_701 : i32 to index
      %parallel_loop3A_814 = arith.index_cast %parallel_loop3A_812 : i32 to index
      %parallel_loop3A_815 = arith.constant 96 : index
      %parallel_loop3A_816 = tpu.vector_load %arg8[%parallel_loop3A_813, %parallel_loop3A_814, %parallel_loop3A_815] {strides = array<i32>} : memref<25x8x128xi32, #tpu.memory_space<vmem>>, vector<16xi32>,
      %parallel_loop3A_817 = arith.constant 1024 : i32
      %parallel_loop3A_818 = vector.broadcast %parallel_loop3A_817 : i32 to vector<16xi32>
      %parallel_loop3A_819 = arith.addi %parallel_loop3A_816, %parallel_loop3A_818 : vector<16xi32>
      %parallel_loop3A_820 = tpu.vector_load_idx %arg6[%parallel_loop3A_819] : memref<2048xi32, #tpu.memory_space<vmem>>[vector<16xi32>], vector<16xi32>,
      %parallel_loop3A_821 = arith.constant 16 : i32
      %parallel_loop3A_822 = vector.broadcast %parallel_loop3A_821 : i32 to vector<16xi32>
      %parallel_loop3A_823 = arith.shli %parallel_loop3A_820, %parallel_loop3A_822 : vector<16xi32>
      %parallel_loop3A_824 = vector.bitcast %parallel_loop3A_823 : vector<16xi32> to vector<16xf32>
      %parallel_loop3A_825 = arith.addf %parallel_loop3A_757, %parallel_loop3A_824 : vector<16xf32>
      %parallel_loop3A_826 = arith.andi %parallel_loop3A_820, %broadcast_in_dim3A_19 : vector<16xi32>
      %parallel_loop3A_827 = vector.bitcast %parallel_loop3A_826 : vector<16xi32> to vector<16xf32>
      %parallel_loop3A_828 = arith.addf %parallel_loop3A_760, %parallel_loop3A_827 : vector<16xf32>
      %parallel_loop3A_829 = arith.constant 7 : i32
      %parallel_loop3A_830 = arith.index_cast %parallel_loop3A_701 : i32 to index
      %parallel_loop3A_831 = arith.index_cast %parallel_loop3A_829 : i32 to index
      %parallel_loop3A_832 = arith.constant 96 : index
      %parallel_loop3A_833 = tpu.vector_load %arg8[%parallel_loop3A_830, %parallel_loop3A_831, %parallel_loop3A_832] {strides = array<i32>} : memref<25x8x128xi32, #tpu.memory_space<vmem>>, vector<16xi32>,
      %parallel_loop3A_834 = arith.constant 1024 : i32
      %parallel_loop3A_835 = vector.broadcast %parallel_loop3A_834 : i32 to vector<16xi32>
      %parallel_loop3A_836 = arith.addi %parallel_loop3A_833, %parallel_loop3A_835 : vector<16xi32>
      %parallel_loop3A_837 = tpu.vector_load_idx %arg6[%parallel_loop3A_836] : memref<2048xi32, #tpu.memory_space<vmem>>[vector<16xi32>], vector<16xi32>,
      %parallel_loop3A_838 = arith.constant 16 : i32
      %parallel_loop3A_839 = vector.broadcast %parallel_loop3A_838 : i32 to vector<16xi32>
      %parallel_loop3A_840 = arith.shli %parallel_loop3A_837, %parallel_loop3A_839 : vector<16xi32>
      %parallel_loop3A_841 = vector.bitcast %parallel_loop3A_840 : vector<16xi32> to vector<16xf32>
      %parallel_loop3A_842 = arith.addf %parallel_loop3A_774, %parallel_loop3A_841 : vector<16xf32>
      %parallel_loop3A_843 = arith.andi %parallel_loop3A_837, %broadcast_in_dim3A_19 : vector<16xi32>
      %parallel_loop3A_844 = vector.bitcast %parallel_loop3A_843 : vector<16xi32> to vector<16xf32>
      %parallel_loop3A_845 = arith.addf %parallel_loop3A_777, %parallel_loop3A_844 : vector<16xf32>
      scf.yield %parallel_loop3A_791, %parallel_loop3A_794, %parallel_loop3A_808, %parallel_loop3A_811, %parallel_loop3A_825, %parallel_loop3A_828, %parallel_loop3A_842, %parallel_loop3A_845 : vector<16xf32>, vector<16xf32>, vector<16xf32>, vector<16xf32>, vector<16xf32>, vector<16xf32>, vector<16xf32>, vector<16xf32>
    } {sc.loop_unroll_factor = 2 : i64, sc.parallel_access}
    %add3A_561 = arith.addf %parallel_loop3A_560#0, %parallel_loop3A_560#2 : vector<16xf32>
    %add3A_562 = arith.addf %parallel_loop3A_560#4, %parallel_loop3A_560#6 : vector<16xf32>
    %add3A_563 = arith.addf %add3A_561, %add3A_562 : vector<16xf32>
    %get3A_564 = arith.constant 96 : index
    %get3A_565 = tpu.vector_load %arg9[%get3A_564] {strides = array<i32>} : memref<256xf32, #tpu.memory_space<vmem>>, vector<16xf32>,
    %add3A_566 = arith.addf %add3A_563, %get3A_565 : vector<16xf32>
    %add3A_567 = arith.addf %parallel_loop3A_560#1, %parallel_loop3A_560#3 : vector<16xf32>
    %add3A_568 = arith.addf %parallel_loop3A_560#5, %parallel_loop3A_560#7 : vector<16xf32>
    %add3A_569 = arith.addf %add3A_567, %add3A_568 : vector<16xf32>
    %get3A_570 = arith.constant 224 : index
    %get3A_571 = tpu.vector_load %arg9[%get3A_570] {strides = array<i32>} : memref<256xf32, #tpu.memory_space<vmem>>, vector<16xf32>,
    %add3A_572 = arith.addf %add3A_569, %get3A_571 : vector<16xf32>
    %mul3A_573 = arith.constant 5.000000e-03 : f32
    %mul3A_574 = vector.broadcast %mul3A_573 : f32 to vector<16xf32>
    %mul3A_575 = arith.mulf %add3A_566, %mul3A_574 : vector<16xf32>
    %mul3A_576 = arith.constant 5.000000e-03 : f32
    %mul3A_577 = vector.broadcast %mul3A_576 : f32 to vector<16xf32>
    %mul3A_578 = arith.mulf %add3A_572, %mul3A_577 : vector<16xf32>
    %ge3A_579 = arith.constant 0.000000e+00 : f32
    %ge3A_580 = vector.broadcast %ge3A_579 : f32 to vector<16xf32>
    %ge3A_581 = arith.cmpf oge, %mul3A_575, %ge3A_580 : vector<16xf32>
    %mul3A_582 = arith.constant 0.00999999977 : f32
    %mul3A_583 = vector.broadcast %mul3A_582 : f32 to vector<16xf32>
    %mul3A_584 = arith.mulf %mul3A_583, %mul3A_575 : vector<16xf32>
    %select_n3A_585 = arith.select %ge3A_581, %mul3A_575, %mul3A_584 : vector<16xi1>, vector<16xf32>
    %ge3A_586 = arith.constant 0.000000e+00 : f32
    %ge3A_587 = vector.broadcast %ge3A_586 : f32 to vector<16xf32>
    %ge3A_588 = arith.cmpf oge, %mul3A_578, %ge3A_587 : vector<16xf32>
    %mul3A_589 = arith.constant 0.00999999977 : f32
    %mul3A_590 = vector.broadcast %mul3A_589 : f32 to vector<16xf32>
    %mul3A_591 = arith.mulf %mul3A_590, %mul3A_578 : vector<16xf32>
    %select_n3A_592 = arith.select %ge3A_588, %mul3A_578, %mul3A_591 : vector<16xi1>, vector<16xf32>
    %max3A_593 = arith.maximumf %select_n3A_585, %select_n3A_592 : vector<16xf32>
    %sub3A_594 = arith.subf %select_n3A_585, %max3A_593 : vector<16xf32>
    %sub3A_595 = arith.subf %select_n3A_592, %max3A_593 : vector<16xf32>
    %exp3A_596 = math.exp %sub3A_594 : vector<16xf32>
    %exp3A_597 = math.exp %sub3A_595 : vector<16xf32>
    %add3A_598 = arith.addf %exp3A_596, %exp3A_597 : vector<16xf32>
    %sub3A_599 = arith.constant 1.000000e+00 : f32
    %sub3A_600 = vector.broadcast %sub3A_599 : f32 to vector<16xf32>
    %sub3A_601 = arith.subf %add3A_598, %sub3A_600 : vector<16xf32>
    %add3A_602 = arith.constant 1.000000e+00 : f32
    %add3A_603 = vector.broadcast %add3A_602 : f32 to vector<16xf32>
    %add3A_604 = arith.addf %add3A_598, %add3A_603 : vector<16xf32>
    %div3A_605 = arith.divf %sub3A_601, %add3A_604 : vector<16xf32>
    %mul3A_606 = arith.mulf %div3A_605, %div3A_605 : vector<16xf32>
    %mul3A_607 = arith.constant 0.285714298 : f32
    %mul3A_608 = vector.broadcast %mul3A_607 : f32 to vector<16xf32>
    %mul3A_609 = arith.mulf %mul3A_606, %mul3A_608 : vector<16xf32>
    %add3A_610 = arith.constant 4.000000e-01 : f32
    %add3A_611 = vector.broadcast %add3A_610 : f32 to vector<16xf32>
    %add3A_612 = arith.addf %add3A_611, %mul3A_609 : vector<16xf32>
    %mul3A_613 = arith.mulf %mul3A_606, %add3A_612 : vector<16xf32>
    %add3A_614 = arith.constant 0.666666686 : f32
    %add3A_615 = vector.broadcast %add3A_614 : f32 to vector<16xf32>
    %add3A_616 = arith.addf %add3A_615, %mul3A_613 : vector<16xf32>
    %mul3A_617 = arith.mulf %mul3A_606, %add3A_616 : vector<16xf32>
    %add3A_618 = arith.constant 2.000000e+00 : f32
    %add3A_619 = vector.broadcast %add3A_618 : f32 to vector<16xf32>
    %add3A_620 = arith.addf %add3A_619, %mul3A_617 : vector<16xf32>
    %mul3A_621 = arith.mulf %div3A_605, %add3A_620 : vector<16xf32>
    %sub3A_622 = arith.subf %sub3A_594, %mul3A_621 : vector<16xf32>
    %swap3A_623 = arith.constant 96 : index
    %swap3A_624 = tpu.vector_load %arg10[%swap3A_623] {strides = array<i32>} : memref<256xf32, #tpu.memory_space<vmem>>, vector<16xf32>,
    tpu.vector_store %arg10[%swap3A_623], %sub3A_622 {strides = array<i32>} : memref<256xf32, #tpu.memory_space<vmem>>, vector<16xf32>,
    %sub3A_625 = arith.subf %sub3A_595, %mul3A_621 : vector<16xf32>
    %swap3A_626 = arith.constant 224 : index
    %swap3A_627 = tpu.vector_load %arg10[%swap3A_626] {strides = array<i32>} : memref<256xf32, #tpu.memory_space<vmem>>, vector<16xf32>,
    tpu.vector_store %arg10[%swap3A_626], %sub3A_625 {strides = array<i32>} : memref<256xf32, #tpu.memory_space<vmem>>, vector<16xf32>,
    %parallel_loop3A_628 = arith.constant 0 : i32
    %parallel_loop3A_629 = arith.constant 25 : i32
    %parallel_loop3A_630 = arith.constant 1 : i32
    %parallel_loop3A_631:8 = scf.for %parallel_loop3A_701 = %parallel_loop3A_628 to %parallel_loop3A_629 step %parallel_loop3A_630 iter_args(%parallel_loop3A_702 = %broadcast_in_dim3A_21, %parallel_loop3A_703 = %broadcast_in_dim3A_21, %parallel_loop3A_704 = %broadcast_in_dim3A_21, %parallel_loop3A_705 = %broadcast_in_dim3A_21, %parallel_loop3A_706 = %broadcast_in_dim3A_21, %parallel_loop3A_707 = %broadcast_in_dim3A_21, %parallel_loop3A_708 = %broadcast_in_dim3A_21, %parallel_loop3A_709 = %broadcast_in_dim3A_21) -> (vector<16xf32>, vector<16xf32>, vector<16xf32>, vector<16xf32>, vector<16xf32>, vector<16xf32>, vector<16xf32>, vector<16xf32>)  : i32 {
      %parallel_loop3A_710 = arith.constant 0 : i32
      %parallel_loop3A_711 = arith.index_cast %parallel_loop3A_701 : i32 to index
      %parallel_loop3A_712 = arith.index_cast %parallel_loop3A_710 : i32 to index
      %parallel_loop3A_713 = arith.constant 112 : index
      %parallel_loop3A_714 = tpu.vector_load %arg8[%parallel_loop3A_711, %parallel_loop3A_712, %parallel_loop3A_713] {strides = array<i32>} : memref<25x8x128xi32, #tpu.memory_space<vmem>>, vector<16xi32>,
      %parallel_loop3A_715 = arith.constant 1024 : i32
      %parallel_loop3A_716 = vector.broadcast %parallel_loop3A_715 : i32 to vector<16xi32>
      %parallel_loop3A_717 = arith.addi %parallel_loop3A_714, %parallel_loop3A_716 : vector<16xi32>
      %parallel_loop3A_718 = tpu.vector_load_idx %arg6[%parallel_loop3A_717] : memref<2048xi32, #tpu.memory_space<vmem>>[vector<16xi32>], vector<16xi32>,
      %parallel_loop3A_719 = arith.constant 16 : i32
      %parallel_loop3A_720 = vector.broadcast %parallel_loop3A_719 : i32 to vector<16xi32>
      %parallel_loop3A_721 = arith.shli %parallel_loop3A_718, %parallel_loop3A_720 : vector<16xi32>
      %parallel_loop3A_722 = vector.bitcast %parallel_loop3A_721 : vector<16xi32> to vector<16xf32>
      %parallel_loop3A_723 = arith.addf %parallel_loop3A_702, %parallel_loop3A_722 : vector<16xf32>
      %parallel_loop3A_724 = arith.andi %parallel_loop3A_718, %broadcast_in_dim3A_19 : vector<16xi32>
      %parallel_loop3A_725 = vector.bitcast %parallel_loop3A_724 : vector<16xi32> to vector<16xf32>
      %parallel_loop3A_726 = arith.addf %parallel_loop3A_703, %parallel_loop3A_725 : vector<16xf32>
      %parallel_loop3A_727 = arith.constant 1 : i32
      %parallel_loop3A_728 = arith.index_cast %parallel_loop3A_701 : i32 to index
      %parallel_loop3A_729 = arith.index_cast %parallel_loop3A_727 : i32 to index
      %parallel_loop3A_730 = arith.constant 112 : index
      %parallel_loop3A_731 = tpu.vector_load %arg8[%parallel_loop3A_728, %parallel_loop3A_729, %parallel_loop3A_730] {strides = array<i32>} : memref<25x8x128xi32, #tpu.memory_space<vmem>>, vector<16xi32>,
      %parallel_loop3A_732 = arith.constant 1024 : i32
      %parallel_loop3A_733 = vector.broadcast %parallel_loop3A_732 : i32 to vector<16xi32>
      %parallel_loop3A_734 = arith.addi %parallel_loop3A_731, %parallel_loop3A_733 : vector<16xi32>
      %parallel_loop3A_735 = tpu.vector_load_idx %arg6[%parallel_loop3A_734] : memref<2048xi32, #tpu.memory_space<vmem>>[vector<16xi32>], vector<16xi32>,
      %parallel_loop3A_736 = arith.constant 16 : i32
      %parallel_loop3A_737 = vector.broadcast %parallel_loop3A_736 : i32 to vector<16xi32>
      %parallel_loop3A_738 = arith.shli %parallel_loop3A_735, %parallel_loop3A_737 : vector<16xi32>
      %parallel_loop3A_739 = vector.bitcast %parallel_loop3A_738 : vector<16xi32> to vector<16xf32>
      %parallel_loop3A_740 = arith.addf %parallel_loop3A_704, %parallel_loop3A_739 : vector<16xf32>
      %parallel_loop3A_741 = arith.andi %parallel_loop3A_735, %broadcast_in_dim3A_19 : vector<16xi32>
      %parallel_loop3A_742 = vector.bitcast %parallel_loop3A_741 : vector<16xi32> to vector<16xf32>
      %parallel_loop3A_743 = arith.addf %parallel_loop3A_705, %parallel_loop3A_742 : vector<16xf32>
      %parallel_loop3A_744 = arith.constant 2 : i32
      %parallel_loop3A_745 = arith.index_cast %parallel_loop3A_701 : i32 to index
      %parallel_loop3A_746 = arith.index_cast %parallel_loop3A_744 : i32 to index
      %parallel_loop3A_747 = arith.constant 112 : index
      %parallel_loop3A_748 = tpu.vector_load %arg8[%parallel_loop3A_745, %parallel_loop3A_746, %parallel_loop3A_747] {strides = array<i32>} : memref<25x8x128xi32, #tpu.memory_space<vmem>>, vector<16xi32>,
      %parallel_loop3A_749 = arith.constant 1024 : i32
      %parallel_loop3A_750 = vector.broadcast %parallel_loop3A_749 : i32 to vector<16xi32>
      %parallel_loop3A_751 = arith.addi %parallel_loop3A_748, %parallel_loop3A_750 : vector<16xi32>
      %parallel_loop3A_752 = tpu.vector_load_idx %arg6[%parallel_loop3A_751] : memref<2048xi32, #tpu.memory_space<vmem>>[vector<16xi32>], vector<16xi32>,
      %parallel_loop3A_753 = arith.constant 16 : i32
      %parallel_loop3A_754 = vector.broadcast %parallel_loop3A_753 : i32 to vector<16xi32>
      %parallel_loop3A_755 = arith.shli %parallel_loop3A_752, %parallel_loop3A_754 : vector<16xi32>
      %parallel_loop3A_756 = vector.bitcast %parallel_loop3A_755 : vector<16xi32> to vector<16xf32>
      %parallel_loop3A_757 = arith.addf %parallel_loop3A_706, %parallel_loop3A_756 : vector<16xf32>
      %parallel_loop3A_758 = arith.andi %parallel_loop3A_752, %broadcast_in_dim3A_19 : vector<16xi32>
      %parallel_loop3A_759 = vector.bitcast %parallel_loop3A_758 : vector<16xi32> to vector<16xf32>
      %parallel_loop3A_760 = arith.addf %parallel_loop3A_707, %parallel_loop3A_759 : vector<16xf32>
      %parallel_loop3A_761 = arith.constant 3 : i32
      %parallel_loop3A_762 = arith.index_cast %parallel_loop3A_701 : i32 to index
      %parallel_loop3A_763 = arith.index_cast %parallel_loop3A_761 : i32 to index
      %parallel_loop3A_764 = arith.constant 112 : index
      %parallel_loop3A_765 = tpu.vector_load %arg8[%parallel_loop3A_762, %parallel_loop3A_763, %parallel_loop3A_764] {strides = array<i32>} : memref<25x8x128xi32, #tpu.memory_space<vmem>>, vector<16xi32>,
      %parallel_loop3A_766 = arith.constant 1024 : i32
      %parallel_loop3A_767 = vector.broadcast %parallel_loop3A_766 : i32 to vector<16xi32>
      %parallel_loop3A_768 = arith.addi %parallel_loop3A_765, %parallel_loop3A_767 : vector<16xi32>
      %parallel_loop3A_769 = tpu.vector_load_idx %arg6[%parallel_loop3A_768] : memref<2048xi32, #tpu.memory_space<vmem>>[vector<16xi32>], vector<16xi32>,
      %parallel_loop3A_770 = arith.constant 16 : i32
      %parallel_loop3A_771 = vector.broadcast %parallel_loop3A_770 : i32 to vector<16xi32>
      %parallel_loop3A_772 = arith.shli %parallel_loop3A_769, %parallel_loop3A_771 : vector<16xi32>
      %parallel_loop3A_773 = vector.bitcast %parallel_loop3A_772 : vector<16xi32> to vector<16xf32>
      %parallel_loop3A_774 = arith.addf %parallel_loop3A_708, %parallel_loop3A_773 : vector<16xf32>
      %parallel_loop3A_775 = arith.andi %parallel_loop3A_769, %broadcast_in_dim3A_19 : vector<16xi32>
      %parallel_loop3A_776 = vector.bitcast %parallel_loop3A_775 : vector<16xi32> to vector<16xf32>
      %parallel_loop3A_777 = arith.addf %parallel_loop3A_709, %parallel_loop3A_776 : vector<16xf32>
      %parallel_loop3A_778 = arith.constant 4 : i32
      %parallel_loop3A_779 = arith.index_cast %parallel_loop3A_701 : i32 to index
      %parallel_loop3A_780 = arith.index_cast %parallel_loop3A_778 : i32 to index
      %parallel_loop3A_781 = arith.constant 112 : index
      %parallel_loop3A_782 = tpu.vector_load %arg8[%parallel_loop3A_779, %parallel_loop3A_780, %parallel_loop3A_781] {strides = array<i32>} : memref<25x8x128xi32, #tpu.memory_space<vmem>>, vector<16xi32>,
      %parallel_loop3A_783 = arith.constant 1024 : i32
      %parallel_loop3A_784 = vector.broadcast %parallel_loop3A_783 : i32 to vector<16xi32>
      %parallel_loop3A_785 = arith.addi %parallel_loop3A_782, %parallel_loop3A_784 : vector<16xi32>
      %parallel_loop3A_786 = tpu.vector_load_idx %arg6[%parallel_loop3A_785] : memref<2048xi32, #tpu.memory_space<vmem>>[vector<16xi32>], vector<16xi32>,
      %parallel_loop3A_787 = arith.constant 16 : i32
      %parallel_loop3A_788 = vector.broadcast %parallel_loop3A_787 : i32 to vector<16xi32>
      %parallel_loop3A_789 = arith.shli %parallel_loop3A_786, %parallel_loop3A_788 : vector<16xi32>
      %parallel_loop3A_790 = vector.bitcast %parallel_loop3A_789 : vector<16xi32> to vector<16xf32>
      %parallel_loop3A_791 = arith.addf %parallel_loop3A_723, %parallel_loop3A_790 : vector<16xf32>
      %parallel_loop3A_792 = arith.andi %parallel_loop3A_786, %broadcast_in_dim3A_19 : vector<16xi32>
      %parallel_loop3A_793 = vector.bitcast %parallel_loop3A_792 : vector<16xi32> to vector<16xf32>
      %parallel_loop3A_794 = arith.addf %parallel_loop3A_726, %parallel_loop3A_793 : vector<16xf32>
      %parallel_loop3A_795 = arith.constant 5 : i32
      %parallel_loop3A_796 = arith.index_cast %parallel_loop3A_701 : i32 to index
      %parallel_loop3A_797 = arith.index_cast %parallel_loop3A_795 : i32 to index
      %parallel_loop3A_798 = arith.constant 112 : index
      %parallel_loop3A_799 = tpu.vector_load %arg8[%parallel_loop3A_796, %parallel_loop3A_797, %parallel_loop3A_798] {strides = array<i32>} : memref<25x8x128xi32, #tpu.memory_space<vmem>>, vector<16xi32>,
      %parallel_loop3A_800 = arith.constant 1024 : i32
      %parallel_loop3A_801 = vector.broadcast %parallel_loop3A_800 : i32 to vector<16xi32>
      %parallel_loop3A_802 = arith.addi %parallel_loop3A_799, %parallel_loop3A_801 : vector<16xi32>
      %parallel_loop3A_803 = tpu.vector_load_idx %arg6[%parallel_loop3A_802] : memref<2048xi32, #tpu.memory_space<vmem>>[vector<16xi32>], vector<16xi32>,
      %parallel_loop3A_804 = arith.constant 16 : i32
      %parallel_loop3A_805 = vector.broadcast %parallel_loop3A_804 : i32 to vector<16xi32>
      %parallel_loop3A_806 = arith.shli %parallel_loop3A_803, %parallel_loop3A_805 : vector<16xi32>
      %parallel_loop3A_807 = vector.bitcast %parallel_loop3A_806 : vector<16xi32> to vector<16xf32>
      %parallel_loop3A_808 = arith.addf %parallel_loop3A_740, %parallel_loop3A_807 : vector<16xf32>
      %parallel_loop3A_809 = arith.andi %parallel_loop3A_803, %broadcast_in_dim3A_19 : vector<16xi32>
      %parallel_loop3A_810 = vector.bitcast %parallel_loop3A_809 : vector<16xi32> to vector<16xf32>
      %parallel_loop3A_811 = arith.addf %parallel_loop3A_743, %parallel_loop3A_810 : vector<16xf32>
      %parallel_loop3A_812 = arith.constant 6 : i32
      %parallel_loop3A_813 = arith.index_cast %parallel_loop3A_701 : i32 to index
      %parallel_loop3A_814 = arith.index_cast %parallel_loop3A_812 : i32 to index
      %parallel_loop3A_815 = arith.constant 112 : index
      %parallel_loop3A_816 = tpu.vector_load %arg8[%parallel_loop3A_813, %parallel_loop3A_814, %parallel_loop3A_815] {strides = array<i32>} : memref<25x8x128xi32, #tpu.memory_space<vmem>>, vector<16xi32>,
      %parallel_loop3A_817 = arith.constant 1024 : i32
      %parallel_loop3A_818 = vector.broadcast %parallel_loop3A_817 : i32 to vector<16xi32>
      %parallel_loop3A_819 = arith.addi %parallel_loop3A_816, %parallel_loop3A_818 : vector<16xi32>
      %parallel_loop3A_820 = tpu.vector_load_idx %arg6[%parallel_loop3A_819] : memref<2048xi32, #tpu.memory_space<vmem>>[vector<16xi32>], vector<16xi32>,
      %parallel_loop3A_821 = arith.constant 16 : i32
      %parallel_loop3A_822 = vector.broadcast %parallel_loop3A_821 : i32 to vector<16xi32>
      %parallel_loop3A_823 = arith.shli %parallel_loop3A_820, %parallel_loop3A_822 : vector<16xi32>
      %parallel_loop3A_824 = vector.bitcast %parallel_loop3A_823 : vector<16xi32> to vector<16xf32>
      %parallel_loop3A_825 = arith.addf %parallel_loop3A_757, %parallel_loop3A_824 : vector<16xf32>
      %parallel_loop3A_826 = arith.andi %parallel_loop3A_820, %broadcast_in_dim3A_19 : vector<16xi32>
      %parallel_loop3A_827 = vector.bitcast %parallel_loop3A_826 : vector<16xi32> to vector<16xf32>
      %parallel_loop3A_828 = arith.addf %parallel_loop3A_760, %parallel_loop3A_827 : vector<16xf32>
      %parallel_loop3A_829 = arith.constant 7 : i32
      %parallel_loop3A_830 = arith.index_cast %parallel_loop3A_701 : i32 to index
      %parallel_loop3A_831 = arith.index_cast %parallel_loop3A_829 : i32 to index
      %parallel_loop3A_832 = arith.constant 112 : index
      %parallel_loop3A_833 = tpu.vector_load %arg8[%parallel_loop3A_830, %parallel_loop3A_831, %parallel_loop3A_832] {strides = array<i32>} : memref<25x8x128xi32, #tpu.memory_space<vmem>>, vector<16xi32>,
      %parallel_loop3A_834 = arith.constant 1024 : i32
      %parallel_loop3A_835 = vector.broadcast %parallel_loop3A_834 : i32 to vector<16xi32>
      %parallel_loop3A_836 = arith.addi %parallel_loop3A_833, %parallel_loop3A_835 : vector<16xi32>
      %parallel_loop3A_837 = tpu.vector_load_idx %arg6[%parallel_loop3A_836] : memref<2048xi32, #tpu.memory_space<vmem>>[vector<16xi32>], vector<16xi32>,
      %parallel_loop3A_838 = arith.constant 16 : i32
      %parallel_loop3A_839 = vector.broadcast %parallel_loop3A_838 : i32 to vector<16xi32>
      %parallel_loop3A_840 = arith.shli %parallel_loop3A_837, %parallel_loop3A_839 : vector<16xi32>
      %parallel_loop3A_841 = vector.bitcast %parallel_loop3A_840 : vector<16xi32> to vector<16xf32>
      %parallel_loop3A_842 = arith.addf %parallel_loop3A_774, %parallel_loop3A_841 : vector<16xf32>
      %parallel_loop3A_843 = arith.andi %parallel_loop3A_837, %broadcast_in_dim3A_19 : vector<16xi32>
      %parallel_loop3A_844 = vector.bitcast %parallel_loop3A_843 : vector<16xi32> to vector<16xf32>
      %parallel_loop3A_845 = arith.addf %parallel_loop3A_777, %parallel_loop3A_844 : vector<16xf32>
      scf.yield %parallel_loop3A_791, %parallel_loop3A_794, %parallel_loop3A_808, %parallel_loop3A_811, %parallel_loop3A_825, %parallel_loop3A_828, %parallel_loop3A_842, %parallel_loop3A_845 : vector<16xf32>, vector<16xf32>, vector<16xf32>, vector<16xf32>, vector<16xf32>, vector<16xf32>, vector<16xf32>, vector<16xf32>
    } {sc.loop_unroll_factor = 2 : i64, sc.parallel_access}
    %add3A_632 = arith.addf %parallel_loop3A_631#0, %parallel_loop3A_631#2 : vector<16xf32>
    %add3A_633 = arith.addf %parallel_loop3A_631#4, %parallel_loop3A_631#6 : vector<16xf32>
    %add3A_634 = arith.addf %add3A_632, %add3A_633 : vector<16xf32>
    %get3A_635 = arith.constant 112 : index
    %get3A_636 = tpu.vector_load %arg9[%get3A_635] {strides = array<i32>} : memref<256xf32, #tpu.memory_space<vmem>>, vector<16xf32>,
    %add3A_637 = arith.addf %add3A_634, %get3A_636 : vector<16xf32>
    %add3A_638 = arith.addf %parallel_loop3A_631#1, %parallel_loop3A_631#3 : vector<16xf32>
    %add3A_639 = arith.addf %parallel_loop3A_631#5, %parallel_loop3A_631#7 : vector<16xf32>
    %add3A_640 = arith.addf %add3A_638, %add3A_639 : vector<16xf32>
    %get3A_641 = arith.constant 240 : index
    %get3A_642 = tpu.vector_load %arg9[%get3A_641] {strides = array<i32>} : memref<256xf32, #tpu.memory_space<vmem>>, vector<16xf32>,
    %add3A_643 = arith.addf %add3A_640, %get3A_642 : vector<16xf32>
    %mul3A_644 = arith.constant 5.000000e-03 : f32
    %mul3A_645 = vector.broadcast %mul3A_644 : f32 to vector<16xf32>
    %mul3A_646 = arith.mulf %add3A_637, %mul3A_645 : vector<16xf32>
    %mul3A_647 = arith.constant 5.000000e-03 : f32
    %mul3A_648 = vector.broadcast %mul3A_647 : f32 to vector<16xf32>
    %mul3A_649 = arith.mulf %add3A_643, %mul3A_648 : vector<16xf32>
    %ge3A_650 = arith.constant 0.000000e+00 : f32
    %ge3A_651 = vector.broadcast %ge3A_650 : f32 to vector<16xf32>
    %ge3A_652 = arith.cmpf oge, %mul3A_646, %ge3A_651 : vector<16xf32>
    %mul3A_653 = arith.constant 0.00999999977 : f32
    %mul3A_654 = vector.broadcast %mul3A_653 : f32 to vector<16xf32>
    %mul3A_655 = arith.mulf %mul3A_654, %mul3A_646 : vector<16xf32>
    %select_n3A_656 = arith.select %ge3A_652, %mul3A_646, %mul3A_655 : vector<16xi1>, vector<16xf32>
    %ge3A_657 = arith.constant 0.000000e+00 : f32
    %ge3A_658 = vector.broadcast %ge3A_657 : f32 to vector<16xf32>
    %ge3A_659 = arith.cmpf oge, %mul3A_649, %ge3A_658 : vector<16xf32>
    %mul3A_660 = arith.constant 0.00999999977 : f32
    %mul3A_661 = vector.broadcast %mul3A_660 : f32 to vector<16xf32>
    %mul3A_662 = arith.mulf %mul3A_661, %mul3A_649 : vector<16xf32>
    %select_n3A_663 = arith.select %ge3A_659, %mul3A_649, %mul3A_662 : vector<16xi1>, vector<16xf32>
    %max3A_664 = arith.maximumf %select_n3A_656, %select_n3A_663 : vector<16xf32>
    %sub3A_665 = arith.subf %select_n3A_656, %max3A_664 : vector<16xf32>
    %sub3A_666 = arith.subf %select_n3A_663, %max3A_664 : vector<16xf32>
    %exp3A_667 = math.exp %sub3A_665 : vector<16xf32>
    %exp3A_668 = math.exp %sub3A_666 : vector<16xf32>
    %add3A_669 = arith.addf %exp3A_667, %exp3A_668 : vector<16xf32>
    %sub3A_670 = arith.constant 1.000000e+00 : f32
    %sub3A_671 = vector.broadcast %sub3A_670 : f32 to vector<16xf32>
    %sub3A_672 = arith.subf %add3A_669, %sub3A_671 : vector<16xf32>
    %add3A_673 = arith.constant 1.000000e+00 : f32
    %add3A_674 = vector.broadcast %add3A_673 : f32 to vector<16xf32>
    %add3A_675 = arith.addf %add3A_669, %add3A_674 : vector<16xf32>
    %div3A_676 = arith.divf %sub3A_672, %add3A_675 : vector<16xf32>
    %mul3A_677 = arith.mulf %div3A_676, %div3A_676 : vector<16xf32>
    %mul3A_678 = arith.constant 0.285714298 : f32
    %mul3A_679 = vector.broadcast %mul3A_678 : f32 to vector<16xf32>
    %mul3A_680 = arith.mulf %mul3A_677, %mul3A_679 : vector<16xf32>
    %add3A_681 = arith.constant 4.000000e-01 : f32
    %add3A_682 = vector.broadcast %add3A_681 : f32 to vector<16xf32>
    %add3A_683 = arith.addf %add3A_682, %mul3A_680 : vector<16xf32>
    %mul3A_684 = arith.mulf %mul3A_677, %add3A_683 : vector<16xf32>
    %add3A_685 = arith.constant 0.666666686 : f32
    %add3A_686 = vector.broadcast %add3A_685 : f32 to vector<16xf32>
    %add3A_687 = arith.addf %add3A_686, %mul3A_684 : vector<16xf32>
    %mul3A_688 = arith.mulf %mul3A_677, %add3A_687 : vector<16xf32>
    %add3A_689 = arith.constant 2.000000e+00 : f32
    %add3A_690 = vector.broadcast %add3A_689 : f32 to vector<16xf32>
    %add3A_691 = arith.addf %add3A_690, %mul3A_688 : vector<16xf32>
    %mul3A_692 = arith.mulf %div3A_676, %add3A_691 : vector<16xf32>
    %sub3A_693 = arith.subf %sub3A_665, %mul3A_692 : vector<16xf32>
    %swap3A_694 = arith.constant 112 : index
    %swap3A_695 = tpu.vector_load %arg10[%swap3A_694] {strides = array<i32>} : memref<256xf32, #tpu.memory_space<vmem>>, vector<16xf32>,
    tpu.vector_store %arg10[%swap3A_694], %sub3A_693 {strides = array<i32>} : memref<256xf32, #tpu.memory_space<vmem>>, vector<16xf32>,
    %sub3A_696 = arith.subf %sub3A_666, %mul3A_692 : vector<16xf32>
    %swap3A_697 = arith.constant 240 : index
    %swap3A_698 = tpu.vector_load %arg10[%swap3A_697] {strides = array<i32>} : memref<256xf32, #tpu.memory_space<vmem>>, vector<16xf32>,
    tpu.vector_store %arg10[%swap3A_697], %sub3A_696 {strides = array<i32>} : memref<256xf32, #tpu.memory_space<vmem>>, vector<16xf32>,
    "tpu.region"() ({
      %run_scoped3A = tpu.sem_alloc : memref<!tpu.dma_semaphore, #tpu.memory_space<semaphore_mem>>
      %dma_start3A_701 = arith.constant 0 : i32
      %dma_start3A_702 = tpu.memref_slice %arg10[%dma_start3A_701] : memref<256xf32, #tpu.memory_space<vmem>> -> memref<128xf32, #tpu.memory_space<vmem>>
      %dma_start3A_703 = tpu.memref_slice %arg5[%mul3A_2] : memref<8192xf32, #tpu.memory_space<hbm>> -> memref<128xf32, #tpu.memory_space<hbm>>
      %dma_start3A_704 = tpu.memref_slice %arg5[%mul3A_2] : memref<8192xf32, #tpu.memory_space<hbm>> -> memref<128xf32, #tpu.memory_space<hbm>>
      %dma_start3A_705 = arith.constant 0 : i32
      %dma_start3A_706 = tpu.memref_slice %arg10[%dma_start3A_705] : memref<256xf32, #tpu.memory_space<vmem>> -> memref<128xf32, #tpu.memory_space<vmem>>
      tpu.enqueue_dma source(%dma_start3A_706 : memref<128xf32, #tpu.memory_space<vmem>>) target(%dma_start3A_704 : memref<128xf32, #tpu.memory_space<hbm>>) target_semaphore(%run_scoped3A : memref<!tpu.dma_semaphore, #tpu.memory_space<semaphore_mem>>)
      %dma_wait3A_707 = arith.constant 0 : i32
      %dma_wait3A_708 = tpu.memref_slice %arg10[%dma_wait3A_707] : memref<256xf32, #tpu.memory_space<vmem>> -> memref<128xf32, #tpu.memory_space<vmem>>
      %dma_wait3A_709 = tpu.memref_slice %arg5[%mul3A_2] : memref<8192xf32, #tpu.memory_space<hbm>> -> memref<128xf32, #tpu.memory_space<hbm>>
      %dma_wait3A_710 = tpu.memref_slice %arg5[%mul3A_2] : memref<8192xf32, #tpu.memory_space<hbm>> -> memref<128xf32, #tpu.memory_space<hbm>>
      %dma_wait3A_711 = arith.constant 0 : i32
      %dma_wait3A_712 = tpu.memref_slice %arg10[%dma_wait3A_711] : memref<256xf32, #tpu.memory_space<vmem>> -> memref<128xf32, #tpu.memory_space<vmem>>
      tpu.wait_dma2 semaphore(%run_scoped3A : memref<!tpu.dma_semaphore, #tpu.memory_space<semaphore_mem>>) src(%dma_wait3A_712 : memref<128xf32, #tpu.memory_space<vmem>>) dst(%dma_wait3A_710 : memref<128xf32, #tpu.memory_space<hbm>>)
      tpu.yield
    }) : () -> ()
    %add3A_699 = arith.constant 4096 : i32
    %add3A_700 = arith.addi %add3A_699, %mul3A_2 : i32
    "tpu.region"() ({
      %run_scoped3A = tpu.sem_alloc : memref<!tpu.dma_semaphore, #tpu.memory_space<semaphore_mem>>
      %dma_start3A_701 = arith.constant 128 : i32
      %dma_start3A_702 = tpu.memref_slice %arg10[%dma_start3A_701] : memref<256xf32, #tpu.memory_space<vmem>> -> memref<128xf32, #tpu.memory_space<vmem>>
      %dma_start3A_703 = tpu.memref_slice %arg5[%add3A_700] : memref<8192xf32, #tpu.memory_space<hbm>> -> memref<128xf32, #tpu.memory_space<hbm>>
      %dma_start3A_704 = tpu.memref_slice %arg5[%add3A_700] : memref<8192xf32, #tpu.memory_space<hbm>> -> memref<128xf32, #tpu.memory_space<hbm>>
      %dma_start3A_705 = arith.constant 128 : i32
      %dma_start3A_706 = tpu.memref_slice %arg10[%dma_start3A_705] : memref<256xf32, #tpu.memory_space<vmem>> -> memref<128xf32, #tpu.memory_space<vmem>>
      tpu.enqueue_dma source(%dma_start3A_706 : memref<128xf32, #tpu.memory_space<vmem>>) target(%dma_start3A_704 : memref<128xf32, #tpu.memory_space<hbm>>) target_semaphore(%run_scoped3A : memref<!tpu.dma_semaphore, #tpu.memory_space<semaphore_mem>>)
      %dma_wait3A_707 = arith.constant 128 : i32
      %dma_wait3A_708 = tpu.memref_slice %arg10[%dma_wait3A_707] : memref<256xf32, #tpu.memory_space<vmem>> -> memref<128xf32, #tpu.memory_space<vmem>>
      %dma_wait3A_709 = tpu.memref_slice %arg5[%add3A_700] : memref<8192xf32, #tpu.memory_space<hbm>> -> memref<128xf32, #tpu.memory_space<hbm>>
      %dma_wait3A_710 = tpu.memref_slice %arg5[%add3A_700] : memref<8192xf32, #tpu.memory_space<hbm>> -> memref<128xf32, #tpu.memory_space<hbm>>
      %dma_wait3A_711 = arith.constant 128 : i32
      %dma_wait3A_712 = tpu.memref_slice %arg10[%dma_wait3A_711] : memref<256xf32, #tpu.memory_space<vmem>> -> memref<128xf32, #tpu.memory_space<vmem>>
      tpu.wait_dma2 semaphore(%run_scoped3A : memref<!tpu.dma_semaphore, #tpu.memory_space<semaphore_mem>>) src(%dma_wait3A_712 : memref<128xf32, #tpu.memory_space<vmem>>) dst(%dma_wait3A_710 : memref<128xf32, #tpu.memory_space<hbm>>)
      tpu.yield
    }) : () -> ()
    return
  }
}

module attributes {stable_mosaic.version = 14 : i64} {
  func.func @_proj_body(%arg0: memref<1000x128xf32, #tpu.memory_space<vmem>>, %arg1: memref<2x256xf32, #tpu.memory_space<vmem>>, %arg2: memref<1x2xf32, #tpu.memory_space<vmem>>, %arg3: memref<2048xi32, #tpu.memory_space<vmem>>) attributes {dimension_semantics = [], scalar_prefetch = 0 : i64, scratch_operands = 0 : i64, tpu.core_type = #tpu.core_type<tc>} {
    %get3A = arith.constant 0 : index
    %get3A_0 = arith.constant 0 : index
    %get3A_1 = vector.load %arg0[%get3A, %get3A_0] : memref<1000x128xf32, #tpu.memory_space<vmem>>, vector<1000x128xf32>
    %get3A_2 = arith.constant 0 : index
    %get3A_3 = arith.constant 0 : index
    %get3A_4 = vector.load %arg2[%get3A_2, %get3A_3] : memref<1x2xf32, #tpu.memory_space<vmem>>, vector<1x2xf32>
    %mul3A = arith.constant 5.000000e-01 : f32
    %mul3A_5 = vector.broadcast %mul3A : f32 to vector<1x2xf32>
    %mul3A_6 = arith.mulf %mul3A_5, %get3A_4 : vector<1x2xf32>
    %get3A_7 = arith.constant 0 : index
    %get3A_8 = arith.constant 0 : index
    %get3A_9 = vector.load %arg1[%get3A_7, %get3A_8] : memref<2x256xf32, #tpu.memory_space<vmem>>, vector<2x128xf32>
    %dot_general3A = arith.constant dense<0.000000e+00> : vector<2x1000xf32>
    %dot_general3A_10 = tpu.matmul %get3A_9, %get3A_1, %dot_general3A {dimension_numbers = #tpu.dot_dimension_numbers<[1], [1], [0], [0], [0, 0, 1, 0], [], []>, transpose_lhs_hint = false} : vector<2x128xf32>, vector<1000x128xf32>, vector<2x1000xf32> -> vector<2x1000xf32>
    %transpose3A = tpu.transpose %mul3A_6, [1, 0] : vector<1x2xf32> -> vector<2x1xf32>
    %add3A = vector.broadcast %transpose3A : vector<2x1xf32> to vector<2x1000xf32>
    %add3A_11 = arith.addf %dot_general3A_10, %add3A : vector<2x1000xf32>
    %get3A_12 = arith.constant 0 : index
    %get3A_13 = arith.constant 128 : index
    %get3A_14 = vector.load %arg1[%get3A_12, %get3A_13] : memref<2x256xf32, #tpu.memory_space<vmem>>, vector<2x128xf32>
    %dot_general3A_15 = arith.constant dense<0.000000e+00> : vector<2x1000xf32>
    %dot_general3A_16 = tpu.matmul %get3A_14, %get3A_1, %dot_general3A_15 {dimension_numbers = #tpu.dot_dimension_numbers<[1], [1], [0], [0], [0, 0, 1, 0], [], []>, transpose_lhs_hint = false} : vector<2x128xf32>, vector<1000x128xf32>, vector<2x1000xf32> -> vector<2x1000xf32>
    %transpose3A_17 = tpu.transpose %mul3A_6, [1, 0] : vector<1x2xf32> -> vector<2x1xf32>
    %add3A_18 = vector.broadcast %transpose3A_17 : vector<2x1xf32> to vector<2x1000xf32>
    %add3A_19 = arith.addf %dot_general3A_16, %add3A_18 : vector<2x1000xf32>
    %slice3A = vector.extract_strided_slice %add3A_11 {offsets = [0, 0], sizes = [1, 1000], strides = [1, 1]} : vector<2x1000xf32> to vector<1x1000xf32>
    %convert_element_type3A = arith.truncf %slice3A : vector<1x1000xf32> to vector<1x1000xbf16>
    %bitcast_convert_type3A = tpu.bitcast %convert_element_type3A : vector<1x1000xbf16> -> vector<1x1000xi16>
    %slice3A_20 = vector.extract_strided_slice %add3A_11 {offsets = [1, 0], sizes = [1, 1000], strides = [1, 1]} : vector<2x1000xf32> to vector<1x1000xf32>
    %convert_element_type3A_21 = arith.truncf %slice3A_20 : vector<1x1000xf32> to vector<1x1000xbf16>
    %bitcast_convert_type3A_22 = tpu.bitcast %convert_element_type3A_21 : vector<1x1000xbf16> -> vector<1x1000xi16>
    %convert_element_type3A_23 = arith.extui %bitcast_convert_type3A : vector<1x1000xi16> to vector<1x1000xi32>
    %convert_element_type3A_24 = arith.extui %bitcast_convert_type3A_22 : vector<1x1000xi16> to vector<1x1000xi32>
    %shift_left3A = arith.constant 16 : i32
    %shift_left3A_25 = vector.broadcast %shift_left3A : i32 to vector<1x1000xi32>
    %shift_left3A_26 = arith.shli %convert_element_type3A_24, %shift_left3A_25 : vector<1x1000xi32>
    %or3A = arith.ori %convert_element_type3A_23, %shift_left3A_26 : vector<1x1000xi32>
    %bitcast_convert_type3A_27 = tpu.bitcast %or3A : vector<1x1000xi32> -> vector<1x1000xi32>
    %reshape3A = vector.shape_cast %bitcast_convert_type3A_27 : vector<1x1000xi32> to vector<1000xi32>
    %swap3A = arith.constant 0 : index
    %swap3A_28 = vector.load %arg3[%swap3A] : memref<2048xi32, #tpu.memory_space<vmem>>, vector<1000xi32>
    tpu.vector_store %arg3[%swap3A], %reshape3A {strides = array<i32>} : memref<2048xi32, #tpu.memory_space<vmem>>, vector<1000xi32>,
    %slice3A_29 = vector.extract_strided_slice %add3A_19 {offsets = [0, 0], sizes = [1, 1000], strides = [1, 1]} : vector<2x1000xf32> to vector<1x1000xf32>
    %convert_element_type3A_30 = arith.truncf %slice3A_29 : vector<1x1000xf32> to vector<1x1000xbf16>
    %bitcast_convert_type3A_31 = tpu.bitcast %convert_element_type3A_30 : vector<1x1000xbf16> -> vector<1x1000xi16>
    %slice3A_32 = vector.extract_strided_slice %add3A_19 {offsets = [1, 0], sizes = [1, 1000], strides = [1, 1]} : vector<2x1000xf32> to vector<1x1000xf32>
    %convert_element_type3A_33 = arith.truncf %slice3A_32 : vector<1x1000xf32> to vector<1x1000xbf16>
    %bitcast_convert_type3A_34 = tpu.bitcast %convert_element_type3A_33 : vector<1x1000xbf16> -> vector<1x1000xi16>
    %convert_element_type3A_35 = arith.extui %bitcast_convert_type3A_31 : vector<1x1000xi16> to vector<1x1000xi32>
    %convert_element_type3A_36 = arith.extui %bitcast_convert_type3A_34 : vector<1x1000xi16> to vector<1x1000xi32>
    %shift_left3A_37 = arith.constant 16 : i32
    %shift_left3A_38 = vector.broadcast %shift_left3A_37 : i32 to vector<1x1000xi32>
    %shift_left3A_39 = arith.shli %convert_element_type3A_36, %shift_left3A_38 : vector<1x1000xi32>
    %or3A_40 = arith.ori %convert_element_type3A_35, %shift_left3A_39 : vector<1x1000xi32>
    %bitcast_convert_type3A_41 = tpu.bitcast %or3A_40 : vector<1x1000xi32> -> vector<1x1000xi32>
    %reshape3A_42 = vector.shape_cast %bitcast_convert_type3A_41 : vector<1x1000xi32> to vector<1000xi32>
    %swap3A_43 = arith.constant 1024 : index
    %swap3A_44 = vector.load %arg3[%swap3A_43] : memref<2048xi32, #tpu.memory_space<vmem>>, vector<1000xi32>
    tpu.vector_store %arg3[%swap3A_43], %reshape3A_42 {strides = array<i32>} : memref<2048xi32, #tpu.memory_space<vmem>>, vector<1000xi32>,
    return
  }
}

</mosaic_0001>

<sc_bundles>
// kernel: kernel.4.cloned.1.call-start
scs
__scs_entry_jumppad:
0x0: {  	(pc) =	sbr.rel $0x88, $3  }
0x1: {  	(tag) =	ssettag $0x0;
	lr =	simm.s32 $0x1  }
0x2: {  	[smem:$0x3F9C] =	sst lr;
	_ =	strace $0xD0000000  }
0x3: {  	_ = 	snop  }
0x4: {  	_ = 	snop  }
0x5: {  	_ = 	snop  }
0x6: {  	_ = 	snop  }
0x7: {  	_ = 	snop  }
__scs_overlays_trampoline_lowered:
0x8: {  	[smem:$0x3FAB] =	sst s0  }
0x9: {  	[smem:$0x3FAC] =	sst s1  }
0xa: {  	[smem:$0x3FAD] =	sst s2  }
0xb: {  	[smem:$0x3FAE] =	sst s3  }
0xc: {  	[smem:$0x3FAF] =	sst s4  }
0xd: {  	[smem:$0x3FB0] =	sst s5  }
0xe: {  	[smem:$0x3FB1] =	sst s6  }
0xf: {  	[smem:$0x3FB2] =	sst s7  }
0x10: {  	[smem:$0x3FB3] =	sst s8  }
0x11: {  	[smem:$0x3FB4] =	sst s9;
	s0 =	simm.s32 @!p0 $0x0  }
0x12: {  	s1 =	sld [smem:$0x3F9A];
	s0 =	simm.s32 @p0 $0x1  }
0x13: {  	[smem:$0x3FB5] =	sst s0;
	s0 =	simm.s32 @!p1 $0x0  }
0x14: {  	s2 =	sld [smem:$0x3F99];
	s0 =	simm.s32 @p1 $0x1  }
0x15: {  	[smem:$0x3FB6] =	sst s0;
	s0 =	simm.s32 @!p2 $0x0  }
0x16: {  	s3 =	sld [smem:$0x3FDB];
	s0 =	simm.s32 @p2 $0x1  }
0x17: {  	s4 =	simm.s32 $0x1BF5;
	[smem:$0x3FB8] =	sst s0  }
0x18: {  	s0 =	sld [smem:$0x3F9B];
	_ =	swait.ge [sflag:s4], $0x0  }
0x19: {  	s7 =	sld [smem:$0x3F9C]  }
0x1a: {  	s8 =	sadd.s32 $0xFFFFE003, lr  }
0x1b: {  	s9 =	sadd.s32 $0xFFFFFEF7, lr;
	s5 =	simm.s32 $0xFFFFFFFF;
	p2 =	slt.u32 s8, $0xFFFFF086  }
0x1c: {  	p1 =	slt.u32 s9, $0xF7A;
	s5 =	simm.s32 @!p2 $0x0  }
0x1d: {  	s5 =	simm.s32 @p1 $0x1;
	p0 =	seq.s32 s7, s2  }
0x1e: {  	s7 =	smul.u32 @!p0 $0xF7A, s2;
	p2 =	seq.s32 @!p0 s5, $0x0  }
0x1f: {  	s9 =	smul.u32 $0xF7A, s1;
	s8 =	simm.s32 @!p0 $0x1BF5;
	p2 =	por !p2, p0  }
0x20: {  	[sflag:s8] =	ssyncset.s32 @!p0 $0xFFFFF086;
	s6 =	sadd.s32 @!p0 s3, s7;
	s7 =	simm.s32 @!p0 $0x108  }
0x21: {  	s3 =	sadd.s32 s3, s9;
	s6 =	sadd.s32 @!p0 $0x88, s6;
	s7 =	simm.s32 @p2 $0x1082  }
0x22: {  	[simem:s7], [sflag:s8] =	dma.local @!p0 [hbm:s6], $0xF7A  }
0x23: {  	s9 =	sor.u32 $0xD0000000, s2;
	s6 =	simm.s32 $0x108;
	_ =	swait.ge @!p0 [sflag:s8], $0x0  }
0x24: {  	s3 =	sadd.s32 $0x88, s3;
	s6 =	simm.s32 @!p1 $0x1082;
	[sflag:s4] =	ssyncset.s32 $0xFFFFF086  }
0x25: {  	[simem:s6], [sflag:s4] =	dma.local [hbm:s3], $0xF7A  }
0x26: {  	[smem:$0x3F9C] =	sst s1;
	(tag) =	ssettag s2;
	_ =	strace s9  }
0x27: {  	s1 =	sld [smem:$0x3FAC]  }
0x28: {  	s2 =	sld [smem:$0x3FAD]  }
0x29: {  	s4 =	sld [smem:$0x3FAF]  }
0x2a: {  	p0 =	seq.s32 s5, $0x0;
	s5 =	sld [smem:$0x3FB0]  }
0x2b: {  	s6 =	sld [smem:$0x3FB1]  }
0x2c: {  	s7 =	sld [smem:$0x3FB2]  }
0x2d: {  	s3 =	simm.s32 $0x108;
	s8 =	sld [smem:$0x3FB3]  }
0x2e: {  	s3 =	simm.s32 @!p0 $0x1082;
	s9 =	sld [smem:$0x3FB4]  }
0x2f: {  	lr =	sadd.s32 s0, s3;
	s0 =	sld [smem:$0x3FAB]  }
0x30: {  	s3 =	sld [smem:$0x3FAE]  }
0x31: {  	[smem:$0x3FB7] =	sst s10  }
0x32: {  	s10 =	sld [smem:$0x3FB5];
	_ =	sdelay $0x3  }
0x33: {  	p0 =	seq.s32 s10, $0x1;
	s10 =	sld [smem:$0x3FB7];
	_ =	sdelay $0x3  }
0x34: {  	[smem:$0x3FB7] =	sst s10  }
0x35: {  	s10 =	sld [smem:$0x3FB6];
	_ =	sdelay $0x3  }
0x36: {  	p1 =	seq.s32 s10, $0x1;
	s10 =	sld [smem:$0x3FB7];
	_ =	sdelay $0x3  }
0x37: {  	[smem:$0x3FB7] =	sst s10  }
0x38: {  	s10 =	sld [smem:$0x3FB8]  }
0x39: {  	_ = 	snop;
	(pc) =	sbr.ind lr, $3  }
0x3a: {  	_ = 	snop  }
0x3b: {  	_ = 	snop  }
0x3c: {  	p2 =	seq.s32 s10, $0x1;
	s10 =	sld [smem:$0x3FB7]  }
0x3d: {  	_ =	shalt  }
0x3e: {  	_ =	shalt  }
0x3f: {  	_ =	shalt  }
0x40: {  	_ =	shalt  }
0x41: {  	_ =	shalt  }
0x42: {  	_ =	shalt  }
0x43: {  	_ =	shalt  }
0x44: {  	_ =	shalt  }
0x45: {  	_ =	shalt  }
0x46: {  	_ =	shalt  }
0x47: {  	_ =	shalt  }
0x48: {  	_ =	shalt  }
0x49: {  	_ =	shalt  }
0x4a: {  	_ =	shalt  }
0x4b: {  	_ =	shalt  }
0x4c: {  	_ =	shalt  }
0x4d: {  	_ =	shalt  }
0x4e: {  	_ =	shalt  }
0x4f: {  	_ =	shalt  }
0x50: {  	_ =	shalt  }
0x51: {  	_ =	shalt  }
0x52: {  	_ =	shalt  }
0x53: {  	_ =	shalt  }
0x54: {  	_ =	shalt  }
0x55: {  	_ =	shalt  }
0x56: {  	_ =	shalt  }
0x57: {  	_ =	shalt  }
0x58: {  	_ =	shalt  }
0x59: {  	_ =	shalt  }
0x5a: {  	_ =	shalt  }
0x5b: {  	_ =	shalt  }
0x5c: {  	_ =	shalt  }
0x5d: {  	_ =	shalt  }
0x5e: {  	_ =	shalt  }
0x5f: {  	_ =	shalt  }
0x60: {  	_ =	shalt  }
0x61: {  	_ =	shalt  }
0x62: {  	_ =	shalt  }
0x63: {  	_ =	shalt  }
0x64: {  	_ =	shalt  }
0x65: {  	_ =	shalt  }
0x66: {  	_ =	shalt  }
0x67: {  	_ =	shalt  }
0x68: {  	_ =	shalt  }
0x69: {  	_ =	shalt  }
0x6a: {  	_ =	shalt  }
0x6b: {  	_ =	shalt  }
0x6c: {  	_ =	shalt  }
0x6d: {  	_ =	shalt  }
0x6e: {  	_ =	shalt  }
0x6f: {  	_ =	shalt  }
0x70: {  	_ =	shalt  }
0x71: {  	_ =	shalt  }
0x72: {  	_ =	shalt  }
0x73: {  	_ =	shalt  }
0x74: {  	_ =	shalt  }
0x75: {  	_ =	shalt  }
0x76: {  	_ =	shalt  }
0x77: {  	_ =	shalt  }
0x78: {  	_ =	shalt  }
0x79: {  	_ =	shalt  }
0x7a: {  	_ =	shalt  }
0x7b: {  	_ =	shalt  }
0x7c: {  	_ =	shalt  }
0x7d: {  	_ =	shalt  }
0x7e: {  	_ =	shalt  }
0x7f: {  	_ =	shalt  }
0x80: {  	_ =	shalt  }
0x81: {  	_ =	shalt  }
0x82: {  	_ =	shalt  }
0x83: {  	_ =	shalt  }
0x84: {  	_ =	shalt  }
0x85: {  	_ =	shalt  }
0x86: {  	_ =	shalt  }
0x87: {  	_ =	shalt  }
.Lfunc_end0:
.L_simem_size_0:
called_computation_lowered:
.L_overlay_start_0:
0x88: {  	s2 =	sld [smem:$0x3FD9]  }
0x89: {  	s3 =	sld [smem:$0x3FFE];
	_ =	sdelay $0x1  }
0x8a: {  	s1 =	srdreg.scid  }
0x8b: {  	s0 =	sand.u32 $0x1, s1  }
0x8c: {  	s17 =	sshll.u32 s0, $0xA;
	s2 =	sadd.s32 s3, s2  }
0x8d: {  	s2 =	sadd.s32 s2, s17  }
0x8e: {  	[smem:$0x3FC3] =	sst s2  }
0x8f: {  	_ = 	snop  }
0x90: {  	s2 =	sld [smem:$0x3FC9]  }
0x91: {  	s18 =	sld [smem:$0x3FC8]  }
0x92: {  	s4 =	sld [smem:$0x3FD0];
	(tm) =	ssettm $0x1  }
0x93: {  	s5 =	sld [smem:$0x3FFB];
	_ =	sdelay $0x3  }
0x94: {  	_ =	strace s5  }
0x95: {  	s5 =	sld [smem:$0x3FFC];
	_ =	sdelay $0x3  }
0x96: {  	_ =	strace s5  }
0x97: {  	s5 =	sld [smem:$0x3FFD];
	_ =	sdelay $0x3  }
0x98: {  	_ =	strace s5  }
0x99: {  	_ =	strace $0x8FFFFFFF  }
0x9a: {  	s19 =	sld [smem:$0x3FDB];
	_ =	sdelay $0x1  }
0x9b: {  	s6 =	simm.s32 $_scs_section_size  }
0x9c: {  	s7 =	simm.s32 $_size__tile_overlayer_lowered;
	s8 =	simm.s32 $_tile_overlayer_lowered  }
0x9d: {  	s22 =	simm.s32 $0x1BFF;
	s21 =	sshll.u32 s8, $0x1;
	s5 =	sadd.s32 s6, s19  }
0x9e: {  	s9 =	simm.s32 $0x0;
	s20 =	sshll.u32 s7, $0x1;
	s7 =	sadd.s32 s21, s5  }
0x9f: {  	[timem:s9], [sflag:s22] =	dma.local [hbm:s7], s20  }
0xa0: {  	_ =	swait.ge [sflag:s22], s20  }
0xa1: {  	s6 =	ssub.s32 $0x0, s20;
	[sflag:s22] =	ssyncset.done $0x0  }
0xa2: {  	[sflag:s22] =	ssyncadd.s32 s6;
	_ =	sdelay $0x1  }
0xa3: {  	s23 =	simm.s32 $0x1B8B  }
0xa4: {  	_ =	swait.ge [sflag:s23], $0x1  }
0xa5: {  	[sflag:s23] =	ssyncset.done $0x0  }
0xa6: {  	s25 =	simm.s32 $0x1B8E;
	s24 =	sld [smem:$0x3FFE];
	[sflag:s23] =	ssyncadd.s32 $0xFFFFFFFF  }
0xa7: {  	s26 =	simm.s32 $execute0_lowered;
	[smem:$0x3FD2] =	sst s25  }
0xa8: {  	s7 =	sshll.u32 s26, $0x1;
	_ =	strace $0x80000046;
	[dreg:$0x1] =	wrdreg $0xFFFFFFFF  }
0xa9: {  	s28 =	simm.s32 $_size_execute0_lowered;
	s5 =	sadd.s32 s5, s7;
	[dreg:$0x0] =	wrdreg $0x0  }
0xaa: {  	s7 =	sshll.u32 s28, $0x1;
	[dreg:$0x2] =	wrdreg s5  }
0xab: {  	[dreg:$0x3] =	wrdreg s7  }
0xac: {  	[dreg:$0x4] =	wrdreg $0xC0  }
0xad: {  	_ =	task [dreg:s9], $0x5FFFF  }
0xae: {  	[dreg:$0x1] =	wrdreg $0xFFFFFFFF  }
0xaf: {  	[dreg:$0x0] =	wrdreg $0x60  }
0xb0: {  	[dreg:$0x2] =	wrdreg s4  }
0xb1: {  	[dreg:$0x3] =	wrdreg s2  }
0xb2: {  	[dreg:$0x4] =	wrdreg s18  }
0xb3: {  	[dreg:$0x5] =	wrdreg s24  }
0xb4: {  	[dreg:$0x6] =	wrdreg $0x9  }
0xb5: {  	_ =	task.clear_ibuf [dreg:s9], $0x7FFFF;
	_ =	strace $0x90000046  }
0xb6: {  	s29 =	simm.s32 $0x9;
	_ =	strace $0x80000048  }
0xb7: {  	_ =	swait.ge [sflag:s29], $0x1  }
0xb8: {  	[sflag:s29] =	ssyncadd.s32 $0xFFFFFFFF  }
0xb9: {  	_ =	strace $0x90000048  }
0xba: {  	_ =	sfence  }
0xbb: {  	s30 =	sld [smem:$0x0];
	_ =	sdelay $0x2  }
0xbc: {  	s31 =	sshll.u32 s1, $0xD;
	s1 =	sshrl.u32 s1, $0x2  }
0xbd: {  	s3 =	sand.u32 $0x4000, s31;
	s1 =	sadd.s32 s1, s30  }
0xbe: {  	s0 =	sor.u32 s3, s0;
	s1 =	sshll.u32 s1, $0x11  }
0xbf: {  	s0 =	sor.u32 s1, s0  }
0xc0: {  	s0 =	sadd.s32 $0x8F2B, s0  }
0xc1: {  	[sflag:s0] =	ssyncadd.remote.s32 $0x1  }
0xc2: {  	_ =	sfence.sel $0xFFFF  }
0xc3: {  	[dreg:$0x0] =	wrdreg $0xFFFFFFFF;
	(pc) =	sbr.abs _section_cstart, $3  }
0xc4: {  	[dreg:$0x1] =	wrdreg $0xFFFFFFFF  }
0xc5: {  	_ =	task.clear_ibuf [dreg:s9], $0x2FFFF;
	_ =	strace $0x9FFFFFFF  }
0xc6: {  	(tm) =	ssettm $0x7FFFFFFF  }
0xc7: {  	_ =	shalt  }
tec
execute0_lowered:
.L_overlay_start_1:
0x0: {  	(tag) =	ssettag $0x1  }
0x1: {  	s1 =	rddreg [dreg:$0x0]  }
0x2: {  	s4 =	rddreg [dreg:$0x1]  }
0x3: {  	s5 =	rddreg [dreg:$0x2]  }
0x4: {  	s6 =	rddreg [dreg:$0x3];
	s3 =	srdreg.scid  }
0x5: {  	s0 =	rddreg [dreg:$0x4];
	s2 =	stileid.u32;
	s11 =	simm.s32 $0x800  }
0x6: {  	s12 =	simm.s32 $0x6C00;
	s13 =	simm.s32 $0x1;
	s14 =	simm.s32 $0x2  }
0x7: {  	s15 =	simm.s32 $0x3;
	s16 =	simm.s32 $0xD100;
	s17 =	simm.s32 $0x4  }
0x8: {  	s18 =	simm.s32 $0xD180;
	s19 =	simm.s32 $0x0;
	s7 =	sand.u32 $0x1, s3  }
0x9: {  	s3 =	simm.s32 $0x0;
	s8 =	sshll.u32 s2, $0x8;
	s9 =	sshll.u32 s7, $0x7  }
0xa: {  	[smem:$0x7FF] =	sst s3;
	s7 =	ssub.s32 $0x2, s7;
	s8 =	sor.u32 s9, s8  }
0xb: {  	_ =	strace $0x80000047;
	s10 =	sshrl.u32 s7, $0x1;
	s9 =	sshrl.u32 s8, $0x3  }
0xc: {  	s10 =	ssub.s32 s7, s10;
	s4 =	sadd.s32 s4, s8;
	s5 =	sadd.s32 s5, s8  }
0xd: {  	s9 =	sadd.s32 s9, s6;
	s8 =	smax.u32 s10, $0x1;
	s10 =	simm.s32 $0x8000  }
0xe: {  	s6 =	sadd.s32 $0xC00, s9;
	s7 =	sadd.s32 $0xE00, s9;
	s9 =	simm.s32 $0x400  }
.LBB2_1:
0xf: {  	[tilespmem:s3], [sflag:$0x1] =	stream.linear.gather [hbm4b:s1+s3], $0x800, $0x38;
	[tilespmem:$0xD200] =	vst v63  }
0x10: {  	_ = 	snop  }
0x11: {  	[tilespmem:s11], [sflag:$0x2] =	stream.strided.gather [hbm4b:s4+s9], $0x6400, s10, s9, $0x38;
	[tilespmem:$0xD200] =	vst v63  }
0x12: {  	_ = 	snop  }
0x13: {  	[tilespmem:s12], [sflag:$0x3] =	stream.strided.gather [hbm4b:s5+s9], $0x6400, s10, s9, $0x38;
	[tilespmem:$0xD200] =	vst v63  }
0x14: {  	_ =	swait.ge [sflag:s13], $0x800  }
0x15: {  	[sflag:s13] =	ssyncset.done $0x0  }
0x16: {  	[sflag:s13] =	ssyncadd.s32 $0xFFFFF800  }
0x17: {  	_ =	swait.ge [sflag:s14], $0x6400  }
0x18: {  	[sflag:s14] =	ssyncset.done $0x0  }
0x19: {  	s20 =	simm.s32 $0xC00;
	[sflag:s14] =	ssyncadd.s32 $0xFFFF9C00  }
0x1a: {  	v0 =	vld [tilespmem:s20+$0x200]  }
0x1b: {  	v1 =	vld [tilespmem:s20+$0x280]  }
0x1c: {  	v2 =	vld [tilespmem:s20+$0x300]  }
0x1d: {  	v3 =	vld [tilespmem:s20+$0x0]  }
0x1e: {  	v4 =	vld [tilespmem:s20+$0x80]  }
0x1f: {  	v5 =	vld [tilespmem:s20+$0x100]  }
0x20: {  	v6 =	vld [tilespmem:s20+$0xFFFFFE00]  }
0x21: {  	v8 =	vld [tilespmem:s20+$0xFFFFFE80]  }
0x22: {  	v13 =	vld [tilespmem:s20+$0xFFFFFF00]  }
0x23: {  	v9 =	vld [tilespmem:s20+$0xFFFFFC00]  }
0x24: {  	v10 =	vld [tilespmem:s20+$0xFFFFFC80]  }
0x25: {  	v27 =	vld [tilespmem:s20+$0xFFFFFD00]  }
0x26: {  	v0 =	vld.idx.msk [tilespmem:v0+s3+$0x0], $0xffff  }
0x27: {  	v1 =	vld.idx.msk [tilespmem:v1+s3+$0x0], $0xffff  }
0x28: {  	v2 =	vld.idx.msk [tilespmem:v2+s3+$0x0], $0xffff  }
0x29: {  	v3 =	vld.idx.msk [tilespmem:v3+s3+$0x0], $0xffff  }
0x2a: {  	v4 =	vld.idx.msk [tilespmem:v4+s3+$0x0], $0xffff  }
0x2b: {  	v5 =	vld.idx.msk [tilespmem:v5+s3+$0x0], $0xffff  }
0x2c: {  	v6 =	vld.idx.msk [tilespmem:v6+s3+$0x0], $0xffff  }
0x2d: {  	v14 =	vld.idx.msk [tilespmem:v9+s3+$0x0], $0xffff  }
0x2e: {  	v7 =	vimm.f32 $0.0e+00;
	v23 =	vld.idx.msk [tilespmem:v10+s3+$0x0], $0xffff  }
0x2f: {  	v15 =	vimm.f32 $0.0e+00;
	v26 =	vld.idx.msk [tilespmem:v13+s3+$0x0], $0xffff;
	v13 =	vimm.f32 $0.0e+00;
	v10 =	vshll.u32 v0, $0x10  }
0x30: {  	v16 =	vld [tilespmem:s20+$0xFFFFFD80];
	v11 =	vand.u32 $0xFFFF0000, v0;
	v9 =	vshll.u32 v1, $0x10;
	v12 =	vand.u32 $0xFFFF0000, v1  }
0x31: {  	v0 =	vshll.u32 v2, $0x10;
	v17 =	vshll.u32 v3, $0x10;
	v18 =	vand.u32 $0xFFFF0000, v3  }
0x32: {  	v21 =	vld [tilespmem:s20+$0xFFFFFF80];
	v1 =	vand.u32 $0xFFFF0000, v2;
	v19 =	vshll.u32 v4, $0x10;
	v20 =	vand.u32 $0xFFFF0000, v4  }
0x33: {  	v24 =	vld.idx.msk [tilespmem:v8+s3+$0x0], $0xffff;
	v2 =	vshll.u32 v5, $0x10;
	v28 =	vshll.u32 v6, $0x10;
	v29 =	vand.u32 $0xFFFF0000, v6  }
0x34: {  	v22 =	vld [tilespmem:s20+$0x180];
	v8 =	vand.u32 $0xFFFF0000, v5;
	v31 =	vshll.u32 v14, $0x10;
	v32 =	vand.u32 $0xFFFF0000, v14  }
0x35: {  	v25 =	vld [tilespmem:s20+$0x380];
	v30 =	vshll.u32 v23, $0x10;
	v14 =	vimm.f32 $0.0e+00;
	v3 =	vimm.f32 $0.0e+00  }
0x36: {  	s21 =	simm.s32 $0x1400;
	s20 =	simm.s32 $0x0;
	v27 =	vld.idx.msk [tilespmem:v27+s3+$0x0], $0xffff;
	v6 =	vimm.f32 $0.0e+00;
	v4 =	vimm.f32 $0.0e+00;
	v5 =	vimm.f32 $0.0e+00  }
.LBB2_2:
0x37: {  	v33 =	vld [tilespmem:s21+$0x200];
	v7 =	vadd.f32 v31, v7;
	v15 =	vadd.f32 v32, v15;
	v23 =	vand.u32 $0xFFFF0000, v23  }
0x38: {  	v13 =	vadd.f32 v30, v13;
	v14 =	vadd.f32 v23, v14;
	v16 =	vld.idx.msk [tilespmem:v16+s3+$0x0], $0xffff;
	v23 =	vshll.u32 v24, $0x10  }
0x39: {  	v24 =	vand.u32 $0xFFFF0000, v24;
	v30 =	vld [tilespmem:s21+$0x280];
	v7 =	vadd.f32 v28, v7;
	v15 =	vadd.f32 v29, v15  }
0x3a: {  	v13 =	vadd.f32 v23, v13;
	v23 =	vshll.u32 v26, $0x10;
	v14 =	vadd.f32 v24, v14;
	v21 =	vld.idx.msk [tilespmem:v21+s3+$0x0], $0xffff  }
0x3b: {  	v26 =	vand.u32 $0xFFFF0000, v26;
	v24 =	vld [tilespmem:s21+$0x300];
	v7 =	vadd.f32 v17, v7;
	v15 =	vadd.f32 v18, v15  }
0x3c: {  	v17 =	vshll.u32 v27, $0x10;
	v13 =	vadd.f32 v19, v13;
	v14 =	vadd.f32 v20, v14;
	v18 =	vld.idx.msk [tilespmem:v22+s3+$0x0], $0xffff  }
0x3d: {  	v20 =	vand.u32 $0xFFFF0000, v27;
	v19 =	vld [tilespmem:s21+$0x0];
	v7 =	vadd.f32 v10, v7;
	v15 =	vadd.f32 v11, v15  }
0x3e: {  	v10 =	vshll.u32 v16, $0x10;
	v13 =	vadd.f32 v9, v13;
	v14 =	vadd.f32 v12, v14;
	v9 =	vld.idx.msk [tilespmem:v25+s3+$0x0], $0xffff  }
0x3f: {  	v3 =	vadd.f32 v17, v3;
	v6 =	vadd.f32 v20, v6;
	v12 =	vand.u32 $0xFFFF0000, v16;
	v11 =	vld [tilespmem:s21+$0x80]  }
0x40: {  	v4 =	vadd.f32 v10, v4;
	v5 =	vadd.f32 v12, v5;
	v10 =	vshll.u32 v21, $0x10;
	v17 =	vld [tilespmem:s21+$0x100]  }
0x41: {  	v3 =	vadd.f32 v23, v3;
	v6 =	vadd.f32 v26, v6;
	v16 =	vand.u32 $0xFFFF0000, v21;
	v12 =	vld [tilespmem:s21+$0xFFFFFE00]  }
0x42: {  	v4 =	vadd.f32 v10, v4;
	v5 =	vadd.f32 v16, v5;
	v10 =	vshll.u32 v18, $0x10;
	v20 =	vld [tilespmem:s21+$0xFFFFFE80]  }
0x43: {  	v2 =	vadd.f32 v2, v3;
	v6 =	vadd.f32 v8, v6;
	v3 =	vand.u32 $0xFFFF0000, v18;
	v25 =	vld [tilespmem:s21+$0xFFFFFF00]  }
0x44: {  	v4 =	vadd.f32 v10, v4;
	v5 =	vadd.f32 v3, v5;
	v10 =	vshll.u32 v9, $0x10;
	v8 =	vld [tilespmem:s21+$0xFFFFFC00]  }
0x45: {  	v3 =	vadd.f32 v0, v2;
	v6 =	vadd.f32 v1, v6;
	v0 =	vand.u32 $0xFFFF0000, v9;
	v18 =	vld [tilespmem:s21+$0xFFFFFC80]  }
0x46: {  	v4 =	vadd.f32 v10, v4;
	v5 =	vadd.f32 v0, v5;
	v27 =	vld [tilespmem:s21+$0xFFFFFD00]  }
0x47: {  	v16 =	vld [tilespmem:s21+$0xFFFFFD80]  }
0x48: {  	v0 =	vld.idx.msk [tilespmem:v33+s3+$0x0], $0xffff  }
0x49: {  	v1 =	vld.idx.msk [tilespmem:v30+s3+$0x0], $0xffff  }
0x4a: {  	v2 =	vld.idx.msk [tilespmem:v24+s3+$0x0], $0xffff  }
0x4b: {  	v19 =	vld.idx.msk [tilespmem:v19+s3+$0x0], $0xffff  }
0x4c: {  	v28 =	vld.idx.msk [tilespmem:v11+s3+$0x0], $0xffff  }
0x4d: {  	v30 =	vld.idx.msk [tilespmem:v17+s3+$0x0], $0xffff  }
0x4e: {  	v29 =	vld.idx.msk [tilespmem:v12+s3+$0x0], $0xffff  }
0x4f: {  	v32 =	vld.idx.msk [tilespmem:v8+s3+$0x0], $0xffff  }
0x50: {  	s20 =	sadd.s32 $0x2, s20;
	v23 =	vld.idx.msk [tilespmem:v18+s3+$0x0], $0xffff  }
0x51: {  	p0 =	slt.u32 s20, $0x16;
	v10 =	vshll.u32 v0, $0x10;
	v11 =	vand.u32 $0xFFFF0000, v0;
	v21 =	vld [tilespmem:s21+$0xFFFFFF80]  }
.Ltmp0:
0x52: {  	v9 =	vshll.u32 v1, $0x10;
	v12 =	vand.u32 $0xFFFF0000, v1;
	v0 =	vshll.u32 v2, $0x10;
	v24 =	vld.idx.msk [tilespmem:v20+s3+$0x0], $0xffff;
	(pc) =	sbr.rel @p0 .LBB2_2-.Ltmp0, $4  }
0x53: {  	v1 =	vand.u32 $0xFFFF0000, v2;
	v17 =	vshll.u32 v19, $0x10;
	v18 =	vand.u32 $0xFFFF0000, v19;
	v22 =	vld [tilespmem:s21+$0x180]  }
0x54: {  	v19 =	vshll.u32 v28, $0x10;
	v20 =	vand.u32 $0xFFFF0000, v28;
	v2 =	vshll.u32 v30, $0x10;
	v26 =	vld.idx.msk [tilespmem:v25+s3+$0x0], $0xffff  }
0x55: {  	v8 =	vand.u32 $0xFFFF0000, v30;
	v28 =	vshll.u32 v29, $0x10;
	v29 =	vand.u32 $0xFFFF0000, v29;
	v25 =	vld [tilespmem:s21+$0x380]  }
0x56: {  	v31 =	vshll.u32 v32, $0x10;
	v32 =	vand.u32 $0xFFFF0000, v32;
	v30 =	vshll.u32 v23, $0x10;
	s21 =	sadd.s32 $0x800, s21;
	v27 =	vld.idx.msk [tilespmem:v27+s3+$0x0], $0xffff  }
0x57: {  	_ =	sdelay $0x2  }
0x58: {  	v33 =	vld [tilespmem:$0x6800]  }
0x59: {  	v7 =	vadd.f32 v31, v7;
	v15 =	vadd.f32 v32, v15;
	v23 =	vand.u32 $0xFFFF0000, v23;
	v16 =	vld.idx.msk [tilespmem:v16+s3+$0x0], $0xffff  }
0x5a: {  	v13 =	vadd.f32 v30, v13;
	v21 =	vld.idx.msk [tilespmem:v21+s3+$0x0], $0xffff;
	v14 =	vadd.f32 v23, v14;
	v23 =	vshll.u32 v24, $0x10  }
0x5b: {  	v24 =	vand.u32 $0xFFFF0000, v24;
	v22 =	vld.idx.msk [tilespmem:v22+s3+$0x0], $0xffff;
	v7 =	vadd.f32 v28, v7;
	v15 =	vadd.f32 v29, v15  }
0x5c: {  	v13 =	vadd.f32 v23, v13;
	v23 =	vshll.u32 v26, $0x10;
	v14 =	vadd.f32 v24, v14;
	v24 =	vld.idx.msk [tilespmem:v25+s3+$0x0], $0xffff  }
0x5d: {  	v25 =	vand.u32 $0xFFFF0000, v26;
	v7 =	vadd.f32 v17, v7;
	v15 =	vadd.f32 v18, v15;
	v17 =	vld [tilespmem:$0x6880]  }
0x5e: {  	v18 =	vshll.u32 v27, $0x10;
	v13 =	vadd.f32 v19, v13;
	v19 =	vld [tilespmem:$0x6900];
	v14 =	vadd.f32 v20, v14  }
0x5f: {  	v20 =	vand.u32 $0xFFFF0000, v27;
	v7 =	vadd.f32 v10, v7;
	v10 =	vadd.f32 v11, v15;
	v11 =	vld [tilespmem:$0x6980]  }
0x60: {  	v3 =	vadd.f32 v18, v3;
	v15 =	vshll.u32 v16, $0x10;
	v6 =	vadd.f32 v20, v6;
	v20 =	vld [tilespmem:$0x6B00]  }
0x61: {  	v9 =	vadd.f32 v9, v13;
	v12 =	vadd.f32 v12, v14;
	v14 =	vand.u32 $0xFFFF0000, v16;
	v16 =	vld [tilespmem:$0x6A00]  }
0x62: {  	v18 =	vand.u32 $0xFFFF0000, v21;
	v4 =	vadd.f32 v15, v4;
	v15 =	vld [tilespmem:$0x6A80];
	v5 =	vadd.f32 v14, v5  }
0x63: {  	v3 =	vadd.f32 v23, v3;
	v13 =	vld.idx.msk [tilespmem:v33+s3+$0x0], $0xffff;
	v14 =	vshll.u32 v21, $0x10;
	v6 =	vadd.f32 v25, v6  }
0x64: {  	v4 =	vadd.f32 v14, v4;
	v14 =	vshll.u32 v22, $0x10;
	v5 =	vadd.f32 v18, v5;
	v18 =	vld [tilespmem:$0x6B80]  }
0x65: {  	v2 =	vadd.f32 v2, v3;
	v3 =	vadd.f32 v8, v6;
	v6 =	vand.u32 $0xFFFF0000, v22;
	v8 =	vld.idx.msk [tilespmem:v17+s3+$0x0], $0xffff  }
0x66: {  	v4 =	vadd.f32 v14, v4;
	v5 =	vadd.f32 v6, v5;
	v6 =	vld.idx.msk [tilespmem:v19+s3+$0x0], $0xffff  }
0x67: {  	v14 =	vshll.u32 v24, $0x10;
	v0 =	vadd.f32 v0, v2;
	v1 =	vadd.f32 v1, v3;
	v2 =	vld.idx.msk [tilespmem:v11+s3+$0x0], $0xffff  }
0x68: {  	v3 =	vand.u32 $0xFFFF0000, v24;
	v4 =	vadd.f32 v14, v4;
	v11 =	vshll.u32 v13, $0x10  }
0x69: {  	v3 =	vadd.f32 v3, v5;
	v5 =	vadd.f32 v11, v7;
	v7 =	vand.u32 $0xFFFF0000, v13;
	v11 =	vld.idx.msk [tilespmem:v16+s3+$0x0], $0xffff  }
0x6a: {  	v13 =	vld.idx.msk [tilespmem:v15+s3+$0x0], $0xffff;
	v7 =	vadd.f32 v7, v10;
	v10 =	vshll.u32 v8, $0x10;
	v8 =	vand.u32 $0xFFFF0000, v8  }
0x6b: {  	v9 =	vadd.f32 v10, v9;
	v8 =	vadd.f32 v8, v12;
	v10 =	vshll.u32 v6, $0x10;
	v12 =	vld.idx.msk [tilespmem:v20+s3+$0x0], $0xffff  }
0x6c: {  	v6 =	vand.u32 $0xFFFF0000, v6;
	v14 =	vld.idx.msk [tilespmem:v18+s3+$0x0], $0xffff;
	v0 =	vadd.f32 v10, v0;
	v10 =	vshll.u32 v2, $0x10  }
0x6d: {  	v1 =	vadd.f32 v6, v1;
	v2 =	vand.u32 $0xFFFF0000, v2;
	v4 =	vadd.f32 v10, v4  }
0x6e: {  	v2 =	vadd.f32 v2, v3;
	v3 =	vshll.u32 v11, $0x10;
	v6 =	vand.u32 $0xFFFF0000, v11  }
0x6f: {  	v3 =	vadd.f32 v3, v5;
	v5 =	vadd.f32 v6, v7;
	v6 =	vshll.u32 v13, $0x10  }
0x70: {  	v7 =	vand.u32 $0xFFFF0000, v13;
	v6 =	vadd.f32 v6, v9;
	v9 =	vshll.u32 v12, $0x10  }
0x71: {  	v7 =	vadd.f32 v7, v8;
	v8 =	vshll.u32 v14, $0x10;
	v0 =	vadd.f32 v9, v0  }
0x72: {  	v9 =	vand.u32 $0xFFFF0000, v12;
	v4 =	vadd.f32 v8, v4;
	v8 =	vand.u32 $0xFFFF0000, v14  }
0x73: {  	v1 =	vadd.f32 v9, v1;
	v2 =	vadd.f32 v8, v2  }
0x74: {  	v3 =	vadd.f32 v6, v3;
	v0 =	vadd.f32 v4, v0  }
0x75: {  	v4 =	vadd.f32 v7, v5;
	v1 =	vadd.f32 v2, v1  }
0x76: {  	v0 =	vadd.f32 v0, v3  }
0x77: {  	v1 =	vadd.f32 v1, v4  }
0x78: {  	[tilespmem:$0xD000] =	vst v0  }
0x79: {  	s20 =	simm.s32 $0xC10;
	[tilespmem:$0xD080] =	vst v1  }
0x7a: {  	v2 =	vld [tilespmem:s20+$0x200]  }
0x7b: {  	v3 =	vld [tilespmem:s20+$0x280]  }
0x7c: {  	v4 =	vld [tilespmem:s20+$0x300]  }
0x7d: {  	v5 =	vld [tilespmem:s20+$0x0]  }
0x7e: {  	v6 =	vld [tilespmem:s20+$0x80]  }
0x7f: {  	v7 =	vld [tilespmem:s20+$0x100]  }
0x80: {  	v8 =	vld [tilespmem:s20+$0xFFFFFE00]  }
0x81: {  	v10 =	vld [tilespmem:s20+$0xFFFFFE80]  }
0x82: {  	v15 =	vld [tilespmem:s20+$0xFFFFFF00]  }
0x83: {  	v11 =	vld [tilespmem:s20+$0xFFFFFC00]  }
0x84: {  	v12 =	vld [tilespmem:s20+$0xFFFFFC80]  }
0x85: {  	v29 =	vld [tilespmem:s20+$0xFFFFFD00]  }
0x86: {  	v2 =	vld.idx.msk [tilespmem:v2+s3+$0x0], $0xffff  }
0x87: {  	v3 =	vld.idx.msk [tilespmem:v3+s3+$0x0], $0xffff  }
0x88: {  	v4 =	vld.idx.msk [tilespmem:v4+s3+$0x0], $0xffff  }
0x89: {  	v5 =	vld.idx.msk [tilespmem:v5+s3+$0x0], $0xffff  }
0x8a: {  	v6 =	vld.idx.msk [tilespmem:v6+s3+$0x0], $0xffff  }
0x8b: {  	v7 =	vld.idx.msk [tilespmem:v7+s3+$0x0], $0xffff  }
0x8c: {  	v8 =	vld.idx.msk [tilespmem:v8+s3+$0x0], $0xffff  }
0x8d: {  	v16 =	vld.idx.msk [tilespmem:v11+s3+$0x0], $0xffff  }
0x8e: {  	v17 =	vimm.f32 $0.0e+00;
	v25 =	vld.idx.msk [tilespmem:v12+s3+$0x0], $0xffff  }
0x8f: {  	v9 =	vimm.f32 $0.0e+00;
	v28 =	vld.idx.msk [tilespmem:v15+s3+$0x0], $0xffff;
	v15 =	vimm.f32 $0.0e+00;
	v12 =	vshll.u32 v2, $0x10  }
0x90: {  	v18 =	vld [tilespmem:s20+$0xFFFFFD80];
	v13 =	vand.u32 $0xFFFF0000, v2;
	v11 =	vshll.u32 v3, $0x10;
	v14 =	vand.u32 $0xFFFF0000, v3  }
0x91: {  	v2 =	vshll.u32 v4, $0x10;
	v19 =	vshll.u32 v5, $0x10;
	v20 =	vand.u32 $0xFFFF0000, v5  }
0x92: {  	v23 =	vld [tilespmem:s20+$0xFFFFFF80];
	v3 =	vand.u32 $0xFFFF0000, v4;
	v21 =	vshll.u32 v6, $0x10;
	v22 =	vand.u32 $0xFFFF0000, v6  }
0x93: {  	v26 =	vld.idx.msk [tilespmem:v10+s3+$0x0], $0xffff;
	v4 =	vshll.u32 v7, $0x10;
	v30 =	vshll.u32 v8, $0x10;
	v31 =	vand.u32 $0xFFFF0000, v8  }
0x94: {  	v24 =	vld [tilespmem:s20+$0x180];
	v10 =	vand.u32 $0xFFFF0000, v7;
	v33 =	vshll.u32 v16, $0x10;
	v34 =	vand.u32 $0xFFFF0000, v16  }
0x95: {  	v27 =	vld [tilespmem:s20+$0x380];
	v32 =	vshll.u32 v25, $0x10;
	v16 =	vimm.f32 $0.0e+00;
	v5 =	vimm.f32 $0.0e+00  }
0x96: {  	s21 =	simm.s32 $0x1410;
	s20 =	simm.s32 $0x0;
	v29 =	vld.idx.msk [tilespmem:v29+s3+$0x0], $0xffff;
	v8 =	vimm.f32 $0.0e+00;
	v6 =	vimm.f32 $0.0e+00;
	v7 =	vimm.f32 $0.0e+00  }
.LBB2_4:
0x97: {  	v35 =	vld [tilespmem:s21+$0x200];
	v9 =	vadd.f32 v33, v9;
	v17 =	vadd.f32 v34, v17;
	v25 =	vand.u32 $0xFFFF0000, v25  }
0x98: {  	v15 =	vadd.f32 v32, v15;
	v16 =	vadd.f32 v25, v16;
	v18 =	vld.idx.msk [tilespmem:v18+s3+$0x0], $0xffff;
	v25 =	vshll.u32 v26, $0x10  }
0x99: {  	v26 =	vand.u32 $0xFFFF0000, v26;
	v32 =	vld [tilespmem:s21+$0x280];
	v9 =	vadd.f32 v30, v9;
	v17 =	vadd.f32 v31, v17  }
0x9a: {  	v15 =	vadd.f32 v25, v15;
	v25 =	vshll.u32 v28, $0x10;
	v16 =	vadd.f32 v26, v16;
	v23 =	vld.idx.msk [tilespmem:v23+s3+$0x0], $0xffff  }
0x9b: {  	v28 =	vand.u32 $0xFFFF0000, v28;
	v26 =	vld [tilespmem:s21+$0x300];
	v9 =	vadd.f32 v19, v9;
	v17 =	vadd.f32 v20, v17  }
0x9c: {  	v19 =	vshll.u32 v29, $0x10;
	v15 =	vadd.f32 v21, v15;
	v16 =	vadd.f32 v22, v16;
	v20 =	vld.idx.msk [tilespmem:v24+s3+$0x0], $0xffff  }
0x9d: {  	v22 =	vand.u32 $0xFFFF0000, v29;
	v21 =	vld [tilespmem:s21+$0x0];
	v9 =	vadd.f32 v12, v9;
	v17 =	vadd.f32 v13, v17  }
0x9e: {  	v12 =	vshll.u32 v18, $0x10;
	v15 =	vadd.f32 v11, v15;
	v16 =	vadd.f32 v14, v16;
	v11 =	vld.idx.msk [tilespmem:v27+s3+$0x0], $0xffff  }
0x9f: {  	v5 =	vadd.f32 v19, v5;
	v8 =	vadd.f32 v22, v8;
	v14 =	vand.u32 $0xFFFF0000, v18;
	v13 =	vld [tilespmem:s21+$0x80]  }
0xa0: {  	v6 =	vadd.f32 v12, v6;
	v7 =	vadd.f32 v14, v7;
	v12 =	vshll.u32 v23, $0x10;
	v19 =	vld [tilespmem:s21+$0x100]  }
0xa1: {  	v5 =	vadd.f32 v25, v5;
	v8 =	vadd.f32 v28, v8;
	v18 =	vand.u32 $0xFFFF0000, v23;
	v14 =	vld [tilespmem:s21+$0xFFFFFE00]  }
0xa2: {  	v6 =	vadd.f32 v12, v6;
	v7 =	vadd.f32 v18, v7;
	v12 =	vshll.u32 v20, $0x10;
	v22 =	vld [tilespmem:s21+$0xFFFFFE80]  }
0xa3: {  	v4 =	vadd.f32 v4, v5;
	v8 =	vadd.f32 v10, v8;
	v5 =	vand.u32 $0xFFFF0000, v20;
	v27 =	vld [tilespmem:s21+$0xFFFFFF00]  }
0xa4: {  	v6 =	vadd.f32 v12, v6;
	v7 =	vadd.f32 v5, v7;
	v12 =	vshll.u32 v11, $0x10;
	v10 =	vld [tilespmem:s21+$0xFFFFFC00]  }
0xa5: {  	v5 =	vadd.f32 v2, v4;
	v8 =	vadd.f32 v3, v8;
	v2 =	vand.u32 $0xFFFF0000, v11;
	v20 =	vld [tilespmem:s21+$0xFFFFFC80]  }
0xa6: {  	v6 =	vadd.f32 v12, v6;
	v7 =	vadd.f32 v2, v7;
	v29 =	vld [tilespmem:s21+$0xFFFFFD00]  }
0xa7: {  	v18 =	vld [tilespmem:s21+$0xFFFFFD80]  }
0xa8: {  	v2 =	vld.idx.msk [tilespmem:v35+s3+$0x0], $0xffff  }
0xa9: {  	v3 =	vld.idx.msk [tilespmem:v32+s3+$0x0], $0xffff  }
0xaa: {  	v4 =	vld.idx.msk [tilespmem:v26+s3+$0x0], $0xffff  }
0xab: {  	v21 =	vld.idx.msk [tilespmem:v21+s3+$0x0], $0xffff  }
0xac: {  	v30 =	vld.idx.msk [tilespmem:v13+s3+$0x0], $0xffff  }
0xad: {  	v32 =	vld.idx.msk [tilespmem:v19+s3+$0x0], $0xffff  }
0xae: {  	v31 =	vld.idx.msk [tilespmem:v14+s3+$0x0], $0xffff  }
0xaf: {  	v34 =	vld.idx.msk [tilespmem:v10+s3+$0x0], $0xffff  }
0xb0: {  	s20 =	sadd.s32 $0x2, s20;
	v25 =	vld.idx.msk [tilespmem:v20+s3+$0x0], $0xffff  }
0xb1: {  	p0 =	slt.u32 s20, $0x16;
	v12 =	vshll.u32 v2, $0x10;
	v13 =	vand.u32 $0xFFFF0000, v2;
	v23 =	vld [tilespmem:s21+$0xFFFFFF80]  }
.Ltmp1:
0xb2: {  	v11 =	vshll.u32 v3, $0x10;
	v14 =	vand.u32 $0xFFFF0000, v3;
	v2 =	vshll.u32 v4, $0x10;
	v26 =	vld.idx.msk [tilespmem:v22+s3+$0x0], $0xffff;
	(pc) =	sbr.rel @p0 .LBB2_4-.Ltmp1, $4  }
0xb3: {  	v3 =	vand.u32 $0xFFFF0000, v4;
	v19 =	vshll.u32 v21, $0x10;
	v20 =	vand.u32 $0xFFFF0000, v21;
	v24 =	vld [tilespmem:s21+$0x180]  }
0xb4: {  	v21 =	vshll.u32 v30, $0x10;
	v22 =	vand.u32 $0xFFFF0000, v30;
	v4 =	vshll.u32 v32, $0x10;
	v28 =	vld.idx.msk [tilespmem:v27+s3+$0x0], $0xffff  }
0xb5: {  	v10 =	vand.u32 $0xFFFF0000, v32;
	v30 =	vshll.u32 v31, $0x10;
	v31 =	vand.u32 $0xFFFF0000, v31;
	v27 =	vld [tilespmem:s21+$0x380]  }
0xb6: {  	v33 =	vshll.u32 v34, $0x10;
	v34 =	vand.u32 $0xFFFF0000, v34;
	v32 =	vshll.u32 v25, $0x10;
	s21 =	sadd.s32 $0x800, s21;
	v29 =	vld.idx.msk [tilespmem:v29+s3+$0x0], $0xffff  }
0xb7: {  	_ =	sdelay $0x2  }
0xb8: {  	v35 =	vld [tilespmem:$0x6810]  }
0xb9: {  	v9 =	vadd.f32 v33, v9;
	v17 =	vadd.f32 v34, v17;
	v25 =	vand.u32 $0xFFFF0000, v25;
	v18 =	vld.idx.msk [tilespmem:v18+s3+$0x0], $0xffff  }
0xba: {  	v15 =	vadd.f32 v32, v15;
	v23 =	vld.idx.msk [tilespmem:v23+s3+$0x0], $0xffff;
	v16 =	vadd.f32 v25, v16;
	v25 =	vshll.u32 v26, $0x10  }
0xbb: {  	v26 =	vand.u32 $0xFFFF0000, v26;
	v24 =	vld.idx.msk [tilespmem:v24+s3+$0x0], $0xffff;
	v9 =	vadd.f32 v30, v9;
	v17 =	vadd.f32 v31, v17  }
0xbc: {  	v15 =	vadd.f32 v25, v15;
	v25 =	vshll.u32 v28, $0x10;
	v16 =	vadd.f32 v26, v16;
	v26 =	vld.idx.msk [tilespmem:v27+s3+$0x0], $0xffff  }
0xbd: {  	v27 =	vand.u32 $0xFFFF0000, v28;
	v9 =	vadd.f32 v19, v9;
	v17 =	vadd.f32 v20, v17;
	v19 =	vld [tilespmem:$0x6890]  }
0xbe: {  	v20 =	vshll.u32 v29, $0x10;
	v15 =	vadd.f32 v21, v15;
	v21 =	vld [tilespmem:$0x6910];
	v16 =	vadd.f32 v22, v16  }
0xbf: {  	v22 =	vand.u32 $0xFFFF0000, v29;
	v9 =	vadd.f32 v12, v9;
	v12 =	vadd.f32 v13, v17;
	v13 =	vld [tilespmem:$0x6990]  }
0xc0: {  	v5 =	vadd.f32 v20, v5;
	v17 =	vshll.u32 v18, $0x10;
	v8 =	vadd.f32 v22, v8;
	v22 =	vld [tilespmem:$0x6B10]  }
0xc1: {  	v11 =	vadd.f32 v11, v15;
	v14 =	vadd.f32 v14, v16;
	v16 =	vand.u32 $0xFFFF0000, v18;
	v18 =	vld [tilespmem:$0x6A10]  }
0xc2: {  	v20 =	vand.u32 $0xFFFF0000, v23;
	v6 =	vadd.f32 v17, v6;
	v17 =	vld [tilespmem:$0x6A90];
	v7 =	vadd.f32 v16, v7  }
0xc3: {  	v5 =	vadd.f32 v25, v5;
	v15 =	vld.idx.msk [tilespmem:v35+s3+$0x0], $0xffff;
	v16 =	vshll.u32 v23, $0x10;
	v8 =	vadd.f32 v27, v8  }
0xc4: {  	v6 =	vadd.f32 v16, v6;
	v16 =	vshll.u32 v24, $0x10;
	v7 =	vadd.f32 v20, v7;
	v20 =	vld [tilespmem:$0x6B90]  }
0xc5: {  	v4 =	vadd.f32 v4, v5;
	v5 =	vadd.f32 v10, v8;
	v8 =	vand.u32 $0xFFFF0000, v24;
	v10 =	vld.idx.msk [tilespmem:v19+s3+$0x0], $0xffff  }
0xc6: {  	v6 =	vadd.f32 v16, v6;
	v7 =	vadd.f32 v8, v7;
	v8 =	vld.idx.msk [tilespmem:v21+s3+$0x0], $0xffff  }
0xc7: {  	v16 =	vshll.u32 v26, $0x10;
	v2 =	vadd.f32 v2, v4;
	v3 =	vadd.f32 v3, v5;
	v4 =	vld.idx.msk [tilespmem:v13+s3+$0x0], $0xffff  }
0xc8: {  	v5 =	vand.u32 $0xFFFF0000, v26;
	v6 =	vadd.f32 v16, v6;
	v13 =	vshll.u32 v15, $0x10  }
0xc9: {  	v5 =	vadd.f32 v5, v7;
	v7 =	vadd.f32 v13, v9;
	v9 =	vand.u32 $0xFFFF0000, v15;
	v13 =	vld.idx.msk [tilespmem:v18+s3+$0x0], $0xffff  }
0xca: {  	v15 =	vld.idx.msk [tilespmem:v17+s3+$0x0], $0xffff;
	v9 =	vadd.f32 v9, v12;
	v12 =	vshll.u32 v10, $0x10;
	v10 =	vand.u32 $0xFFFF0000, v10  }
0xcb: {  	v11 =	vadd.f32 v12, v11;
	v10 =	vadd.f32 v10, v14;
	v12 =	vshll.u32 v8, $0x10;
	v14 =	vld.idx.msk [tilespmem:v22+s3+$0x0], $0xffff  }
0xcc: {  	v8 =	vand.u32 $0xFFFF0000, v8;
	v16 =	vld.idx.msk [tilespmem:v20+s3+$0x0], $0xffff;
	v2 =	vadd.f32 v12, v2;
	v12 =	vshll.u32 v4, $0x10  }
0xcd: {  	v3 =	vadd.f32 v8, v3;
	v4 =	vand.u32 $0xFFFF0000, v4;
	v6 =	vadd.f32 v12, v6  }
0xce: {  	v4 =	vadd.f32 v4, v5;
	v5 =	vshll.u32 v13, $0x10;
	v8 =	vand.u32 $0xFFFF0000, v13  }
0xcf: {  	v5 =	vadd.f32 v5, v7;
	v7 =	vadd.f32 v8, v9;
	v8 =	vshll.u32 v15, $0x10  }
0xd0: {  	v9 =	vand.u32 $0xFFFF0000, v15;
	v8 =	vadd.f32 v8, v11;
	v11 =	vshll.u32 v14, $0x10  }
0xd1: {  	v9 =	vadd.f32 v9, v10;
	v10 =	vshll.u32 v16, $0x10;
	v2 =	vadd.f32 v11, v2  }
0xd2: {  	v11 =	vand.u32 $0xFFFF0000, v14;
	v6 =	vadd.f32 v10, v6;
	v10 =	vand.u32 $0xFFFF0000, v16  }
0xd3: {  	v3 =	vadd.f32 v11, v3;
	v4 =	vadd.f32 v10, v4  }
0xd4: {  	v5 =	vadd.f32 v8, v5;
	v2 =	vadd.f32 v6, v2  }
0xd5: {  	v6 =	vadd.f32 v9, v7;
	v3 =	vadd.f32 v4, v3  }
0xd6: {  	v2 =	vadd.f32 v2, v5  }
0xd7: {  	v3 =	vadd.f32 v3, v6  }
0xd8: {  	[tilespmem:$0xD010] =	vst v2  }
0xd9: {  	s20 =	simm.s32 $0xC20;
	[tilespmem:$0xD090] =	vst v3  }
0xda: {  	v2 =	vld [tilespmem:s20+$0x200]  }
0xdb: {  	v3 =	vld [tilespmem:s20+$0x280]  }
0xdc: {  	v4 =	vld [tilespmem:s20+$0x300]  }
0xdd: {  	v5 =	vld [tilespmem:s20+$0x0]  }
0xde: {  	v6 =	vld [tilespmem:s20+$0x80]  }
0xdf: {  	v7 =	vld [tilespmem:s20+$0x100]  }
0xe0: {  	v8 =	vld [tilespmem:s20+$0xFFFFFE00]  }
0xe1: {  	v10 =	vld [tilespmem:s20+$0xFFFFFE80]  }
0xe2: {  	v15 =	vld [tilespmem:s20+$0xFFFFFF00]  }
0xe3: {  	v11 =	vld [tilespmem:s20+$0xFFFFFC00]  }
0xe4: {  	v12 =	vld [tilespmem:s20+$0xFFFFFC80]  }
0xe5: {  	v29 =	vld [tilespmem:s20+$0xFFFFFD00]  }
0xe6: {  	v2 =	vld.idx.msk [tilespmem:v2+s3+$0x0], $0xffff  }
0xe7: {  	v3 =	vld.idx.msk [tilespmem:v3+s3+$0x0], $0xffff  }
0xe8: {  	v4 =	vld.idx.msk [tilespmem:v4+s3+$0x0], $0xffff  }
0xe9: {  	v5 =	vld.idx.msk [tilespmem:v5+s3+$0x0], $0xffff  }
0xea: {  	v6 =	vld.idx.msk [tilespmem:v6+s3+$0x0], $0xffff  }
0xeb: {  	v7 =	vld.idx.msk [tilespmem:v7+s3+$0x0], $0xffff  }
0xec: {  	v8 =	vld.idx.msk [tilespmem:v8+s3+$0x0], $0xffff  }
0xed: {  	v16 =	vld.idx.msk [tilespmem:v11+s3+$0x0], $0xffff  }
0xee: {  	v17 =	vimm.f32 $0.0e+00;
	v25 =	vld.idx.msk [tilespmem:v12+s3+$0x0], $0xffff  }
0xef: {  	v9 =	vimm.f32 $0.0e+00;
	v28 =	vld.idx.msk [tilespmem:v15+s3+$0x0], $0xffff;
	v15 =	vimm.f32 $0.0e+00;
	v12 =	vshll.u32 v2, $0x10  }
0xf0: {  	v18 =	vld [tilespmem:s20+$0xFFFFFD80];
	v13 =	vand.u32 $0xFFFF0000, v2;
	v11 =	vshll.u32 v3, $0x10;
	v14 =	vand.u32 $0xFFFF0000, v3  }
0xf1: {  	v2 =	vshll.u32 v4, $0x10;
	v19 =	vshll.u32 v5, $0x10;
	v20 =	vand.u32 $0xFFFF0000, v5  }
0xf2: {  	v23 =	vld [tilespmem:s20+$0xFFFFFF80];
	v3 =	vand.u32 $0xFFFF0000, v4;
	v21 =	vshll.u32 v6, $0x10;
	v22 =	vand.u32 $0xFFFF0000, v6  }
0xf3: {  	v26 =	vld.idx.msk [tilespmem:v10+s3+$0x0], $0xffff;
	v4 =	vshll.u32 v7, $0x10;
	v30 =	vshll.u32 v8, $0x10;
	v31 =	vand.u32 $0xFFFF0000, v8  }
0xf4: {  	v24 =	vld [tilespmem:s20+$0x180];
	v10 =	vand.u32 $0xFFFF0000, v7;
	v33 =	vshll.u32 v16, $0x10;
	v34 =	vand.u32 $0xFFFF0000, v16  }
0xf5: {  	v27 =	vld [tilespmem:s20+$0x380];
	v32 =	vshll.u32 v25, $0x10;
	v16 =	vimm.f32 $0.0e+00;
	v5 =	vimm.f32 $0.0e+00  }
0xf6: {  	s21 =	simm.s32 $0x1420;
	s20 =	simm.s32 $0x0;
	v29 =	vld.idx.msk [tilespmem:v29+s3+$0x0], $0xffff;
	v8 =	vimm.f32 $0.0e+00;
	v6 =	vimm.f32 $0.0e+00;
	v7 =	vimm.f32 $0.0e+00  }
.LBB2_6:
0xf7: {  	v35 =	vld [tilespmem:s21+$0x200];
	v9 =	vadd.f32 v33, v9;
	v17 =	vadd.f32 v34, v17;
	v25 =	vand.u32 $0xFFFF0000, v25  }
0xf8: {  	v15 =	vadd.f32 v32, v15;
	v16 =	vadd.f32 v25, v16;
	v18 =	vld.idx.msk [tilespmem:v18+s3+$0x0], $0xffff;
	v25 =	vshll.u32 v26, $0x10  }
0xf9: {  	v26 =	vand.u32 $0xFFFF0000, v26;
	v32 =	vld [tilespmem:s21+$0x280];
	v9 =	vadd.f32 v30, v9;
	v17 =	vadd.f32 v31, v17  }
0xfa: {  	v15 =	vadd.f32 v25, v15;
	v25 =	vshll.u32 v28, $0x10;
	v16 =	vadd.f32 v26, v16;
	v23 =	vld.idx.msk [tilespmem:v23+s3+$0x0], $0xffff  }
0xfb: {  	v28 =	vand.u32 $0xFFFF0000, v28;
	v26 =	vld [tilespmem:s21+$0x300];
	v9 =	vadd.f32 v19, v9;
	v17 =	vadd.f32 v20, v17  }
0xfc: {  	v19 =	vshll.u32 v29, $0x10;
	v15 =	vadd.f32 v21, v15;
	v16 =	vadd.f32 v22, v16;
	v20 =	vld.idx.msk [tilespmem:v24+s3+$0x0], $0xffff  }
0xfd: {  	v22 =	vand.u32 $0xFFFF0000, v29;
	v21 =	vld [tilespmem:s21+$0x0];
	v9 =	vadd.f32 v12, v9;
	v17 =	vadd.f32 v13, v17  }
0xfe: {  	v12 =	vshll.u32 v18, $0x10;
	v15 =	vadd.f32 v11, v15;
	v16 =	vadd.f32 v14, v16;
	v11 =	vld.idx.msk [tilespmem:v27+s3+$0x0], $0xffff  }
0xff: {  	v5 =	vadd.f32 v19, v5;
	v8 =	vadd.f32 v22, v8;
	v14 =	vand.u32 $0xFFFF0000, v18;
	v13 =	vld [tilespmem:s21+$0x80]  }
0x100: {  	v6 =	vadd.f32 v12, v6;
	v7 =	vadd.f32 v14, v7;
	v12 =	vshll.u32 v23, $0x10;
	v19 =	vld [tilespmem:s21+$0x100]  }
0x101: {  	v5 =	vadd.f32 v25, v5;
	v8 =	vadd.f32 v28, v8;
	v18 =	vand.u32 $0xFFFF0000, v23;
	v14 =	vld [tilespmem:s21+$0xFFFFFE00]  }
0x102: {  	v6 =	vadd.f32 v12, v6;
	v7 =	vadd.f32 v18, v7;
	v12 =	vshll.u32 v20, $0x10;
	v22 =	vld [tilespmem:s21+$0xFFFFFE80]  }
0x103: {  	v4 =	vadd.f32 v4, v5;
	v8 =	vadd.f32 v10, v8;
	v5 =	vand.u32 $0xFFFF0000, v20;
	v27 =	vld [tilespmem:s21+$0xFFFFFF00]  }
0x104: {  	v6 =	vadd.f32 v12, v6;
	v7 =	vadd.f32 v5, v7;
	v12 =	vshll.u32 v11, $0x10;
	v10 =	vld [tilespmem:s21+$0xFFFFFC00]  }
0x105: {  	v5 =	vadd.f32 v2, v4;
	v8 =	vadd.f32 v3, v8;
	v2 =	vand.u32 $0xFFFF0000, v11;
	v20 =	vld [tilespmem:s21+$0xFFFFFC80]  }
0x106: {  	v6 =	vadd.f32 v12, v6;
	v7 =	vadd.f32 v2, v7;
	v29 =	vld [tilespmem:s21+$0xFFFFFD00]  }
0x107: {  	v18 =	vld [tilespmem:s21+$0xFFFFFD80]  }
0x108: {  	v2 =	vld.idx.msk [tilespmem:v35+s3+$0x0], $0xffff  }
0x109: {  	v3 =	vld.idx.msk [tilespmem:v32+s3+$0x0], $0xffff  }
0x10a: {  	v4 =	vld.idx.msk [tilespmem:v26+s3+$0x0], $0xffff  }
0x10b: {  	v21 =	vld.idx.msk [tilespmem:v21+s3+$0x0], $0xffff  }
0x10c: {  	v30 =	vld.idx.msk [tilespmem:v13+s3+$0x0], $0xffff  }
0x10d: {  	v32 =	vld.idx.msk [tilespmem:v19+s3+$0x0], $0xffff  }
0x10e: {  	v31 =	vld.idx.msk [tilespmem:v14+s3+$0x0], $0xffff  }
0x10f: {  	v34 =	vld.idx.msk [tilespmem:v10+s3+$0x0], $0xffff  }
0x110: {  	s20 =	sadd.s32 $0x2, s20;
	v25 =	vld.idx.msk [tilespmem:v20+s3+$0x0], $0xffff  }
0x111: {  	p0 =	slt.u32 s20, $0x16;
	v12 =	vshll.u32 v2, $0x10;
	v13 =	vand.u32 $0xFFFF0000, v2;
	v23 =	vld [tilespmem:s21+$0xFFFFFF80]  }
.Ltmp2:
0x112: {  	v11 =	vshll.u32 v3, $0x10;
	v14 =	vand.u32 $0xFFFF0000, v3;
	v2 =	vshll.u32 v4, $0x10;
	v26 =	vld.idx.msk [tilespmem:v22+s3+$0x0], $0xffff;
	(pc) =	sbr.rel @p0 .LBB2_6-.Ltmp2, $4  }
0x113: {  	v3 =	vand.u32 $0xFFFF0000, v4;
	v19 =	vshll.u32 v21, $0x10;
	v20 =	vand.u32 $0xFFFF0000, v21;
	v24 =	vld [tilespmem:s21+$0x180]  }
0x114: {  	v21 =	vshll.u32 v30, $0x10;
	v22 =	vand.u32 $0xFFFF0000, v30;
	v4 =	vshll.u32 v32, $0x10;
	v28 =	vld.idx.msk [tilespmem:v27+s3+$0x0], $0xffff  }
0x115: {  	v10 =	vand.u32 $0xFFFF0000, v32;
	v30 =	vshll.u32 v31, $0x10;
	v31 =	vand.u32 $0xFFFF0000, v31;
	v27 =	vld [tilespmem:s21+$0x380]  }
0x116: {  	v33 =	vshll.u32 v34, $0x10;
	v34 =	vand.u32 $0xFFFF0000, v34;
	v32 =	vshll.u32 v25, $0x10;
	s21 =	sadd.s32 $0x800, s21;
	v29 =	vld.idx.msk [tilespmem:v29+s3+$0x0], $0xffff  }
0x117: {  	_ =	sdelay $0x2  }
0x118: {  	v35 =	vld [tilespmem:$0x6820]  }
0x119: {  	v9 =	vadd.f32 v33, v9;
	v17 =	vadd.f32 v34, v17;
	v25 =	vand.u32 $0xFFFF0000, v25;
	v18 =	vld.idx.msk [tilespmem:v18+s3+$0x0], $0xffff  }
0x11a: {  	v15 =	vadd.f32 v32, v15;
	v23 =	vld.idx.msk [tilespmem:v23+s3+$0x0], $0xffff;
	v16 =	vadd.f32 v25, v16;
	v25 =	vshll.u32 v26, $0x10  }
0x11b: {  	v26 =	vand.u32 $0xFFFF0000, v26;
	v24 =	vld.idx.msk [tilespmem:v24+s3+$0x0], $0xffff;
	v9 =	vadd.f32 v30, v9;
	v17 =	vadd.f32 v31, v17  }
0x11c: {  	v15 =	vadd.f32 v25, v15;
	v25 =	vshll.u32 v28, $0x10;
	v16 =	vadd.f32 v26, v16;
	v26 =	vld.idx.msk [tilespmem:v27+s3+$0x0], $0xffff  }
0x11d: {  	v27 =	vand.u32 $0xFFFF0000, v28;
	v9 =	vadd.f32 v19, v9;
	v17 =	vadd.f32 v20, v17;
	v19 =	vld [tilespmem:$0x68A0]  }
0x11e: {  	v20 =	vshll.u32 v29, $0x10;
	v15 =	vadd.f32 v21, v15;
	v21 =	vld [tilespmem:$0x6920];
	v16 =	vadd.f32 v22, v16  }
0x11f: {  	v22 =	vand.u32 $0xFFFF0000, v29;
	v9 =	vadd.f32 v12, v9;
	v12 =	vadd.f32 v13, v17;
	v13 =	vld [tilespmem:$0x69A0]  }
0x120: {  	v5 =	vadd.f32 v20, v5;
	v17 =	vshll.u32 v18, $0x10;
	v8 =	vadd.f32 v22, v8;
	v22 =	vld [tilespmem:$0x6B20]  }
0x121: {  	v11 =	vadd.f32 v11, v15;
	v14 =	vadd.f32 v14, v16;
	v16 =	vand.u32 $0xFFFF0000, v18;
	v18 =	vld [tilespmem:$0x6A20]  }
0x122: {  	v20 =	vand.u32 $0xFFFF0000, v23;
	v6 =	vadd.f32 v17, v6;
	v17 =	vld [tilespmem:$0x6AA0];
	v7 =	vadd.f32 v16, v7  }
0x123: {  	v5 =	vadd.f32 v25, v5;
	v15 =	vld.idx.msk [tilespmem:v35+s3+$0x0], $0xffff;
	v16 =	vshll.u32 v23, $0x10;
	v8 =	vadd.f32 v27, v8  }
0x124: {  	v6 =	vadd.f32 v16, v6;
	v16 =	vshll.u32 v24, $0x10;
	v7 =	vadd.f32 v20, v7;
	v20 =	vld [tilespmem:$0x6BA0]  }
0x125: {  	v4 =	vadd.f32 v4, v5;
	v5 =	vadd.f32 v10, v8;
	v8 =	vand.u32 $0xFFFF0000, v24;
	v10 =	vld.idx.msk [tilespmem:v19+s3+$0x0], $0xffff  }
0x126: {  	v6 =	vadd.f32 v16, v6;
	v7 =	vadd.f32 v8, v7;
	v8 =	vld.idx.msk [tilespmem:v21+s3+$0x0], $0xffff  }
0x127: {  	v16 =	vshll.u32 v26, $0x10;
	v2 =	vadd.f32 v2, v4;
	v3 =	vadd.f32 v3, v5;
	v4 =	vld.idx.msk [tilespmem:v13+s3+$0x0], $0xffff  }
0x128: {  	v5 =	vand.u32 $0xFFFF0000, v26;
	v6 =	vadd.f32 v16, v6;
	v13 =	vshll.u32 v15, $0x10  }
0x129: {  	v5 =	vadd.f32 v5, v7;
	v7 =	vadd.f32 v13, v9;
	v9 =	vand.u32 $0xFFFF0000, v15;
	v13 =	vld.idx.msk [tilespmem:v18+s3+$0x0], $0xffff  }
0x12a: {  	v15 =	vld.idx.msk [tilespmem:v17+s3+$0x0], $0xffff;
	v9 =	vadd.f32 v9, v12;
	v12 =	vshll.u32 v10, $0x10;
	v10 =	vand.u32 $0xFFFF0000, v10  }
0x12b: {  	v11 =	vadd.f32 v12, v11;
	v10 =	vadd.f32 v10, v14;
	v12 =	vshll.u32 v8, $0x10;
	v14 =	vld.idx.msk [tilespmem:v22+s3+$0x0], $0xffff  }
0x12c: {  	v8 =	vand.u32 $0xFFFF0000, v8;
	v16 =	vld.idx.msk [tilespmem:v20+s3+$0x0], $0xffff;
	v2 =	vadd.f32 v12, v2;
	v12 =	vshll.u32 v4, $0x10  }
0x12d: {  	v3 =	vadd.f32 v8, v3;
	v4 =	vand.u32 $0xFFFF0000, v4;
	v6 =	vadd.f32 v12, v6  }
0x12e: {  	v4 =	vadd.f32 v4, v5;
	v5 =	vshll.u32 v13, $0x10;
	v8 =	vand.u32 $0xFFFF0000, v13  }
0x12f: {  	v5 =	vadd.f32 v5, v7;
	v7 =	vadd.f32 v8, v9;
	v8 =	vshll.u32 v15, $0x10  }
0x130: {  	v9 =	vand.u32 $0xFFFF0000, v15;
	v8 =	vadd.f32 v8, v11;
	v11 =	vshll.u32 v14, $0x10  }
0x131: {  	v9 =	vadd.f32 v9, v10;
	v10 =	vshll.u32 v16, $0x10;
	v2 =	vadd.f32 v11, v2  }
0x132: {  	v11 =	vand.u32 $0xFFFF0000, v14;
	v6 =	vadd.f32 v10, v6;
	v10 =	vand.u32 $0xFFFF0000, v16  }
0x133: {  	v3 =	vadd.f32 v11, v3;
	v4 =	vadd.f32 v10, v4  }
0x134: {  	v5 =	vadd.f32 v8, v5;
	v2 =	vadd.f32 v6, v2  }
0x135: {  	v6 =	vadd.f32 v9, v7;
	v3 =	vadd.f32 v4, v3  }
0x136: {  	v2 =	vadd.f32 v2, v5  }
0x137: {  	v3 =	vadd.f32 v3, v6  }
0x138: {  	[tilespmem:$0xD020] =	vst v2  }
0x139: {  	s20 =	simm.s32 $0xC30;
	[tilespmem:$0xD0A0] =	vst v3  }
0x13a: {  	v2 =	vld [tilespmem:s20+$0x200]  }
0x13b: {  	v3 =	vld [tilespmem:s20+$0x280]  }
0x13c: {  	v4 =	vld [tilespmem:s20+$0x300]  }
0x13d: {  	v5 =	vld [tilespmem:s20+$0x0]  }
0x13e: {  	v6 =	vld [tilespmem:s20+$0x80]  }
0x13f: {  	v7 =	vld [tilespmem:s20+$0x100]  }
0x140: {  	v8 =	vld [tilespmem:s20+$0xFFFFFE00]  }
0x141: {  	v10 =	vld [tilespmem:s20+$0xFFFFFE80]  }
0x142: {  	v15 =	vld [tilespmem:s20+$0xFFFFFF00]  }
0x143: {  	v11 =	vld [tilespmem:s20+$0xFFFFFC00]  }
0x144: {  	v12 =	vld [tilespmem:s20+$0xFFFFFC80]  }
0x145: {  	v29 =	vld [tilespmem:s20+$0xFFFFFD00]  }
0x146: {  	v2 =	vld.idx.msk [tilespmem:v2+s3+$0x0], $0xffff  }
0x147: {  	v3 =	vld.idx.msk [tilespmem:v3+s3+$0x0], $0xffff  }
0x148: {  	v4 =	vld.idx.msk [tilespmem:v4+s3+$0x0], $0xffff  }
0x149: {  	v5 =	vld.idx.msk [tilespmem:v5+s3+$0x0], $0xffff  }
0x14a: {  	v6 =	vld.idx.msk [tilespmem:v6+s3+$0x0], $0xffff  }
0x14b: {  	v7 =	vld.idx.msk [tilespmem:v7+s3+$0x0], $0xffff  }
0x14c: {  	v8 =	vld.idx.msk [tilespmem:v8+s3+$0x0], $0xffff  }
0x14d: {  	v16 =	vld.idx.msk [tilespmem:v11+s3+$0x0], $0xffff  }
0x14e: {  	v17 =	vimm.f32 $0.0e+00;
	v25 =	vld.idx.msk [tilespmem:v12+s3+$0x0], $0xffff  }
0x14f: {  	v9 =	vimm.f32 $0.0e+00;
	v28 =	vld.idx.msk [tilespmem:v15+s3+$0x0], $0xffff;
	v15 =	vimm.f32 $0.0e+00;
	v12 =	vshll.u32 v2, $0x10  }
0x150: {  	v18 =	vld [tilespmem:s20+$0xFFFFFD80];
	v13 =	vand.u32 $0xFFFF0000, v2;
	v11 =	vshll.u32 v3, $0x10;
	v14 =	vand.u32 $0xFFFF0000, v3  }
0x151: {  	v2 =	vshll.u32 v4, $0x10;
	v19 =	vshll.u32 v5, $0x10;
	v20 =	vand.u32 $0xFFFF0000, v5  }
0x152: {  	v23 =	vld [tilespmem:s20+$0xFFFFFF80];
	v3 =	vand.u32 $0xFFFF0000, v4;
	v21 =	vshll.u32 v6, $0x10;
	v22 =	vand.u32 $0xFFFF0000, v6  }
0x153: {  	v26 =	vld.idx.msk [tilespmem:v10+s3+$0x0], $0xffff;
	v4 =	vshll.u32 v7, $0x10;
	v30 =	vshll.u32 v8, $0x10;
	v31 =	vand.u32 $0xFFFF0000, v8  }
0x154: {  	v24 =	vld [tilespmem:s20+$0x180];
	v10 =	vand.u32 $0xFFFF0000, v7;
	v33 =	vshll.u32 v16, $0x10;
	v34 =	vand.u32 $0xFFFF0000, v16  }
0x155: {  	v27 =	vld [tilespmem:s20+$0x380];
	v32 =	vshll.u32 v25, $0x10;
	v16 =	vimm.f32 $0.0e+00;
	v5 =	vimm.f32 $0.0e+00  }
0x156: {  	s21 =	simm.s32 $0x1430;
	s20 =	simm.s32 $0x0;
	v29 =	vld.idx.msk [tilespmem:v29+s3+$0x0], $0xffff;
	v8 =	vimm.f32 $0.0e+00;
	v6 =	vimm.f32 $0.0e+00;
	v7 =	vimm.f32 $0.0e+00  }
.LBB2_8:
0x157: {  	v35 =	vld [tilespmem:s21+$0x200];
	v9 =	vadd.f32 v33, v9;
	v17 =	vadd.f32 v34, v17;
	v25 =	vand.u32 $0xFFFF0000, v25  }
0x158: {  	v15 =	vadd.f32 v32, v15;
	v16 =	vadd.f32 v25, v16;
	v18 =	vld.idx.msk [tilespmem:v18+s3+$0x0], $0xffff;
	v25 =	vshll.u32 v26, $0x10  }
0x159: {  	v26 =	vand.u32 $0xFFFF0000, v26;
	v32 =	vld [tilespmem:s21+$0x280];
	v9 =	vadd.f32 v30, v9;
	v17 =	vadd.f32 v31, v17  }
0x15a: {  	v15 =	vadd.f32 v25, v15;
	v25 =	vshll.u32 v28, $0x10;
	v16 =	vadd.f32 v26, v16;
	v23 =	vld.idx.msk [tilespmem:v23+s3+$0x0], $0xffff  }
0x15b: {  	v28 =	vand.u32 $0xFFFF0000, v28;
	v26 =	vld [tilespmem:s21+$0x300];
	v9 =	vadd.f32 v19, v9;
	v17 =	vadd.f32 v20, v17  }
0x15c: {  	v19 =	vshll.u32 v29, $0x10;
	v15 =	vadd.f32 v21, v15;
	v16 =	vadd.f32 v22, v16;
	v20 =	vld.idx.msk [tilespmem:v24+s3+$0x0], $0xffff  }
0x15d: {  	v22 =	vand.u32 $0xFFFF0000, v29;
	v21 =	vld [tilespmem:s21+$0x0];
	v9 =	vadd.f32 v12, v9;
	v17 =	vadd.f32 v13, v17  }
0x15e: {  	v12 =	vshll.u32 v18, $0x10;
	v15 =	vadd.f32 v11, v15;
	v16 =	vadd.f32 v14, v16;
	v11 =	vld.idx.msk [tilespmem:v27+s3+$0x0], $0xffff  }
0x15f: {  	v5 =	vadd.f32 v19, v5;
	v8 =	vadd.f32 v22, v8;
	v14 =	vand.u32 $0xFFFF0000, v18;
	v13 =	vld [tilespmem:s21+$0x80]  }
0x160: {  	v6 =	vadd.f32 v12, v6;
	v7 =	vadd.f32 v14, v7;
	v12 =	vshll.u32 v23, $0x10;
	v19 =	vld [tilespmem:s21+$0x100]  }
0x161: {  	v5 =	vadd.f32 v25, v5;
	v8 =	vadd.f32 v28, v8;
	v18 =	vand.u32 $0xFFFF0000, v23;
	v14 =	vld [tilespmem:s21+$0xFFFFFE00]  }
0x162: {  	v6 =	vadd.f32 v12, v6;
	v7 =	vadd.f32 v18, v7;
	v12 =	vshll.u32 v20, $0x10;
	v22 =	vld [tilespmem:s21+$0xFFFFFE80]  }
0x163: {  	v4 =	vadd.f32 v4, v5;
	v8 =	vadd.f32 v10, v8;
	v5 =	vand.u32 $0xFFFF0000, v20;
	v27 =	vld [tilespmem:s21+$0xFFFFFF00]  }
0x164: {  	v6 =	vadd.f32 v12, v6;
	v7 =	vadd.f32 v5, v7;
	v12 =	vshll.u32 v11, $0x10;
	v10 =	vld [tilespmem:s21+$0xFFFFFC00]  }
0x165: {  	v5 =	vadd.f32 v2, v4;
	v8 =	vadd.f32 v3, v8;
	v2 =	vand.u32 $0xFFFF0000, v11;
	v20 =	vld [tilespmem:s21+$0xFFFFFC80]  }
0x166: {  	v6 =	vadd.f32 v12, v6;
	v7 =	vadd.f32 v2, v7;
	v29 =	vld [tilespmem:s21+$0xFFFFFD00]  }
0x167: {  	v18 =	vld [tilespmem:s21+$0xFFFFFD80]  }
0x168: {  	v2 =	vld.idx.msk [tilespmem:v35+s3+$0x0], $0xffff  }
0x169: {  	v3 =	vld.idx.msk [tilespmem:v32+s3+$0x0], $0xffff  }
0x16a: {  	v4 =	vld.idx.msk [tilespmem:v26+s3+$0x0], $0xffff  }
0x16b: {  	v21 =	vld.idx.msk [tilespmem:v21+s3+$0x0], $0xffff  }
0x16c: {  	v30 =	vld.idx.msk [tilespmem:v13+s3+$0x0], $0xffff  }
0x16d: {  	v32 =	vld.idx.msk [tilespmem:v19+s3+$0x0], $0xffff  }
0x16e: {  	v31 =	vld.idx.msk [tilespmem:v14+s3+$0x0], $0xffff  }
0x16f: {  	v34 =	vld.idx.msk [tilespmem:v10+s3+$0x0], $0xffff  }
0x170: {  	s20 =	sadd.s32 $0x2, s20;
	v25 =	vld.idx.msk [tilespmem:v20+s3+$0x0], $0xffff  }
0x171: {  	p0 =	slt.u32 s20, $0x16;
	v12 =	vshll.u32 v2, $0x10;
	v13 =	vand.u32 $0xFFFF0000, v2;
	v23 =	vld [tilespmem:s21+$0xFFFFFF80]  }
.Ltmp3:
0x172: {  	v11 =	vshll.u32 v3, $0x10;
	v14 =	vand.u32 $0xFFFF0000, v3;
	v2 =	vshll.u32 v4, $0x10;
	v26 =	vld.idx.msk [tilespmem:v22+s3+$0x0], $0xffff;
	(pc) =	sbr.rel @p0 .LBB2_8-.Ltmp3, $4  }
0x173: {  	v3 =	vand.u32 $0xFFFF0000, v4;
	v19 =	vshll.u32 v21, $0x10;
	v20 =	vand.u32 $0xFFFF0000, v21;
	v24 =	vld [tilespmem:s21+$0x180]  }
0x174: {  	v21 =	vshll.u32 v30, $0x10;
	v22 =	vand.u32 $0xFFFF0000, v30;
	v4 =	vshll.u32 v32, $0x10;
	v28 =	vld.idx.msk [tilespmem:v27+s3+$0x0], $0xffff  }
0x175: {  	v10 =	vand.u32 $0xFFFF0000, v32;
	v30 =	vshll.u32 v31, $0x10;
	v31 =	vand.u32 $0xFFFF0000, v31;
	v27 =	vld [tilespmem:s21+$0x380]  }
0x176: {  	v33 =	vshll.u32 v34, $0x10;
	v34 =	vand.u32 $0xFFFF0000, v34;
	v32 =	vshll.u32 v25, $0x10;
	s21 =	sadd.s32 $0x800, s21;
	v29 =	vld.idx.msk [tilespmem:v29+s3+$0x0], $0xffff  }
0x177: {  	_ =	sdelay $0x2  }
0x178: {  	v35 =	vld [tilespmem:$0x6830]  }
0x179: {  	v9 =	vadd.f32 v33, v9;
	v17 =	vadd.f32 v34, v17;
	v25 =	vand.u32 $0xFFFF0000, v25;
	v18 =	vld.idx.msk [tilespmem:v18+s3+$0x0], $0xffff  }
0x17a: {  	v15 =	vadd.f32 v32, v15;
	v23 =	vld.idx.msk [tilespmem:v23+s3+$0x0], $0xffff;
	v16 =	vadd.f32 v25, v16;
	v25 =	vshll.u32 v26, $0x10  }
0x17b: {  	v26 =	vand.u32 $0xFFFF0000, v26;
	v24 =	vld.idx.msk [tilespmem:v24+s3+$0x0], $0xffff;
	v9 =	vadd.f32 v30, v9;
	v17 =	vadd.f32 v31, v17  }
0x17c: {  	v15 =	vadd.f32 v25, v15;
	v25 =	vshll.u32 v28, $0x10;
	v16 =	vadd.f32 v26, v16;
	v26 =	vld.idx.msk [tilespmem:v27+s3+$0x0], $0xffff  }
0x17d: {  	v27 =	vand.u32 $0xFFFF0000, v28;
	v9 =	vadd.f32 v19, v9;
	v17 =	vadd.f32 v20, v17;
	v19 =	vld [tilespmem:$0x68B0]  }
0x17e: {  	v20 =	vshll.u32 v29, $0x10;
	v15 =	vadd.f32 v21, v15;
	v21 =	vld [tilespmem:$0x6930];
	v16 =	vadd.f32 v22, v16  }
0x17f: {  	v22 =	vand.u32 $0xFFFF0000, v29;
	v9 =	vadd.f32 v12, v9;
	v12 =	vadd.f32 v13, v17;
	v13 =	vld [tilespmem:$0x69B0]  }
0x180: {  	v5 =	vadd.f32 v20, v5;
	v17 =	vshll.u32 v18, $0x10;
	v8 =	vadd.f32 v22, v8;
	v22 =	vld [tilespmem:$0x6B30]  }
0x181: {  	v11 =	vadd.f32 v11, v15;
	v14 =	vadd.f32 v14, v16;
	v16 =	vand.u32 $0xFFFF0000, v18;
	v18 =	vld [tilespmem:$0x6A30]  }
0x182: {  	v20 =	vand.u32 $0xFFFF0000, v23;
	v6 =	vadd.f32 v17, v6;
	v17 =	vld [tilespmem:$0x6AB0];
	v7 =	vadd.f32 v16, v7  }
0x183: {  	v5 =	vadd.f32 v25, v5;
	v15 =	vld.idx.msk [tilespmem:v35+s3+$0x0], $0xffff;
	v16 =	vshll.u32 v23, $0x10;
	v8 =	vadd.f32 v27, v8  }
0x184: {  	v6 =	vadd.f32 v16, v6;
	v16 =	vshll.u32 v24, $0x10;
	v7 =	vadd.f32 v20, v7;
	v20 =	vld [tilespmem:$0x6BB0]  }
0x185: {  	v4 =	vadd.f32 v4, v5;
	v5 =	vadd.f32 v10, v8;
	v8 =	vand.u32 $0xFFFF0000, v24;
	v10 =	vld.idx.msk [tilespmem:v19+s3+$0x0], $0xffff  }
0x186: {  	v6 =	vadd.f32 v16, v6;
	v7 =	vadd.f32 v8, v7;
	v8 =	vld.idx.msk [tilespmem:v21+s3+$0x0], $0xffff  }
0x187: {  	v16 =	vshll.u32 v26, $0x10;
	v2 =	vadd.f32 v2, v4;
	v3 =	vadd.f32 v3, v5;
	v4 =	vld.idx.msk [tilespmem:v13+s3+$0x0], $0xffff  }
0x188: {  	v5 =	vand.u32 $0xFFFF0000, v26;
	v6 =	vadd.f32 v16, v6;
	v13 =	vshll.u32 v15, $0x10  }
0x189: {  	v5 =	vadd.f32 v5, v7;
	v7 =	vadd.f32 v13, v9;
	v9 =	vand.u32 $0xFFFF0000, v15;
	v13 =	vld.idx.msk [tilespmem:v18+s3+$0x0], $0xffff  }
0x18a: {  	v15 =	vld.idx.msk [tilespmem:v17+s3+$0x0], $0xffff;
	v9 =	vadd.f32 v9, v12;
	v12 =	vshll.u32 v10, $0x10;
	v10 =	vand.u32 $0xFFFF0000, v10  }
0x18b: {  	v11 =	vadd.f32 v12, v11;
	v10 =	vadd.f32 v10, v14;
	v12 =	vshll.u32 v8, $0x10;
	v14 =	vld.idx.msk [tilespmem:v22+s3+$0x0], $0xffff  }
0x18c: {  	v8 =	vand.u32 $0xFFFF0000, v8;
	v16 =	vld.idx.msk [tilespmem:v20+s3+$0x0], $0xffff;
	v2 =	vadd.f32 v12, v2;
	v12 =	vshll.u32 v4, $0x10  }
0x18d: {  	v3 =	vadd.f32 v8, v3;
	v4 =	vand.u32 $0xFFFF0000, v4;
	v6 =	vadd.f32 v12, v6  }
0x18e: {  	v4 =	vadd.f32 v4, v5;
	v5 =	vshll.u32 v13, $0x10;
	v8 =	vand.u32 $0xFFFF0000, v13  }
0x18f: {  	v5 =	vadd.f32 v5, v7;
	v7 =	vadd.f32 v8, v9;
	v8 =	vshll.u32 v15, $0x10  }
0x190: {  	v9 =	vand.u32 $0xFFFF0000, v15;
	v8 =	vadd.f32 v8, v11;
	v11 =	vshll.u32 v14, $0x10  }
0x191: {  	v9 =	vadd.f32 v9, v10;
	v10 =	vshll.u32 v16, $0x10;
	v2 =	vadd.f32 v11, v2  }
0x192: {  	v11 =	vand.u32 $0xFFFF0000, v14;
	v6 =	vadd.f32 v10, v6;
	v10 =	vand.u32 $0xFFFF0000, v16  }
0x193: {  	v3 =	vadd.f32 v11, v3;
	v4 =	vadd.f32 v10, v4  }
0x194: {  	v5 =	vadd.f32 v8, v5;
	v2 =	vadd.f32 v6, v2  }
0x195: {  	v6 =	vadd.f32 v9, v7;
	v3 =	vadd.f32 v4, v3  }
0x196: {  	v2 =	vadd.f32 v2, v5  }
0x197: {  	v3 =	vadd.f32 v3, v6  }
0x198: {  	[tilespmem:$0xD030] =	vst v2  }
0x199: {  	s20 =	simm.s32 $0xC40;
	[tilespmem:$0xD0B0] =	vst v3  }
0x19a: {  	v2 =	vld [tilespmem:s20+$0x200]  }
0x19b: {  	v3 =	vld [tilespmem:s20+$0x280]  }
0x19c: {  	v4 =	vld [tilespmem:s20+$0x300]  }
0x19d: {  	v5 =	vld [tilespmem:s20+$0x0]  }
0x19e: {  	v6 =	vld [tilespmem:s20+$0x80]  }
0x19f: {  	v7 =	vld [tilespmem:s20+$0x100]  }
0x1a0: {  	v8 =	vld [tilespmem:s20+$0xFFFFFE00]  }
0x1a1: {  	v10 =	vld [tilespmem:s20+$0xFFFFFE80]  }
0x1a2: {  	v15 =	vld [tilespmem:s20+$0xFFFFFF00]  }
0x1a3: {  	v11 =	vld [tilespmem:s20+$0xFFFFFC00]  }
0x1a4: {  	v12 =	vld [tilespmem:s20+$0xFFFFFC80]  }
0x1a5: {  	v29 =	vld [tilespmem:s20+$0xFFFFFD00]  }
0x1a6: {  	v2 =	vld.idx.msk [tilespmem:v2+s3+$0x0], $0xffff  }
0x1a7: {  	v3 =	vld.idx.msk [tilespmem:v3+s3+$0x0], $0xffff  }
0x1a8: {  	v4 =	vld.idx.msk [tilespmem:v4+s3+$0x0], $0xffff  }
0x1a9: {  	v5 =	vld.idx.msk [tilespmem:v5+s3+$0x0], $0xffff  }
0x1aa: {  	v6 =	vld.idx.msk [tilespmem:v6+s3+$0x0], $0xffff  }
0x1ab: {  	v7 =	vld.idx.msk [tilespmem:v7+s3+$0x0], $0xffff  }
0x1ac: {  	v8 =	vld.idx.msk [tilespmem:v8+s3+$0x0], $0xffff  }
0x1ad: {  	v16 =	vld.idx.msk [tilespmem:v11+s3+$0x0], $0xffff  }
0x1ae: {  	v17 =	vimm.f32 $0.0e+00;
	v25 =	vld.idx.msk [tilespmem:v12+s3+$0x0], $0xffff  }
0x1af: {  	v9 =	vimm.f32 $0.0e+00;
	v28 =	vld.idx.msk [tilespmem:v15+s3+$0x0], $0xffff;
	v15 =	vimm.f32 $0.0e+00;
	v12 =	vshll.u32 v2, $0x10  }
0x1b0: {  	v18 =	vld [tilespmem:s20+$0xFFFFFD80];
	v13 =	vand.u32 $0xFFFF0000, v2;
	v11 =	vshll.u32 v3, $0x10;
	v14 =	vand.u32 $0xFFFF0000, v3  }
0x1b1: {  	v2 =	vshll.u32 v4, $0x10;
	v19 =	vshll.u32 v5, $0x10;
	v20 =	vand.u32 $0xFFFF0000, v5  }
0x1b2: {  	v23 =	vld [tilespmem:s20+$0xFFFFFF80];
	v3 =	vand.u32 $0xFFFF0000, v4;
	v21 =	vshll.u32 v6, $0x10;
	v22 =	vand.u32 $0xFFFF0000, v6  }
0x1b3: {  	v26 =	vld.idx.msk [tilespmem:v10+s3+$0x0], $0xffff;
	v4 =	vshll.u32 v7, $0x10;
	v30 =	vshll.u32 v8, $0x10;
	v31 =	vand.u32 $0xFFFF0000, v8  }
0x1b4: {  	v24 =	vld [tilespmem:s20+$0x180];
	v10 =	vand.u32 $0xFFFF0000, v7;
	v33 =	vshll.u32 v16, $0x10;
	v34 =	vand.u32 $0xFFFF0000, v16  }
0x1b5: {  	v27 =	vld [tilespmem:s20+$0x380];
	v32 =	vshll.u32 v25, $0x10;
	v16 =	vimm.f32 $0.0e+00;
	v5 =	vimm.f32 $0.0e+00  }
0x1b6: {  	s21 =	simm.s32 $0x1440;
	s20 =	simm.s32 $0x0;
	v29 =	vld.idx.msk [tilespmem:v29+s3+$0x0], $0xffff;
	v8 =	vimm.f32 $0.0e+00;
	v6 =	vimm.f32 $0.0e+00;
	v7 =	vimm.f32 $0.0e+00  }
.LBB2_10:
0x1b7: {  	v35 =	vld [tilespmem:s21+$0x200];
	v9 =	vadd.f32 v33, v9;
	v17 =	vadd.f32 v34, v17;
	v25 =	vand.u32 $0xFFFF0000, v25  }
0x1b8: {  	v15 =	vadd.f32 v32, v15;
	v16 =	vadd.f32 v25, v16;
	v18 =	vld.idx.msk [tilespmem:v18+s3+$0x0], $0xffff;
	v25 =	vshll.u32 v26, $0x10  }
0x1b9: {  	v26 =	vand.u32 $0xFFFF0000, v26;
	v32 =	vld [tilespmem:s21+$0x280];
	v9 =	vadd.f32 v30, v9;
	v17 =	vadd.f32 v31, v17  }
0x1ba: {  	v15 =	vadd.f32 v25, v15;
	v25 =	vshll.u32 v28, $0x10;
	v16 =	vadd.f32 v26, v16;
	v23 =	vld.idx.msk [tilespmem:v23+s3+$0x0], $0xffff  }
0x1bb: {  	v28 =	vand.u32 $0xFFFF0000, v28;
	v26 =	vld [tilespmem:s21+$0x300];
	v9 =	vadd.f32 v19, v9;
	v17 =	vadd.f32 v20, v17  }
0x1bc: {  	v19 =	vshll.u32 v29, $0x10;
	v15 =	vadd.f32 v21, v15;
	v16 =	vadd.f32 v22, v16;
	v20 =	vld.idx.msk [tilespmem:v24+s3+$0x0], $0xffff  }
0x1bd: {  	v22 =	vand.u32 $0xFFFF0000, v29;
	v21 =	vld [tilespmem:s21+$0x0];
	v9 =	vadd.f32 v12, v9;
	v17 =	vadd.f32 v13, v17  }
0x1be: {  	v12 =	vshll.u32 v18, $0x10;
	v15 =	vadd.f32 v11, v15;
	v16 =	vadd.f32 v14, v16;
	v11 =	vld.idx.msk [tilespmem:v27+s3+$0x0], $0xffff  }
0x1bf: {  	v5 =	vadd.f32 v19, v5;
	v8 =	vadd.f32 v22, v8;
	v14 =	vand.u32 $0xFFFF0000, v18;
	v13 =	vld [tilespmem:s21+$0x80]  }
0x1c0: {  	v6 =	vadd.f32 v12, v6;
	v7 =	vadd.f32 v14, v7;
	v12 =	vshll.u32 v23, $0x10;
	v19 =	vld [tilespmem:s21+$0x100]  }
0x1c1: {  	v5 =	vadd.f32 v25, v5;
	v8 =	vadd.f32 v28, v8;
	v18 =	vand.u32 $0xFFFF0000, v23;
	v14 =	vld [tilespmem:s21+$0xFFFFFE00]  }
0x1c2: {  	v6 =	vadd.f32 v12, v6;
	v7 =	vadd.f32 v18, v7;
	v12 =	vshll.u32 v20, $0x10;
	v22 =	vld [tilespmem:s21+$0xFFFFFE80]  }
0x1c3: {  	v4 =	vadd.f32 v4, v5;
	v8 =	vadd.f32 v10, v8;
	v5 =	vand.u32 $0xFFFF0000, v20;
	v27 =	vld [tilespmem:s21+$0xFFFFFF00]  }
0x1c4: {  	v6 =	vadd.f32 v12, v6;
	v7 =	vadd.f32 v5, v7;
	v12 =	vshll.u32 v11, $0x10;
	v10 =	vld [tilespmem:s21+$0xFFFFFC00]  }
0x1c5: {  	v5 =	vadd.f32 v2, v4;
	v8 =	vadd.f32 v3, v8;
	v2 =	vand.u32 $0xFFFF0000, v11;
	v20 =	vld [tilespmem:s21+$0xFFFFFC80]  }
0x1c6: {  	v6 =	vadd.f32 v12, v6;
	v7 =	vadd.f32 v2, v7;
	v29 =	vld [tilespmem:s21+$0xFFFFFD00]  }
0x1c7: {  	v18 =	vld [tilespmem:s21+$0xFFFFFD80]  }
0x1c8: {  	v2 =	vld.idx.msk [tilespmem:v35+s3+$0x0], $0xffff  }
0x1c9: {  	v3 =	vld.idx.msk [tilespmem:v32+s3+$0x0], $0xffff  }
0x1ca: {  	v4 =	vld.idx.msk [tilespmem:v26+s3+$0x0], $0xffff  }
0x1cb: {  	v21 =	vld.idx.msk [tilespmem:v21+s3+$0x0], $0xffff  }
0x1cc: {  	v30 =	vld.idx.msk [tilespmem:v13+s3+$0x0], $0xffff  }
0x1cd: {  	v32 =	vld.idx.msk [tilespmem:v19+s3+$0x0], $0xffff  }
0x1ce: {  	v31 =	vld.idx.msk [tilespmem:v14+s3+$0x0], $0xffff  }
0x1cf: {  	v34 =	vld.idx.msk [tilespmem:v10+s3+$0x0], $0xffff  }
0x1d0: {  	s20 =	sadd.s32 $0x2, s20;
	v25 =	vld.idx.msk [tilespmem:v20+s3+$0x0], $0xffff  }
0x1d1: {  	p0 =	slt.u32 s20, $0x16;
	v12 =	vshll.u32 v2, $0x10;
	v13 =	vand.u32 $0xFFFF0000, v2;
	v23 =	vld [tilespmem:s21+$0xFFFFFF80]  }
.Ltmp4:
0x1d2: {  	v11 =	vshll.u32 v3, $0x10;
	v14 =	vand.u32 $0xFFFF0000, v3;
	v2 =	vshll.u32 v4, $0x10;
	v26 =	vld.idx.msk [tilespmem:v22+s3+$0x0], $0xffff;
	(pc) =	sbr.rel @p0 .LBB2_10-.Ltmp4, $4  }
0x1d3: {  	v3 =	vand.u32 $0xFFFF0000, v4;
	v19 =	vshll.u32 v21, $0x10;
	v20 =	vand.u32 $0xFFFF0000, v21;
	v24 =	vld [tilespmem:s21+$0x180]  }
0x1d4: {  	v21 =	vshll.u32 v30, $0x10;
	v22 =	vand.u32 $0xFFFF0000, v30;
	v4 =	vshll.u32 v32, $0x10;
	v28 =	vld.idx.msk [tilespmem:v27+s3+$0x0], $0xffff  }
0x1d5: {  	v10 =	vand.u32 $0xFFFF0000, v32;
	v30 =	vshll.u32 v31, $0x10;
	v31 =	vand.u32 $0xFFFF0000, v31;
	v27 =	vld [tilespmem:s21+$0x380]  }
0x1d6: {  	v33 =	vshll.u32 v34, $0x10;
	v34 =	vand.u32 $0xFFFF0000, v34;
	v32 =	vshll.u32 v25, $0x10;
	s21 =	sadd.s32 $0x800, s21;
	v29 =	vld.idx.msk [tilespmem:v29+s3+$0x0], $0xffff  }
0x1d7: {  	_ =	sdelay $0x2  }
0x1d8: {  	v35 =	vld [tilespmem:$0x6840]  }
0x1d9: {  	v9 =	vadd.f32 v33, v9;
	v17 =	vadd.f32 v34, v17;
	v25 =	vand.u32 $0xFFFF0000, v25;
	v18 =	vld.idx.msk [tilespmem:v18+s3+$0x0], $0xffff  }
0x1da: {  	v15 =	vadd.f32 v32, v15;
	v23 =	vld.idx.msk [tilespmem:v23+s3+$0x0], $0xffff;
	v16 =	vadd.f32 v25, v16;
	v25 =	vshll.u32 v26, $0x10  }
0x1db: {  	v26 =	vand.u32 $0xFFFF0000, v26;
	v24 =	vld.idx.msk [tilespmem:v24+s3+$0x0], $0xffff;
	v9 =	vadd.f32 v30, v9;
	v17 =	vadd.f32 v31, v17  }
0x1dc: {  	v15 =	vadd.f32 v25, v15;
	v25 =	vshll.u32 v28, $0x10;
	v16 =	vadd.f32 v26, v16;
	v26 =	vld.idx.msk [tilespmem:v27+s3+$0x0], $0xffff  }
0x1dd: {  	v27 =	vand.u32 $0xFFFF0000, v28;
	v9 =	vadd.f32 v19, v9;
	v17 =	vadd.f32 v20, v17;
	v19 =	vld [tilespmem:$0x68C0]  }
0x1de: {  	v20 =	vshll.u32 v29, $0x10;
	v15 =	vadd.f32 v21, v15;
	v21 =	vld [tilespmem:$0x6940];
	v16 =	vadd.f32 v22, v16  }
0x1df: {  	v22 =	vand.u32 $0xFFFF0000, v29;
	v9 =	vadd.f32 v12, v9;
	v12 =	vadd.f32 v13, v17;
	v13 =	vld [tilespmem:$0x69C0]  }
0x1e0: {  	v5 =	vadd.f32 v20, v5;
	v17 =	vshll.u32 v18, $0x10;
	v8 =	vadd.f32 v22, v8;
	v22 =	vld [tilespmem:$0x6B40]  }
0x1e1: {  	v11 =	vadd.f32 v11, v15;
	v14 =	vadd.f32 v14, v16;
	v16 =	vand.u32 $0xFFFF0000, v18;
	v18 =	vld [tilespmem:$0x6A40]  }
0x1e2: {  	v20 =	vand.u32 $0xFFFF0000, v23;
	v6 =	vadd.f32 v17, v6;
	v17 =	vld [tilespmem:$0x6AC0];
	v7 =	vadd.f32 v16, v7  }
0x1e3: {  	v5 =	vadd.f32 v25, v5;
	v15 =	vld.idx.msk [tilespmem:v35+s3+$0x0], $0xffff;
	v16 =	vshll.u32 v23, $0x10;
	v8 =	vadd.f32 v27, v8  }
0x1e4: {  	v6 =	vadd.f32 v16, v6;
	v16 =	vshll.u32 v24, $0x10;
	v7 =	vadd.f32 v20, v7;
	v20 =	vld [tilespmem:$0x6BC0]  }
0x1e5: {  	v4 =	vadd.f32 v4, v5;
	v5 =	vadd.f32 v10, v8;
	v8 =	vand.u32 $0xFFFF0000, v24;
	v10 =	vld.idx.msk [tilespmem:v19+s3+$0x0], $0xffff  }
0x1e6: {  	v6 =	vadd.f32 v16, v6;
	v7 =	vadd.f32 v8, v7;
	v8 =	vld.idx.msk [tilespmem:v21+s3+$0x0], $0xffff  }
0x1e7: {  	v16 =	vshll.u32 v26, $0x10;
	v2 =	vadd.f32 v2, v4;
	v3 =	vadd.f32 v3, v5;
	v4 =	vld.idx.msk [tilespmem:v13+s3+$0x0], $0xffff  }
0x1e8: {  	v5 =	vand.u32 $0xFFFF0000, v26;
	v6 =	vadd.f32 v16, v6;
	v13 =	vshll.u32 v15, $0x10  }
0x1e9: {  	v5 =	vadd.f32 v5, v7;
	v7 =	vadd.f32 v13, v9;
	v9 =	vand.u32 $0xFFFF0000, v15;
	v13 =	vld.idx.msk [tilespmem:v18+s3+$0x0], $0xffff  }
0x1ea: {  	v15 =	vld.idx.msk [tilespmem:v17+s3+$0x0], $0xffff;
	v9 =	vadd.f32 v9, v12;
	v12 =	vshll.u32 v10, $0x10;
	v10 =	vand.u32 $0xFFFF0000, v10  }
0x1eb: {  	v11 =	vadd.f32 v12, v11;
	v10 =	vadd.f32 v10, v14;
	v12 =	vshll.u32 v8, $0x10;
	v14 =	vld.idx.msk [tilespmem:v22+s3+$0x0], $0xffff  }
0x1ec: {  	v8 =	vand.u32 $0xFFFF0000, v8;
	v16 =	vld.idx.msk [tilespmem:v20+s3+$0x0], $0xffff;
	v2 =	vadd.f32 v12, v2;
	v12 =	vshll.u32 v4, $0x10  }
0x1ed: {  	v3 =	vadd.f32 v8, v3;
	v4 =	vand.u32 $0xFFFF0000, v4;
	v6 =	vadd.f32 v12, v6  }
0x1ee: {  	v4 =	vadd.f32 v4, v5;
	v5 =	vshll.u32 v13, $0x10;
	v8 =	vand.u32 $0xFFFF0000, v13  }
0x1ef: {  	v5 =	vadd.f32 v5, v7;
	v7 =	vadd.f32 v8, v9;
	v8 =	vshll.u32 v15, $0x10  }
0x1f0: {  	v9 =	vand.u32 $0xFFFF0000, v15;
	v8 =	vadd.f32 v8, v11;
	v11 =	vshll.u32 v14, $0x10  }
0x1f1: {  	v9 =	vadd.f32 v9, v10;
	v10 =	vshll.u32 v16, $0x10;
	v2 =	vadd.f32 v11, v2  }
0x1f2: {  	v11 =	vand.u32 $0xFFFF0000, v14;
	v6 =	vadd.f32 v10, v6;
	v10 =	vand.u32 $0xFFFF0000, v16  }
0x1f3: {  	v3 =	vadd.f32 v11, v3;
	v4 =	vadd.f32 v10, v4  }
0x1f4: {  	v5 =	vadd.f32 v8, v5;
	v2 =	vadd.f32 v6, v2  }
0x1f5: {  	v6 =	vadd.f32 v9, v7;
	v3 =	vadd.f32 v4, v3  }
0x1f6: {  	v2 =	vadd.f32 v2, v5  }
0x1f7: {  	v3 =	vadd.f32 v3, v6  }
0x1f8: {  	[tilespmem:$0xD040] =	vst v2  }
0x1f9: {  	s20 =	simm.s32 $0xC50;
	[tilespmem:$0xD0C0] =	vst v3  }
0x1fa: {  	v2 =	vld [tilespmem:s20+$0x200]  }
0x1fb: {  	v3 =	vld [tilespmem:s20+$0x280]  }
0x1fc: {  	v4 =	vld [tilespmem:s20+$0x300]  }
0x1fd: {  	v5 =	vld [tilespmem:s20+$0x0]  }
0x1fe: {  	v6 =	vld [tilespmem:s20+$0x80]  }
0x1ff: {  	v7 =	vld [tilespmem:s20+$0x100]  }
0x200: {  	v8 =	vld [tilespmem:s20+$0xFFFFFE00]  }
0x201: {  	v10 =	vld [tilespmem:s20+$0xFFFFFE80]  }
0x202: {  	v15 =	vld [tilespmem:s20+$0xFFFFFF00]  }
0x203: {  	v11 =	vld [tilespmem:s20+$0xFFFFFC00]  }
0x204: {  	v12 =	vld [tilespmem:s20+$0xFFFFFC80]  }
0x205: {  	v29 =	vld [tilespmem:s20+$0xFFFFFD00]  }
0x206: {  	v2 =	vld.idx.msk [tilespmem:v2+s3+$0x0], $0xffff  }
0x207: {  	v3 =	vld.idx.msk [tilespmem:v3+s3+$0x0], $0xffff  }
0x208: {  	v4 =	vld.idx.msk [tilespmem:v4+s3+$0x0], $0xffff  }
0x209: {  	v5 =	vld.idx.msk [tilespmem:v5+s3+$0x0], $0xffff  }
0x20a: {  	v6 =	vld.idx.msk [tilespmem:v6+s3+$0x0], $0xffff  }
0x20b: {  	v7 =	vld.idx.msk [tilespmem:v7+s3+$0x0], $0xffff  }
0x20c: {  	v8 =	vld.idx.msk [tilespmem:v8+s3+$0x0], $0xffff  }
0x20d: {  	v16 =	vld.idx.msk [tilespmem:v11+s3+$0x0], $0xffff  }
0x20e: {  	v17 =	vimm.f32 $0.0e+00;
	v25 =	vld.idx.msk [tilespmem:v12+s3+$0x0], $0xffff  }
0x20f: {  	v9 =	vimm.f32 $0.0e+00;
	v28 =	vld.idx.msk [tilespmem:v15+s3+$0x0], $0xffff;
	v15 =	vimm.f32 $0.0e+00;
	v12 =	vshll.u32 v2, $0x10  }
0x210: {  	v18 =	vld [tilespmem:s20+$0xFFFFFD80];
	v13 =	vand.u32 $0xFFFF0000, v2;
	v11 =	vshll.u32 v3, $0x10;
	v14 =	vand.u32 $0xFFFF0000, v3  }
0x211: {  	v2 =	vshll.u32 v4, $0x10;
	v19 =	vshll.u32 v5, $0x10;
	v20 =	vand.u32 $0xFFFF0000, v5  }
0x212: {  	v23 =	vld [tilespmem:s20+$0xFFFFFF80];
	v3 =	vand.u32 $0xFFFF0000, v4;
	v21 =	vshll.u32 v6, $0x10;
	v22 =	vand.u32 $0xFFFF0000, v6  }
0x213: {  	v26 =	vld.idx.msk [tilespmem:v10+s3+$0x0], $0xffff;
	v4 =	vshll.u32 v7, $0x10;
	v30 =	vshll.u32 v8, $0x10;
	v31 =	vand.u32 $0xFFFF0000, v8  }
0x214: {  	v24 =	vld [tilespmem:s20+$0x180];
	v10 =	vand.u32 $0xFFFF0000, v7;
	v33 =	vshll.u32 v16, $0x10;
	v34 =	vand.u32 $0xFFFF0000, v16  }
0x215: {  	v27 =	vld [tilespmem:s20+$0x380];
	v32 =	vshll.u32 v25, $0x10;
	v16 =	vimm.f32 $0.0e+00;
	v5 =	vimm.f32 $0.0e+00  }
0x216: {  	s21 =	simm.s32 $0x1450;
	s20 =	simm.s32 $0x0;
	v29 =	vld.idx.msk [tilespmem:v29+s3+$0x0], $0xffff;
	v8 =	vimm.f32 $0.0e+00;
	v6 =	vimm.f32 $0.0e+00;
	v7 =	vimm.f32 $0.0e+00  }
.LBB2_12:
0x217: {  	v35 =	vld [tilespmem:s21+$0x200];
	v9 =	vadd.f32 v33, v9;
	v17 =	vadd.f32 v34, v17;
	v25 =	vand.u32 $0xFFFF0000, v25  }
0x218: {  	v15 =	vadd.f32 v32, v15;
	v16 =	vadd.f32 v25, v16;
	v18 =	vld.idx.msk [tilespmem:v18+s3+$0x0], $0xffff;
	v25 =	vshll.u32 v26, $0x10  }
0x219: {  	v26 =	vand.u32 $0xFFFF0000, v26;
	v32 =	vld [tilespmem:s21+$0x280];
	v9 =	vadd.f32 v30, v9;
	v17 =	vadd.f32 v31, v17  }
0x21a: {  	v15 =	vadd.f32 v25, v15;
	v25 =	vshll.u32 v28, $0x10;
	v16 =	vadd.f32 v26, v16;
	v23 =	vld.idx.msk [tilespmem:v23+s3+$0x0], $0xffff  }
0x21b: {  	v28 =	vand.u32 $0xFFFF0000, v28;
	v26 =	vld [tilespmem:s21+$0x300];
	v9 =	vadd.f32 v19, v9;
	v17 =	vadd.f32 v20, v17  }
0x21c: {  	v19 =	vshll.u32 v29, $0x10;
	v15 =	vadd.f32 v21, v15;
	v16 =	vadd.f32 v22, v16;
	v20 =	vld.idx.msk [tilespmem:v24+s3+$0x0], $0xffff  }
0x21d: {  	v22 =	vand.u32 $0xFFFF0000, v29;
	v21 =	vld [tilespmem:s21+$0x0];
	v9 =	vadd.f32 v12, v9;
	v17 =	vadd.f32 v13, v17  }
0x21e: {  	v12 =	vshll.u32 v18, $0x10;
	v15 =	vadd.f32 v11, v15;
	v16 =	vadd.f32 v14, v16;
	v11 =	vld.idx.msk [tilespmem:v27+s3+$0x0], $0xffff  }
0x21f: {  	v5 =	vadd.f32 v19, v5;
	v8 =	vadd.f32 v22, v8;
	v14 =	vand.u32 $0xFFFF0000, v18;
	v13 =	vld [tilespmem:s21+$0x80]  }
0x220: {  	v6 =	vadd.f32 v12, v6;
	v7 =	vadd.f32 v14, v7;
	v12 =	vshll.u32 v23, $0x10;
	v19 =	vld [tilespmem:s21+$0x100]  }
0x221: {  	v5 =	vadd.f32 v25, v5;
	v8 =	vadd.f32 v28, v8;
	v18 =	vand.u32 $0xFFFF0000, v23;
	v14 =	vld [tilespmem:s21+$0xFFFFFE00]  }
0x222: {  	v6 =	vadd.f32 v12, v6;
	v7 =	vadd.f32 v18, v7;
	v12 =	vshll.u32 v20, $0x10;
	v22 =	vld [tilespmem:s21+$0xFFFFFE80]  }
0x223: {  	v4 =	vadd.f32 v4, v5;
	v8 =	vadd.f32 v10, v8;
	v5 =	vand.u32 $0xFFFF0000, v20;
	v27 =	vld [tilespmem:s21+$0xFFFFFF00]  }
0x224: {  	v6 =	vadd.f32 v12, v6;
	v7 =	vadd.f32 v5, v7;
	v12 =	vshll.u32 v11, $0x10;
	v10 =	vld [tilespmem:s21+$0xFFFFFC00]  }
0x225: {  	v5 =	vadd.f32 v2, v4;
	v8 =	vadd.f32 v3, v8;
	v2 =	vand.u32 $0xFFFF0000, v11;
	v20 =	vld [tilespmem:s21+$0xFFFFFC80]  }
0x226: {  	v6 =	vadd.f32 v12, v6;
	v7 =	vadd.f32 v2, v7;
	v29 =	vld [tilespmem:s21+$0xFFFFFD00]  }
0x227: {  	v18 =	vld [tilespmem:s21+$0xFFFFFD80]  }
0x228: {  	v2 =	vld.idx.msk [tilespmem:v35+s3+$0x0], $0xffff  }
0x229: {  	v3 =	vld.idx.msk [tilespmem:v32+s3+$0x0], $0xffff  }
0x22a: {  	v4 =	vld.idx.msk [tilespmem:v26+s3+$0x0], $0xffff  }
0x22b: {  	v21 =	vld.idx.msk [tilespmem:v21+s3+$0x0], $0xffff  }
0x22c: {  	v30 =	vld.idx.msk [tilespmem:v13+s3+$0x0], $0xffff  }
0x22d: {  	v32 =	vld.idx.msk [tilespmem:v19+s3+$0x0], $0xffff  }
0x22e: {  	v31 =	vld.idx.msk [tilespmem:v14+s3+$0x0], $0xffff  }
0x22f: {  	v34 =	vld.idx.msk [tilespmem:v10+s3+$0x0], $0xffff  }
0x230: {  	s20 =	sadd.s32 $0x2, s20;
	v25 =	vld.idx.msk [tilespmem:v20+s3+$0x0], $0xffff  }
0x231: {  	p0 =	slt.u32 s20, $0x16;
	v12 =	vshll.u32 v2, $0x10;
	v13 =	vand.u32 $0xFFFF0000, v2;
	v23 =	vld [tilespmem:s21+$0xFFFFFF80]  }
.Ltmp5:
0x232: {  	v11 =	vshll.u32 v3, $0x10;
	v14 =	vand.u32 $0xFFFF0000, v3;
	v2 =	vshll.u32 v4, $0x10;
	v26 =	vld.idx.msk [tilespmem:v22+s3+$0x0], $0xffff;
	(pc) =	sbr.rel @p0 .LBB2_12-.Ltmp5, $4  }
0x233: {  	v3 =	vand.u32 $0xFFFF0000, v4;
	v19 =	vshll.u32 v21, $0x10;
	v20 =	vand.u32 $0xFFFF0000, v21;
	v24 =	vld [tilespmem:s21+$0x180]  }
0x234: {  	v21 =	vshll.u32 v30, $0x10;
	v22 =	vand.u32 $0xFFFF0000, v30;
	v4 =	vshll.u32 v32, $0x10;
	v28 =	vld.idx.msk [tilespmem:v27+s3+$0x0], $0xffff  }
0x235: {  	v10 =	vand.u32 $0xFFFF0000, v32;
	v30 =	vshll.u32 v31, $0x10;
	v31 =	vand.u32 $0xFFFF0000, v31;
	v27 =	vld [tilespmem:s21+$0x380]  }
0x236: {  	v33 =	vshll.u32 v34, $0x10;
	v34 =	vand.u32 $0xFFFF0000, v34;
	v32 =	vshll.u32 v25, $0x10;
	s21 =	sadd.s32 $0x800, s21;
	v29 =	vld.idx.msk [tilespmem:v29+s3+$0x0], $0xffff  }
0x237: {  	_ =	sdelay $0x2  }
0x238: {  	v35 =	vld [tilespmem:$0x6850]  }
0x239: {  	v9 =	vadd.f32 v33, v9;
	v17 =	vadd.f32 v34, v17;
	v25 =	vand.u32 $0xFFFF0000, v25;
	v18 =	vld.idx.msk [tilespmem:v18+s3+$0x0], $0xffff  }
0x23a: {  	v15 =	vadd.f32 v32, v15;
	v23 =	vld.idx.msk [tilespmem:v23+s3+$0x0], $0xffff;
	v16 =	vadd.f32 v25, v16;
	v25 =	vshll.u32 v26, $0x10  }
0x23b: {  	v26 =	vand.u32 $0xFFFF0000, v26;
	v24 =	vld.idx.msk [tilespmem:v24+s3+$0x0], $0xffff;
	v9 =	vadd.f32 v30, v9;
	v17 =	vadd.f32 v31, v17  }
0x23c: {  	v15 =	vadd.f32 v25, v15;
	v25 =	vshll.u32 v28, $0x10;
	v16 =	vadd.f32 v26, v16;
	v26 =	vld.idx.msk [tilespmem:v27+s3+$0x0], $0xffff  }
0x23d: {  	v27 =	vand.u32 $0xFFFF0000, v28;
	v9 =	vadd.f32 v19, v9;
	v17 =	vadd.f32 v20, v17;
	v19 =	vld [tilespmem:$0x68D0]  }
0x23e: {  	v20 =	vshll.u32 v29, $0x10;
	v15 =	vadd.f32 v21, v15;
	v21 =	vld [tilespmem:$0x6950];
	v16 =	vadd.f32 v22, v16  }
0x23f: {  	v22 =	vand.u32 $0xFFFF0000, v29;
	v9 =	vadd.f32 v12, v9;
	v12 =	vadd.f32 v13, v17;
	v13 =	vld [tilespmem:$0x69D0]  }
0x240: {  	v5 =	vadd.f32 v20, v5;
	v17 =	vshll.u32 v18, $0x10;
	v8 =	vadd.f32 v22, v8;
	v22 =	vld [tilespmem:$0x6B50]  }
0x241: {  	v11 =	vadd.f32 v11, v15;
	v14 =	vadd.f32 v14, v16;
	v16 =	vand.u32 $0xFFFF0000, v18;
	v18 =	vld [tilespmem:$0x6A50]  }
0x242: {  	v20 =	vand.u32 $0xFFFF0000, v23;
	v6 =	vadd.f32 v17, v6;
	v17 =	vld [tilespmem:$0x6AD0];
	v7 =	vadd.f32 v16, v7  }
0x243: {  	v5 =	vadd.f32 v25, v5;
	v15 =	vld.idx.msk [tilespmem:v35+s3+$0x0], $0xffff;
	v16 =	vshll.u32 v23, $0x10;
	v8 =	vadd.f32 v27, v8  }
0x244: {  	v6 =	vadd.f32 v16, v6;
	v16 =	vshll.u32 v24, $0x10;
	v7 =	vadd.f32 v20, v7;
	v20 =	vld [tilespmem:$0x6BD0]  }
0x245: {  	v4 =	vadd.f32 v4, v5;
	v5 =	vadd.f32 v10, v8;
	v8 =	vand.u32 $0xFFFF0000, v24;
	v10 =	vld.idx.msk [tilespmem:v19+s3+$0x0], $0xffff  }
0x246: {  	v6 =	vadd.f32 v16, v6;
	v7 =	vadd.f32 v8, v7;
	v8 =	vld.idx.msk [tilespmem:v21+s3+$0x0], $0xffff  }
0x247: {  	v16 =	vshll.u32 v26, $0x10;
	v2 =	vadd.f32 v2, v4;
	v3 =	vadd.f32 v3, v5;
	v4 =	vld.idx.msk [tilespmem:v13+s3+$0x0], $0xffff  }
0x248: {  	v5 =	vand.u32 $0xFFFF0000, v26;
	v6 =	vadd.f32 v16, v6;
	v13 =	vshll.u32 v15, $0x10  }
0x249: {  	v5 =	vadd.f32 v5, v7;
	v7 =	vadd.f32 v13, v9;
	v9 =	vand.u32 $0xFFFF0000, v15;
	v13 =	vld.idx.msk [tilespmem:v18+s3+$0x0], $0xffff  }
0x24a: {  	v15 =	vld.idx.msk [tilespmem:v17+s3+$0x0], $0xffff;
	v9 =	vadd.f32 v9, v12;
	v12 =	vshll.u32 v10, $0x10;
	v10 =	vand.u32 $0xFFFF0000, v10  }
0x24b: {  	v11 =	vadd.f32 v12, v11;
	v10 =	vadd.f32 v10, v14;
	v12 =	vshll.u32 v8, $0x10;
	v14 =	vld.idx.msk [tilespmem:v22+s3+$0x0], $0xffff  }
0x24c: {  	v8 =	vand.u32 $0xFFFF0000, v8;
	v16 =	vld.idx.msk [tilespmem:v20+s3+$0x0], $0xffff;
	v2 =	vadd.f32 v12, v2;
	v12 =	vshll.u32 v4, $0x10  }
0x24d: {  	v3 =	vadd.f32 v8, v3;
	v4 =	vand.u32 $0xFFFF0000, v4;
	v6 =	vadd.f32 v12, v6  }
0x24e: {  	v4 =	vadd.f32 v4, v5;
	v5 =	vshll.u32 v13, $0x10;
	v8 =	vand.u32 $0xFFFF0000, v13  }
0x24f: {  	v5 =	vadd.f32 v5, v7;
	v7 =	vadd.f32 v8, v9;
	v8 =	vshll.u32 v15, $0x10  }
0x250: {  	v9 =	vand.u32 $0xFFFF0000, v15;
	v8 =	vadd.f32 v8, v11;
	v11 =	vshll.u32 v14, $0x10  }
0x251: {  	v9 =	vadd.f32 v9, v10;
	v10 =	vshll.u32 v16, $0x10;
	v2 =	vadd.f32 v11, v2  }
0x252: {  	v11 =	vand.u32 $0xFFFF0000, v14;
	v6 =	vadd.f32 v10, v6;
	v10 =	vand.u32 $0xFFFF0000, v16  }
0x253: {  	v3 =	vadd.f32 v11, v3;
	v4 =	vadd.f32 v10, v4  }
0x254: {  	v5 =	vadd.f32 v8, v5;
	v2 =	vadd.f32 v6, v2  }
0x255: {  	v6 =	vadd.f32 v9, v7;
	v3 =	vadd.f32 v4, v3  }
0x256: {  	v2 =	vadd.f32 v2, v5  }
0x257: {  	v3 =	vadd.f32 v3, v6  }
0x258: {  	[tilespmem:$0xD050] =	vst v2  }
0x259: {  	s20 =	simm.s32 $0xC60;
	[tilespmem:$0xD0D0] =	vst v3  }
0x25a: {  	v2 =	vld [tilespmem:s20+$0x200]  }
0x25b: {  	v3 =	vld [tilespmem:s20+$0x280]  }
0x25c: {  	v4 =	vld [tilespmem:s20+$0x300]  }
0x25d: {  	v5 =	vld [tilespmem:s20+$0x0]  }
0x25e: {  	v6 =	vld [tilespmem:s20+$0x80]  }
0x25f: {  	v7 =	vld [tilespmem:s20+$0x100]  }
0x260: {  	v8 =	vld [tilespmem:s20+$0xFFFFFE00]  }
0x261: {  	v10 =	vld [tilespmem:s20+$0xFFFFFE80]  }
0x262: {  	v15 =	vld [tilespmem:s20+$0xFFFFFF00]  }
0x263: {  	v11 =	vld [tilespmem:s20+$0xFFFFFC00]  }
0x264: {  	v12 =	vld [tilespmem:s20+$0xFFFFFC80]  }
0x265: {  	v29 =	vld [tilespmem:s20+$0xFFFFFD00]  }
0x266: {  	v2 =	vld.idx.msk [tilespmem:v2+s3+$0x0], $0xffff  }
0x267: {  	v3 =	vld.idx.msk [tilespmem:v3+s3+$0x0], $0xffff  }
0x268: {  	v4 =	vld.idx.msk [tilespmem:v4+s3+$0x0], $0xffff  }
0x269: {  	v5 =	vld.idx.msk [tilespmem:v5+s3+$0x0], $0xffff  }
0x26a: {  	v6 =	vld.idx.msk [tilespmem:v6+s3+$0x0], $0xffff  }
0x26b: {  	v7 =	vld.idx.msk [tilespmem:v7+s3+$0x0], $0xffff  }
0x26c: {  	v8 =	vld.idx.msk [tilespmem:v8+s3+$0x0], $0xffff  }
0x26d: {  	v16 =	vld.idx.msk [tilespmem:v11+s3+$0x0], $0xffff  }
0x26e: {  	v17 =	vimm.f32 $0.0e+00;
	v25 =	vld.idx.msk [tilespmem:v12+s3+$0x0], $0xffff  }
0x26f: {  	v9 =	vimm.f32 $0.0e+00;
	v28 =	vld.idx.msk [tilespmem:v15+s3+$0x0], $0xffff;
	v15 =	vimm.f32 $0.0e+00;
	v12 =	vshll.u32 v2, $0x10  }
0x270: {  	v18 =	vld [tilespmem:s20+$0xFFFFFD80];
	v13 =	vand.u32 $0xFFFF0000, v2;
	v11 =	vshll.u32 v3, $0x10;
	v14 =	vand.u32 $0xFFFF0000, v3  }
0x271: {  	v2 =	vshll.u32 v4, $0x10;
	v19 =	vshll.u32 v5, $0x10;
	v20 =	vand.u32 $0xFFFF0000, v5  }
0x272: {  	v23 =	vld [tilespmem:s20+$0xFFFFFF80];
	v3 =	vand.u32 $0xFFFF0000, v4;
	v21 =	vshll.u32 v6, $0x10;
	v22 =	vand.u32 $0xFFFF0000, v6  }
0x273: {  	v26 =	vld.idx.msk [tilespmem:v10+s3+$0x0], $0xffff;
	v4 =	vshll.u32 v7, $0x10;
	v30 =	vshll.u32 v8, $0x10;
	v31 =	vand.u32 $0xFFFF0000, v8  }
0x274: {  	v24 =	vld [tilespmem:s20+$0x180];
	v10 =	vand.u32 $0xFFFF0000, v7;
	v33 =	vshll.u32 v16, $0x10;
	v34 =	vand.u32 $0xFFFF0000, v16  }
0x275: {  	v27 =	vld [tilespmem:s20+$0x380];
	v32 =	vshll.u32 v25, $0x10;
	v16 =	vimm.f32 $0.0e+00;
	v5 =	vimm.f32 $0.0e+00  }
0x276: {  	s21 =	simm.s32 $0x1460;
	s20 =	simm.s32 $0x0;
	v29 =	vld.idx.msk [tilespmem:v29+s3+$0x0], $0xffff;
	v8 =	vimm.f32 $0.0e+00;
	v6 =	vimm.f32 $0.0e+00;
	v7 =	vimm.f32 $0.0e+00  }
.LBB2_14:
0x277: {  	v35 =	vld [tilespmem:s21+$0x200];
	v9 =	vadd.f32 v33, v9;
	v17 =	vadd.f32 v34, v17;
	v25 =	vand.u32 $0xFFFF0000, v25  }
0x278: {  	v15 =	vadd.f32 v32, v15;
	v16 =	vadd.f32 v25, v16;
	v18 =	vld.idx.msk [tilespmem:v18+s3+$0x0], $0xffff;
	v25 =	vshll.u32 v26, $0x10  }
0x279: {  	v26 =	vand.u32 $0xFFFF0000, v26;
	v32 =	vld [tilespmem:s21+$0x280];
	v9 =	vadd.f32 v30, v9;
	v17 =	vadd.f32 v31, v17  }
0x27a: {  	v15 =	vadd.f32 v25, v15;
	v25 =	vshll.u32 v28, $0x10;
	v16 =	vadd.f32 v26, v16;
	v23 =	vld.idx.msk [tilespmem:v23+s3+$0x0], $0xffff  }
0x27b: {  	v28 =	vand.u32 $0xFFFF0000, v28;
	v26 =	vld [tilespmem:s21+$0x300];
	v9 =	vadd.f32 v19, v9;
	v17 =	vadd.f32 v20, v17  }
0x27c: {  	v19 =	vshll.u32 v29, $0x10;
	v15 =	vadd.f32 v21, v15;
	v16 =	vadd.f32 v22, v16;
	v20 =	vld.idx.msk [tilespmem:v24+s3+$0x0], $0xffff  }
0x27d: {  	v22 =	vand.u32 $0xFFFF0000, v29;
	v21 =	vld [tilespmem:s21+$0x0];
	v9 =	vadd.f32 v12, v9;
	v17 =	vadd.f32 v13, v17  }
0x27e: {  	v12 =	vshll.u32 v18, $0x10;
	v15 =	vadd.f32 v11, v15;
	v16 =	vadd.f32 v14, v16;
	v11 =	vld.idx.msk [tilespmem:v27+s3+$0x0], $0xffff  }
0x27f: {  	v5 =	vadd.f32 v19, v5;
	v8 =	vadd.f32 v22, v8;
	v14 =	vand.u32 $0xFFFF0000, v18;
	v13 =	vld [tilespmem:s21+$0x80]  }
0x280: {  	v6 =	vadd.f32 v12, v6;
	v7 =	vadd.f32 v14, v7;
	v12 =	vshll.u32 v23, $0x10;
	v19 =	vld [tilespmem:s21+$0x100]  }
0x281: {  	v5 =	vadd.f32 v25, v5;
	v8 =	vadd.f32 v28, v8;
	v18 =	vand.u32 $0xFFFF0000, v23;
	v14 =	vld [tilespmem:s21+$0xFFFFFE00]  }
0x282: {  	v6 =	vadd.f32 v12, v6;
	v7 =	vadd.f32 v18, v7;
	v12 =	vshll.u32 v20, $0x10;
	v22 =	vld [tilespmem:s21+$0xFFFFFE80]  }
0x283: {  	v4 =	vadd.f32 v4, v5;
	v8 =	vadd.f32 v10, v8;
	v5 =	vand.u32 $0xFFFF0000, v20;
	v27 =	vld [tilespmem:s21+$0xFFFFFF00]  }
0x284: {  	v6 =	vadd.f32 v12, v6;
	v7 =	vadd.f32 v5, v7;
	v12 =	vshll.u32 v11, $0x10;
	v10 =	vld [tilespmem:s21+$0xFFFFFC00]  }
0x285: {  	v5 =	vadd.f32 v2, v4;
	v8 =	vadd.f32 v3, v8;
	v2 =	vand.u32 $0xFFFF0000, v11;
	v20 =	vld [tilespmem:s21+$0xFFFFFC80]  }
0x286: {  	v6 =	vadd.f32 v12, v6;
	v7 =	vadd.f32 v2, v7;
	v29 =	vld [tilespmem:s21+$0xFFFFFD00]  }
0x287: {  	v18 =	vld [tilespmem:s21+$0xFFFFFD80]  }
0x288: {  	v2 =	vld.idx.msk [tilespmem:v35+s3+$0x0], $0xffff  }
0x289: {  	v3 =	vld.idx.msk [tilespmem:v32+s3+$0x0], $0xffff  }
0x28a: {  	v4 =	vld.idx.msk [tilespmem:v26+s3+$0x0], $0xffff  }
0x28b: {  	v21 =	vld.idx.msk [tilespmem:v21+s3+$0x0], $0xffff  }
0x28c: {  	v30 =	vld.idx.msk [tilespmem:v13+s3+$0x0], $0xffff  }
0x28d: {  	v32 =	vld.idx.msk [tilespmem:v19+s3+$0x0], $0xffff  }
0x28e: {  	v31 =	vld.idx.msk [tilespmem:v14+s3+$0x0], $0xffff  }
0x28f: {  	v34 =	vld.idx.msk [tilespmem:v10+s3+$0x0], $0xffff  }
0x290: {  	s20 =	sadd.s32 $0x2, s20;
	v25 =	vld.idx.msk [tilespmem:v20+s3+$0x0], $0xffff  }
0x291: {  	p0 =	slt.u32 s20, $0x16;
	v12 =	vshll.u32 v2, $0x10;
	v13 =	vand.u32 $0xFFFF0000, v2;
	v23 =	vld [tilespmem:s21+$0xFFFFFF80]  }
.Ltmp6:
0x292: {  	v11 =	vshll.u32 v3, $0x10;
	v14 =	vand.u32 $0xFFFF0000, v3;
	v2 =	vshll.u32 v4, $0x10;
	v26 =	vld.idx.msk [tilespmem:v22+s3+$0x0], $0xffff;
	(pc) =	sbr.rel @p0 .LBB2_14-.Ltmp6, $4  }
0x293: {  	v3 =	vand.u32 $0xFFFF0000, v4;
	v19 =	vshll.u32 v21, $0x10;
	v20 =	vand.u32 $0xFFFF0000, v21;
	v24 =	vld [tilespmem:s21+$0x180]  }
0x294: {  	v21 =	vshll.u32 v30, $0x10;
	v22 =	vand.u32 $0xFFFF0000, v30;
	v4 =	vshll.u32 v32, $0x10;
	v28 =	vld.idx.msk [tilespmem:v27+s3+$0x0], $0xffff  }
0x295: {  	v10 =	vand.u32 $0xFFFF0000, v32;
	v30 =	vshll.u32 v31, $0x10;
	v31 =	vand.u32 $0xFFFF0000, v31;
	v27 =	vld [tilespmem:s21+$0x380]  }
0x296: {  	v33 =	vshll.u32 v34, $0x10;
	v34 =	vand.u32 $0xFFFF0000, v34;
	v32 =	vshll.u32 v25, $0x10;
	s21 =	sadd.s32 $0x800, s21;
	v29 =	vld.idx.msk [tilespmem:v29+s3+$0x0], $0xffff  }
0x297: {  	_ =	sdelay $0x2  }
0x298: {  	v35 =	vld [tilespmem:$0x6860]  }
0x299: {  	v9 =	vadd.f32 v33, v9;
	v17 =	vadd.f32 v34, v17;
	v25 =	vand.u32 $0xFFFF0000, v25;
	v18 =	vld.idx.msk [tilespmem:v18+s3+$0x0], $0xffff  }
0x29a: {  	v15 =	vadd.f32 v32, v15;
	v23 =	vld.idx.msk [tilespmem:v23+s3+$0x0], $0xffff;
	v16 =	vadd.f32 v25, v16;
	v25 =	vshll.u32 v26, $0x10  }
0x29b: {  	v26 =	vand.u32 $0xFFFF0000, v26;
	v24 =	vld.idx.msk [tilespmem:v24+s3+$0x0], $0xffff;
	v9 =	vadd.f32 v30, v9;
	v17 =	vadd.f32 v31, v17  }
0x29c: {  	v15 =	vadd.f32 v25, v15;
	v25 =	vshll.u32 v28, $0x10;
	v16 =	vadd.f32 v26, v16;
	v26 =	vld.idx.msk [tilespmem:v27+s3+$0x0], $0xffff  }
0x29d: {  	v27 =	vand.u32 $0xFFFF0000, v28;
	v9 =	vadd.f32 v19, v9;
	v17 =	vadd.f32 v20, v17;
	v19 =	vld [tilespmem:$0x68E0]  }
0x29e: {  	v20 =	vshll.u32 v29, $0x10;
	v15 =	vadd.f32 v21, v15;
	v21 =	vld [tilespmem:$0x6960];
	v16 =	vadd.f32 v22, v16  }
0x29f: {  	v22 =	vand.u32 $0xFFFF0000, v29;
	v9 =	vadd.f32 v12, v9;
	v12 =	vadd.f32 v13, v17;
	v13 =	vld [tilespmem:$0x69E0]  }
0x2a0: {  	v5 =	vadd.f32 v20, v5;
	v17 =	vshll.u32 v18, $0x10;
	v8 =	vadd.f32 v22, v8;
	v22 =	vld [tilespmem:$0x6B60]  }
0x2a1: {  	v11 =	vadd.f32 v11, v15;
	v14 =	vadd.f32 v14, v16;
	v16 =	vand.u32 $0xFFFF0000, v18;
	v18 =	vld [tilespmem:$0x6A60]  }
0x2a2: {  	v20 =	vand.u32 $0xFFFF0000, v23;
	v6 =	vadd.f32 v17, v6;
	v17 =	vld [tilespmem:$0x6AE0];
	v7 =	vadd.f32 v16, v7  }
0x2a3: {  	v5 =	vadd.f32 v25, v5;
	v15 =	vld.idx.msk [tilespmem:v35+s3+$0x0], $0xffff;
	v16 =	vshll.u32 v23, $0x10;
	v8 =	vadd.f32 v27, v8  }
0x2a4: {  	v6 =	vadd.f32 v16, v6;
	v16 =	vshll.u32 v24, $0x10;
	v7 =	vadd.f32 v20, v7;
	v20 =	vld [tilespmem:$0x6BE0]  }
0x2a5: {  	v4 =	vadd.f32 v4, v5;
	v5 =	vadd.f32 v10, v8;
	v8 =	vand.u32 $0xFFFF0000, v24;
	v10 =	vld.idx.msk [tilespmem:v19+s3+$0x0], $0xffff  }
0x2a6: {  	v6 =	vadd.f32 v16, v6;
	v7 =	vadd.f32 v8, v7;
	v8 =	vld.idx.msk [tilespmem:v21+s3+$0x0], $0xffff  }
0x2a7: {  	v16 =	vshll.u32 v26, $0x10;
	v2 =	vadd.f32 v2, v4;
	v3 =	vadd.f32 v3, v5;
	v4 =	vld.idx.msk [tilespmem:v13+s3+$0x0], $0xffff  }
0x2a8: {  	v5 =	vand.u32 $0xFFFF0000, v26;
	v6 =	vadd.f32 v16, v6;
	v13 =	vshll.u32 v15, $0x10  }
0x2a9: {  	v5 =	vadd.f32 v5, v7;
	v7 =	vadd.f32 v13, v9;
	v9 =	vand.u32 $0xFFFF0000, v15;
	v13 =	vld.idx.msk [tilespmem:v18+s3+$0x0], $0xffff  }
0x2aa: {  	v15 =	vld.idx.msk [tilespmem:v17+s3+$0x0], $0xffff;
	v9 =	vadd.f32 v9, v12;
	v12 =	vshll.u32 v10, $0x10;
	v10 =	vand.u32 $0xFFFF0000, v10  }
0x2ab: {  	v11 =	vadd.f32 v12, v11;
	v10 =	vadd.f32 v10, v14;
	v12 =	vshll.u32 v8, $0x10;
	v14 =	vld.idx.msk [tilespmem:v22+s3+$0x0], $0xffff  }
0x2ac: {  	v8 =	vand.u32 $0xFFFF0000, v8;
	v16 =	vld.idx.msk [tilespmem:v20+s3+$0x0], $0xffff;
	v2 =	vadd.f32 v12, v2;
	v12 =	vshll.u32 v4, $0x10  }
0x2ad: {  	v3 =	vadd.f32 v8, v3;
	v4 =	vand.u32 $0xFFFF0000, v4;
	v6 =	vadd.f32 v12, v6  }
0x2ae: {  	v4 =	vadd.f32 v4, v5;
	v5 =	vshll.u32 v13, $0x10;
	v8 =	vand.u32 $0xFFFF0000, v13  }
0x2af: {  	v5 =	vadd.f32 v5, v7;
	v7 =	vadd.f32 v8, v9;
	v8 =	vshll.u32 v15, $0x10  }
0x2b0: {  	v9 =	vand.u32 $0xFFFF0000, v15;
	v8 =	vadd.f32 v8, v11;
	v11 =	vshll.u32 v14, $0x10  }
0x2b1: {  	v9 =	vadd.f32 v9, v10;
	v10 =	vshll.u32 v16, $0x10;
	v2 =	vadd.f32 v11, v2  }
0x2b2: {  	v11 =	vand.u32 $0xFFFF0000, v14;
	v6 =	vadd.f32 v10, v6;
	v10 =	vand.u32 $0xFFFF0000, v16  }
0x2b3: {  	v3 =	vadd.f32 v11, v3;
	v4 =	vadd.f32 v10, v4  }
0x2b4: {  	v5 =	vadd.f32 v8, v5;
	v2 =	vadd.f32 v6, v2  }
0x2b5: {  	v6 =	vadd.f32 v9, v7;
	v3 =	vadd.f32 v4, v3  }
0x2b6: {  	v2 =	vadd.f32 v2, v5  }
0x2b7: {  	v3 =	vadd.f32 v3, v6  }
0x2b8: {  	[tilespmem:$0xD060] =	vst v2  }
0x2b9: {  	s20 =	simm.s32 $0xC70;
	[tilespmem:$0xD0E0] =	vst v3  }
0x2ba: {  	v2 =	vld [tilespmem:s20+$0x200]  }
0x2bb: {  	v3 =	vld [tilespmem:s20+$0x280]  }
0x2bc: {  	v4 =	vld [tilespmem:s20+$0x300]  }
0x2bd: {  	v5 =	vld [tilespmem:s20+$0x0]  }
0x2be: {  	v6 =	vld [tilespmem:s20+$0x80]  }
0x2bf: {  	v7 =	vld [tilespmem:s20+$0x100]  }
0x2c0: {  	v8 =	vld [tilespmem:s20+$0xFFFFFE00]  }
0x2c1: {  	v10 =	vld [tilespmem:s20+$0xFFFFFE80]  }
0x2c2: {  	v15 =	vld [tilespmem:s20+$0xFFFFFF00]  }
0x2c3: {  	v11 =	vld [tilespmem:s20+$0xFFFFFC00]  }
0x2c4: {  	v12 =	vld [tilespmem:s20+$0xFFFFFC80]  }
0x2c5: {  	v29 =	vld [tilespmem:s20+$0xFFFFFD00]  }
0x2c6: {  	v2 =	vld.idx.msk [tilespmem:v2+s3+$0x0], $0xffff  }
0x2c7: {  	v3 =	vld.idx.msk [tilespmem:v3+s3+$0x0], $0xffff  }
0x2c8: {  	v4 =	vld.idx.msk [tilespmem:v4+s3+$0x0], $0xffff  }
0x2c9: {  	v5 =	vld.idx.msk [tilespmem:v5+s3+$0x0], $0xffff  }
0x2ca: {  	v6 =	vld.idx.msk [tilespmem:v6+s3+$0x0], $0xffff  }
0x2cb: {  	v7 =	vld.idx.msk [tilespmem:v7+s3+$0x0], $0xffff  }
0x2cc: {  	v8 =	vld.idx.msk [tilespmem:v8+s3+$0x0], $0xffff  }
0x2cd: {  	v16 =	vld.idx.msk [tilespmem:v11+s3+$0x0], $0xffff  }
0x2ce: {  	v17 =	vimm.f32 $0.0e+00;
	v25 =	vld.idx.msk [tilespmem:v12+s3+$0x0], $0xffff  }
0x2cf: {  	v9 =	vimm.f32 $0.0e+00;
	v28 =	vld.idx.msk [tilespmem:v15+s3+$0x0], $0xffff;
	v15 =	vimm.f32 $0.0e+00;
	v12 =	vshll.u32 v2, $0x10  }
0x2d0: {  	v18 =	vld [tilespmem:s20+$0xFFFFFD80];
	v13 =	vand.u32 $0xFFFF0000, v2;
	v11 =	vshll.u32 v3, $0x10;
	v14 =	vand.u32 $0xFFFF0000, v3  }
0x2d1: {  	v2 =	vshll.u32 v4, $0x10;
	v19 =	vshll.u32 v5, $0x10;
	v20 =	vand.u32 $0xFFFF0000, v5  }
0x2d2: {  	v23 =	vld [tilespmem:s20+$0xFFFFFF80];
	v3 =	vand.u32 $0xFFFF0000, v4;
	v21 =	vshll.u32 v6, $0x10;
	v22 =	vand.u32 $0xFFFF0000, v6  }
0x2d3: {  	v26 =	vld.idx.msk [tilespmem:v10+s3+$0x0], $0xffff;
	v4 =	vshll.u32 v7, $0x10;
	v30 =	vshll.u32 v8, $0x10;
	v31 =	vand.u32 $0xFFFF0000, v8  }
0x2d4: {  	v24 =	vld [tilespmem:s20+$0x180];
	v10 =	vand.u32 $0xFFFF0000, v7;
	v33 =	vshll.u32 v16, $0x10;
	v34 =	vand.u32 $0xFFFF0000, v16  }
0x2d5: {  	v27 =	vld [tilespmem:s20+$0x380];
	v32 =	vshll.u32 v25, $0x10;
	v16 =	vimm.f32 $0.0e+00;
	v5 =	vimm.f32 $0.0e+00  }
0x2d6: {  	s21 =	simm.s32 $0x1470;
	s20 =	simm.s32 $0x0;
	v29 =	vld.idx.msk [tilespmem:v29+s3+$0x0], $0xffff;
	v8 =	vimm.f32 $0.0e+00;
	v6 =	vimm.f32 $0.0e+00;
	v7 =	vimm.f32 $0.0e+00  }
.LBB2_16:
0x2d7: {  	v35 =	vld [tilespmem:s21+$0x200];
	v9 =	vadd.f32 v33, v9;
	v17 =	vadd.f32 v34, v17;
	v25 =	vand.u32 $0xFFFF0000, v25  }
0x2d8: {  	v15 =	vadd.f32 v32, v15;
	v16 =	vadd.f32 v25, v16;
	v18 =	vld.idx.msk [tilespmem:v18+s3+$0x0], $0xffff;
	v25 =	vshll.u32 v26, $0x10  }
0x2d9: {  	v26 =	vand.u32 $0xFFFF0000, v26;
	v32 =	vld [tilespmem:s21+$0x280];
	v9 =	vadd.f32 v30, v9;
	v17 =	vadd.f32 v31, v17  }
0x2da: {  	v15 =	vadd.f32 v25, v15;
	v25 =	vshll.u32 v28, $0x10;
	v16 =	vadd.f32 v26, v16;
	v23 =	vld.idx.msk [tilespmem:v23+s3+$0x0], $0xffff  }
0x2db: {  	v28 =	vand.u32 $0xFFFF0000, v28;
	v26 =	vld [tilespmem:s21+$0x300];
	v9 =	vadd.f32 v19, v9;
	v17 =	vadd.f32 v20, v17  }
0x2dc: {  	v19 =	vshll.u32 v29, $0x10;
	v15 =	vadd.f32 v21, v15;
	v16 =	vadd.f32 v22, v16;
	v20 =	vld.idx.msk [tilespmem:v24+s3+$0x0], $0xffff  }
0x2dd: {  	v22 =	vand.u32 $0xFFFF0000, v29;
	v21 =	vld [tilespmem:s21+$0x0];
	v9 =	vadd.f32 v12, v9;
	v17 =	vadd.f32 v13, v17  }
0x2de: {  	v12 =	vshll.u32 v18, $0x10;
	v15 =	vadd.f32 v11, v15;
	v16 =	vadd.f32 v14, v16;
	v11 =	vld.idx.msk [tilespmem:v27+s3+$0x0], $0xffff  }
0x2df: {  	v5 =	vadd.f32 v19, v5;
	v8 =	vadd.f32 v22, v8;
	v14 =	vand.u32 $0xFFFF0000, v18;
	v13 =	vld [tilespmem:s21+$0x80]  }
0x2e0: {  	v6 =	vadd.f32 v12, v6;
	v7 =	vadd.f32 v14, v7;
	v12 =	vshll.u32 v23, $0x10;
	v19 =	vld [tilespmem:s21+$0x100]  }
0x2e1: {  	v5 =	vadd.f32 v25, v5;
	v8 =	vadd.f32 v28, v8;
	v18 =	vand.u32 $0xFFFF0000, v23;
	v14 =	vld [tilespmem:s21+$0xFFFFFE00]  }
0x2e2: {  	v6 =	vadd.f32 v12, v6;
	v7 =	vadd.f32 v18, v7;
	v12 =	vshll.u32 v20, $0x10;
	v22 =	vld [tilespmem:s21+$0xFFFFFE80]  }
0x2e3: {  	v4 =	vadd.f32 v4, v5;
	v8 =	vadd.f32 v10, v8;
	v5 =	vand.u32 $0xFFFF0000, v20;
	v27 =	vld [tilespmem:s21+$0xFFFFFF00]  }
0x2e4: {  	v6 =	vadd.f32 v12, v6;
	v7 =	vadd.f32 v5, v7;
	v12 =	vshll.u32 v11, $0x10;
	v10 =	vld [tilespmem:s21+$0xFFFFFC00]  }
0x2e5: {  	v5 =	vadd.f32 v2, v4;
	v8 =	vadd.f32 v3, v8;
	v2 =	vand.u32 $0xFFFF0000, v11;
	v20 =	vld [tilespmem:s21+$0xFFFFFC80]  }
0x2e6: {  	v6 =	vadd.f32 v12, v6;
	v7 =	vadd.f32 v2, v7;
	v29 =	vld [tilespmem:s21+$0xFFFFFD00]  }
0x2e7: {  	v18 =	vld [tilespmem:s21+$0xFFFFFD80]  }
0x2e8: {  	v2 =	vld.idx.msk [tilespmem:v35+s3+$0x0], $0xffff  }
0x2e9: {  	v3 =	vld.idx.msk [tilespmem:v32+s3+$0x0], $0xffff  }
0x2ea: {  	v4 =	vld.idx.msk [tilespmem:v26+s3+$0x0], $0xffff  }
0x2eb: {  	v21 =	vld.idx.msk [tilespmem:v21+s3+$0x0], $0xffff  }
0x2ec: {  	v30 =	vld.idx.msk [tilespmem:v13+s3+$0x0], $0xffff  }
0x2ed: {  	v32 =	vld.idx.msk [tilespmem:v19+s3+$0x0], $0xffff  }
0x2ee: {  	v31 =	vld.idx.msk [tilespmem:v14+s3+$0x0], $0xffff  }
0x2ef: {  	v34 =	vld.idx.msk [tilespmem:v10+s3+$0x0], $0xffff  }
0x2f0: {  	s20 =	sadd.s32 $0x2, s20;
	v25 =	vld.idx.msk [tilespmem:v20+s3+$0x0], $0xffff  }
0x2f1: {  	p0 =	slt.u32 s20, $0x16;
	v12 =	vshll.u32 v2, $0x10;
	v13 =	vand.u32 $0xFFFF0000, v2;
	v23 =	vld [tilespmem:s21+$0xFFFFFF80]  }
.Ltmp7:
0x2f2: {  	v11 =	vshll.u32 v3, $0x10;
	v14 =	vand.u32 $0xFFFF0000, v3;
	v2 =	vshll.u32 v4, $0x10;
	v26 =	vld.idx.msk [tilespmem:v22+s3+$0x0], $0xffff;
	(pc) =	sbr.rel @p0 .LBB2_16-.Ltmp7, $4  }
0x2f3: {  	v3 =	vand.u32 $0xFFFF0000, v4;
	v19 =	vshll.u32 v21, $0x10;
	v20 =	vand.u32 $0xFFFF0000, v21;
	v24 =	vld [tilespmem:s21+$0x180]  }
0x2f4: {  	v21 =	vshll.u32 v30, $0x10;
	v22 =	vand.u32 $0xFFFF0000, v30;
	v4 =	vshll.u32 v32, $0x10;
	v28 =	vld.idx.msk [tilespmem:v27+s3+$0x0], $0xffff  }
0x2f5: {  	v10 =	vand.u32 $0xFFFF0000, v32;
	v30 =	vshll.u32 v31, $0x10;
	v31 =	vand.u32 $0xFFFF0000, v31;
	v27 =	vld [tilespmem:s21+$0x380]  }
0x2f6: {  	v33 =	vshll.u32 v34, $0x10;
	v34 =	vand.u32 $0xFFFF0000, v34;
	v32 =	vshll.u32 v25, $0x10;
	s21 =	sadd.s32 $0x800, s21;
	v29 =	vld.idx.msk [tilespmem:v29+s3+$0x0], $0xffff  }
0x2f7: {  	_ =	sdelay $0x2  }
0x2f8: {  	v35 =	vld [tilespmem:$0x6870]  }
0x2f9: {  	v9 =	vadd.f32 v33, v9;
	v17 =	vadd.f32 v34, v17;
	v25 =	vand.u32 $0xFFFF0000, v25;
	v18 =	vld.idx.msk [tilespmem:v18+s3+$0x0], $0xffff  }
0x2fa: {  	v15 =	vadd.f32 v32, v15;
	v23 =	vld.idx.msk [tilespmem:v23+s3+$0x0], $0xffff;
	v16 =	vadd.f32 v25, v16;
	v25 =	vshll.u32 v26, $0x10  }
0x2fb: {  	v26 =	vand.u32 $0xFFFF0000, v26;
	v24 =	vld.idx.msk [tilespmem:v24+s3+$0x0], $0xffff;
	v9 =	vadd.f32 v30, v9;
	v17 =	vadd.f32 v31, v17  }
0x2fc: {  	v15 =	vadd.f32 v25, v15;
	v25 =	vshll.u32 v28, $0x10;
	v16 =	vadd.f32 v26, v16;
	v26 =	vld.idx.msk [tilespmem:v27+s3+$0x0], $0xffff  }
0x2fd: {  	v27 =	vand.u32 $0xFFFF0000, v28;
	v9 =	vadd.f32 v19, v9;
	v17 =	vadd.f32 v20, v17;
	v19 =	vld [tilespmem:$0x68F0]  }
0x2fe: {  	v20 =	vshll.u32 v29, $0x10;
	v15 =	vadd.f32 v21, v15;
	v21 =	vld [tilespmem:$0x6970];
	v16 =	vadd.f32 v22, v16  }
0x2ff: {  	v22 =	vand.u32 $0xFFFF0000, v29;
	v9 =	vadd.f32 v12, v9;
	v12 =	vadd.f32 v13, v17;
	v13 =	vld [tilespmem:$0x69F0]  }
0x300: {  	v5 =	vadd.f32 v20, v5;
	v17 =	vshll.u32 v18, $0x10;
	v8 =	vadd.f32 v22, v8;
	v22 =	vld [tilespmem:$0x6B70]  }
0x301: {  	v11 =	vadd.f32 v11, v15;
	v14 =	vadd.f32 v14, v16;
	v16 =	vand.u32 $0xFFFF0000, v18;
	v18 =	vld [tilespmem:$0x6A70]  }
0x302: {  	v20 =	vand.u32 $0xFFFF0000, v23;
	v6 =	vadd.f32 v17, v6;
	v17 =	vld [tilespmem:$0x6AF0];
	v7 =	vadd.f32 v16, v7  }
0x303: {  	v5 =	vadd.f32 v25, v5;
	v15 =	vld.idx.msk [tilespmem:v35+s3+$0x0], $0xffff;
	v16 =	vshll.u32 v23, $0x10;
	v8 =	vadd.f32 v27, v8  }
0x304: {  	v6 =	vadd.f32 v16, v6;
	v16 =	vshll.u32 v24, $0x10;
	v7 =	vadd.f32 v20, v7;
	v20 =	vld [tilespmem:$0x6BF0]  }
0x305: {  	v4 =	vadd.f32 v4, v5;
	v5 =	vadd.f32 v10, v8;
	v8 =	vand.u32 $0xFFFF0000, v24;
	v10 =	vld.idx.msk [tilespmem:v19+s3+$0x0], $0xffff  }
0x306: {  	v6 =	vadd.f32 v16, v6;
	v7 =	vadd.f32 v8, v7;
	v8 =	vld.idx.msk [tilespmem:v21+s3+$0x0], $0xffff  }
0x307: {  	v16 =	vshll.u32 v26, $0x10;
	v2 =	vadd.f32 v2, v4;
	v3 =	vadd.f32 v3, v5;
	v4 =	vld.idx.msk [tilespmem:v13+s3+$0x0], $0xffff  }
0x308: {  	v5 =	vand.u32 $0xFFFF0000, v26;
	v6 =	vadd.f32 v16, v6;
	v13 =	vshll.u32 v15, $0x10  }
0x309: {  	v5 =	vadd.f32 v5, v7;
	v7 =	vadd.f32 v13, v9;
	v9 =	vand.u32 $0xFFFF0000, v15;
	v13 =	vld.idx.msk [tilespmem:v18+s3+$0x0], $0xffff  }
0x30a: {  	v15 =	vld.idx.msk [tilespmem:v17+s3+$0x0], $0xffff;
	v9 =	vadd.f32 v9, v12;
	v12 =	vshll.u32 v10, $0x10;
	v10 =	vand.u32 $0xFFFF0000, v10  }
0x30b: {  	v11 =	vadd.f32 v12, v11;
	v10 =	vadd.f32 v10, v14;
	v12 =	vshll.u32 v8, $0x10;
	v14 =	vld.idx.msk [tilespmem:v22+s3+$0x0], $0xffff  }
0x30c: {  	v8 =	vand.u32 $0xFFFF0000, v8;
	v16 =	vld.idx.msk [tilespmem:v20+s3+$0x0], $0xffff;
	v2 =	vadd.f32 v12, v2;
	v12 =	vshll.u32 v4, $0x10  }
0x30d: {  	v3 =	vadd.f32 v8, v3;
	v4 =	vand.u32 $0xFFFF0000, v4;
	v6 =	vadd.f32 v12, v6  }
0x30e: {  	v4 =	vadd.f32 v4, v5;
	v5 =	vshll.u32 v13, $0x10;
	v8 =	vand.u32 $0xFFFF0000, v13  }
0x30f: {  	v5 =	vadd.f32 v5, v7;
	v7 =	vadd.f32 v8, v9;
	v8 =	vshll.u32 v15, $0x10  }
0x310: {  	v9 =	vand.u32 $0xFFFF0000, v15;
	v8 =	vadd.f32 v8, v11;
	v11 =	vshll.u32 v14, $0x10  }
0x311: {  	v9 =	vadd.f32 v9, v10;
	v10 =	vshll.u32 v16, $0x10;
	v2 =	vadd.f32 v11, v2  }
0x312: {  	v11 =	vand.u32 $0xFFFF0000, v14;
	v6 =	vadd.f32 v10, v6;
	v10 =	vand.u32 $0xFFFF0000, v16  }
0x313: {  	v3 =	vadd.f32 v11, v3;
	v4 =	vadd.f32 v10, v4  }
0x314: {  	v5 =	vadd.f32 v8, v5;
	v2 =	vadd.f32 v6, v2  }
0x315: {  	v6 =	vadd.f32 v9, v7;
	v3 =	vadd.f32 v4, v3  }
0x316: {  	v2 =	vadd.f32 v2, v5  }
0x317: {  	v3 =	vadd.f32 v3, v6  }
0x318: {  	[tilespmem:$0xD070] =	vst v2  }
0x319: {  	[tilespmem:$0xD0F0] =	vst v3  }
0x31a: {  	_ =	swait.ge [sflag:s15], $0x6400  }
0x31b: {  	[sflag:s15] =	ssyncset.done $0x0  }
0x31c: {  	s20 =	simm.s32 $0x7000;
	[sflag:s15] =	ssyncadd.s32 $0xFFFF9C00  }
0x31d: {  	v2 =	vld [tilespmem:s20+$0x100]  }
0x31e: {  	v3 =	vld [tilespmem:s20+$0xFFFFFE00]  }
0x31f: {  	v4 =	vld [tilespmem:s20+$0xFFFFFE80]  }
0x320: {  	v5 =	vld [tilespmem:s20+$0xFFFFFC80]  }
0x321: {  	v6 =	vld [tilespmem:s20+$0x280]  }
0x322: {  	v7 =	vld [tilespmem:s20+$0xFFFFFD00]  }
0x323: {  	v8 =	vld [tilespmem:s20+$0xFFFFFD80]  }
0x324: {  	v9 =	vld [tilespmem:s20+$0xFFFFFC00]  }
0x325: {  	v10 =	vld [tilespmem:s20+$0xFFFFFF00]  }
0x326: {  	v11 =	vld [tilespmem:s20+$0x200]  }
0x327: {  	v12 =	vld [tilespmem:s20+$0x300]  }
0x328: {  	v13 =	vld [tilespmem:s20+$0x180];
	v2 =	vadd.s32 $0x400, v2  }
0x329: {  	v14 =	vld [tilespmem:s20+$0x0];
	v9 =	vadd.s32 $0x400, v9  }
0x32a: {  	v15 =	vld [tilespmem:s20+$0x380];
	v10 =	vadd.s32 $0x400, v10  }
0x32b: {  	v16 =	vld [tilespmem:s20+$0xFFFFFF80];
	v8 =	vadd.s32 $0x400, v8  }
0x32c: {  	v17 =	vld [tilespmem:s20+$0x80];
	v7 =	vadd.s32 $0x400, v7  }
0x32d: {  	v5 =	vadd.s32 $0x400, v5;
	v2 =	vld.idx.msk [tilespmem:v2+s3+$0x0], $0xffff  }
0x32e: {  	v4 =	vadd.s32 $0x400, v4;
	v9 =	vld.idx.msk [tilespmem:v9+s3+$0x0], $0xffff  }
0x32f: {  	v3 =	vadd.s32 $0x400, v3;
	v18 =	vld.idx.msk [tilespmem:v10+s3+$0x0], $0xffff  }
0x330: {  	v10 =	vadd.s32 $0x400, v13;
	v13 =	vld.idx.msk [tilespmem:v8+s3+$0x0], $0xffff  }
0x331: {  	v15 =	vadd.s32 $0x400, v15;
	v7 =	vld.idx.msk [tilespmem:v7+s3+$0x0], $0xffff  }
0x332: {  	v20 =	vadd.s32 $0x400, v16;
	v19 =	vld.idx.msk [tilespmem:v5+s3+$0x0], $0xffff  }
0x333: {  	v14 =	vadd.s32 $0x400, v14;
	v11 =	vadd.s32 $0x400, v11;
	v23 =	vld.idx.msk [tilespmem:v4+s3+$0x0], $0xffff  }
0x334: {  	v27 =	vadd.s32 $0x400, v12;
	v12 =	vshll.u32 v9, $0x10;
	v4 =	vand.u32 $0xFFFF0000, v9;
	v9 =	vld.idx.msk [tilespmem:v3+s3+$0x0], $0xffff  }
0x335: {  	v22 =	vadd.s32 $0x400, v17;
	v28 =	vadd.s32 $0x400, v6;
	v17 =	vld.idx.msk [tilespmem:v10+s3+$0x0], $0xffff  }
0x336: {  	v8 =	vimm.f32 $0.0e+00;
	v3 =	vshll.u32 v13, $0x10;
	v5 =	vand.u32 $0xFFFF0000, v13;
	v10 =	vld.idx.msk [tilespmem:v15+s3+$0x0], $0xffff  }
0x337: {  	v6 =	vshll.u32 v7, $0x10;
	v24 =	vand.u32 $0xFFFF0000, v19;
	v21 =	vshll.u32 v19, $0x10;
	v19 =	vld.idx.msk [tilespmem:v20+s3+$0x0], $0xffff  }
0x338: {  	v25 =	vand.u32 $0xFFFF0000, v7;
	v20 =	vand.u32 $0xFFFF0000, v18;
	v16 =	vadd.f32 v4, v8;
	v4 =	vld.idx.msk [tilespmem:v14+s3+$0x0], $0xffff  }
0x339: {  	v15 =	vimm.f32 $0.0e+00;
	v13 =	vadd.f32 v3, v8;
	v6 =	vadd.f32 v6, v8;
	v3 =	vld.idx.msk [tilespmem:v11+s3+$0x0], $0xffff  }
0x33a: {  	v5 =	vadd.f32 v5, v8;
	v7 =	vadd.f32 v12, v8;
	v11 =	vshll.u32 v18, $0x10;
	v18 =	vld.idx.msk [tilespmem:v22+s3+$0x0], $0xffff  }
0x33b: {  	v22 =	vshll.u32 v23, $0x10;
	v12 =	vadd.f32 v11, v6;
	v11 =	vld.idx.msk [tilespmem:v27+s3+$0x0], $0xffff;
	v27 =	vand.u32 $0xFFFF0000, v23  }
0x33c: {  	v14 =	vshll.u32 v9, $0x10;
	v26 =	vand.u32 $0xFFFF0000, v9;
	v6 =	vand.u32 $0xFFFF0000, v17  }
0x33d: {  	s21 =	simm.s32 $0x7800;
	s20 =	simm.s32 $0x0;
	v9 =	vimm.f32 $0.0e+00;
	v7 =	vadd.f32 v14, v7;
	v23 =	vand.u32 $0xFFFF0000, v4;
	v14 =	vld.idx.msk [tilespmem:v28+s3+$0x0], $0xffff  }
.LBB2_18:
0x33e: {  	v28 =	vld [tilespmem:s21+$0x100];
	s20 =	sadd.s32 $0x2, s20;
	v8 =	vadd.f32 v25, v8;
	v25 =	vand.u32 $0xFFFF0000, v2;
	v17 =	vshll.u32 v17, $0x10  }
0x33f: {  	v9 =	vadd.f32 v24, v9;
	v24 =	vand.u32 $0xFFFF0000, v3;
	v30 =	vshll.u32 v10, $0x10;
	v29 =	vld [tilespmem:s21+$0xFFFFFE00];
	p0 =	slt.u32 s20, $0x16  }
0x340: {  	v16 =	vadd.f32 v26, v16;
	v2 =	vshll.u32 v2, $0x10;
	v26 =	vand.u32 $0xFFFF0000, v19;
	v31 =	vld [tilespmem:s21+$0xFFFFFE80]  }
0x341: {  	v15 =	vadd.f32 v21, v15;
	v19 =	vshll.u32 v19, $0x10;
	v21 =	vand.u32 $0xFFFF0000, v11;
	v32 =	vld [tilespmem:s21+$0xFFFFFC80]  }
0x342: {  	v9 =	vadd.f32 v27, v9;
	v13 =	vadd.f32 v19, v13;
	v19 =	vshll.u32 v18, $0x10;
	v33 =	vld [tilespmem:s21+$0x280]  }
0x343: {  	v10 =	vand.u32 $0xFFFF0000, v10;
	v8 =	vadd.f32 v20, v8;
	v27 =	vld [tilespmem:s21+$0xFFFFFD00];
	v28 =	vadd.s32 $0x400, v28  }
0x344: {  	v15 =	vadd.f32 v22, v15;
	v16 =	vadd.f32 v23, v16;
	v18 =	vand.u32 $0xFFFF0000, v18;
	v20 =	vld [tilespmem:s21+$0xFFFFFD80]  }
0x345: {  	v11 =	vshll.u32 v11, $0x10;
	v9 =	vadd.f32 v18, v9;
	v18 =	vand.u32 $0xFFFF0000, v14;
	v22 =	vld [tilespmem:s21+$0xFFFFFC00]  }
0x346: {  	v12 =	vadd.f32 v2, v12;
	v8 =	vadd.f32 v25, v8;
	v14 =	vshll.u32 v14, $0x10;
	v23 =	vld [tilespmem:s21+$0xFFFFFF00]  }
0x347: {  	v2 =	vshll.u32 v4, $0x10;
	v5 =	vadd.f32 v26, v5;
	v9 =	vadd.f32 v18, v9;
	v25 =	vld [tilespmem:s21+$0x200]  }
0x348: {  	v7 =	vadd.f32 v2, v7;
	v13 =	vadd.f32 v17, v13;
	v4 =	vld [tilespmem:s21+$0x300]  }
0x349: {  	v3 =	vshll.u32 v3, $0x10;
	v5 =	vadd.f32 v6, v5;
	v6 =	vadd.f32 v11, v12;
	v2 =	vld.idx.msk [tilespmem:v28+s3+$0x0], $0xffff  }
0x34a: {  	v13 =	vadd.f32 v30, v13;
	v12 =	vadd.s32 $0x400, v20;
	v11 =	vadd.s32 $0x400, v22;
	v17 =	vld [tilespmem:s21+$0x180]  }
0x34b: {  	v7 =	vadd.f32 v3, v7;
	v18 =	vadd.s32 $0x400, v27;
	v20 =	vadd.s32 $0x400, v23;
	v22 =	vld [tilespmem:s21+$0x0]  }
0x34c: {  	v15 =	vadd.f32 v19, v15;
	v5 =	vadd.f32 v10, v5;
	v3 =	vadd.s32 $0x400, v32;
	v23 =	vld [tilespmem:s21+$0x380]  }
0x34d: {  	v16 =	vadd.f32 v24, v16;
	v8 =	vadd.f32 v21, v8;
	v10 =	vadd.s32 $0x400, v31;
	v19 =	vld [tilespmem:s21+$0xFFFFFF80]  }
0x34e: {  	v21 =	vadd.s32 $0x400, v29;
	v15 =	vadd.f32 v14, v15;
	v24 =	vld [tilespmem:s21+$0x80]  }
0x34f: {  	v11 =	vld.idx.msk [tilespmem:v11+s3+$0x0], $0xffff;
	v14 =	vadd.s32 $0x400, v17  }
0x350: {  	v20 =	vld.idx.msk [tilespmem:v20+s3+$0x0], $0xffff;
	v22 =	vadd.s32 $0x400, v22  }
0x351: {  	v12 =	vld.idx.msk [tilespmem:v12+s3+$0x0], $0xffff;
	v23 =	vadd.s32 $0x400, v23  }
0x352: {  	v26 =	vadd.s32 $0x400, v25;
	v18 =	vld.idx.msk [tilespmem:v18+s3+$0x0], $0xffff  }
0x353: {  	v19 =	vadd.s32 $0x400, v19;
	v27 =	vld.idx.msk [tilespmem:v3+s3+$0x0], $0xffff;
	v28 =	vadd.s32 $0x400, v24  }
0x354: {  	v30 =	vadd.s32 $0x400, v4;
	v29 =	vld.idx.msk [tilespmem:v10+s3+$0x0], $0xffff  }
0x355: {  	v31 =	vshll.u32 v11, $0x10;
	v3 =	vand.u32 $0xFFFF0000, v11;
	v11 =	vld.idx.msk [tilespmem:v21+s3+$0x0], $0xffff  }
0x356: {  	v17 =	vld.idx.msk [tilespmem:v14+s3+$0x0], $0xffff;
	v14 =	vadd.s32 $0x400, v33  }
0x357: {  	v16 =	vadd.f32 v3, v16;
	v3 =	vshll.u32 v12, $0x10;
	v12 =	vand.u32 $0xFFFF0000, v12;
	v4 =	vld.idx.msk [tilespmem:v22+s3+$0x0], $0xffff  }
0x358: {  	v21 =	vshll.u32 v18, $0x10;
	v25 =	vand.u32 $0xFFFF0000, v18;
	v13 =	vadd.f32 v3, v13;
	v10 =	vld.idx.msk [tilespmem:v23+s3+$0x0], $0xffff  }
.Ltmp8:
0x359: {  	v5 =	vadd.f32 v12, v5;
	v24 =	vand.u32 $0xFFFF0000, v27;
	v6 =	vadd.f32 v21, v6;
	v3 =	vld.idx.msk [tilespmem:v26+s3+$0x0], $0xffff;
	(pc) =	sbr.rel @p0 .LBB2_18-.Ltmp8, $4  }
0x35a: {  	v7 =	vadd.f32 v31, v7;
	v12 =	vshll.u32 v20, $0x10;
	v21 =	vshll.u32 v27, $0x10;
	v19 =	vld.idx.msk [tilespmem:v19+s3+$0x0], $0xffff  }
0x35b: {  	v18 =	vshll.u32 v11, $0x10;
	v26 =	vand.u32 $0xFFFF0000, v11;
	v12 =	vadd.f32 v12, v6;
	v11 =	vld.idx.msk [tilespmem:v30+s3+$0x0], $0xffff  }
0x35c: {  	v20 =	vand.u32 $0xFFFF0000, v20;
	v7 =	vadd.f32 v18, v7;
	v6 =	vand.u32 $0xFFFF0000, v17;
	v18 =	vld.idx.msk [tilespmem:v28+s3+$0x0], $0xffff  }
0x35d: {  	s21 =	sadd.s32 $0x800, s21;
	v22 =	vshll.u32 v29, $0x10;
	v27 =	vand.u32 $0xFFFF0000, v29;
	v23 =	vand.u32 $0xFFFF0000, v4;
	v14 =	vld.idx.msk [tilespmem:v14+s3+$0x0], $0xffff  }
0x35e: {  	v8 =	vadd.f32 v25, v8  }
0x35f: {  	v25 =	vand.u32 $0xFFFF0000, v2;
	v17 =	vshll.u32 v17, $0x10;
	v9 =	vadd.f32 v24, v9;
	v24 =	vld [tilespmem:$0xCC00]  }
0x360: {  	v28 =	vand.u32 $0xFFFF0000, v3;
	v16 =	vadd.f32 v26, v16;
	v26 =	vshll.u32 v10, $0x10  }
0x361: {  	v15 =	vadd.f32 v21, v15;
	v21 =	vshll.u32 v19, $0x10;
	v9 =	vadd.f32 v27, v9;
	v27 =	vld [tilespmem:$0xCC80]  }
0x362: {  	v2 =	vshll.u32 v2, $0x10;
	v10 =	vand.u32 $0xFFFF0000, v10;
	v13 =	vadd.f32 v21, v13;
	v21 =	vld [tilespmem:$0xCD00]  }
0x363: {  	v4 =	vshll.u32 v4, $0x10;
	v8 =	vadd.f32 v20, v8;
	v15 =	vadd.f32 v22, v15;
	v22 =	vld [tilespmem:$0xCD80]  }
0x364: {  	v16 =	vadd.f32 v23, v16;
	v23 =	vand.u32 $0xFFFF0000, v18;
	v24 =	vadd.s32 $0x400, v24  }
0x365: {  	v3 =	vshll.u32 v3, $0x10;
	v19 =	vand.u32 $0xFFFF0000, v19;
	v9 =	vadd.f32 v23, v9;
	v23 =	vld [tilespmem:$0xCE00]  }
0x366: {  	v2 =	vadd.f32 v2, v12;
	v8 =	vadd.f32 v25, v8;
	v25 =	vld [tilespmem:$0xCE80];
	v12 =	vadd.s32 $0x400, v27  }
0x367: {  	v5 =	vadd.f32 v19, v5;
	v27 =	vand.u32 $0xFFFF0000, v14;
	v19 =	vadd.s32 $0x400, v21;
	v21 =	vld [tilespmem:$0xCF00]  }
0x368: {  	v4 =	vadd.f32 v4, v7;
	v22 =	vadd.s32 $0x400, v22;
	v9 =	vadd.f32 v27, v9;
	v27 =	vld [tilespmem:$0xCF80]  }
0x369: {  	v20 =	vand.u32 $0xFFFF0000, v11;
	v11 =	vshll.u32 v11, $0x10;
	v18 =	vshll.u32 v18, $0x10;
	v7 =	vld.idx.msk [tilespmem:v24+s3+$0x0], $0xffff  }
0x36a: {  	v2 =	vadd.f32 v11, v2;
	v5 =	vadd.f32 v6, v5;
	v6 =	vadd.s32 $0x400, v23  }
0x36b: {  	v3 =	vadd.f32 v3, v4;
	v13 =	vadd.f32 v17, v13;
	v11 =	vld.idx.msk [tilespmem:v12+s3+$0x0], $0xffff;
	v12 =	vadd.s32 $0x400, v25  }
0x36c: {  	v15 =	vadd.f32 v18, v15;
	v16 =	vadd.f32 v28, v16;
	v4 =	vld.idx.msk [tilespmem:v19+s3+$0x0], $0xffff;
	v17 =	vadd.s32 $0x400, v21  }
0x36d: {  	v13 =	vadd.f32 v26, v13;
	v5 =	vadd.f32 v10, v5;
	v10 =	vld.idx.msk [tilespmem:v22+s3+$0x0], $0xffff;
	v18 =	vadd.s32 $0x400, v27  }
0x36e: {  	v8 =	vadd.f32 v20, v8;
	v14 =	vshll.u32 v14, $0x10;
	v19 =	vshll.u32 v7, $0x10  }
0x36f: {  	v14 =	vadd.f32 v14, v15;
	v6 =	vld.idx.msk [tilespmem:v6+s3+$0x0], $0xffff;
	v7 =	vand.u32 $0xFFFF0000, v7;
	v3 =	vadd.f32 v19, v3  }
0x370: {  	v7 =	vadd.f32 v7, v16;
	v15 =	vshll.u32 v11, $0x10;
	v11 =	vand.u32 $0xFFFF0000, v11;
	v12 =	vld.idx.msk [tilespmem:v12+s3+$0x0], $0xffff  }
0x371: {  	v14 =	vadd.f32 v15, v14;
	v9 =	vadd.f32 v11, v9;
	v11 =	vshll.u32 v4, $0x10;
	v15 =	vld.idx.msk [tilespmem:v17+s3+$0x0], $0xffff  }
0x372: {  	v4 =	vand.u32 $0xFFFF0000, v4;
	v16 =	vld.idx.msk [tilespmem:v18+s3+$0x0], $0xffff;
	v2 =	vadd.f32 v11, v2;
	v11 =	vshll.u32 v10, $0x10  }
0x373: {  	v4 =	vadd.f32 v4, v8;
	v10 =	vand.u32 $0xFFFF0000, v10;
	v8 =	vadd.f32 v11, v13  }
0x374: {  	v5 =	vadd.f32 v10, v5;
	v10 =	vshll.u32 v6, $0x10;
	v6 =	vand.u32 $0xFFFF0000, v6  }
0x375: {  	v3 =	vadd.f32 v10, v3;
	v6 =	vadd.f32 v6, v7;
	v7 =	vshll.u32 v12, $0x10  }
0x376: {  	v10 =	vand.u32 $0xFFFF0000, v12;
	v7 =	vadd.f32 v7, v14;
	v11 =	vshll.u32 v15, $0x10  }
0x377: {  	v9 =	vadd.f32 v10, v9;
	v10 =	vshll.u32 v16, $0x10;
	v2 =	vadd.f32 v11, v2  }
0x378: {  	v11 =	vand.u32 $0xFFFF0000, v15;
	v8 =	vadd.f32 v10, v8;
	v10 =	vand.u32 $0xFFFF0000, v16  }
0x379: {  	v4 =	vadd.f32 v11, v4;
	v5 =	vadd.f32 v10, v5  }
0x37a: {  	v3 =	vadd.f32 v7, v3;
	v6 =	vadd.f32 v9, v6  }
0x37b: {  	v2 =	vadd.f32 v8, v2;
	v4 =	vadd.f32 v5, v4;
	_ =	sdelay $0x1  }
0x37c: {  	v2 =	vadd.f32 v2, v3;
	v3 =	vadd.f32 v4, v6;
	_ =	sdelay $0x1  }
0x37d: {  	v0 =	vadd.f32 v2, v0;
	v1 =	vadd.f32 v3, v1;
	_ =	sdelay $0x1  }
0x37e: {  	v0 =	vmul.f32 $4.999999890e-03, v0;
	v1 =	vmul.f32 $4.999999890e-03, v1;
	_ =	sdelay $0x1  }
0x37f: {  	v2 =	vmul.f32 $9.999999770e-03, v0;
	v3 =	vmul.f32 $9.999999770e-03, v1  }
0x380: {  	vm0 =	vge.f32 v0, $0.0e+00;
	vm1 =	vge.f32 v1, $0.0e+00  }
0x381: {  	v0 =	vsel vm0, v0, v2;
	v1 =	vsel vm1, v1, v3  }
0x382: {  	v2 =	vmax.f32 v0, v1  }
0x383: {  	v0 =	vsub.f32 v0, v2  }
0x384: {  	v1 =	vsub.f32 v1, v2  }
0x385: {  	v2 =	vmul.f32 $1.442695020e+00, v0  }
0x386: {  	v3 =	vmul.f32 $1.442695020e+00, v1  }
0x387: {  	(erf) = vpow2.f32 v2  }
0x388: {  	(erf) = vpow2.f32 v3;
	_ =	sdelay $0x7  }
0x389: {  	v2 =	vpop (erf)  }
0x38a: {  	v3 =	vpop (erf)  }
0x38b: {  	v2 =	vadd.f32 v3, v2;
	_ =	sdelay $0x1  }
0x38c: {  	v3 =	vadd.f32 $1.000000000e+00, v2;
	_ =	sdelay $0x1  }
0x38d: {  	(erf) = vrcp.f32 v3;
	_ =	sdelay $0x7  }
0x38e: {  	v2 =	vadd.f32 $-1.000000000e+00, v2  }
0x38f: {  	v3 =	vpop (erf)  }
0x390: {  	v2 =	vmul.f32 v3, v2;
	_ =	sdelay $0x1  }
0x391: {  	v3 =	vmul.f32 v2, v2;
	_ =	sdelay $0x1  }
0x392: {  	v4 =	vmul.f32 $2.857142980e-01, v3;
	_ =	sdelay $0x1  }
0x393: {  	v4 =	vadd.f32 $4.000000060e-01, v4;
	_ =	sdelay $0x1  }
0x394: {  	v4 =	vmul.f32 v4, v3;
	_ =	sdelay $0x1  }
0x395: {  	v4 =	vadd.f32 $6.666666860e-01, v4;
	_ =	sdelay $0x1  }
0x396: {  	v3 =	vmul.f32 v4, v3;
	_ =	sdelay $0x1  }
0x397: {  	v3 =	vadd.f32 $2.000000000e+00, v3;
	_ =	sdelay $0x1  }
0x398: {  	v2 =	vmul.f32 v3, v2;
	_ =	sdelay $0x1  }
0x399: {  	v0 =	vsub.f32 v0, v2  }
0x39a: {  	v1 =	vsub.f32 v1, v2  }
0x39b: {  	[tilespmem:$0xD100] =	vst v0  }
0x39c: {  	s20 =	simm.s32 $0x7010;
	[tilespmem:$0xD180] =	vst v1  }
0x39d: {  	v0 =	vld [tilespmem:s20+$0x100]  }
0x39e: {  	v1 =	vld [tilespmem:s20+$0xFFFFFE00]  }
0x39f: {  	v2 =	vld [tilespmem:s20+$0xFFFFFE80]  }
0x3a0: {  	v3 =	vld [tilespmem:s20+$0xFFFFFC80]  }
0x3a1: {  	v4 =	vld [tilespmem:s20+$0x280]  }
0x3a2: {  	v5 =	vld [tilespmem:s20+$0xFFFFFD00]  }
0x3a3: {  	v6 =	vld [tilespmem:s20+$0xFFFFFD80]  }
0x3a4: {  	v7 =	vld [tilespmem:s20+$0xFFFFFC00]  }
0x3a5: {  	v8 =	vld [tilespmem:s20+$0xFFFFFF00]  }
0x3a6: {  	v9 =	vld [tilespmem:s20+$0x200]  }
0x3a7: {  	v10 =	vld [tilespmem:s20+$0x300]  }
0x3a8: {  	v11 =	vld [tilespmem:s20+$0x180];
	v0 =	vadd.s32 $0x400, v0  }
0x3a9: {  	v12 =	vld [tilespmem:s20+$0x0];
	v7 =	vadd.s32 $0x400, v7  }
0x3aa: {  	v13 =	vld [tilespmem:s20+$0x380];
	v8 =	vadd.s32 $0x400, v8  }
0x3ab: {  	v14 =	vld [tilespmem:s20+$0xFFFFFF80];
	v6 =	vadd.s32 $0x400, v6  }
0x3ac: {  	v15 =	vld [tilespmem:s20+$0x80];
	v5 =	vadd.s32 $0x400, v5  }
0x3ad: {  	v3 =	vadd.s32 $0x400, v3;
	v0 =	vld.idx.msk [tilespmem:v0+s3+$0x0], $0xffff  }
0x3ae: {  	v2 =	vadd.s32 $0x400, v2;
	v7 =	vld.idx.msk [tilespmem:v7+s3+$0x0], $0xffff  }
0x3af: {  	v1 =	vadd.s32 $0x400, v1;
	v16 =	vld.idx.msk [tilespmem:v8+s3+$0x0], $0xffff  }
0x3b0: {  	v8 =	vadd.s32 $0x400, v11;
	v11 =	vld.idx.msk [tilespmem:v6+s3+$0x0], $0xffff  }
0x3b1: {  	v13 =	vadd.s32 $0x400, v13;
	v5 =	vld.idx.msk [tilespmem:v5+s3+$0x0], $0xffff  }
0x3b2: {  	v18 =	vadd.s32 $0x400, v14;
	v17 =	vld.idx.msk [tilespmem:v3+s3+$0x0], $0xffff  }
0x3b3: {  	v12 =	vadd.s32 $0x400, v12;
	v9 =	vadd.s32 $0x400, v9;
	v21 =	vld.idx.msk [tilespmem:v2+s3+$0x0], $0xffff  }
0x3b4: {  	v25 =	vadd.s32 $0x400, v10;
	v10 =	vshll.u32 v7, $0x10;
	v2 =	vand.u32 $0xFFFF0000, v7;
	v7 =	vld.idx.msk [tilespmem:v1+s3+$0x0], $0xffff  }
0x3b5: {  	v20 =	vadd.s32 $0x400, v15;
	v26 =	vadd.s32 $0x400, v4;
	v15 =	vld.idx.msk [tilespmem:v8+s3+$0x0], $0xffff  }
0x3b6: {  	v6 =	vimm.f32 $0.0e+00;
	v1 =	vshll.u32 v11, $0x10;
	v3 =	vand.u32 $0xFFFF0000, v11;
	v8 =	vld.idx.msk [tilespmem:v13+s3+$0x0], $0xffff  }
0x3b7: {  	v4 =	vshll.u32 v5, $0x10;
	v22 =	vand.u32 $0xFFFF0000, v17;
	v19 =	vshll.u32 v17, $0x10;
	v17 =	vld.idx.msk [tilespmem:v18+s3+$0x0], $0xffff  }
0x3b8: {  	v23 =	vand.u32 $0xFFFF0000, v5;
	v18 =	vand.u32 $0xFFFF0000, v16;
	v14 =	vadd.f32 v2, v6;
	v2 =	vld.idx.msk [tilespmem:v12+s3+$0x0], $0xffff  }
0x3b9: {  	v13 =	vimm.f32 $0.0e+00;
	v11 =	vadd.f32 v1, v6;
	v4 =	vadd.f32 v4, v6;
	v1 =	vld.idx.msk [tilespmem:v9+s3+$0x0], $0xffff  }
0x3ba: {  	v3 =	vadd.f32 v3, v6;
	v5 =	vadd.f32 v10, v6;
	v9 =	vshll.u32 v16, $0x10;
	v16 =	vld.idx.msk [tilespmem:v20+s3+$0x0], $0xffff  }
0x3bb: {  	v20 =	vshll.u32 v21, $0x10;
	v10 =	vadd.f32 v9, v4;
	v9 =	vld.idx.msk [tilespmem:v25+s3+$0x0], $0xffff;
	v25 =	vand.u32 $0xFFFF0000, v21  }
0x3bc: {  	v12 =	vshll.u32 v7, $0x10;
	v24 =	vand.u32 $0xFFFF0000, v7;
	v4 =	vand.u32 $0xFFFF0000, v15  }
0x3bd: {  	s21 =	simm.s32 $0x7810;
	s20 =	simm.s32 $0x0;
	v7 =	vimm.f32 $0.0e+00;
	v5 =	vadd.f32 v12, v5;
	v21 =	vand.u32 $0xFFFF0000, v2;
	v12 =	vld.idx.msk [tilespmem:v26+s3+$0x0], $0xffff  }
.LBB2_20:
0x3be: {  	v26 =	vld [tilespmem:s21+$0x100];
	s20 =	sadd.s32 $0x2, s20;
	v6 =	vadd.f32 v23, v6;
	v23 =	vand.u32 $0xFFFF0000, v0;
	v15 =	vshll.u32 v15, $0x10  }
0x3bf: {  	v7 =	vadd.f32 v22, v7;
	v22 =	vand.u32 $0xFFFF0000, v1;
	v28 =	vshll.u32 v8, $0x10;
	v27 =	vld [tilespmem:s21+$0xFFFFFE00];
	p0 =	slt.u32 s20, $0x16  }
0x3c0: {  	v14 =	vadd.f32 v24, v14;
	v0 =	vshll.u32 v0, $0x10;
	v24 =	vand.u32 $0xFFFF0000, v17;
	v29 =	vld [tilespmem:s21+$0xFFFFFE80]  }
0x3c1: {  	v13 =	vadd.f32 v19, v13;
	v17 =	vshll.u32 v17, $0x10;
	v19 =	vand.u32 $0xFFFF0000, v9;
	v30 =	vld [tilespmem:s21+$0xFFFFFC80]  }
0x3c2: {  	v7 =	vadd.f32 v25, v7;
	v11 =	vadd.f32 v17, v11;
	v17 =	vshll.u32 v16, $0x10;
	v31 =	vld [tilespmem:s21+$0x280]  }
0x3c3: {  	v8 =	vand.u32 $0xFFFF0000, v8;
	v6 =	vadd.f32 v18, v6;
	v25 =	vld [tilespmem:s21+$0xFFFFFD00];
	v26 =	vadd.s32 $0x400, v26  }
0x3c4: {  	v13 =	vadd.f32 v20, v13;
	v14 =	vadd.f32 v21, v14;
	v16 =	vand.u32 $0xFFFF0000, v16;
	v18 =	vld [tilespmem:s21+$0xFFFFFD80]  }
0x3c5: {  	v9 =	vshll.u32 v9, $0x10;
	v7 =	vadd.f32 v16, v7;
	v16 =	vand.u32 $0xFFFF0000, v12;
	v20 =	vld [tilespmem:s21+$0xFFFFFC00]  }
0x3c6: {  	v10 =	vadd.f32 v0, v10;
	v6 =	vadd.f32 v23, v6;
	v12 =	vshll.u32 v12, $0x10;
	v21 =	vld [tilespmem:s21+$0xFFFFFF00]  }
0x3c7: {  	v0 =	vshll.u32 v2, $0x10;
	v3 =	vadd.f32 v24, v3;
	v7 =	vadd.f32 v16, v7;
	v23 =	vld [tilespmem:s21+$0x200]  }
0x3c8: {  	v5 =	vadd.f32 v0, v5;
	v11 =	vadd.f32 v15, v11;
	v2 =	vld [tilespmem:s21+$0x300]  }
0x3c9: {  	v1 =	vshll.u32 v1, $0x10;
	v3 =	vadd.f32 v4, v3;
	v4 =	vadd.f32 v9, v10;
	v0 =	vld.idx.msk [tilespmem:v26+s3+$0x0], $0xffff  }
0x3ca: {  	v11 =	vadd.f32 v28, v11;
	v10 =	vadd.s32 $0x400, v18;
	v9 =	vadd.s32 $0x400, v20;
	v15 =	vld [tilespmem:s21+$0x180]  }
0x3cb: {  	v5 =	vadd.f32 v1, v5;
	v16 =	vadd.s32 $0x400, v25;
	v18 =	vadd.s32 $0x400, v21;
	v20 =	vld [tilespmem:s21+$0x0]  }
0x3cc: {  	v13 =	vadd.f32 v17, v13;
	v3 =	vadd.f32 v8, v3;
	v1 =	vadd.s32 $0x400, v30;
	v21 =	vld [tilespmem:s21+$0x380]  }
0x3cd: {  	v14 =	vadd.f32 v22, v14;
	v6 =	vadd.f32 v19, v6;
	v8 =	vadd.s32 $0x400, v29;
	v17 =	vld [tilespmem:s21+$0xFFFFFF80]  }
0x3ce: {  	v19 =	vadd.s32 $0x400, v27;
	v13 =	vadd.f32 v12, v13;
	v22 =	vld [tilespmem:s21+$0x80]  }
0x3cf: {  	v9 =	vld.idx.msk [tilespmem:v9+s3+$0x0], $0xffff;
	v12 =	vadd.s32 $0x400, v15  }
0x3d0: {  	v18 =	vld.idx.msk [tilespmem:v18+s3+$0x0], $0xffff;
	v20 =	vadd.s32 $0x400, v20  }
0x3d1: {  	v10 =	vld.idx.msk [tilespmem:v10+s3+$0x0], $0xffff;
	v21 =	vadd.s32 $0x400, v21  }
0x3d2: {  	v24 =	vadd.s32 $0x400, v23;
	v16 =	vld.idx.msk [tilespmem:v16+s3+$0x0], $0xffff  }
0x3d3: {  	v17 =	vadd.s32 $0x400, v17;
	v25 =	vld.idx.msk [tilespmem:v1+s3+$0x0], $0xffff;
	v26 =	vadd.s32 $0x400, v22  }
0x3d4: {  	v28 =	vadd.s32 $0x400, v2;
	v27 =	vld.idx.msk [tilespmem:v8+s3+$0x0], $0xffff  }
0x3d5: {  	v29 =	vshll.u32 v9, $0x10;
	v1 =	vand.u32 $0xFFFF0000, v9;
	v9 =	vld.idx.msk [tilespmem:v19+s3+$0x0], $0xffff  }
0x3d6: {  	v15 =	vld.idx.msk [tilespmem:v12+s3+$0x0], $0xffff;
	v12 =	vadd.s32 $0x400, v31  }
0x3d7: {  	v14 =	vadd.f32 v1, v14;
	v1 =	vshll.u32 v10, $0x10;
	v10 =	vand.u32 $0xFFFF0000, v10;
	v2 =	vld.idx.msk [tilespmem:v20+s3+$0x0], $0xffff  }
0x3d8: {  	v19 =	vshll.u32 v16, $0x10;
	v23 =	vand.u32 $0xFFFF0000, v16;
	v11 =	vadd.f32 v1, v11;
	v8 =	vld.idx.msk [tilespmem:v21+s3+$0x0], $0xffff  }
.Ltmp9:
0x3d9: {  	v3 =	vadd.f32 v10, v3;
	v22 =	vand.u32 $0xFFFF0000, v25;
	v4 =	vadd.f32 v19, v4;
	v1 =	vld.idx.msk [tilespmem:v24+s3+$0x0], $0xffff;
	(pc) =	sbr.rel @p0 .LBB2_20-.Ltmp9, $4  }
0x3da: {  	v5 =	vadd.f32 v29, v5;
	v10 =	vshll.u32 v18, $0x10;
	v19 =	vshll.u32 v25, $0x10;
	v17 =	vld.idx.msk [tilespmem:v17+s3+$0x0], $0xffff  }
0x3db: {  	v16 =	vshll.u32 v9, $0x10;
	v24 =	vand.u32 $0xFFFF0000, v9;
	v10 =	vadd.f32 v10, v4;
	v9 =	vld.idx.msk [tilespmem:v28+s3+$0x0], $0xffff  }
0x3dc: {  	v18 =	vand.u32 $0xFFFF0000, v18;
	v5 =	vadd.f32 v16, v5;
	v4 =	vand.u32 $0xFFFF0000, v15;
	v16 =	vld.idx.msk [tilespmem:v26+s3+$0x0], $0xffff  }
0x3dd: {  	s21 =	sadd.s32 $0x800, s21;
	v20 =	vshll.u32 v27, $0x10;
	v25 =	vand.u32 $0xFFFF0000, v27;
	v21 =	vand.u32 $0xFFFF0000, v2;
	v12 =	vld.idx.msk [tilespmem:v12+s3+$0x0], $0xffff  }
0x3de: {  	v6 =	vadd.f32 v23, v6  }
0x3df: {  	v23 =	vand.u32 $0xFFFF0000, v0;
	v15 =	vshll.u32 v15, $0x10;
	v7 =	vadd.f32 v22, v7;
	v22 =	vld [tilespmem:$0xCC10]  }
0x3e0: {  	v26 =	vand.u32 $0xFFFF0000, v1;
	v14 =	vadd.f32 v24, v14;
	v24 =	vshll.u32 v8, $0x10  }
0x3e1: {  	v13 =	vadd.f32 v19, v13;
	v19 =	vshll.u32 v17, $0x10;
	v7 =	vadd.f32 v25, v7;
	v25 =	vld [tilespmem:$0xCC90]  }
0x3e2: {  	v0 =	vshll.u32 v0, $0x10;
	v8 =	vand.u32 $0xFFFF0000, v8;
	v11 =	vadd.f32 v19, v11;
	v19 =	vld [tilespmem:$0xCD10]  }
0x3e3: {  	v2 =	vshll.u32 v2, $0x10;
	v6 =	vadd.f32 v18, v6;
	v13 =	vadd.f32 v20, v13;
	v20 =	vld [tilespmem:$0xCD90]  }
0x3e4: {  	v14 =	vadd.f32 v21, v14;
	v21 =	vand.u32 $0xFFFF0000, v16;
	v22 =	vadd.s32 $0x400, v22  }
0x3e5: {  	v1 =	vshll.u32 v1, $0x10;
	v17 =	vand.u32 $0xFFFF0000, v17;
	v7 =	vadd.f32 v21, v7;
	v21 =	vld [tilespmem:$0xCE10]  }
0x3e6: {  	v0 =	vadd.f32 v0, v10;
	v6 =	vadd.f32 v23, v6;
	v23 =	vld [tilespmem:$0xCE90];
	v10 =	vadd.s32 $0x400, v25  }
0x3e7: {  	v3 =	vadd.f32 v17, v3;
	v25 =	vand.u32 $0xFFFF0000, v12;
	v17 =	vadd.s32 $0x400, v19;
	v19 =	vld [tilespmem:$0xCF10]  }
0x3e8: {  	v2 =	vadd.f32 v2, v5;
	v20 =	vadd.s32 $0x400, v20;
	v7 =	vadd.f32 v25, v7;
	v25 =	vld [tilespmem:$0xCF90]  }
0x3e9: {  	v18 =	vand.u32 $0xFFFF0000, v9;
	v9 =	vshll.u32 v9, $0x10;
	v16 =	vshll.u32 v16, $0x10;
	v5 =	vld.idx.msk [tilespmem:v22+s3+$0x0], $0xffff  }
0x3ea: {  	v0 =	vadd.f32 v9, v0;
	v3 =	vadd.f32 v4, v3;
	v4 =	vadd.s32 $0x400, v21  }
0x3eb: {  	v1 =	vadd.f32 v1, v2;
	v11 =	vadd.f32 v15, v11;
	v9 =	vld.idx.msk [tilespmem:v10+s3+$0x0], $0xffff;
	v10 =	vadd.s32 $0x400, v23  }
0x3ec: {  	v13 =	vadd.f32 v16, v13;
	v14 =	vadd.f32 v26, v14;
	v2 =	vld.idx.msk [tilespmem:v17+s3+$0x0], $0xffff;
	v15 =	vadd.s32 $0x400, v19  }
0x3ed: {  	v11 =	vadd.f32 v24, v11;
	v3 =	vadd.f32 v8, v3;
	v8 =	vld.idx.msk [tilespmem:v20+s3+$0x0], $0xffff;
	v16 =	vadd.s32 $0x400, v25  }
0x3ee: {  	v6 =	vadd.f32 v18, v6;
	v12 =	vshll.u32 v12, $0x10;
	v17 =	vshll.u32 v5, $0x10  }
0x3ef: {  	v12 =	vadd.f32 v12, v13;
	v4 =	vld.idx.msk [tilespmem:v4+s3+$0x0], $0xffff;
	v5 =	vand.u32 $0xFFFF0000, v5;
	v1 =	vadd.f32 v17, v1  }
0x3f0: {  	v5 =	vadd.f32 v5, v14;
	v13 =	vshll.u32 v9, $0x10;
	v9 =	vand.u32 $0xFFFF0000, v9;
	v10 =	vld.idx.msk [tilespmem:v10+s3+$0x0], $0xffff  }
0x3f1: {  	v12 =	vadd.f32 v13, v12;
	v7 =	vadd.f32 v9, v7;
	v9 =	vshll.u32 v2, $0x10;
	v13 =	vld.idx.msk [tilespmem:v15+s3+$0x0], $0xffff  }
0x3f2: {  	v2 =	vand.u32 $0xFFFF0000, v2;
	v14 =	vld.idx.msk [tilespmem:v16+s3+$0x0], $0xffff;
	v0 =	vadd.f32 v9, v0;
	v9 =	vshll.u32 v8, $0x10  }
0x3f3: {  	v2 =	vadd.f32 v2, v6;
	v8 =	vand.u32 $0xFFFF0000, v8;
	v6 =	vadd.f32 v9, v11  }
0x3f4: {  	v3 =	vadd.f32 v8, v3;
	v8 =	vshll.u32 v4, $0x10;
	v4 =	vand.u32 $0xFFFF0000, v4  }
0x3f5: {  	v1 =	vadd.f32 v8, v1;
	v4 =	vadd.f32 v4, v5;
	v5 =	vshll.u32 v10, $0x10  }
0x3f6: {  	v8 =	vand.u32 $0xFFFF0000, v10;
	v5 =	vadd.f32 v5, v12;
	v9 =	vshll.u32 v13, $0x10  }
0x3f7: {  	v7 =	vadd.f32 v8, v7;
	v8 =	vshll.u32 v14, $0x10;
	v0 =	vadd.f32 v9, v0  }
0x3f8: {  	v9 =	vand.u32 $0xFFFF0000, v13;
	v6 =	vadd.f32 v8, v6;
	v8 =	vand.u32 $0xFFFF0000, v14  }
0x3f9: {  	v2 =	vadd.f32 v9, v2;
	v3 =	vadd.f32 v8, v3;
	v8 =	vld [tilespmem:$0xD010]  }
0x3fa: {  	v1 =	vadd.f32 v5, v1;
	v5 =	vld [tilespmem:$0xD090];
	v4 =	vadd.f32 v7, v4  }
0x3fb: {  	v0 =	vadd.f32 v6, v0;
	v2 =	vadd.f32 v3, v2;
	_ =	sdelay $0x1  }
0x3fc: {  	v0 =	vadd.f32 v0, v1;
	v1 =	vadd.f32 v2, v4;
	_ =	sdelay $0x1  }
0x3fd: {  	v0 =	vadd.f32 v0, v8;
	v1 =	vadd.f32 v1, v5;
	_ =	sdelay $0x1  }
0x3fe: {  	v0 =	vmul.f32 $4.999999890e-03, v0;
	v1 =	vmul.f32 $4.999999890e-03, v1;
	_ =	sdelay $0x1  }
0x3ff: {  	v2 =	vmul.f32 $9.999999770e-03, v0;
	v3 =	vmul.f32 $9.999999770e-03, v1  }
0x400: {  	vm0 =	vge.f32 v0, $0.0e+00;
	vm1 =	vge.f32 v1, $0.0e+00  }
0x401: {  	v0 =	vsel vm0, v0, v2;
	v1 =	vsel vm1, v1, v3  }
0x402: {  	v2 =	vmax.f32 v0, v1  }
0x403: {  	v0 =	vsub.f32 v0, v2  }
0x404: {  	v1 =	vsub.f32 v1, v2  }
0x405: {  	v2 =	vmul.f32 $1.442695020e+00, v0  }
0x406: {  	v3 =	vmul.f32 $1.442695020e+00, v1  }
0x407: {  	(erf) = vpow2.f32 v2  }
0x408: {  	(erf) = vpow2.f32 v3;
	_ =	sdelay $0x7  }
0x409: {  	v2 =	vpop (erf)  }
0x40a: {  	v3 =	vpop (erf)  }
0x40b: {  	v2 =	vadd.f32 v3, v2;
	_ =	sdelay $0x1  }
0x40c: {  	v3 =	vadd.f32 $1.000000000e+00, v2;
	_ =	sdelay $0x1  }
0x40d: {  	(erf) = vrcp.f32 v3;
	_ =	sdelay $0x7  }
0x40e: {  	v2 =	vadd.f32 $-1.000000000e+00, v2  }
0x40f: {  	v3 =	vpop (erf)  }
0x410: {  	v2 =	vmul.f32 v3, v2;
	_ =	sdelay $0x1  }
0x411: {  	v3 =	vmul.f32 v2, v2;
	_ =	sdelay $0x1  }
0x412: {  	v4 =	vmul.f32 $2.857142980e-01, v3;
	_ =	sdelay $0x1  }
0x413: {  	v4 =	vadd.f32 $4.000000060e-01, v4;
	_ =	sdelay $0x1  }
0x414: {  	v4 =	vmul.f32 v4, v3;
	_ =	sdelay $0x1  }
0x415: {  	v4 =	vadd.f32 $6.666666860e-01, v4;
	_ =	sdelay $0x1  }
0x416: {  	v3 =	vmul.f32 v4, v3;
	_ =	sdelay $0x1  }
0x417: {  	v3 =	vadd.f32 $2.000000000e+00, v3;
	_ =	sdelay $0x1  }
0x418: {  	v2 =	vmul.f32 v3, v2;
	_ =	sdelay $0x1  }
0x419: {  	v0 =	vsub.f32 v0, v2  }
0x41a: {  	v1 =	vsub.f32 v1, v2  }
0x41b: {  	[tilespmem:$0xD110] =	vst v0  }
0x41c: {  	s20 =	simm.s32 $0x7020;
	[tilespmem:$0xD190] =	vst v1  }
0x41d: {  	v0 =	vld [tilespmem:s20+$0x100]  }
0x41e: {  	v1 =	vld [tilespmem:s20+$0xFFFFFE00]  }
0x41f: {  	v2 =	vld [tilespmem:s20+$0xFFFFFE80]  }
0x420: {  	v3 =	vld [tilespmem:s20+$0xFFFFFC80]  }
0x421: {  	v4 =	vld [tilespmem:s20+$0x280]  }
0x422: {  	v5 =	vld [tilespmem:s20+$0xFFFFFD00]  }
0x423: {  	v6 =	vld [tilespmem:s20+$0xFFFFFD80]  }
0x424: {  	v7 =	vld [tilespmem:s20+$0xFFFFFC00]  }
0x425: {  	v8 =	vld [tilespmem:s20+$0xFFFFFF00]  }
0x426: {  	v9 =	vld [tilespmem:s20+$0x200]  }
0x427: {  	v10 =	vld [tilespmem:s20+$0x300]  }
0x428: {  	v11 =	vld [tilespmem:s20+$0x180];
	v0 =	vadd.s32 $0x400, v0  }
0x429: {  	v12 =	vld [tilespmem:s20+$0x0];
	v7 =	vadd.s32 $0x400, v7  }
0x42a: {  	v13 =	vld [tilespmem:s20+$0x380];
	v8 =	vadd.s32 $0x400, v8  }
0x42b: {  	v14 =	vld [tilespmem:s20+$0xFFFFFF80];
	v6 =	vadd.s32 $0x400, v6  }
0x42c: {  	v15 =	vld [tilespmem:s20+$0x80];
	v5 =	vadd.s32 $0x400, v5  }
0x42d: {  	v3 =	vadd.s32 $0x400, v3;
	v0 =	vld.idx.msk [tilespmem:v0+s3+$0x0], $0xffff  }
0x42e: {  	v2 =	vadd.s32 $0x400, v2;
	v7 =	vld.idx.msk [tilespmem:v7+s3+$0x0], $0xffff  }
0x42f: {  	v1 =	vadd.s32 $0x400, v1;
	v16 =	vld.idx.msk [tilespmem:v8+s3+$0x0], $0xffff  }
0x430: {  	v8 =	vadd.s32 $0x400, v11;
	v11 =	vld.idx.msk [tilespmem:v6+s3+$0x0], $0xffff  }
0x431: {  	v13 =	vadd.s32 $0x400, v13;
	v5 =	vld.idx.msk [tilespmem:v5+s3+$0x0], $0xffff  }
0x432: {  	v18 =	vadd.s32 $0x400, v14;
	v17 =	vld.idx.msk [tilespmem:v3+s3+$0x0], $0xffff  }
0x433: {  	v12 =	vadd.s32 $0x400, v12;
	v9 =	vadd.s32 $0x400, v9;
	v21 =	vld.idx.msk [tilespmem:v2+s3+$0x0], $0xffff  }
0x434: {  	v25 =	vadd.s32 $0x400, v10;
	v10 =	vshll.u32 v7, $0x10;
	v2 =	vand.u32 $0xFFFF0000, v7;
	v7 =	vld.idx.msk [tilespmem:v1+s3+$0x0], $0xffff  }
0x435: {  	v20 =	vadd.s32 $0x400, v15;
	v26 =	vadd.s32 $0x400, v4;
	v15 =	vld.idx.msk [tilespmem:v8+s3+$0x0], $0xffff  }
0x436: {  	v6 =	vimm.f32 $0.0e+00;
	v1 =	vshll.u32 v11, $0x10;
	v3 =	vand.u32 $0xFFFF0000, v11;
	v8 =	vld.idx.msk [tilespmem:v13+s3+$0x0], $0xffff  }
0x437: {  	v4 =	vshll.u32 v5, $0x10;
	v22 =	vand.u32 $0xFFFF0000, v17;
	v19 =	vshll.u32 v17, $0x10;
	v17 =	vld.idx.msk [tilespmem:v18+s3+$0x0], $0xffff  }
0x438: {  	v23 =	vand.u32 $0xFFFF0000, v5;
	v18 =	vand.u32 $0xFFFF0000, v16;
	v14 =	vadd.f32 v2, v6;
	v2 =	vld.idx.msk [tilespmem:v12+s3+$0x0], $0xffff  }
0x439: {  	v13 =	vimm.f32 $0.0e+00;
	v11 =	vadd.f32 v1, v6;
	v4 =	vadd.f32 v4, v6;
	v1 =	vld.idx.msk [tilespmem:v9+s3+$0x0], $0xffff  }
0x43a: {  	v3 =	vadd.f32 v3, v6;
	v5 =	vadd.f32 v10, v6;
	v9 =	vshll.u32 v16, $0x10;
	v16 =	vld.idx.msk [tilespmem:v20+s3+$0x0], $0xffff  }
0x43b: {  	v20 =	vshll.u32 v21, $0x10;
	v10 =	vadd.f32 v9, v4;
	v9 =	vld.idx.msk [tilespmem:v25+s3+$0x0], $0xffff;
	v25 =	vand.u32 $0xFFFF0000, v21  }
0x43c: {  	v12 =	vshll.u32 v7, $0x10;
	v24 =	vand.u32 $0xFFFF0000, v7;
	v4 =	vand.u32 $0xFFFF0000, v15  }
0x43d: {  	s21 =	simm.s32 $0x7820;
	s20 =	simm.s32 $0x0;
	v7 =	vimm.f32 $0.0e+00;
	v5 =	vadd.f32 v12, v5;
	v21 =	vand.u32 $0xFFFF0000, v2;
	v12 =	vld.idx.msk [tilespmem:v26+s3+$0x0], $0xffff  }
.LBB2_22:
0x43e: {  	v26 =	vld [tilespmem:s21+$0x100];
	s20 =	sadd.s32 $0x2, s20;
	v6 =	vadd.f32 v23, v6;
	v23 =	vand.u32 $0xFFFF0000, v0;
	v15 =	vshll.u32 v15, $0x10  }
0x43f: {  	v7 =	vadd.f32 v22, v7;
	v22 =	vand.u32 $0xFFFF0000, v1;
	v28 =	vshll.u32 v8, $0x10;
	v27 =	vld [tilespmem:s21+$0xFFFFFE00];
	p0 =	slt.u32 s20, $0x16  }
0x440: {  	v14 =	vadd.f32 v24, v14;
	v0 =	vshll.u32 v0, $0x10;
	v24 =	vand.u32 $0xFFFF0000, v17;
	v29 =	vld [tilespmem:s21+$0xFFFFFE80]  }
0x441: {  	v13 =	vadd.f32 v19, v13;
	v17 =	vshll.u32 v17, $0x10;
	v19 =	vand.u32 $0xFFFF0000, v9;
	v30 =	vld [tilespmem:s21+$0xFFFFFC80]  }
0x442: {  	v7 =	vadd.f32 v25, v7;
	v11 =	vadd.f32 v17, v11;
	v17 =	vshll.u32 v16, $0x10;
	v31 =	vld [tilespmem:s21+$0x280]  }
0x443: {  	v8 =	vand.u32 $0xFFFF0000, v8;
	v6 =	vadd.f32 v18, v6;
	v25 =	vld [tilespmem:s21+$0xFFFFFD00];
	v26 =	vadd.s32 $0x400, v26  }
0x444: {  	v13 =	vadd.f32 v20, v13;
	v14 =	vadd.f32 v21, v14;
	v16 =	vand.u32 $0xFFFF0000, v16;
	v18 =	vld [tilespmem:s21+$0xFFFFFD80]  }
0x445: {  	v9 =	vshll.u32 v9, $0x10;
	v7 =	vadd.f32 v16, v7;
	v16 =	vand.u32 $0xFFFF0000, v12;
	v20 =	vld [tilespmem:s21+$0xFFFFFC00]  }
0x446: {  	v10 =	vadd.f32 v0, v10;
	v6 =	vadd.f32 v23, v6;
	v12 =	vshll.u32 v12, $0x10;
	v21 =	vld [tilespmem:s21+$0xFFFFFF00]  }
0x447: {  	v0 =	vshll.u32 v2, $0x10;
	v3 =	vadd.f32 v24, v3;
	v7 =	vadd.f32 v16, v7;
	v23 =	vld [tilespmem:s21+$0x200]  }
0x448: {  	v5 =	vadd.f32 v0, v5;
	v11 =	vadd.f32 v15, v11;
	v2 =	vld [tilespmem:s21+$0x300]  }
0x449: {  	v1 =	vshll.u32 v1, $0x10;
	v3 =	vadd.f32 v4, v3;
	v4 =	vadd.f32 v9, v10;
	v0 =	vld.idx.msk [tilespmem:v26+s3+$0x0], $0xffff  }
0x44a: {  	v11 =	vadd.f32 v28, v11;
	v10 =	vadd.s32 $0x400, v18;
	v9 =	vadd.s32 $0x400, v20;
	v15 =	vld [tilespmem:s21+$0x180]  }
0x44b: {  	v5 =	vadd.f32 v1, v5;
	v16 =	vadd.s32 $0x400, v25;
	v18 =	vadd.s32 $0x400, v21;
	v20 =	vld [tilespmem:s21+$0x0]  }
0x44c: {  	v13 =	vadd.f32 v17, v13;
	v3 =	vadd.f32 v8, v3;
	v1 =	vadd.s32 $0x400, v30;
	v21 =	vld [tilespmem:s21+$0x380]  }
0x44d: {  	v14 =	vadd.f32 v22, v14;
	v6 =	vadd.f32 v19, v6;
	v8 =	vadd.s32 $0x400, v29;
	v17 =	vld [tilespmem:s21+$0xFFFFFF80]  }
0x44e: {  	v19 =	vadd.s32 $0x400, v27;
	v13 =	vadd.f32 v12, v13;
	v22 =	vld [tilespmem:s21+$0x80]  }
0x44f: {  	v9 =	vld.idx.msk [tilespmem:v9+s3+$0x0], $0xffff;
	v12 =	vadd.s32 $0x400, v15  }
0x450: {  	v18 =	vld.idx.msk [tilespmem:v18+s3+$0x0], $0xffff;
	v20 =	vadd.s32 $0x400, v20  }
0x451: {  	v10 =	vld.idx.msk [tilespmem:v10+s3+$0x0], $0xffff;
	v21 =	vadd.s32 $0x400, v21  }
0x452: {  	v24 =	vadd.s32 $0x400, v23;
	v16 =	vld.idx.msk [tilespmem:v16+s3+$0x0], $0xffff  }
0x453: {  	v17 =	vadd.s32 $0x400, v17;
	v25 =	vld.idx.msk [tilespmem:v1+s3+$0x0], $0xffff;
	v26 =	vadd.s32 $0x400, v22  }
0x454: {  	v28 =	vadd.s32 $0x400, v2;
	v27 =	vld.idx.msk [tilespmem:v8+s3+$0x0], $0xffff  }
0x455: {  	v29 =	vshll.u32 v9, $0x10;
	v1 =	vand.u32 $0xFFFF0000, v9;
	v9 =	vld.idx.msk [tilespmem:v19+s3+$0x0], $0xffff  }
0x456: {  	v15 =	vld.idx.msk [tilespmem:v12+s3+$0x0], $0xffff;
	v12 =	vadd.s32 $0x400, v31  }
0x457: {  	v14 =	vadd.f32 v1, v14;
	v1 =	vshll.u32 v10, $0x10;
	v10 =	vand.u32 $0xFFFF0000, v10;
	v2 =	vld.idx.msk [tilespmem:v20+s3+$0x0], $0xffff  }
0x458: {  	v19 =	vshll.u32 v16, $0x10;
	v23 =	vand.u32 $0xFFFF0000, v16;
	v11 =	vadd.f32 v1, v11;
	v8 =	vld.idx.msk [tilespmem:v21+s3+$0x0], $0xffff  }
.Ltmp10:
0x459: {  	v3 =	vadd.f32 v10, v3;
	v22 =	vand.u32 $0xFFFF0000, v25;
	v4 =	vadd.f32 v19, v4;
	v1 =	vld.idx.msk [tilespmem:v24+s3+$0x0], $0xffff;
	(pc) =	sbr.rel @p0 .LBB2_22-.Ltmp10, $4  }
0x45a: {  	v5 =	vadd.f32 v29, v5;
	v10 =	vshll.u32 v18, $0x10;
	v19 =	vshll.u32 v25, $0x10;
	v17 =	vld.idx.msk [tilespmem:v17+s3+$0x0], $0xffff  }
0x45b: {  	v16 =	vshll.u32 v9, $0x10;
	v24 =	vand.u32 $0xFFFF0000, v9;
	v10 =	vadd.f32 v10, v4;
	v9 =	vld.idx.msk [tilespmem:v28+s3+$0x0], $0xffff  }
0x45c: {  	v18 =	vand.u32 $0xFFFF0000, v18;
	v5 =	vadd.f32 v16, v5;
	v4 =	vand.u32 $0xFFFF0000, v15;
	v16 =	vld.idx.msk [tilespmem:v26+s3+$0x0], $0xffff  }
0x45d: {  	s21 =	sadd.s32 $0x800, s21;
	v20 =	vshll.u32 v27, $0x10;
	v25 =	vand.u32 $0xFFFF0000, v27;
	v21 =	vand.u32 $0xFFFF0000, v2;
	v12 =	vld.idx.msk [tilespmem:v12+s3+$0x0], $0xffff  }
0x45e: {  	v6 =	vadd.f32 v23, v6  }
0x45f: {  	v23 =	vand.u32 $0xFFFF0000, v0;
	v15 =	vshll.u32 v15, $0x10;
	v7 =	vadd.f32 v22, v7;
	v22 =	vld [tilespmem:$0xCC20]  }
0x460: {  	v26 =	vand.u32 $0xFFFF0000, v1;
	v14 =	vadd.f32 v24, v14;
	v24 =	vshll.u32 v8, $0x10  }
0x461: {  	v13 =	vadd.f32 v19, v13;
	v19 =	vshll.u32 v17, $0x10;
	v7 =	vadd.f32 v25, v7;
	v25 =	vld [tilespmem:$0xCCA0]  }
0x462: {  	v0 =	vshll.u32 v0, $0x10;
	v8 =	vand.u32 $0xFFFF0000, v8;
	v11 =	vadd.f32 v19, v11;
	v19 =	vld [tilespmem:$0xCD20]  }
0x463: {  	v2 =	vshll.u32 v2, $0x10;
	v6 =	vadd.f32 v18, v6;
	v13 =	vadd.f32 v20, v13;
	v20 =	vld [tilespmem:$0xCDA0]  }
0x464: {  	v14 =	vadd.f32 v21, v14;
	v21 =	vand.u32 $0xFFFF0000, v16;
	v22 =	vadd.s32 $0x400, v22  }
0x465: {  	v1 =	vshll.u32 v1, $0x10;
	v17 =	vand.u32 $0xFFFF0000, v17;
	v7 =	vadd.f32 v21, v7;
	v21 =	vld [tilespmem:$0xCE20]  }
0x466: {  	v0 =	vadd.f32 v0, v10;
	v6 =	vadd.f32 v23, v6;
	v23 =	vld [tilespmem:$0xCEA0];
	v10 =	vadd.s32 $0x400, v25  }
0x467: {  	v3 =	vadd.f32 v17, v3;
	v25 =	vand.u32 $0xFFFF0000, v12;
	v17 =	vadd.s32 $0x400, v19;
	v19 =	vld [tilespmem:$0xCF20]  }
0x468: {  	v2 =	vadd.f32 v2, v5;
	v20 =	vadd.s32 $0x400, v20;
	v7 =	vadd.f32 v25, v7;
	v25 =	vld [tilespmem:$0xCFA0]  }
0x469: {  	v18 =	vand.u32 $0xFFFF0000, v9;
	v9 =	vshll.u32 v9, $0x10;
	v16 =	vshll.u32 v16, $0x10;
	v5 =	vld.idx.msk [tilespmem:v22+s3+$0x0], $0xffff  }
0x46a: {  	v0 =	vadd.f32 v9, v0;
	v3 =	vadd.f32 v4, v3;
	v4 =	vadd.s32 $0x400, v21  }
0x46b: {  	v1 =	vadd.f32 v1, v2;
	v11 =	vadd.f32 v15, v11;
	v9 =	vld.idx.msk [tilespmem:v10+s3+$0x0], $0xffff;
	v10 =	vadd.s32 $0x400, v23  }
0x46c: {  	v13 =	vadd.f32 v16, v13;
	v14 =	vadd.f32 v26, v14;
	v2 =	vld.idx.msk [tilespmem:v17+s3+$0x0], $0xffff;
	v15 =	vadd.s32 $0x400, v19  }
0x46d: {  	v11 =	vadd.f32 v24, v11;
	v3 =	vadd.f32 v8, v3;
	v8 =	vld.idx.msk [tilespmem:v20+s3+$0x0], $0xffff;
	v16 =	vadd.s32 $0x400, v25  }
0x46e: {  	v6 =	vadd.f32 v18, v6;
	v12 =	vshll.u32 v12, $0x10;
	v17 =	vshll.u32 v5, $0x10  }
0x46f: {  	v12 =	vadd.f32 v12, v13;
	v4 =	vld.idx.msk [tilespmem:v4+s3+$0x0], $0xffff;
	v5 =	vand.u32 $0xFFFF0000, v5;
	v1 =	vadd.f32 v17, v1  }
0x470: {  	v5 =	vadd.f32 v5, v14;
	v13 =	vshll.u32 v9, $0x10;
	v9 =	vand.u32 $0xFFFF0000, v9;
	v10 =	vld.idx.msk [tilespmem:v10+s3+$0x0], $0xffff  }
0x471: {  	v12 =	vadd.f32 v13, v12;
	v7 =	vadd.f32 v9, v7;
	v9 =	vshll.u32 v2, $0x10;
	v13 =	vld.idx.msk [tilespmem:v15+s3+$0x0], $0xffff  }
0x472: {  	v2 =	vand.u32 $0xFFFF0000, v2;
	v14 =	vld.idx.msk [tilespmem:v16+s3+$0x0], $0xffff;
	v0 =	vadd.f32 v9, v0;
	v9 =	vshll.u32 v8, $0x10  }
0x473: {  	v2 =	vadd.f32 v2, v6;
	v8 =	vand.u32 $0xFFFF0000, v8;
	v6 =	vadd.f32 v9, v11  }
0x474: {  	v3 =	vadd.f32 v8, v3;
	v8 =	vshll.u32 v4, $0x10;
	v4 =	vand.u32 $0xFFFF0000, v4  }
0x475: {  	v1 =	vadd.f32 v8, v1;
	v4 =	vadd.f32 v4, v5;
	v5 =	vshll.u32 v10, $0x10  }
0x476: {  	v8 =	vand.u32 $0xFFFF0000, v10;
	v5 =	vadd.f32 v5, v12;
	v9 =	vshll.u32 v13, $0x10  }
0x477: {  	v7 =	vadd.f32 v8, v7;
	v8 =	vshll.u32 v14, $0x10;
	v0 =	vadd.f32 v9, v0  }
0x478: {  	v9 =	vand.u32 $0xFFFF0000, v13;
	v6 =	vadd.f32 v8, v6;
	v8 =	vand.u32 $0xFFFF0000, v14  }
0x479: {  	v2 =	vadd.f32 v9, v2;
	v3 =	vadd.f32 v8, v3;
	v8 =	vld [tilespmem:$0xD020]  }
0x47a: {  	v1 =	vadd.f32 v5, v1;
	v5 =	vld [tilespmem:$0xD0A0];
	v4 =	vadd.f32 v7, v4  }
0x47b: {  	v0 =	vadd.f32 v6, v0;
	v2 =	vadd.f32 v3, v2;
	_ =	sdelay $0x1  }
0x47c: {  	v0 =	vadd.f32 v0, v1;
	v1 =	vadd.f32 v2, v4;
	_ =	sdelay $0x1  }
0x47d: {  	v0 =	vadd.f32 v0, v8;
	v1 =	vadd.f32 v1, v5;
	_ =	sdelay $0x1  }
0x47e: {  	v0 =	vmul.f32 $4.999999890e-03, v0;
	v1 =	vmul.f32 $4.999999890e-03, v1;
	_ =	sdelay $0x1  }
0x47f: {  	v2 =	vmul.f32 $9.999999770e-03, v0;
	v3 =	vmul.f32 $9.999999770e-03, v1  }
0x480: {  	vm0 =	vge.f32 v0, $0.0e+00;
	vm1 =	vge.f32 v1, $0.0e+00  }
0x481: {  	v0 =	vsel vm0, v0, v2;
	v1 =	vsel vm1, v1, v3  }
0x482: {  	v2 =	vmax.f32 v0, v1  }
0x483: {  	v0 =	vsub.f32 v0, v2  }
0x484: {  	v1 =	vsub.f32 v1, v2  }
0x485: {  	v2 =	vmul.f32 $1.442695020e+00, v0  }
0x486: {  	v3 =	vmul.f32 $1.442695020e+00, v1  }
0x487: {  	(erf) = vpow2.f32 v2  }
0x488: {  	(erf) = vpow2.f32 v3;
	_ =	sdelay $0x7  }
0x489: {  	v2 =	vpop (erf)  }
0x48a: {  	v3 =	vpop (erf)  }
0x48b: {  	v2 =	vadd.f32 v3, v2;
	_ =	sdelay $0x1  }
0x48c: {  	v3 =	vadd.f32 $1.000000000e+00, v2;
	_ =	sdelay $0x1  }
0x48d: {  	(erf) = vrcp.f32 v3;
	_ =	sdelay $0x7  }
0x48e: {  	v2 =	vadd.f32 $-1.000000000e+00, v2  }
0x48f: {  	v3 =	vpop (erf)  }
0x490: {  	v2 =	vmul.f32 v3, v2;
	_ =	sdelay $0x1  }
0x491: {  	v3 =	vmul.f32 v2, v2;
	_ =	sdelay $0x1  }
0x492: {  	v4 =	vmul.f32 $2.857142980e-01, v3;
	_ =	sdelay $0x1  }
0x493: {  	v4 =	vadd.f32 $4.000000060e-01, v4;
	_ =	sdelay $0x1  }
0x494: {  	v4 =	vmul.f32 v4, v3;
	_ =	sdelay $0x1  }
0x495: {  	v4 =	vadd.f32 $6.666666860e-01, v4;
	_ =	sdelay $0x1  }
0x496: {  	v3 =	vmul.f32 v4, v3;
	_ =	sdelay $0x1  }
0x497: {  	v3 =	vadd.f32 $2.000000000e+00, v3;
	_ =	sdelay $0x1  }
0x498: {  	v2 =	vmul.f32 v3, v2;
	_ =	sdelay $0x1  }
0x499: {  	v0 =	vsub.f32 v0, v2  }
0x49a: {  	v1 =	vsub.f32 v1, v2  }
0x49b: {  	[tilespmem:$0xD120] =	vst v0  }
0x49c: {  	s20 =	simm.s32 $0x7030;
	[tilespmem:$0xD1A0] =	vst v1  }
0x49d: {  	v0 =	vld [tilespmem:s20+$0x100]  }
0x49e: {  	v1 =	vld [tilespmem:s20+$0xFFFFFE00]  }
0x49f: {  	v2 =	vld [tilespmem:s20+$0xFFFFFE80]  }
0x4a0: {  	v3 =	vld [tilespmem:s20+$0xFFFFFC80]  }
0x4a1: {  	v4 =	vld [tilespmem:s20+$0x280]  }
0x4a2: {  	v5 =	vld [tilespmem:s20+$0xFFFFFD00]  }
0x4a3: {  	v6 =	vld [tilespmem:s20+$0xFFFFFD80]  }
0x4a4: {  	v7 =	vld [tilespmem:s20+$0xFFFFFC00]  }
0x4a5: {  	v8 =	vld [tilespmem:s20+$0xFFFFFF00]  }
0x4a6: {  	v9 =	vld [tilespmem:s20+$0x200]  }
0x4a7: {  	v10 =	vld [tilespmem:s20+$0x300]  }
0x4a8: {  	v11 =	vld [tilespmem:s20+$0x180];
	v0 =	vadd.s32 $0x400, v0  }
0x4a9: {  	v12 =	vld [tilespmem:s20+$0x0];
	v7 =	vadd.s32 $0x400, v7  }
0x4aa: {  	v13 =	vld [tilespmem:s20+$0x380];
	v8 =	vadd.s32 $0x400, v8  }
0x4ab: {  	v14 =	vld [tilespmem:s20+$0xFFFFFF80];
	v6 =	vadd.s32 $0x400, v6  }
0x4ac: {  	v15 =	vld [tilespmem:s20+$0x80];
	v5 =	vadd.s32 $0x400, v5  }
0x4ad: {  	v3 =	vadd.s32 $0x400, v3;
	v0 =	vld.idx.msk [tilespmem:v0+s3+$0x0], $0xffff  }
0x4ae: {  	v2 =	vadd.s32 $0x400, v2;
	v7 =	vld.idx.msk [tilespmem:v7+s3+$0x0], $0xffff  }
0x4af: {  	v1 =	vadd.s32 $0x400, v1;
	v16 =	vld.idx.msk [tilespmem:v8+s3+$0x0], $0xffff  }
0x4b0: {  	v8 =	vadd.s32 $0x400, v11;
	v11 =	vld.idx.msk [tilespmem:v6+s3+$0x0], $0xffff  }
0x4b1: {  	v13 =	vadd.s32 $0x400, v13;
	v5 =	vld.idx.msk [tilespmem:v5+s3+$0x0], $0xffff  }
0x4b2: {  	v18 =	vadd.s32 $0x400, v14;
	v17 =	vld.idx.msk [tilespmem:v3+s3+$0x0], $0xffff  }
0x4b3: {  	v12 =	vadd.s32 $0x400, v12;
	v9 =	vadd.s32 $0x400, v9;
	v21 =	vld.idx.msk [tilespmem:v2+s3+$0x0], $0xffff  }
0x4b4: {  	v25 =	vadd.s32 $0x400, v10;
	v10 =	vshll.u32 v7, $0x10;
	v2 =	vand.u32 $0xFFFF0000, v7;
	v7 =	vld.idx.msk [tilespmem:v1+s3+$0x0], $0xffff  }
0x4b5: {  	v20 =	vadd.s32 $0x400, v15;
	v26 =	vadd.s32 $0x400, v4;
	v15 =	vld.idx.msk [tilespmem:v8+s3+$0x0], $0xffff  }
0x4b6: {  	v6 =	vimm.f32 $0.0e+00;
	v1 =	vshll.u32 v11, $0x10;
	v3 =	vand.u32 $0xFFFF0000, v11;
	v8 =	vld.idx.msk [tilespmem:v13+s3+$0x0], $0xffff  }
0x4b7: {  	v4 =	vshll.u32 v5, $0x10;
	v22 =	vand.u32 $0xFFFF0000, v17;
	v19 =	vshll.u32 v17, $0x10;
	v17 =	vld.idx.msk [tilespmem:v18+s3+$0x0], $0xffff  }
0x4b8: {  	v23 =	vand.u32 $0xFFFF0000, v5;
	v18 =	vand.u32 $0xFFFF0000, v16;
	v14 =	vadd.f32 v2, v6;
	v2 =	vld.idx.msk [tilespmem:v12+s3+$0x0], $0xffff  }
0x4b9: {  	v13 =	vimm.f32 $0.0e+00;
	v11 =	vadd.f32 v1, v6;
	v4 =	vadd.f32 v4, v6;
	v1 =	vld.idx.msk [tilespmem:v9+s3+$0x0], $0xffff  }
0x4ba: {  	v3 =	vadd.f32 v3, v6;
	v5 =	vadd.f32 v10, v6;
	v9 =	vshll.u32 v16, $0x10;
	v16 =	vld.idx.msk [tilespmem:v20+s3+$0x0], $0xffff  }
0x4bb: {  	v20 =	vshll.u32 v21, $0x10;
	v10 =	vadd.f32 v9, v4;
	v9 =	vld.idx.msk [tilespmem:v25+s3+$0x0], $0xffff;
	v25 =	vand.u32 $0xFFFF0000, v21  }
0x4bc: {  	v12 =	vshll.u32 v7, $0x10;
	v24 =	vand.u32 $0xFFFF0000, v7;
	v4 =	vand.u32 $0xFFFF0000, v15  }
0x4bd: {  	s21 =	simm.s32 $0x7830;
	s20 =	simm.s32 $0x0;
	v7 =	vimm.f32 $0.0e+00;
	v5 =	vadd.f32 v12, v5;
	v21 =	vand.u32 $0xFFFF0000, v2;
	v12 =	vld.idx.msk [tilespmem:v26+s3+$0x0], $0xffff  }
.LBB2_24:
0x4be: {  	v26 =	vld [tilespmem:s21+$0x100];
	s20 =	sadd.s32 $0x2, s20;
	v6 =	vadd.f32 v23, v6;
	v23 =	vand.u32 $0xFFFF0000, v0;
	v15 =	vshll.u32 v15, $0x10  }
0x4bf: {  	v7 =	vadd.f32 v22, v7;
	v22 =	vand.u32 $0xFFFF0000, v1;
	v28 =	vshll.u32 v8, $0x10;
	v27 =	vld [tilespmem:s21+$0xFFFFFE00];
	p0 =	slt.u32 s20, $0x16  }
0x4c0: {  	v14 =	vadd.f32 v24, v14;
	v0 =	vshll.u32 v0, $0x10;
	v24 =	vand.u32 $0xFFFF0000, v17;
	v29 =	vld [tilespmem:s21+$0xFFFFFE80]  }
0x4c1: {  	v13 =	vadd.f32 v19, v13;
	v17 =	vshll.u32 v17, $0x10;
	v19 =	vand.u32 $0xFFFF0000, v9;
	v30 =	vld [tilespmem:s21+$0xFFFFFC80]  }
0x4c2: {  	v7 =	vadd.f32 v25, v7;
	v11 =	vadd.f32 v17, v11;
	v17 =	vshll.u32 v16, $0x10;
	v31 =	vld [tilespmem:s21+$0x280]  }
0x4c3: {  	v8 =	vand.u32 $0xFFFF0000, v8;
	v6 =	vadd.f32 v18, v6;
	v25 =	vld [tilespmem:s21+$0xFFFFFD00];
	v26 =	vadd.s32 $0x400, v26  }
0x4c4: {  	v13 =	vadd.f32 v20, v13;
	v14 =	vadd.f32 v21, v14;
	v16 =	vand.u32 $0xFFFF0000, v16;
	v18 =	vld [tilespmem:s21+$0xFFFFFD80]  }
0x4c5: {  	v9 =	vshll.u32 v9, $0x10;
	v7 =	vadd.f32 v16, v7;
	v16 =	vand.u32 $0xFFFF0000, v12;
	v20 =	vld [tilespmem:s21+$0xFFFFFC00]  }
0x4c6: {  	v10 =	vadd.f32 v0, v10;
	v6 =	vadd.f32 v23, v6;
	v12 =	vshll.u32 v12, $0x10;
	v21 =	vld [tilespmem:s21+$0xFFFFFF00]  }
0x4c7: {  	v0 =	vshll.u32 v2, $0x10;
	v3 =	vadd.f32 v24, v3;
	v7 =	vadd.f32 v16, v7;
	v23 =	vld [tilespmem:s21+$0x200]  }
0x4c8: {  	v5 =	vadd.f32 v0, v5;
	v11 =	vadd.f32 v15, v11;
	v2 =	vld [tilespmem:s21+$0x300]  }
0x4c9: {  	v1 =	vshll.u32 v1, $0x10;
	v3 =	vadd.f32 v4, v3;
	v4 =	vadd.f32 v9, v10;
	v0 =	vld.idx.msk [tilespmem:v26+s3+$0x0], $0xffff  }
0x4ca: {  	v11 =	vadd.f32 v28, v11;
	v10 =	vadd.s32 $0x400, v18;
	v9 =	vadd.s32 $0x400, v20;
	v15 =	vld [tilespmem:s21+$0x180]  }
0x4cb: {  	v5 =	vadd.f32 v1, v5;
	v16 =	vadd.s32 $0x400, v25;
	v18 =	vadd.s32 $0x400, v21;
	v20 =	vld [tilespmem:s21+$0x0]  }
0x4cc: {  	v13 =	vadd.f32 v17, v13;
	v3 =	vadd.f32 v8, v3;
	v1 =	vadd.s32 $0x400, v30;
	v21 =	vld [tilespmem:s21+$0x380]  }
0x4cd: {  	v14 =	vadd.f32 v22, v14;
	v6 =	vadd.f32 v19, v6;
	v8 =	vadd.s32 $0x400, v29;
	v17 =	vld [tilespmem:s21+$0xFFFFFF80]  }
0x4ce: {  	v19 =	vadd.s32 $0x400, v27;
	v13 =	vadd.f32 v12, v13;
	v22 =	vld [tilespmem:s21+$0x80]  }
0x4cf: {  	v9 =	vld.idx.msk [tilespmem:v9+s3+$0x0], $0xffff;
	v12 =	vadd.s32 $0x400, v15  }
0x4d0: {  	v18 =	vld.idx.msk [tilespmem:v18+s3+$0x0], $0xffff;
	v20 =	vadd.s32 $0x400, v20  }
0x4d1: {  	v10 =	vld.idx.msk [tilespmem:v10+s3+$0x0], $0xffff;
	v21 =	vadd.s32 $0x400, v21  }
0x4d2: {  	v24 =	vadd.s32 $0x400, v23;
	v16 =	vld.idx.msk [tilespmem:v16+s3+$0x0], $0xffff  }
0x4d3: {  	v17 =	vadd.s32 $0x400, v17;
	v25 =	vld.idx.msk [tilespmem:v1+s3+$0x0], $0xffff;
	v26 =	vadd.s32 $0x400, v22  }
0x4d4: {  	v28 =	vadd.s32 $0x400, v2;
	v27 =	vld.idx.msk [tilespmem:v8+s3+$0x0], $0xffff  }
0x4d5: {  	v29 =	vshll.u32 v9, $0x10;
	v1 =	vand.u32 $0xFFFF0000, v9;
	v9 =	vld.idx.msk [tilespmem:v19+s3+$0x0], $0xffff  }
0x4d6: {  	v15 =	vld.idx.msk [tilespmem:v12+s3+$0x0], $0xffff;
	v12 =	vadd.s32 $0x400, v31  }
0x4d7: {  	v14 =	vadd.f32 v1, v14;
	v1 =	vshll.u32 v10, $0x10;
	v10 =	vand.u32 $0xFFFF0000, v10;
	v2 =	vld.idx.msk [tilespmem:v20+s3+$0x0], $0xffff  }
0x4d8: {  	v19 =	vshll.u32 v16, $0x10;
	v23 =	vand.u32 $0xFFFF0000, v16;
	v11 =	vadd.f32 v1, v11;
	v8 =	vld.idx.msk [tilespmem:v21+s3+$0x0], $0xffff  }
.Ltmp11:
0x4d9: {  	v3 =	vadd.f32 v10, v3;
	v22 =	vand.u32 $0xFFFF0000, v25;
	v4 =	vadd.f32 v19, v4;
	v1 =	vld.idx.msk [tilespmem:v24+s3+$0x0], $0xffff;
	(pc) =	sbr.rel @p0 .LBB2_24-.Ltmp11, $4  }
0x4da: {  	v5 =	vadd.f32 v29, v5;
	v10 =	vshll.u32 v18, $0x10;
	v19 =	vshll.u32 v25, $0x10;
	v17 =	vld.idx.msk [tilespmem:v17+s3+$0x0], $0xffff  }
0x4db: {  	v16 =	vshll.u32 v9, $0x10;
	v24 =	vand.u32 $0xFFFF0000, v9;
	v10 =	vadd.f32 v10, v4;
	v9 =	vld.idx.msk [tilespmem:v28+s3+$0x0], $0xffff  }
0x4dc: {  	v18 =	vand.u32 $0xFFFF0000, v18;
	v5 =	vadd.f32 v16, v5;
	v4 =	vand.u32 $0xFFFF0000, v15;
	v16 =	vld.idx.msk [tilespmem:v26+s3+$0x0], $0xffff  }
0x4dd: {  	s21 =	sadd.s32 $0x800, s21;
	v20 =	vshll.u32 v27, $0x10;
	v25 =	vand.u32 $0xFFFF0000, v27;
	v21 =	vand.u32 $0xFFFF0000, v2;
	v12 =	vld.idx.msk [tilespmem:v12+s3+$0x0], $0xffff  }
0x4de: {  	v6 =	vadd.f32 v23, v6  }
0x4df: {  	v23 =	vand.u32 $0xFFFF0000, v0;
	v15 =	vshll.u32 v15, $0x10;
	v7 =	vadd.f32 v22, v7;
	v22 =	vld [tilespmem:$0xCC30]  }
0x4e0: {  	v26 =	vand.u32 $0xFFFF0000, v1;
	v14 =	vadd.f32 v24, v14;
	v24 =	vshll.u32 v8, $0x10  }
0x4e1: {  	v13 =	vadd.f32 v19, v13;
	v19 =	vshll.u32 v17, $0x10;
	v7 =	vadd.f32 v25, v7;
	v25 =	vld [tilespmem:$0xCCB0]  }
0x4e2: {  	v0 =	vshll.u32 v0, $0x10;
	v8 =	vand.u32 $0xFFFF0000, v8;
	v11 =	vadd.f32 v19, v11;
	v19 =	vld [tilespmem:$0xCD30]  }
0x4e3: {  	v2 =	vshll.u32 v2, $0x10;
	v6 =	vadd.f32 v18, v6;
	v13 =	vadd.f32 v20, v13;
	v20 =	vld [tilespmem:$0xCDB0]  }
0x4e4: {  	v14 =	vadd.f32 v21, v14;
	v21 =	vand.u32 $0xFFFF0000, v16;
	v22 =	vadd.s32 $0x400, v22  }
0x4e5: {  	v1 =	vshll.u32 v1, $0x10;
	v17 =	vand.u32 $0xFFFF0000, v17;
	v7 =	vadd.f32 v21, v7;
	v21 =	vld [tilespmem:$0xCE30]  }
0x4e6: {  	v0 =	vadd.f32 v0, v10;
	v6 =	vadd.f32 v23, v6;
	v23 =	vld [tilespmem:$0xCEB0];
	v10 =	vadd.s32 $0x400, v25  }
0x4e7: {  	v3 =	vadd.f32 v17, v3;
	v25 =	vand.u32 $0xFFFF0000, v12;
	v17 =	vadd.s32 $0x400, v19;
	v19 =	vld [tilespmem:$0xCF30]  }
0x4e8: {  	v2 =	vadd.f32 v2, v5;
	v20 =	vadd.s32 $0x400, v20;
	v7 =	vadd.f32 v25, v7;
	v25 =	vld [tilespmem:$0xCFB0]  }
0x4e9: {  	v18 =	vand.u32 $0xFFFF0000, v9;
	v9 =	vshll.u32 v9, $0x10;
	v16 =	vshll.u32 v16, $0x10;
	v5 =	vld.idx.msk [tilespmem:v22+s3+$0x0], $0xffff  }
0x4ea: {  	v0 =	vadd.f32 v9, v0;
	v3 =	vadd.f32 v4, v3;
	v4 =	vadd.s32 $0x400, v21  }
0x4eb: {  	v1 =	vadd.f32 v1, v2;
	v11 =	vadd.f32 v15, v11;
	v9 =	vld.idx.msk [tilespmem:v10+s3+$0x0], $0xffff;
	v10 =	vadd.s32 $0x400, v23  }
0x4ec: {  	v13 =	vadd.f32 v16, v13;
	v14 =	vadd.f32 v26, v14;
	v2 =	vld.idx.msk [tilespmem:v17+s3+$0x0], $0xffff;
	v15 =	vadd.s32 $0x400, v19  }
0x4ed: {  	v11 =	vadd.f32 v24, v11;
	v3 =	vadd.f32 v8, v3;
	v8 =	vld.idx.msk [tilespmem:v20+s3+$0x0], $0xffff;
	v16 =	vadd.s32 $0x400, v25  }
0x4ee: {  	v6 =	vadd.f32 v18, v6;
	v12 =	vshll.u32 v12, $0x10;
	v17 =	vshll.u32 v5, $0x10  }
0x4ef: {  	v12 =	vadd.f32 v12, v13;
	v4 =	vld.idx.msk [tilespmem:v4+s3+$0x0], $0xffff;
	v5 =	vand.u32 $0xFFFF0000, v5;
	v1 =	vadd.f32 v17, v1  }
0x4f0: {  	v5 =	vadd.f32 v5, v14;
	v13 =	vshll.u32 v9, $0x10;
	v9 =	vand.u32 $0xFFFF0000, v9;
	v10 =	vld.idx.msk [tilespmem:v10+s3+$0x0], $0xffff  }
0x4f1: {  	v12 =	vadd.f32 v13, v12;
	v7 =	vadd.f32 v9, v7;
	v9 =	vshll.u32 v2, $0x10;
	v13 =	vld.idx.msk [tilespmem:v15+s3+$0x0], $0xffff  }
0x4f2: {  	v2 =	vand.u32 $0xFFFF0000, v2;
	v14 =	vld.idx.msk [tilespmem:v16+s3+$0x0], $0xffff;
	v0 =	vadd.f32 v9, v0;
	v9 =	vshll.u32 v8, $0x10  }
0x4f3: {  	v2 =	vadd.f32 v2, v6;
	v8 =	vand.u32 $0xFFFF0000, v8;
	v6 =	vadd.f32 v9, v11  }
0x4f4: {  	v3 =	vadd.f32 v8, v3;
	v8 =	vshll.u32 v4, $0x10;
	v4 =	vand.u32 $0xFFFF0000, v4  }
0x4f5: {  	v1 =	vadd.f32 v8, v1;
	v4 =	vadd.f32 v4, v5;
	v5 =	vshll.u32 v10, $0x10  }
0x4f6: {  	v8 =	vand.u32 $0xFFFF0000, v10;
	v5 =	vadd.f32 v5, v12;
	v9 =	vshll.u32 v13, $0x10  }
0x4f7: {  	v7 =	vadd.f32 v8, v7;
	v8 =	vshll.u32 v14, $0x10;
	v0 =	vadd.f32 v9, v0  }
0x4f8: {  	v9 =	vand.u32 $0xFFFF0000, v13;
	v6 =	vadd.f32 v8, v6;
	v8 =	vand.u32 $0xFFFF0000, v14  }
0x4f9: {  	v2 =	vadd.f32 v9, v2;
	v3 =	vadd.f32 v8, v3;
	v8 =	vld [tilespmem:$0xD030]  }
0x4fa: {  	v1 =	vadd.f32 v5, v1;
	v5 =	vld [tilespmem:$0xD0B0];
	v4 =	vadd.f32 v7, v4  }
0x4fb: {  	v0 =	vadd.f32 v6, v0;
	v2 =	vadd.f32 v3, v2;
	_ =	sdelay $0x1  }
0x4fc: {  	v0 =	vadd.f32 v0, v1;
	v1 =	vadd.f32 v2, v4;
	_ =	sdelay $0x1  }
0x4fd: {  	v0 =	vadd.f32 v0, v8;
	v1 =	vadd.f32 v1, v5;
	_ =	sdelay $0x1  }
0x4fe: {  	v0 =	vmul.f32 $4.999999890e-03, v0;
	v1 =	vmul.f32 $4.999999890e-03, v1;
	_ =	sdelay $0x1  }
0x4ff: {  	v2 =	vmul.f32 $9.999999770e-03, v0;
	v3 =	vmul.f32 $9.999999770e-03, v1  }
0x500: {  	vm0 =	vge.f32 v0, $0.0e+00;
	vm1 =	vge.f32 v1, $0.0e+00  }
0x501: {  	v0 =	vsel vm0, v0, v2;
	v1 =	vsel vm1, v1, v3  }
0x502: {  	v2 =	vmax.f32 v0, v1  }
0x503: {  	v0 =	vsub.f32 v0, v2  }
0x504: {  	v1 =	vsub.f32 v1, v2  }
0x505: {  	v2 =	vmul.f32 $1.442695020e+00, v0  }
0x506: {  	v3 =	vmul.f32 $1.442695020e+00, v1  }
0x507: {  	(erf) = vpow2.f32 v2  }
0x508: {  	(erf) = vpow2.f32 v3;
	_ =	sdelay $0x7  }
0x509: {  	v2 =	vpop (erf)  }
0x50a: {  	v3 =	vpop (erf)  }
0x50b: {  	v2 =	vadd.f32 v3, v2;
	_ =	sdelay $0x1  }
0x50c: {  	v3 =	vadd.f32 $1.000000000e+00, v2;
	_ =	sdelay $0x1  }
0x50d: {  	(erf) = vrcp.f32 v3;
	_ =	sdelay $0x7  }
0x50e: {  	v2 =	vadd.f32 $-1.000000000e+00, v2  }
0x50f: {  	v3 =	vpop (erf)  }
0x510: {  	v2 =	vmul.f32 v3, v2;
	_ =	sdelay $0x1  }
0x511: {  	v3 =	vmul.f32 v2, v2;
	_ =	sdelay $0x1  }
0x512: {  	v4 =	vmul.f32 $2.857142980e-01, v3;
	_ =	sdelay $0x1  }
0x513: {  	v4 =	vadd.f32 $4.000000060e-01, v4;
	_ =	sdelay $0x1  }
0x514: {  	v4 =	vmul.f32 v4, v3;
	_ =	sdelay $0x1  }
0x515: {  	v4 =	vadd.f32 $6.666666860e-01, v4;
	_ =	sdelay $0x1  }
0x516: {  	v3 =	vmul.f32 v4, v3;
	_ =	sdelay $0x1  }
0x517: {  	v3 =	vadd.f32 $2.000000000e+00, v3;
	_ =	sdelay $0x1  }
0x518: {  	v2 =	vmul.f32 v3, v2;
	_ =	sdelay $0x1  }
0x519: {  	v0 =	vsub.f32 v0, v2  }
0x51a: {  	v1 =	vsub.f32 v1, v2  }
0x51b: {  	[tilespmem:$0xD130] =	vst v0  }
0x51c: {  	s20 =	simm.s32 $0x7040;
	[tilespmem:$0xD1B0] =	vst v1  }
0x51d: {  	v0 =	vld [tilespmem:s20+$0x100]  }
0x51e: {  	v1 =	vld [tilespmem:s20+$0xFFFFFE00]  }
0x51f: {  	v2 =	vld [tilespmem:s20+$0xFFFFFE80]  }
0x520: {  	v3 =	vld [tilespmem:s20+$0xFFFFFC80]  }
0x521: {  	v4 =	vld [tilespmem:s20+$0x280]  }
0x522: {  	v5 =	vld [tilespmem:s20+$0xFFFFFD00]  }
0x523: {  	v6 =	vld [tilespmem:s20+$0xFFFFFD80]  }
0x524: {  	v7 =	vld [tilespmem:s20+$0xFFFFFC00]  }
0x525: {  	v8 =	vld [tilespmem:s20+$0xFFFFFF00]  }
0x526: {  	v9 =	vld [tilespmem:s20+$0x200]  }
0x527: {  	v10 =	vld [tilespmem:s20+$0x300]  }
0x528: {  	v11 =	vld [tilespmem:s20+$0x180];
	v0 =	vadd.s32 $0x400, v0  }
0x529: {  	v12 =	vld [tilespmem:s20+$0x0];
	v7 =	vadd.s32 $0x400, v7  }
0x52a: {  	v13 =	vld [tilespmem:s20+$0x380];
	v8 =	vadd.s32 $0x400, v8  }
0x52b: {  	v14 =	vld [tilespmem:s20+$0xFFFFFF80];
	v6 =	vadd.s32 $0x400, v6  }
0x52c: {  	v15 =	vld [tilespmem:s20+$0x80];
	v5 =	vadd.s32 $0x400, v5  }
0x52d: {  	v3 =	vadd.s32 $0x400, v3;
	v0 =	vld.idx.msk [tilespmem:v0+s3+$0x0], $0xffff  }
0x52e: {  	v2 =	vadd.s32 $0x400, v2;
	v7 =	vld.idx.msk [tilespmem:v7+s3+$0x0], $0xffff  }
0x52f: {  	v1 =	vadd.s32 $0x400, v1;
	v16 =	vld.idx.msk [tilespmem:v8+s3+$0x0], $0xffff  }
0x530: {  	v8 =	vadd.s32 $0x400, v11;
	v11 =	vld.idx.msk [tilespmem:v6+s3+$0x0], $0xffff  }
0x531: {  	v13 =	vadd.s32 $0x400, v13;
	v5 =	vld.idx.msk [tilespmem:v5+s3+$0x0], $0xffff  }
0x532: {  	v18 =	vadd.s32 $0x400, v14;
	v17 =	vld.idx.msk [tilespmem:v3+s3+$0x0], $0xffff  }
0x533: {  	v12 =	vadd.s32 $0x400, v12;
	v9 =	vadd.s32 $0x400, v9;
	v21 =	vld.idx.msk [tilespmem:v2+s3+$0x0], $0xffff  }
0x534: {  	v25 =	vadd.s32 $0x400, v10;
	v10 =	vshll.u32 v7, $0x10;
	v2 =	vand.u32 $0xFFFF0000, v7;
	v7 =	vld.idx.msk [tilespmem:v1+s3+$0x0], $0xffff  }
0x535: {  	v20 =	vadd.s32 $0x400, v15;
	v26 =	vadd.s32 $0x400, v4;
	v15 =	vld.idx.msk [tilespmem:v8+s3+$0x0], $0xffff  }
0x536: {  	v6 =	vimm.f32 $0.0e+00;
	v1 =	vshll.u32 v11, $0x10;
	v3 =	vand.u32 $0xFFFF0000, v11;
	v8 =	vld.idx.msk [tilespmem:v13+s3+$0x0], $0xffff  }
0x537: {  	v4 =	vshll.u32 v5, $0x10;
	v22 =	vand.u32 $0xFFFF0000, v17;
	v19 =	vshll.u32 v17, $0x10;
	v17 =	vld.idx.msk [tilespmem:v18+s3+$0x0], $0xffff  }
0x538: {  	v23 =	vand.u32 $0xFFFF0000, v5;
	v18 =	vand.u32 $0xFFFF0000, v16;
	v14 =	vadd.f32 v2, v6;
	v2 =	vld.idx.msk [tilespmem:v12+s3+$0x0], $0xffff  }
0x539: {  	v13 =	vimm.f32 $0.0e+00;
	v11 =	vadd.f32 v1, v6;
	v4 =	vadd.f32 v4, v6;
	v1 =	vld.idx.msk [tilespmem:v9+s3+$0x0], $0xffff  }
0x53a: {  	v3 =	vadd.f32 v3, v6;
	v5 =	vadd.f32 v10, v6;
	v9 =	vshll.u32 v16, $0x10;
	v16 =	vld.idx.msk [tilespmem:v20+s3+$0x0], $0xffff  }
0x53b: {  	v20 =	vshll.u32 v21, $0x10;
	v10 =	vadd.f32 v9, v4;
	v9 =	vld.idx.msk [tilespmem:v25+s3+$0x0], $0xffff;
	v25 =	vand.u32 $0xFFFF0000, v21  }
0x53c: {  	v12 =	vshll.u32 v7, $0x10;
	v24 =	vand.u32 $0xFFFF0000, v7;
	v4 =	vand.u32 $0xFFFF0000, v15  }
0x53d: {  	s21 =	simm.s32 $0x7840;
	s20 =	simm.s32 $0x0;
	v7 =	vimm.f32 $0.0e+00;
	v5 =	vadd.f32 v12, v5;
	v21 =	vand.u32 $0xFFFF0000, v2;
	v12 =	vld.idx.msk [tilespmem:v26+s3+$0x0], $0xffff  }
.LBB2_26:
0x53e: {  	v26 =	vld [tilespmem:s21+$0x100];
	s20 =	sadd.s32 $0x2, s20;
	v6 =	vadd.f32 v23, v6;
	v23 =	vand.u32 $0xFFFF0000, v0;
	v15 =	vshll.u32 v15, $0x10  }
0x53f: {  	v7 =	vadd.f32 v22, v7;
	v22 =	vand.u32 $0xFFFF0000, v1;
	v28 =	vshll.u32 v8, $0x10;
	v27 =	vld [tilespmem:s21+$0xFFFFFE00];
	p0 =	slt.u32 s20, $0x16  }
0x540: {  	v14 =	vadd.f32 v24, v14;
	v0 =	vshll.u32 v0, $0x10;
	v24 =	vand.u32 $0xFFFF0000, v17;
	v29 =	vld [tilespmem:s21+$0xFFFFFE80]  }
0x541: {  	v13 =	vadd.f32 v19, v13;
	v17 =	vshll.u32 v17, $0x10;
	v19 =	vand.u32 $0xFFFF0000, v9;
	v30 =	vld [tilespmem:s21+$0xFFFFFC80]  }
0x542: {  	v7 =	vadd.f32 v25, v7;
	v11 =	vadd.f32 v17, v11;
	v17 =	vshll.u32 v16, $0x10;
	v31 =	vld [tilespmem:s21+$0x280]  }
0x543: {  	v8 =	vand.u32 $0xFFFF0000, v8;
	v6 =	vadd.f32 v18, v6;
	v25 =	vld [tilespmem:s21+$0xFFFFFD00];
	v26 =	vadd.s32 $0x400, v26  }
0x544: {  	v13 =	vadd.f32 v20, v13;
	v14 =	vadd.f32 v21, v14;
	v16 =	vand.u32 $0xFFFF0000, v16;
	v18 =	vld [tilespmem:s21+$0xFFFFFD80]  }
0x545: {  	v9 =	vshll.u32 v9, $0x10;
	v7 =	vadd.f32 v16, v7;
	v16 =	vand.u32 $0xFFFF0000, v12;
	v20 =	vld [tilespmem:s21+$0xFFFFFC00]  }
0x546: {  	v10 =	vadd.f32 v0, v10;
	v6 =	vadd.f32 v23, v6;
	v12 =	vshll.u32 v12, $0x10;
	v21 =	vld [tilespmem:s21+$0xFFFFFF00]  }
0x547: {  	v0 =	vshll.u32 v2, $0x10;
	v3 =	vadd.f32 v24, v3;
	v7 =	vadd.f32 v16, v7;
	v23 =	vld [tilespmem:s21+$0x200]  }
0x548: {  	v5 =	vadd.f32 v0, v5;
	v11 =	vadd.f32 v15, v11;
	v2 =	vld [tilespmem:s21+$0x300]  }
0x549: {  	v1 =	vshll.u32 v1, $0x10;
	v3 =	vadd.f32 v4, v3;
	v4 =	vadd.f32 v9, v10;
	v0 =	vld.idx.msk [tilespmem:v26+s3+$0x0], $0xffff  }
0x54a: {  	v11 =	vadd.f32 v28, v11;
	v10 =	vadd.s32 $0x400, v18;
	v9 =	vadd.s32 $0x400, v20;
	v15 =	vld [tilespmem:s21+$0x180]  }
0x54b: {  	v5 =	vadd.f32 v1, v5;
	v16 =	vadd.s32 $0x400, v25;
	v18 =	vadd.s32 $0x400, v21;
	v20 =	vld [tilespmem:s21+$0x0]  }
0x54c: {  	v13 =	vadd.f32 v17, v13;
	v3 =	vadd.f32 v8, v3;
	v1 =	vadd.s32 $0x400, v30;
	v21 =	vld [tilespmem:s21+$0x380]  }
0x54d: {  	v14 =	vadd.f32 v22, v14;
	v6 =	vadd.f32 v19, v6;
	v8 =	vadd.s32 $0x400, v29;
	v17 =	vld [tilespmem:s21+$0xFFFFFF80]  }
0x54e: {  	v19 =	vadd.s32 $0x400, v27;
	v13 =	vadd.f32 v12, v13;
	v22 =	vld [tilespmem:s21+$0x80]  }
0x54f: {  	v9 =	vld.idx.msk [tilespmem:v9+s3+$0x0], $0xffff;
	v12 =	vadd.s32 $0x400, v15  }
0x550: {  	v18 =	vld.idx.msk [tilespmem:v18+s3+$0x0], $0xffff;
	v20 =	vadd.s32 $0x400, v20  }
0x551: {  	v10 =	vld.idx.msk [tilespmem:v10+s3+$0x0], $0xffff;
	v21 =	vadd.s32 $0x400, v21  }
0x552: {  	v24 =	vadd.s32 $0x400, v23;
	v16 =	vld.idx.msk [tilespmem:v16+s3+$0x0], $0xffff  }
0x553: {  	v17 =	vadd.s32 $0x400, v17;
	v25 =	vld.idx.msk [tilespmem:v1+s3+$0x0], $0xffff;
	v26 =	vadd.s32 $0x400, v22  }
0x554: {  	v28 =	vadd.s32 $0x400, v2;
	v27 =	vld.idx.msk [tilespmem:v8+s3+$0x0], $0xffff  }
0x555: {  	v29 =	vshll.u32 v9, $0x10;
	v1 =	vand.u32 $0xFFFF0000, v9;
	v9 =	vld.idx.msk [tilespmem:v19+s3+$0x0], $0xffff  }
0x556: {  	v15 =	vld.idx.msk [tilespmem:v12+s3+$0x0], $0xffff;
	v12 =	vadd.s32 $0x400, v31  }
0x557: {  	v14 =	vadd.f32 v1, v14;
	v1 =	vshll.u32 v10, $0x10;
	v10 =	vand.u32 $0xFFFF0000, v10;
	v2 =	vld.idx.msk [tilespmem:v20+s3+$0x0], $0xffff  }
0x558: {  	v19 =	vshll.u32 v16, $0x10;
	v23 =	vand.u32 $0xFFFF0000, v16;
	v11 =	vadd.f32 v1, v11;
	v8 =	vld.idx.msk [tilespmem:v21+s3+$0x0], $0xffff  }
.Ltmp12:
0x559: {  	v3 =	vadd.f32 v10, v3;
	v22 =	vand.u32 $0xFFFF0000, v25;
	v4 =	vadd.f32 v19, v4;
	v1 =	vld.idx.msk [tilespmem:v24+s3+$0x0], $0xffff;
	(pc) =	sbr.rel @p0 .LBB2_26-.Ltmp12, $4  }
0x55a: {  	v5 =	vadd.f32 v29, v5;
	v10 =	vshll.u32 v18, $0x10;
	v19 =	vshll.u32 v25, $0x10;
	v17 =	vld.idx.msk [tilespmem:v17+s3+$0x0], $0xffff  }
0x55b: {  	v16 =	vshll.u32 v9, $0x10;
	v24 =	vand.u32 $0xFFFF0000, v9;
	v10 =	vadd.f32 v10, v4;
	v9 =	vld.idx.msk [tilespmem:v28+s3+$0x0], $0xffff  }
0x55c: {  	v18 =	vand.u32 $0xFFFF0000, v18;
	v5 =	vadd.f32 v16, v5;
	v4 =	vand.u32 $0xFFFF0000, v15;
	v16 =	vld.idx.msk [tilespmem:v26+s3+$0x0], $0xffff  }
0x55d: {  	s21 =	sadd.s32 $0x800, s21;
	v20 =	vshll.u32 v27, $0x10;
	v25 =	vand.u32 $0xFFFF0000, v27;
	v21 =	vand.u32 $0xFFFF0000, v2;
	v12 =	vld.idx.msk [tilespmem:v12+s3+$0x0], $0xffff  }
0x55e: {  	v6 =	vadd.f32 v23, v6  }
0x55f: {  	v23 =	vand.u32 $0xFFFF0000, v0;
	v15 =	vshll.u32 v15, $0x10;
	v7 =	vadd.f32 v22, v7;
	v22 =	vld [tilespmem:$0xCC40]  }
0x560: {  	v26 =	vand.u32 $0xFFFF0000, v1;
	v14 =	vadd.f32 v24, v14;
	v24 =	vshll.u32 v8, $0x10  }
0x561: {  	v13 =	vadd.f32 v19, v13;
	v19 =	vshll.u32 v17, $0x10;
	v7 =	vadd.f32 v25, v7;
	v25 =	vld [tilespmem:$0xCCC0]  }
0x562: {  	v0 =	vshll.u32 v0, $0x10;
	v8 =	vand.u32 $0xFFFF0000, v8;
	v11 =	vadd.f32 v19, v11;
	v19 =	vld [tilespmem:$0xCD40]  }
0x563: {  	v2 =	vshll.u32 v2, $0x10;
	v6 =	vadd.f32 v18, v6;
	v13 =	vadd.f32 v20, v13;
	v20 =	vld [tilespmem:$0xCDC0]  }
0x564: {  	v14 =	vadd.f32 v21, v14;
	v21 =	vand.u32 $0xFFFF0000, v16;
	v22 =	vadd.s32 $0x400, v22  }
0x565: {  	v1 =	vshll.u32 v1, $0x10;
	v17 =	vand.u32 $0xFFFF0000, v17;
	v7 =	vadd.f32 v21, v7;
	v21 =	vld [tilespmem:$0xCE40]  }
0x566: {  	v0 =	vadd.f32 v0, v10;
	v6 =	vadd.f32 v23, v6;
	v23 =	vld [tilespmem:$0xCEC0];
	v10 =	vadd.s32 $0x400, v25  }
0x567: {  	v3 =	vadd.f32 v17, v3;
	v25 =	vand.u32 $0xFFFF0000, v12;
	v17 =	vadd.s32 $0x400, v19;
	v19 =	vld [tilespmem:$0xCF40]  }
0x568: {  	v2 =	vadd.f32 v2, v5;
	v20 =	vadd.s32 $0x400, v20;
	v7 =	vadd.f32 v25, v7;
	v25 =	vld [tilespmem:$0xCFC0]  }
0x569: {  	v18 =	vand.u32 $0xFFFF0000, v9;
	v9 =	vshll.u32 v9, $0x10;
	v16 =	vshll.u32 v16, $0x10;
	v5 =	vld.idx.msk [tilespmem:v22+s3+$0x0], $0xffff  }
0x56a: {  	v0 =	vadd.f32 v9, v0;
	v3 =	vadd.f32 v4, v3;
	v4 =	vadd.s32 $0x400, v21  }
0x56b: {  	v1 =	vadd.f32 v1, v2;
	v11 =	vadd.f32 v15, v11;
	v9 =	vld.idx.msk [tilespmem:v10+s3+$0x0], $0xffff;
	v10 =	vadd.s32 $0x400, v23  }
0x56c: {  	v13 =	vadd.f32 v16, v13;
	v14 =	vadd.f32 v26, v14;
	v2 =	vld.idx.msk [tilespmem:v17+s3+$0x0], $0xffff;
	v15 =	vadd.s32 $0x400, v19  }
0x56d: {  	v11 =	vadd.f32 v24, v11;
	v3 =	vadd.f32 v8, v3;
	v8 =	vld.idx.msk [tilespmem:v20+s3+$0x0], $0xffff;
	v16 =	vadd.s32 $0x400, v25  }
0x56e: {  	v6 =	vadd.f32 v18, v6;
	v12 =	vshll.u32 v12, $0x10;
	v17 =	vshll.u32 v5, $0x10  }
0x56f: {  	v12 =	vadd.f32 v12, v13;
	v4 =	vld.idx.msk [tilespmem:v4+s3+$0x0], $0xffff;
	v5 =	vand.u32 $0xFFFF0000, v5;
	v1 =	vadd.f32 v17, v1  }
0x570: {  	v5 =	vadd.f32 v5, v14;
	v13 =	vshll.u32 v9, $0x10;
	v9 =	vand.u32 $0xFFFF0000, v9;
	v10 =	vld.idx.msk [tilespmem:v10+s3+$0x0], $0xffff  }
0x571: {  	v12 =	vadd.f32 v13, v12;
	v7 =	vadd.f32 v9, v7;
	v9 =	vshll.u32 v2, $0x10;
	v13 =	vld.idx.msk [tilespmem:v15+s3+$0x0], $0xffff  }
0x572: {  	v2 =	vand.u32 $0xFFFF0000, v2;
	v14 =	vld.idx.msk [tilespmem:v16+s3+$0x0], $0xffff;
	v0 =	vadd.f32 v9, v0;
	v9 =	vshll.u32 v8, $0x10  }
0x573: {  	v2 =	vadd.f32 v2, v6;
	v8 =	vand.u32 $0xFFFF0000, v8;
	v6 =	vadd.f32 v9, v11  }
0x574: {  	v3 =	vadd.f32 v8, v3;
	v8 =	vshll.u32 v4, $0x10;
	v4 =	vand.u32 $0xFFFF0000, v4  }
0x575: {  	v1 =	vadd.f32 v8, v1;
	v4 =	vadd.f32 v4, v5;
	v5 =	vshll.u32 v10, $0x10  }
0x576: {  	v8 =	vand.u32 $0xFFFF0000, v10;
	v5 =	vadd.f32 v5, v12;
	v9 =	vshll.u32 v13, $0x10  }
0x577: {  	v7 =	vadd.f32 v8, v7;
	v8 =	vshll.u32 v14, $0x10;
	v0 =	vadd.f32 v9, v0  }
0x578: {  	v9 =	vand.u32 $0xFFFF0000, v13;
	v6 =	vadd.f32 v8, v6;
	v8 =	vand.u32 $0xFFFF0000, v14  }
0x579: {  	v2 =	vadd.f32 v9, v2;
	v3 =	vadd.f32 v8, v3;
	v8 =	vld [tilespmem:$0xD040]  }
0x57a: {  	v1 =	vadd.f32 v5, v1;
	v5 =	vld [tilespmem:$0xD0C0];
	v4 =	vadd.f32 v7, v4  }
0x57b: {  	v0 =	vadd.f32 v6, v0;
	v2 =	vadd.f32 v3, v2;
	_ =	sdelay $0x1  }
0x57c: {  	v0 =	vadd.f32 v0, v1;
	v1 =	vadd.f32 v2, v4;
	_ =	sdelay $0x1  }
0x57d: {  	v0 =	vadd.f32 v0, v8;
	v1 =	vadd.f32 v1, v5;
	_ =	sdelay $0x1  }
0x57e: {  	v0 =	vmul.f32 $4.999999890e-03, v0;
	v1 =	vmul.f32 $4.999999890e-03, v1;
	_ =	sdelay $0x1  }
0x57f: {  	v2 =	vmul.f32 $9.999999770e-03, v0;
	v3 =	vmul.f32 $9.999999770e-03, v1  }
0x580: {  	vm0 =	vge.f32 v0, $0.0e+00;
	vm1 =	vge.f32 v1, $0.0e+00  }
0x581: {  	v0 =	vsel vm0, v0, v2;
	v1 =	vsel vm1, v1, v3  }
0x582: {  	v2 =	vmax.f32 v0, v1  }
0x583: {  	v0 =	vsub.f32 v0, v2  }
0x584: {  	v1 =	vsub.f32 v1, v2  }
0x585: {  	v2 =	vmul.f32 $1.442695020e+00, v0  }
0x586: {  	v3 =	vmul.f32 $1.442695020e+00, v1  }
0x587: {  	(erf) = vpow2.f32 v2  }
0x588: {  	(erf) = vpow2.f32 v3;
	_ =	sdelay $0x7  }
0x589: {  	v2 =	vpop (erf)  }
0x58a: {  	v3 =	vpop (erf)  }
0x58b: {  	v2 =	vadd.f32 v3, v2;
	_ =	sdelay $0x1  }
0x58c: {  	v3 =	vadd.f32 $1.000000000e+00, v2;
	_ =	sdelay $0x1  }
0x58d: {  	(erf) = vrcp.f32 v3;
	_ =	sdelay $0x7  }
0x58e: {  	v2 =	vadd.f32 $-1.000000000e+00, v2  }
0x58f: {  	v3 =	vpop (erf)  }
0x590: {  	v2 =	vmul.f32 v3, v2;
	_ =	sdelay $0x1  }
0x591: {  	v3 =	vmul.f32 v2, v2;
	_ =	sdelay $0x1  }
0x592: {  	v4 =	vmul.f32 $2.857142980e-01, v3;
	_ =	sdelay $0x1  }
0x593: {  	v4 =	vadd.f32 $4.000000060e-01, v4;
	_ =	sdelay $0x1  }
0x594: {  	v4 =	vmul.f32 v4, v3;
	_ =	sdelay $0x1  }
0x595: {  	v4 =	vadd.f32 $6.666666860e-01, v4;
	_ =	sdelay $0x1  }
0x596: {  	v3 =	vmul.f32 v4, v3;
	_ =	sdelay $0x1  }
0x597: {  	v3 =	vadd.f32 $2.000000000e+00, v3;
	_ =	sdelay $0x1  }
0x598: {  	v2 =	vmul.f32 v3, v2;
	_ =	sdelay $0x1  }
0x599: {  	v0 =	vsub.f32 v0, v2  }
0x59a: {  	v1 =	vsub.f32 v1, v2  }
0x59b: {  	[tilespmem:$0xD140] =	vst v0  }
0x59c: {  	s20 =	simm.s32 $0x7050;
	[tilespmem:$0xD1C0] =	vst v1  }
0x59d: {  	v0 =	vld [tilespmem:s20+$0x100]  }
0x59e: {  	v1 =	vld [tilespmem:s20+$0xFFFFFE00]  }
0x59f: {  	v2 =	vld [tilespmem:s20+$0xFFFFFE80]  }
0x5a0: {  	v3 =	vld [tilespmem:s20+$0xFFFFFC80]  }
0x5a1: {  	v4 =	vld [tilespmem:s20+$0x280]  }
0x5a2: {  	v5 =	vld [tilespmem:s20+$0xFFFFFD00]  }
0x5a3: {  	v6 =	vld [tilespmem:s20+$0xFFFFFD80]  }
0x5a4: {  	v7 =	vld [tilespmem:s20+$0xFFFFFC00]  }
0x5a5: {  	v8 =	vld [tilespmem:s20+$0xFFFFFF00]  }
0x5a6: {  	v9 =	vld [tilespmem:s20+$0x200]  }
0x5a7: {  	v10 =	vld [tilespmem:s20+$0x300]  }
0x5a8: {  	v11 =	vld [tilespmem:s20+$0x180];
	v0 =	vadd.s32 $0x400, v0  }
0x5a9: {  	v12 =	vld [tilespmem:s20+$0x0];
	v7 =	vadd.s32 $0x400, v7  }
0x5aa: {  	v13 =	vld [tilespmem:s20+$0x380];
	v8 =	vadd.s32 $0x400, v8  }
0x5ab: {  	v14 =	vld [tilespmem:s20+$0xFFFFFF80];
	v6 =	vadd.s32 $0x400, v6  }
0x5ac: {  	v15 =	vld [tilespmem:s20+$0x80];
	v5 =	vadd.s32 $0x400, v5  }
0x5ad: {  	v3 =	vadd.s32 $0x400, v3;
	v0 =	vld.idx.msk [tilespmem:v0+s3+$0x0], $0xffff  }
0x5ae: {  	v2 =	vadd.s32 $0x400, v2;
	v7 =	vld.idx.msk [tilespmem:v7+s3+$0x0], $0xffff  }
0x5af: {  	v1 =	vadd.s32 $0x400, v1;
	v16 =	vld.idx.msk [tilespmem:v8+s3+$0x0], $0xffff  }
0x5b0: {  	v8 =	vadd.s32 $0x400, v11;
	v11 =	vld.idx.msk [tilespmem:v6+s3+$0x0], $0xffff  }
0x5b1: {  	v13 =	vadd.s32 $0x400, v13;
	v5 =	vld.idx.msk [tilespmem:v5+s3+$0x0], $0xffff  }
0x5b2: {  	v18 =	vadd.s32 $0x400, v14;
	v17 =	vld.idx.msk [tilespmem:v3+s3+$0x0], $0xffff  }
0x5b3: {  	v12 =	vadd.s32 $0x400, v12;
	v9 =	vadd.s32 $0x400, v9;
	v21 =	vld.idx.msk [tilespmem:v2+s3+$0x0], $0xffff  }
0x5b4: {  	v25 =	vadd.s32 $0x400, v10;
	v10 =	vshll.u32 v7, $0x10;
	v2 =	vand.u32 $0xFFFF0000, v7;
	v7 =	vld.idx.msk [tilespmem:v1+s3+$0x0], $0xffff  }
0x5b5: {  	v20 =	vadd.s32 $0x400, v15;
	v26 =	vadd.s32 $0x400, v4;
	v15 =	vld.idx.msk [tilespmem:v8+s3+$0x0], $0xffff  }
0x5b6: {  	v6 =	vimm.f32 $0.0e+00;
	v1 =	vshll.u32 v11, $0x10;
	v3 =	vand.u32 $0xFFFF0000, v11;
	v8 =	vld.idx.msk [tilespmem:v13+s3+$0x0], $0xffff  }
0x5b7: {  	v4 =	vshll.u32 v5, $0x10;
	v22 =	vand.u32 $0xFFFF0000, v17;
	v19 =	vshll.u32 v17, $0x10;
	v17 =	vld.idx.msk [tilespmem:v18+s3+$0x0], $0xffff  }
0x5b8: {  	v23 =	vand.u32 $0xFFFF0000, v5;
	v18 =	vand.u32 $0xFFFF0000, v16;
	v14 =	vadd.f32 v2, v6;
	v2 =	vld.idx.msk [tilespmem:v12+s3+$0x0], $0xffff  }
0x5b9: {  	v13 =	vimm.f32 $0.0e+00;
	v11 =	vadd.f32 v1, v6;
	v4 =	vadd.f32 v4, v6;
	v1 =	vld.idx.msk [tilespmem:v9+s3+$0x0], $0xffff  }
0x5ba: {  	v3 =	vadd.f32 v3, v6;
	v5 =	vadd.f32 v10, v6;
	v9 =	vshll.u32 v16, $0x10;
	v16 =	vld.idx.msk [tilespmem:v20+s3+$0x0], $0xffff  }
0x5bb: {  	v20 =	vshll.u32 v21, $0x10;
	v10 =	vadd.f32 v9, v4;
	v9 =	vld.idx.msk [tilespmem:v25+s3+$0x0], $0xffff;
	v25 =	vand.u32 $0xFFFF0000, v21  }
0x5bc: {  	v12 =	vshll.u32 v7, $0x10;
	v24 =	vand.u32 $0xFFFF0000, v7;
	v4 =	vand.u32 $0xFFFF0000, v15  }
0x5bd: {  	s21 =	simm.s32 $0x7850;
	s20 =	simm.s32 $0x0;
	v7 =	vimm.f32 $0.0e+00;
	v5 =	vadd.f32 v12, v5;
	v21 =	vand.u32 $0xFFFF0000, v2;
	v12 =	vld.idx.msk [tilespmem:v26+s3+$0x0], $0xffff  }
.LBB2_28:
0x5be: {  	v26 =	vld [tilespmem:s21+$0x100];
	s20 =	sadd.s32 $0x2, s20;
	v6 =	vadd.f32 v23, v6;
	v23 =	vand.u32 $0xFFFF0000, v0;
	v15 =	vshll.u32 v15, $0x10  }
0x5bf: {  	v7 =	vadd.f32 v22, v7;
	v22 =	vand.u32 $0xFFFF0000, v1;
	v28 =	vshll.u32 v8, $0x10;
	v27 =	vld [tilespmem:s21+$0xFFFFFE00];
	p0 =	slt.u32 s20, $0x16  }
0x5c0: {  	v14 =	vadd.f32 v24, v14;
	v0 =	vshll.u32 v0, $0x10;
	v24 =	vand.u32 $0xFFFF0000, v17;
	v29 =	vld [tilespmem:s21+$0xFFFFFE80]  }
0x5c1: {  	v13 =	vadd.f32 v19, v13;
	v17 =	vshll.u32 v17, $0x10;
	v19 =	vand.u32 $0xFFFF0000, v9;
	v30 =	vld [tilespmem:s21+$0xFFFFFC80]  }
0x5c2: {  	v7 =	vadd.f32 v25, v7;
	v11 =	vadd.f32 v17, v11;
	v17 =	vshll.u32 v16, $0x10;
	v31 =	vld [tilespmem:s21+$0x280]  }
0x5c3: {  	v8 =	vand.u32 $0xFFFF0000, v8;
	v6 =	vadd.f32 v18, v6;
	v25 =	vld [tilespmem:s21+$0xFFFFFD00];
	v26 =	vadd.s32 $0x400, v26  }
0x5c4: {  	v13 =	vadd.f32 v20, v13;
	v14 =	vadd.f32 v21, v14;
	v16 =	vand.u32 $0xFFFF0000, v16;
	v18 =	vld [tilespmem:s21+$0xFFFFFD80]  }
0x5c5: {  	v9 =	vshll.u32 v9, $0x10;
	v7 =	vadd.f32 v16, v7;
	v16 =	vand.u32 $0xFFFF0000, v12;
	v20 =	vld [tilespmem:s21+$0xFFFFFC00]  }
0x5c6: {  	v10 =	vadd.f32 v0, v10;
	v6 =	vadd.f32 v23, v6;
	v12 =	vshll.u32 v12, $0x10;
	v21 =	vld [tilespmem:s21+$0xFFFFFF00]  }
0x5c7: {  	v0 =	vshll.u32 v2, $0x10;
	v3 =	vadd.f32 v24, v3;
	v7 =	vadd.f32 v16, v7;
	v23 =	vld [tilespmem:s21+$0x200]  }
0x5c8: {  	v5 =	vadd.f32 v0, v5;
	v11 =	vadd.f32 v15, v11;
	v2 =	vld [tilespmem:s21+$0x300]  }
0x5c9: {  	v1 =	vshll.u32 v1, $0x10;
	v3 =	vadd.f32 v4, v3;
	v4 =	vadd.f32 v9, v10;
	v0 =	vld.idx.msk [tilespmem:v26+s3+$0x0], $0xffff  }
0x5ca: {  	v11 =	vadd.f32 v28, v11;
	v10 =	vadd.s32 $0x400, v18;
	v9 =	vadd.s32 $0x400, v20;
	v15 =	vld [tilespmem:s21+$0x180]  }
0x5cb: {  	v5 =	vadd.f32 v1, v5;
	v16 =	vadd.s32 $0x400, v25;
	v18 =	vadd.s32 $0x400, v21;
	v20 =	vld [tilespmem:s21+$0x0]  }
0x5cc: {  	v13 =	vadd.f32 v17, v13;
	v3 =	vadd.f32 v8, v3;
	v1 =	vadd.s32 $0x400, v30;
	v21 =	vld [tilespmem:s21+$0x380]  }
0x5cd: {  	v14 =	vadd.f32 v22, v14;
	v6 =	vadd.f32 v19, v6;
	v8 =	vadd.s32 $0x400, v29;
	v17 =	vld [tilespmem:s21+$0xFFFFFF80]  }
0x5ce: {  	v19 =	vadd.s32 $0x400, v27;
	v13 =	vadd.f32 v12, v13;
	v22 =	vld [tilespmem:s21+$0x80]  }
0x5cf: {  	v9 =	vld.idx.msk [tilespmem:v9+s3+$0x0], $0xffff;
	v12 =	vadd.s32 $0x400, v15  }
0x5d0: {  	v18 =	vld.idx.msk [tilespmem:v18+s3+$0x0], $0xffff;
	v20 =	vadd.s32 $0x400, v20  }
0x5d1: {  	v10 =	vld.idx.msk [tilespmem:v10+s3+$0x0], $0xffff;
	v21 =	vadd.s32 $0x400, v21  }
0x5d2: {  	v24 =	vadd.s32 $0x400, v23;
	v16 =	vld.idx.msk [tilespmem:v16+s3+$0x0], $0xffff  }
0x5d3: {  	v17 =	vadd.s32 $0x400, v17;
	v25 =	vld.idx.msk [tilespmem:v1+s3+$0x0], $0xffff;
	v26 =	vadd.s32 $0x400, v22  }
0x5d4: {  	v28 =	vadd.s32 $0x400, v2;
	v27 =	vld.idx.msk [tilespmem:v8+s3+$0x0], $0xffff  }
0x5d5: {  	v29 =	vshll.u32 v9, $0x10;
	v1 =	vand.u32 $0xFFFF0000, v9;
	v9 =	vld.idx.msk [tilespmem:v19+s3+$0x0], $0xffff  }
0x5d6: {  	v15 =	vld.idx.msk [tilespmem:v12+s3+$0x0], $0xffff;
	v12 =	vadd.s32 $0x400, v31  }
0x5d7: {  	v14 =	vadd.f32 v1, v14;
	v1 =	vshll.u32 v10, $0x10;
	v10 =	vand.u32 $0xFFFF0000, v10;
	v2 =	vld.idx.msk [tilespmem:v20+s3+$0x0], $0xffff  }
0x5d8: {  	v19 =	vshll.u32 v16, $0x10;
	v23 =	vand.u32 $0xFFFF0000, v16;
	v11 =	vadd.f32 v1, v11;
	v8 =	vld.idx.msk [tilespmem:v21+s3+$0x0], $0xffff  }
.Ltmp13:
0x5d9: {  	v3 =	vadd.f32 v10, v3;
	v22 =	vand.u32 $0xFFFF0000, v25;
	v4 =	vadd.f32 v19, v4;
	v1 =	vld.idx.msk [tilespmem:v24+s3+$0x0], $0xffff;
	(pc) =	sbr.rel @p0 .LBB2_28-.Ltmp13, $4  }
0x5da: {  	v5 =	vadd.f32 v29, v5;
	v10 =	vshll.u32 v18, $0x10;
	v19 =	vshll.u32 v25, $0x10;
	v17 =	vld.idx.msk [tilespmem:v17+s3+$0x0], $0xffff  }
0x5db: {  	v16 =	vshll.u32 v9, $0x10;
	v24 =	vand.u32 $0xFFFF0000, v9;
	v10 =	vadd.f32 v10, v4;
	v9 =	vld.idx.msk [tilespmem:v28+s3+$0x0], $0xffff  }
0x5dc: {  	v18 =	vand.u32 $0xFFFF0000, v18;
	v5 =	vadd.f32 v16, v5;
	v4 =	vand.u32 $0xFFFF0000, v15;
	v16 =	vld.idx.msk [tilespmem:v26+s3+$0x0], $0xffff  }
0x5dd: {  	s21 =	sadd.s32 $0x800, s21;
	v20 =	vshll.u32 v27, $0x10;
	v25 =	vand.u32 $0xFFFF0000, v27;
	v21 =	vand.u32 $0xFFFF0000, v2;
	v12 =	vld.idx.msk [tilespmem:v12+s3+$0x0], $0xffff  }
0x5de: {  	v6 =	vadd.f32 v23, v6  }
0x5df: {  	v23 =	vand.u32 $0xFFFF0000, v0;
	v15 =	vshll.u32 v15, $0x10;
	v7 =	vadd.f32 v22, v7;
	v22 =	vld [tilespmem:$0xCC50]  }
0x5e0: {  	v26 =	vand.u32 $0xFFFF0000, v1;
	v14 =	vadd.f32 v24, v14;
	v24 =	vshll.u32 v8, $0x10  }
0x5e1: {  	v13 =	vadd.f32 v19, v13;
	v19 =	vshll.u32 v17, $0x10;
	v7 =	vadd.f32 v25, v7;
	v25 =	vld [tilespmem:$0xCCD0]  }
0x5e2: {  	v0 =	vshll.u32 v0, $0x10;
	v8 =	vand.u32 $0xFFFF0000, v8;
	v11 =	vadd.f32 v19, v11;
	v19 =	vld [tilespmem:$0xCD50]  }
0x5e3: {  	v2 =	vshll.u32 v2, $0x10;
	v6 =	vadd.f32 v18, v6;
	v13 =	vadd.f32 v20, v13;
	v20 =	vld [tilespmem:$0xCDD0]  }
0x5e4: {  	v14 =	vadd.f32 v21, v14;
	v21 =	vand.u32 $0xFFFF0000, v16;
	v22 =	vadd.s32 $0x400, v22  }
0x5e5: {  	v1 =	vshll.u32 v1, $0x10;
	v17 =	vand.u32 $0xFFFF0000, v17;
	v7 =	vadd.f32 v21, v7;
	v21 =	vld [tilespmem:$0xCE50]  }
0x5e6: {  	v0 =	vadd.f32 v0, v10;
	v6 =	vadd.f32 v23, v6;
	v23 =	vld [tilespmem:$0xCED0];
	v10 =	vadd.s32 $0x400, v25  }
0x5e7: {  	v3 =	vadd.f32 v17, v3;
	v25 =	vand.u32 $0xFFFF0000, v12;
	v17 =	vadd.s32 $0x400, v19;
	v19 =	vld [tilespmem:$0xCF50]  }
0x5e8: {  	v2 =	vadd.f32 v2, v5;
	v20 =	vadd.s32 $0x400, v20;
	v7 =	vadd.f32 v25, v7;
	v25 =	vld [tilespmem:$0xCFD0]  }
0x5e9: {  	v18 =	vand.u32 $0xFFFF0000, v9;
	v9 =	vshll.u32 v9, $0x10;
	v16 =	vshll.u32 v16, $0x10;
	v5 =	vld.idx.msk [tilespmem:v22+s3+$0x0], $0xffff  }
0x5ea: {  	v0 =	vadd.f32 v9, v0;
	v3 =	vadd.f32 v4, v3;
	v4 =	vadd.s32 $0x400, v21  }
0x5eb: {  	v1 =	vadd.f32 v1, v2;
	v11 =	vadd.f32 v15, v11;
	v9 =	vld.idx.msk [tilespmem:v10+s3+$0x0], $0xffff;
	v10 =	vadd.s32 $0x400, v23  }
0x5ec: {  	v13 =	vadd.f32 v16, v13;
	v14 =	vadd.f32 v26, v14;
	v2 =	vld.idx.msk [tilespmem:v17+s3+$0x0], $0xffff;
	v15 =	vadd.s32 $0x400, v19  }
0x5ed: {  	v11 =	vadd.f32 v24, v11;
	v3 =	vadd.f32 v8, v3;
	v8 =	vld.idx.msk [tilespmem:v20+s3+$0x0], $0xffff;
	v16 =	vadd.s32 $0x400, v25  }
0x5ee: {  	v6 =	vadd.f32 v18, v6;
	v12 =	vshll.u32 v12, $0x10;
	v17 =	vshll.u32 v5, $0x10  }
0x5ef: {  	v12 =	vadd.f32 v12, v13;
	v4 =	vld.idx.msk [tilespmem:v4+s3+$0x0], $0xffff;
	v5 =	vand.u32 $0xFFFF0000, v5;
	v1 =	vadd.f32 v17, v1  }
0x5f0: {  	v5 =	vadd.f32 v5, v14;
	v13 =	vshll.u32 v9, $0x10;
	v9 =	vand.u32 $0xFFFF0000, v9;
	v10 =	vld.idx.msk [tilespmem:v10+s3+$0x0], $0xffff  }
0x5f1: {  	v12 =	vadd.f32 v13, v12;
	v7 =	vadd.f32 v9, v7;
	v9 =	vshll.u32 v2, $0x10;
	v13 =	vld.idx.msk [tilespmem:v15+s3+$0x0], $0xffff  }
0x5f2: {  	v2 =	vand.u32 $0xFFFF0000, v2;
	v14 =	vld.idx.msk [tilespmem:v16+s3+$0x0], $0xffff;
	v0 =	vadd.f32 v9, v0;
	v9 =	vshll.u32 v8, $0x10  }
0x5f3: {  	v2 =	vadd.f32 v2, v6;
	v8 =	vand.u32 $0xFFFF0000, v8;
	v6 =	vadd.f32 v9, v11  }
0x5f4: {  	v3 =	vadd.f32 v8, v3;
	v8 =	vshll.u32 v4, $0x10;
	v4 =	vand.u32 $0xFFFF0000, v4  }
0x5f5: {  	v1 =	vadd.f32 v8, v1;
	v4 =	vadd.f32 v4, v5;
	v5 =	vshll.u32 v10, $0x10  }
0x5f6: {  	v8 =	vand.u32 $0xFFFF0000, v10;
	v5 =	vadd.f32 v5, v12;
	v9 =	vshll.u32 v13, $0x10  }
0x5f7: {  	v7 =	vadd.f32 v8, v7;
	v8 =	vshll.u32 v14, $0x10;
	v0 =	vadd.f32 v9, v0  }
0x5f8: {  	v9 =	vand.u32 $0xFFFF0000, v13;
	v6 =	vadd.f32 v8, v6;
	v8 =	vand.u32 $0xFFFF0000, v14  }
0x5f9: {  	v2 =	vadd.f32 v9, v2;
	v3 =	vadd.f32 v8, v3;
	v8 =	vld [tilespmem:$0xD050]  }
0x5fa: {  	v1 =	vadd.f32 v5, v1;
	v5 =	vld [tilespmem:$0xD0D0];
	v4 =	vadd.f32 v7, v4  }
0x5fb: {  	v0 =	vadd.f32 v6, v0;
	v2 =	vadd.f32 v3, v2;
	_ =	sdelay $0x1  }
0x5fc: {  	v0 =	vadd.f32 v0, v1;
	v1 =	vadd.f32 v2, v4;
	_ =	sdelay $0x1  }
0x5fd: {  	v0 =	vadd.f32 v0, v8;
	v1 =	vadd.f32 v1, v5;
	_ =	sdelay $0x1  }
0x5fe: {  	v0 =	vmul.f32 $4.999999890e-03, v0;
	v1 =	vmul.f32 $4.999999890e-03, v1;
	_ =	sdelay $0x1  }
0x5ff: {  	v2 =	vmul.f32 $9.999999770e-03, v0;
	v3 =	vmul.f32 $9.999999770e-03, v1  }
0x600: {  	vm0 =	vge.f32 v0, $0.0e+00;
	vm1 =	vge.f32 v1, $0.0e+00  }
0x601: {  	v0 =	vsel vm0, v0, v2;
	v1 =	vsel vm1, v1, v3  }
0x602: {  	v2 =	vmax.f32 v0, v1  }
0x603: {  	v0 =	vsub.f32 v0, v2  }
0x604: {  	v1 =	vsub.f32 v1, v2  }
0x605: {  	v2 =	vmul.f32 $1.442695020e+00, v0  }
0x606: {  	v3 =	vmul.f32 $1.442695020e+00, v1  }
0x607: {  	(erf) = vpow2.f32 v2  }
0x608: {  	(erf) = vpow2.f32 v3;
	_ =	sdelay $0x7  }
0x609: {  	v2 =	vpop (erf)  }
0x60a: {  	v3 =	vpop (erf)  }
0x60b: {  	v2 =	vadd.f32 v3, v2;
	_ =	sdelay $0x1  }
0x60c: {  	v3 =	vadd.f32 $1.000000000e+00, v2;
	_ =	sdelay $0x1  }
0x60d: {  	(erf) = vrcp.f32 v3;
	_ =	sdelay $0x7  }
0x60e: {  	v2 =	vadd.f32 $-1.000000000e+00, v2  }
0x60f: {  	v3 =	vpop (erf)  }
0x610: {  	v2 =	vmul.f32 v3, v2;
	_ =	sdelay $0x1  }
0x611: {  	v3 =	vmul.f32 v2, v2;
	_ =	sdelay $0x1  }
0x612: {  	v4 =	vmul.f32 $2.857142980e-01, v3;
	_ =	sdelay $0x1  }
0x613: {  	v4 =	vadd.f32 $4.000000060e-01, v4;
	_ =	sdelay $0x1  }
0x614: {  	v4 =	vmul.f32 v4, v3;
	_ =	sdelay $0x1  }
0x615: {  	v4 =	vadd.f32 $6.666666860e-01, v4;
	_ =	sdelay $0x1  }
0x616: {  	v3 =	vmul.f32 v4, v3;
	_ =	sdelay $0x1  }
0x617: {  	v3 =	vadd.f32 $2.000000000e+00, v3;
	_ =	sdelay $0x1  }
0x618: {  	v2 =	vmul.f32 v3, v2;
	_ =	sdelay $0x1  }
0x619: {  	v0 =	vsub.f32 v0, v2  }
0x61a: {  	v1 =	vsub.f32 v1, v2  }
0x61b: {  	[tilespmem:$0xD150] =	vst v0  }
0x61c: {  	s20 =	simm.s32 $0x7060;
	[tilespmem:$0xD1D0] =	vst v1  }
0x61d: {  	v0 =	vld [tilespmem:s20+$0x100]  }
0x61e: {  	v1 =	vld [tilespmem:s20+$0xFFFFFE00]  }
0x61f: {  	v2 =	vld [tilespmem:s20+$0xFFFFFE80]  }
0x620: {  	v3 =	vld [tilespmem:s20+$0xFFFFFC80]  }
0x621: {  	v4 =	vld [tilespmem:s20+$0x280]  }
0x622: {  	v5 =	vld [tilespmem:s20+$0xFFFFFD00]  }
0x623: {  	v6 =	vld [tilespmem:s20+$0xFFFFFD80]  }
0x624: {  	v7 =	vld [tilespmem:s20+$0xFFFFFC00]  }
0x625: {  	v8 =	vld [tilespmem:s20+$0xFFFFFF00]  }
0x626: {  	v9 =	vld [tilespmem:s20+$0x200]  }
0x627: {  	v10 =	vld [tilespmem:s20+$0x300]  }
0x628: {  	v11 =	vld [tilespmem:s20+$0x180];
	v0 =	vadd.s32 $0x400, v0  }
0x629: {  	v12 =	vld [tilespmem:s20+$0x0];
	v7 =	vadd.s32 $0x400, v7  }
0x62a: {  	v13 =	vld [tilespmem:s20+$0x380];
	v8 =	vadd.s32 $0x400, v8  }
0x62b: {  	v14 =	vld [tilespmem:s20+$0xFFFFFF80];
	v6 =	vadd.s32 $0x400, v6  }
0x62c: {  	v15 =	vld [tilespmem:s20+$0x80];
	v5 =	vadd.s32 $0x400, v5  }
0x62d: {  	v3 =	vadd.s32 $0x400, v3;
	v0 =	vld.idx.msk [tilespmem:v0+s3+$0x0], $0xffff  }
0x62e: {  	v2 =	vadd.s32 $0x400, v2;
	v7 =	vld.idx.msk [tilespmem:v7+s3+$0x0], $0xffff  }
0x62f: {  	v1 =	vadd.s32 $0x400, v1;
	v16 =	vld.idx.msk [tilespmem:v8+s3+$0x0], $0xffff  }
0x630: {  	v8 =	vadd.s32 $0x400, v11;
	v11 =	vld.idx.msk [tilespmem:v6+s3+$0x0], $0xffff  }
0x631: {  	v13 =	vadd.s32 $0x400, v13;
	v5 =	vld.idx.msk [tilespmem:v5+s3+$0x0], $0xffff  }
0x632: {  	v18 =	vadd.s32 $0x400, v14;
	v17 =	vld.idx.msk [tilespmem:v3+s3+$0x0], $0xffff  }
0x633: {  	v12 =	vadd.s32 $0x400, v12;
	v9 =	vadd.s32 $0x400, v9;
	v21 =	vld.idx.msk [tilespmem:v2+s3+$0x0], $0xffff  }
0x634: {  	v25 =	vadd.s32 $0x400, v10;
	v10 =	vshll.u32 v7, $0x10;
	v2 =	vand.u32 $0xFFFF0000, v7;
	v7 =	vld.idx.msk [tilespmem:v1+s3+$0x0], $0xffff  }
0x635: {  	v20 =	vadd.s32 $0x400, v15;
	v26 =	vadd.s32 $0x400, v4;
	v15 =	vld.idx.msk [tilespmem:v8+s3+$0x0], $0xffff  }
0x636: {  	v6 =	vimm.f32 $0.0e+00;
	v1 =	vshll.u32 v11, $0x10;
	v3 =	vand.u32 $0xFFFF0000, v11;
	v8 =	vld.idx.msk [tilespmem:v13+s3+$0x0], $0xffff  }
0x637: {  	v4 =	vshll.u32 v5, $0x10;
	v22 =	vand.u32 $0xFFFF0000, v17;
	v19 =	vshll.u32 v17, $0x10;
	v17 =	vld.idx.msk [tilespmem:v18+s3+$0x0], $0xffff  }
0x638: {  	v23 =	vand.u32 $0xFFFF0000, v5;
	v18 =	vand.u32 $0xFFFF0000, v16;
	v14 =	vadd.f32 v2, v6;
	v2 =	vld.idx.msk [tilespmem:v12+s3+$0x0], $0xffff  }
0x639: {  	v13 =	vimm.f32 $0.0e+00;
	v11 =	vadd.f32 v1, v6;
	v4 =	vadd.f32 v4, v6;
	v1 =	vld.idx.msk [tilespmem:v9+s3+$0x0], $0xffff  }
0x63a: {  	v3 =	vadd.f32 v3, v6;
	v5 =	vadd.f32 v10, v6;
	v9 =	vshll.u32 v16, $0x10;
	v16 =	vld.idx.msk [tilespmem:v20+s3+$0x0], $0xffff  }
0x63b: {  	v20 =	vshll.u32 v21, $0x10;
	v10 =	vadd.f32 v9, v4;
	v9 =	vld.idx.msk [tilespmem:v25+s3+$0x0], $0xffff;
	v25 =	vand.u32 $0xFFFF0000, v21  }
0x63c: {  	v12 =	vshll.u32 v7, $0x10;
	v24 =	vand.u32 $0xFFFF0000, v7;
	v4 =	vand.u32 $0xFFFF0000, v15  }
0x63d: {  	s21 =	simm.s32 $0x7860;
	s20 =	simm.s32 $0x0;
	v7 =	vimm.f32 $0.0e+00;
	v5 =	vadd.f32 v12, v5;
	v21 =	vand.u32 $0xFFFF0000, v2;
	v12 =	vld.idx.msk [tilespmem:v26+s3+$0x0], $0xffff  }
.LBB2_30:
0x63e: {  	v26 =	vld [tilespmem:s21+$0x100];
	s20 =	sadd.s32 $0x2, s20;
	v6 =	vadd.f32 v23, v6;
	v23 =	vand.u32 $0xFFFF0000, v0;
	v15 =	vshll.u32 v15, $0x10  }
0x63f: {  	v7 =	vadd.f32 v22, v7;
	v22 =	vand.u32 $0xFFFF0000, v1;
	v28 =	vshll.u32 v8, $0x10;
	v27 =	vld [tilespmem:s21+$0xFFFFFE00];
	p0 =	slt.u32 s20, $0x16  }
0x640: {  	v14 =	vadd.f32 v24, v14;
	v0 =	vshll.u32 v0, $0x10;
	v24 =	vand.u32 $0xFFFF0000, v17;
	v29 =	vld [tilespmem:s21+$0xFFFFFE80]  }
0x641: {  	v13 =	vadd.f32 v19, v13;
	v17 =	vshll.u32 v17, $0x10;
	v19 =	vand.u32 $0xFFFF0000, v9;
	v30 =	vld [tilespmem:s21+$0xFFFFFC80]  }
0x642: {  	v7 =	vadd.f32 v25, v7;
	v11 =	vadd.f32 v17, v11;
	v17 =	vshll.u32 v16, $0x10;
	v31 =	vld [tilespmem:s21+$0x280]  }
0x643: {  	v8 =	vand.u32 $0xFFFF0000, v8;
	v6 =	vadd.f32 v18, v6;
	v25 =	vld [tilespmem:s21+$0xFFFFFD00];
	v26 =	vadd.s32 $0x400, v26  }
0x644: {  	v13 =	vadd.f32 v20, v13;
	v14 =	vadd.f32 v21, v14;
	v16 =	vand.u32 $0xFFFF0000, v16;
	v18 =	vld [tilespmem:s21+$0xFFFFFD80]  }
0x645: {  	v9 =	vshll.u32 v9, $0x10;
	v7 =	vadd.f32 v16, v7;
	v16 =	vand.u32 $0xFFFF0000, v12;
	v20 =	vld [tilespmem:s21+$0xFFFFFC00]  }
0x646: {  	v10 =	vadd.f32 v0, v10;
	v6 =	vadd.f32 v23, v6;
	v12 =	vshll.u32 v12, $0x10;
	v21 =	vld [tilespmem:s21+$0xFFFFFF00]  }
0x647: {  	v0 =	vshll.u32 v2, $0x10;
	v3 =	vadd.f32 v24, v3;
	v7 =	vadd.f32 v16, v7;
	v23 =	vld [tilespmem:s21+$0x200]  }
0x648: {  	v5 =	vadd.f32 v0, v5;
	v11 =	vadd.f32 v15, v11;
	v2 =	vld [tilespmem:s21+$0x300]  }
0x649: {  	v1 =	vshll.u32 v1, $0x10;
	v3 =	vadd.f32 v4, v3;
	v4 =	vadd.f32 v9, v10;
	v0 =	vld.idx.msk [tilespmem:v26+s3+$0x0], $0xffff  }
0x64a: {  	v11 =	vadd.f32 v28, v11;
	v10 =	vadd.s32 $0x400, v18;
	v9 =	vadd.s32 $0x400, v20;
	v15 =	vld [tilespmem:s21+$0x180]  }
0x64b: {  	v5 =	vadd.f32 v1, v5;
	v16 =	vadd.s32 $0x400, v25;
	v18 =	vadd.s32 $0x400, v21;
	v20 =	vld [tilespmem:s21+$0x0]  }
0x64c: {  	v13 =	vadd.f32 v17, v13;
	v3 =	vadd.f32 v8, v3;
	v1 =	vadd.s32 $0x400, v30;
	v21 =	vld [tilespmem:s21+$0x380]  }
0x64d: {  	v14 =	vadd.f32 v22, v14;
	v6 =	vadd.f32 v19, v6;
	v8 =	vadd.s32 $0x400, v29;
	v17 =	vld [tilespmem:s21+$0xFFFFFF80]  }
0x64e: {  	v19 =	vadd.s32 $0x400, v27;
	v13 =	vadd.f32 v12, v13;
	v22 =	vld [tilespmem:s21+$0x80]  }
0x64f: {  	v9 =	vld.idx.msk [tilespmem:v9+s3+$0x0], $0xffff;
	v12 =	vadd.s32 $0x400, v15  }
0x650: {  	v18 =	vld.idx.msk [tilespmem:v18+s3+$0x0], $0xffff;
	v20 =	vadd.s32 $0x400, v20  }
0x651: {  	v10 =	vld.idx.msk [tilespmem:v10+s3+$0x0], $0xffff;
	v21 =	vadd.s32 $0x400, v21  }
0x652: {  	v24 =	vadd.s32 $0x400, v23;
	v16 =	vld.idx.msk [tilespmem:v16+s3+$0x0], $0xffff  }
0x653: {  	v17 =	vadd.s32 $0x400, v17;
	v25 =	vld.idx.msk [tilespmem:v1+s3+$0x0], $0xffff;
	v26 =	vadd.s32 $0x400, v22  }
0x654: {  	v28 =	vadd.s32 $0x400, v2;
	v27 =	vld.idx.msk [tilespmem:v8+s3+$0x0], $0xffff  }
0x655: {  	v29 =	vshll.u32 v9, $0x10;
	v1 =	vand.u32 $0xFFFF0000, v9;
	v9 =	vld.idx.msk [tilespmem:v19+s3+$0x0], $0xffff  }
0x656: {  	v15 =	vld.idx.msk [tilespmem:v12+s3+$0x0], $0xffff;
	v12 =	vadd.s32 $0x400, v31  }
0x657: {  	v14 =	vadd.f32 v1, v14;
	v1 =	vshll.u32 v10, $0x10;
	v10 =	vand.u32 $0xFFFF0000, v10;
	v2 =	vld.idx.msk [tilespmem:v20+s3+$0x0], $0xffff  }
0x658: {  	v19 =	vshll.u32 v16, $0x10;
	v23 =	vand.u32 $0xFFFF0000, v16;
	v11 =	vadd.f32 v1, v11;
	v8 =	vld.idx.msk [tilespmem:v21+s3+$0x0], $0xffff  }
.Ltmp14:
0x659: {  	v3 =	vadd.f32 v10, v3;
	v22 =	vand.u32 $0xFFFF0000, v25;
	v4 =	vadd.f32 v19, v4;
	v1 =	vld.idx.msk [tilespmem:v24+s3+$0x0], $0xffff;
	(pc) =	sbr.rel @p0 .LBB2_30-.Ltmp14, $4  }
0x65a: {  	v5 =	vadd.f32 v29, v5;
	v10 =	vshll.u32 v18, $0x10;
	v19 =	vshll.u32 v25, $0x10;
	v17 =	vld.idx.msk [tilespmem:v17+s3+$0x0], $0xffff  }
0x65b: {  	v16 =	vshll.u32 v9, $0x10;
	v24 =	vand.u32 $0xFFFF0000, v9;
	v10 =	vadd.f32 v10, v4;
	v9 =	vld.idx.msk [tilespmem:v28+s3+$0x0], $0xffff  }
0x65c: {  	v18 =	vand.u32 $0xFFFF0000, v18;
	v5 =	vadd.f32 v16, v5;
	v4 =	vand.u32 $0xFFFF0000, v15;
	v16 =	vld.idx.msk [tilespmem:v26+s3+$0x0], $0xffff  }
0x65d: {  	s21 =	sadd.s32 $0x800, s21;
	v20 =	vshll.u32 v27, $0x10;
	v25 =	vand.u32 $0xFFFF0000, v27;
	v21 =	vand.u32 $0xFFFF0000, v2;
	v12 =	vld.idx.msk [tilespmem:v12+s3+$0x0], $0xffff  }
0x65e: {  	v6 =	vadd.f32 v23, v6  }
0x65f: {  	v23 =	vand.u32 $0xFFFF0000, v0;
	v15 =	vshll.u32 v15, $0x10;
	v7 =	vadd.f32 v22, v7;
	v22 =	vld [tilespmem:$0xCC60]  }
0x660: {  	v26 =	vand.u32 $0xFFFF0000, v1;
	v14 =	vadd.f32 v24, v14;
	v24 =	vshll.u32 v8, $0x10  }
0x661: {  	v13 =	vadd.f32 v19, v13;
	v19 =	vshll.u32 v17, $0x10;
	v7 =	vadd.f32 v25, v7;
	v25 =	vld [tilespmem:$0xCCE0]  }
0x662: {  	v0 =	vshll.u32 v0, $0x10;
	v8 =	vand.u32 $0xFFFF0000, v8;
	v11 =	vadd.f32 v19, v11;
	v19 =	vld [tilespmem:$0xCD60]  }
0x663: {  	v2 =	vshll.u32 v2, $0x10;
	v6 =	vadd.f32 v18, v6;
	v13 =	vadd.f32 v20, v13;
	v20 =	vld [tilespmem:$0xCDE0]  }
0x664: {  	v14 =	vadd.f32 v21, v14;
	v21 =	vand.u32 $0xFFFF0000, v16;
	v22 =	vadd.s32 $0x400, v22  }
0x665: {  	v1 =	vshll.u32 v1, $0x10;
	v17 =	vand.u32 $0xFFFF0000, v17;
	v7 =	vadd.f32 v21, v7;
	v21 =	vld [tilespmem:$0xCE60]  }
0x666: {  	v0 =	vadd.f32 v0, v10;
	v6 =	vadd.f32 v23, v6;
	v23 =	vld [tilespmem:$0xCEE0];
	v10 =	vadd.s32 $0x400, v25  }
0x667: {  	v3 =	vadd.f32 v17, v3;
	v25 =	vand.u32 $0xFFFF0000, v12;
	v17 =	vadd.s32 $0x400, v19;
	v19 =	vld [tilespmem:$0xCF60]  }
0x668: {  	v2 =	vadd.f32 v2, v5;
	v20 =	vadd.s32 $0x400, v20;
	v7 =	vadd.f32 v25, v7;
	v25 =	vld [tilespmem:$0xCFE0]  }
0x669: {  	v18 =	vand.u32 $0xFFFF0000, v9;
	v9 =	vshll.u32 v9, $0x10;
	v16 =	vshll.u32 v16, $0x10;
	v5 =	vld.idx.msk [tilespmem:v22+s3+$0x0], $0xffff  }
0x66a: {  	v0 =	vadd.f32 v9, v0;
	v3 =	vadd.f32 v4, v3;
	v4 =	vadd.s32 $0x400, v21  }
0x66b: {  	v1 =	vadd.f32 v1, v2;
	v11 =	vadd.f32 v15, v11;
	v9 =	vld.idx.msk [tilespmem:v10+s3+$0x0], $0xffff;
	v10 =	vadd.s32 $0x400, v23  }
0x66c: {  	v13 =	vadd.f32 v16, v13;
	v14 =	vadd.f32 v26, v14;
	v2 =	vld.idx.msk [tilespmem:v17+s3+$0x0], $0xffff;
	v15 =	vadd.s32 $0x400, v19  }
0x66d: {  	v11 =	vadd.f32 v24, v11;
	v3 =	vadd.f32 v8, v3;
	v8 =	vld.idx.msk [tilespmem:v20+s3+$0x0], $0xffff;
	v16 =	vadd.s32 $0x400, v25  }
0x66e: {  	v6 =	vadd.f32 v18, v6;
	v12 =	vshll.u32 v12, $0x10;
	v17 =	vshll.u32 v5, $0x10  }
0x66f: {  	v12 =	vadd.f32 v12, v13;
	v4 =	vld.idx.msk [tilespmem:v4+s3+$0x0], $0xffff;
	v5 =	vand.u32 $0xFFFF0000, v5;
	v1 =	vadd.f32 v17, v1  }
0x670: {  	v5 =	vadd.f32 v5, v14;
	v13 =	vshll.u32 v9, $0x10;
	v9 =	vand.u32 $0xFFFF0000, v9;
	v10 =	vld.idx.msk [tilespmem:v10+s3+$0x0], $0xffff  }
0x671: {  	v12 =	vadd.f32 v13, v12;
	v7 =	vadd.f32 v9, v7;
	v9 =	vshll.u32 v2, $0x10;
	v13 =	vld.idx.msk [tilespmem:v15+s3+$0x0], $0xffff  }
0x672: {  	v2 =	vand.u32 $0xFFFF0000, v2;
	v14 =	vld.idx.msk [tilespmem:v16+s3+$0x0], $0xffff;
	v0 =	vadd.f32 v9, v0;
	v9 =	vshll.u32 v8, $0x10  }
0x673: {  	v2 =	vadd.f32 v2, v6;
	v8 =	vand.u32 $0xFFFF0000, v8;
	v6 =	vadd.f32 v9, v11  }
0x674: {  	v3 =	vadd.f32 v8, v3;
	v8 =	vshll.u32 v4, $0x10;
	v4 =	vand.u32 $0xFFFF0000, v4  }
0x675: {  	v1 =	vadd.f32 v8, v1;
	v4 =	vadd.f32 v4, v5;
	v5 =	vshll.u32 v10, $0x10  }
0x676: {  	v8 =	vand.u32 $0xFFFF0000, v10;
	v5 =	vadd.f32 v5, v12;
	v9 =	vshll.u32 v13, $0x10  }
0x677: {  	v7 =	vadd.f32 v8, v7;
	v8 =	vshll.u32 v14, $0x10;
	v0 =	vadd.f32 v9, v0  }
0x678: {  	v9 =	vand.u32 $0xFFFF0000, v13;
	v6 =	vadd.f32 v8, v6;
	v8 =	vand.u32 $0xFFFF0000, v14  }
0x679: {  	v2 =	vadd.f32 v9, v2;
	v3 =	vadd.f32 v8, v3;
	v8 =	vld [tilespmem:$0xD060]  }
0x67a: {  	v1 =	vadd.f32 v5, v1;
	v5 =	vld [tilespmem:$0xD0E0];
	v4 =	vadd.f32 v7, v4  }
0x67b: {  	v0 =	vadd.f32 v6, v0;
	v2 =	vadd.f32 v3, v2;
	_ =	sdelay $0x1  }
0x67c: {  	v0 =	vadd.f32 v0, v1;
	v1 =	vadd.f32 v2, v4;
	_ =	sdelay $0x1  }
0x67d: {  	v0 =	vadd.f32 v0, v8;
	v1 =	vadd.f32 v1, v5;
	_ =	sdelay $0x1  }
0x67e: {  	v0 =	vmul.f32 $4.999999890e-03, v0;
	v1 =	vmul.f32 $4.999999890e-03, v1;
	_ =	sdelay $0x1  }
0x67f: {  	v2 =	vmul.f32 $9.999999770e-03, v0;
	v3 =	vmul.f32 $9.999999770e-03, v1  }
0x680: {  	vm0 =	vge.f32 v0, $0.0e+00;
	vm1 =	vge.f32 v1, $0.0e+00  }
0x681: {  	v0 =	vsel vm0, v0, v2;
	v1 =	vsel vm1, v1, v3  }
0x682: {  	v2 =	vmax.f32 v0, v1  }
0x683: {  	v0 =	vsub.f32 v0, v2  }
0x684: {  	v1 =	vsub.f32 v1, v2  }
0x685: {  	v2 =	vmul.f32 $1.442695020e+00, v0  }
0x686: {  	v3 =	vmul.f32 $1.442695020e+00, v1  }
0x687: {  	(erf) = vpow2.f32 v2  }
0x688: {  	(erf) = vpow2.f32 v3;
	_ =	sdelay $0x7  }
0x689: {  	v2 =	vpop (erf)  }
0x68a: {  	v3 =	vpop (erf)  }
0x68b: {  	v2 =	vadd.f32 v3, v2;
	_ =	sdelay $0x1  }
0x68c: {  	v3 =	vadd.f32 $1.000000000e+00, v2;
	_ =	sdelay $0x1  }
0x68d: {  	(erf) = vrcp.f32 v3;
	_ =	sdelay $0x7  }
0x68e: {  	v2 =	vadd.f32 $-1.000000000e+00, v2  }
0x68f: {  	v3 =	vpop (erf)  }
0x690: {  	v2 =	vmul.f32 v3, v2;
	_ =	sdelay $0x1  }
0x691: {  	v3 =	vmul.f32 v2, v2;
	_ =	sdelay $0x1  }
0x692: {  	v4 =	vmul.f32 $2.857142980e-01, v3;
	_ =	sdelay $0x1  }
0x693: {  	v4 =	vadd.f32 $4.000000060e-01, v4;
	_ =	sdelay $0x1  }
0x694: {  	v4 =	vmul.f32 v4, v3;
	_ =	sdelay $0x1  }
0x695: {  	v4 =	vadd.f32 $6.666666860e-01, v4;
	_ =	sdelay $0x1  }
0x696: {  	v3 =	vmul.f32 v4, v3;
	_ =	sdelay $0x1  }
0x697: {  	v3 =	vadd.f32 $2.000000000e+00, v3;
	_ =	sdelay $0x1  }
0x698: {  	v2 =	vmul.f32 v3, v2;
	_ =	sdelay $0x1  }
0x699: {  	v0 =	vsub.f32 v0, v2  }
0x69a: {  	v1 =	vsub.f32 v1, v2  }
0x69b: {  	[tilespmem:$0xD160] =	vst v0  }
0x69c: {  	s20 =	simm.s32 $0x7070;
	[tilespmem:$0xD1E0] =	vst v1  }
0x69d: {  	v0 =	vld [tilespmem:s20+$0x100]  }
0x69e: {  	v1 =	vld [tilespmem:s20+$0xFFFFFE00]  }
0x69f: {  	v2 =	vld [tilespmem:s20+$0xFFFFFE80]  }
0x6a0: {  	v3 =	vld [tilespmem:s20+$0xFFFFFC80]  }
0x6a1: {  	v4 =	vld [tilespmem:s20+$0x280]  }
0x6a2: {  	v5 =	vld [tilespmem:s20+$0xFFFFFD00]  }
0x6a3: {  	v6 =	vld [tilespmem:s20+$0xFFFFFD80]  }
0x6a4: {  	v7 =	vld [tilespmem:s20+$0xFFFFFC00]  }
0x6a5: {  	v8 =	vld [tilespmem:s20+$0xFFFFFF00]  }
0x6a6: {  	v9 =	vld [tilespmem:s20+$0x200]  }
0x6a7: {  	v10 =	vld [tilespmem:s20+$0x300]  }
0x6a8: {  	v11 =	vld [tilespmem:s20+$0x180];
	v0 =	vadd.s32 $0x400, v0  }
0x6a9: {  	v12 =	vld [tilespmem:s20+$0x0];
	v7 =	vadd.s32 $0x400, v7  }
0x6aa: {  	v13 =	vld [tilespmem:s20+$0x380];
	v8 =	vadd.s32 $0x400, v8  }
0x6ab: {  	v14 =	vld [tilespmem:s20+$0xFFFFFF80];
	v6 =	vadd.s32 $0x400, v6  }
0x6ac: {  	v15 =	vld [tilespmem:s20+$0x80];
	v5 =	vadd.s32 $0x400, v5  }
0x6ad: {  	v3 =	vadd.s32 $0x400, v3;
	v0 =	vld.idx.msk [tilespmem:v0+s3+$0x0], $0xffff  }
0x6ae: {  	v2 =	vadd.s32 $0x400, v2;
	v7 =	vld.idx.msk [tilespmem:v7+s3+$0x0], $0xffff  }
0x6af: {  	v1 =	vadd.s32 $0x400, v1;
	v16 =	vld.idx.msk [tilespmem:v8+s3+$0x0], $0xffff  }
0x6b0: {  	v8 =	vadd.s32 $0x400, v11;
	v11 =	vld.idx.msk [tilespmem:v6+s3+$0x0], $0xffff  }
0x6b1: {  	v13 =	vadd.s32 $0x400, v13;
	v5 =	vld.idx.msk [tilespmem:v5+s3+$0x0], $0xffff  }
0x6b2: {  	v18 =	vadd.s32 $0x400, v14;
	v17 =	vld.idx.msk [tilespmem:v3+s3+$0x0], $0xffff  }
0x6b3: {  	v12 =	vadd.s32 $0x400, v12;
	v9 =	vadd.s32 $0x400, v9;
	v21 =	vld.idx.msk [tilespmem:v2+s3+$0x0], $0xffff  }
0x6b4: {  	v25 =	vadd.s32 $0x400, v10;
	v10 =	vshll.u32 v7, $0x10;
	v2 =	vand.u32 $0xFFFF0000, v7;
	v7 =	vld.idx.msk [tilespmem:v1+s3+$0x0], $0xffff  }
0x6b5: {  	v20 =	vadd.s32 $0x400, v15;
	v26 =	vadd.s32 $0x400, v4;
	v15 =	vld.idx.msk [tilespmem:v8+s3+$0x0], $0xffff  }
0x6b6: {  	v6 =	vimm.f32 $0.0e+00;
	v1 =	vshll.u32 v11, $0x10;
	v3 =	vand.u32 $0xFFFF0000, v11;
	v8 =	vld.idx.msk [tilespmem:v13+s3+$0x0], $0xffff  }
0x6b7: {  	v4 =	vshll.u32 v5, $0x10;
	v22 =	vand.u32 $0xFFFF0000, v17;
	v19 =	vshll.u32 v17, $0x10;
	v17 =	vld.idx.msk [tilespmem:v18+s3+$0x0], $0xffff  }
0x6b8: {  	v23 =	vand.u32 $0xFFFF0000, v5;
	v18 =	vand.u32 $0xFFFF0000, v16;
	v14 =	vadd.f32 v2, v6;
	v2 =	vld.idx.msk [tilespmem:v12+s3+$0x0], $0xffff  }
0x6b9: {  	v13 =	vimm.f32 $0.0e+00;
	v11 =	vadd.f32 v1, v6;
	v4 =	vadd.f32 v4, v6;
	v1 =	vld.idx.msk [tilespmem:v9+s3+$0x0], $0xffff  }
0x6ba: {  	v3 =	vadd.f32 v3, v6;
	v5 =	vadd.f32 v10, v6;
	v9 =	vshll.u32 v16, $0x10;
	v16 =	vld.idx.msk [tilespmem:v20+s3+$0x0], $0xffff  }
0x6bb: {  	v20 =	vshll.u32 v21, $0x10;
	v10 =	vadd.f32 v9, v4;
	v9 =	vld.idx.msk [tilespmem:v25+s3+$0x0], $0xffff;
	v25 =	vand.u32 $0xFFFF0000, v21  }
0x6bc: {  	v12 =	vshll.u32 v7, $0x10;
	v24 =	vand.u32 $0xFFFF0000, v7;
	v4 =	vand.u32 $0xFFFF0000, v15  }
0x6bd: {  	s21 =	simm.s32 $0x7870;
	s20 =	simm.s32 $0x0;
	v7 =	vimm.f32 $0.0e+00;
	v5 =	vadd.f32 v12, v5;
	v21 =	vand.u32 $0xFFFF0000, v2;
	v12 =	vld.idx.msk [tilespmem:v26+s3+$0x0], $0xffff  }
.LBB2_32:
0x6be: {  	v26 =	vld [tilespmem:s21+$0x100];
	s20 =	sadd.s32 $0x2, s20;
	v6 =	vadd.f32 v23, v6;
	v23 =	vand.u32 $0xFFFF0000, v0;
	v15 =	vshll.u32 v15, $0x10  }
0x6bf: {  	v7 =	vadd.f32 v22, v7;
	v22 =	vand.u32 $0xFFFF0000, v1;
	v28 =	vshll.u32 v8, $0x10;
	v27 =	vld [tilespmem:s21+$0xFFFFFE00];
	p0 =	slt.u32 s20, $0x16  }
0x6c0: {  	v14 =	vadd.f32 v24, v14;
	v0 =	vshll.u32 v0, $0x10;
	v24 =	vand.u32 $0xFFFF0000, v17;
	v29 =	vld [tilespmem:s21+$0xFFFFFE80]  }
0x6c1: {  	v13 =	vadd.f32 v19, v13;
	v17 =	vshll.u32 v17, $0x10;
	v19 =	vand.u32 $0xFFFF0000, v9;
	v30 =	vld [tilespmem:s21+$0xFFFFFC80]  }
0x6c2: {  	v7 =	vadd.f32 v25, v7;
	v11 =	vadd.f32 v17, v11;
	v17 =	vshll.u32 v16, $0x10;
	v31 =	vld [tilespmem:s21+$0x280]  }
0x6c3: {  	v8 =	vand.u32 $0xFFFF0000, v8;
	v6 =	vadd.f32 v18, v6;
	v25 =	vld [tilespmem:s21+$0xFFFFFD00];
	v26 =	vadd.s32 $0x400, v26  }
0x6c4: {  	v13 =	vadd.f32 v20, v13;
	v14 =	vadd.f32 v21, v14;
	v16 =	vand.u32 $0xFFFF0000, v16;
	v18 =	vld [tilespmem:s21+$0xFFFFFD80]  }
0x6c5: {  	v9 =	vshll.u32 v9, $0x10;
	v7 =	vadd.f32 v16, v7;
	v16 =	vand.u32 $0xFFFF0000, v12;
	v20 =	vld [tilespmem:s21+$0xFFFFFC00]  }
0x6c6: {  	v10 =	vadd.f32 v0, v10;
	v6 =	vadd.f32 v23, v6;
	v12 =	vshll.u32 v12, $0x10;
	v21 =	vld [tilespmem:s21+$0xFFFFFF00]  }
0x6c7: {  	v0 =	vshll.u32 v2, $0x10;
	v3 =	vadd.f32 v24, v3;
	v7 =	vadd.f32 v16, v7;
	v23 =	vld [tilespmem:s21+$0x200]  }
0x6c8: {  	v5 =	vadd.f32 v0, v5;
	v11 =	vadd.f32 v15, v11;
	v2 =	vld [tilespmem:s21+$0x300]  }
0x6c9: {  	v1 =	vshll.u32 v1, $0x10;
	v3 =	vadd.f32 v4, v3;
	v4 =	vadd.f32 v9, v10;
	v0 =	vld.idx.msk [tilespmem:v26+s3+$0x0], $0xffff  }
0x6ca: {  	v11 =	vadd.f32 v28, v11;
	v10 =	vadd.s32 $0x400, v18;
	v9 =	vadd.s32 $0x400, v20;
	v15 =	vld [tilespmem:s21+$0x180]  }
0x6cb: {  	v5 =	vadd.f32 v1, v5;
	v16 =	vadd.s32 $0x400, v25;
	v18 =	vadd.s32 $0x400, v21;
	v20 =	vld [tilespmem:s21+$0x0]  }
0x6cc: {  	v13 =	vadd.f32 v17, v13;
	v3 =	vadd.f32 v8, v3;
	v1 =	vadd.s32 $0x400, v30;
	v21 =	vld [tilespmem:s21+$0x380]  }
0x6cd: {  	v14 =	vadd.f32 v22, v14;
	v6 =	vadd.f32 v19, v6;
	v8 =	vadd.s32 $0x400, v29;
	v17 =	vld [tilespmem:s21+$0xFFFFFF80]  }
0x6ce: {  	v19 =	vadd.s32 $0x400, v27;
	v13 =	vadd.f32 v12, v13;
	v22 =	vld [tilespmem:s21+$0x80]  }
0x6cf: {  	v9 =	vld.idx.msk [tilespmem:v9+s3+$0x0], $0xffff;
	v12 =	vadd.s32 $0x400, v15  }
0x6d0: {  	v18 =	vld.idx.msk [tilespmem:v18+s3+$0x0], $0xffff;
	v20 =	vadd.s32 $0x400, v20  }
0x6d1: {  	v10 =	vld.idx.msk [tilespmem:v10+s3+$0x0], $0xffff;
	v21 =	vadd.s32 $0x400, v21  }
0x6d2: {  	v24 =	vadd.s32 $0x400, v23;
	v16 =	vld.idx.msk [tilespmem:v16+s3+$0x0], $0xffff  }
0x6d3: {  	v17 =	vadd.s32 $0x400, v17;
	v25 =	vld.idx.msk [tilespmem:v1+s3+$0x0], $0xffff;
	v26 =	vadd.s32 $0x400, v22  }
0x6d4: {  	v28 =	vadd.s32 $0x400, v2;
	v27 =	vld.idx.msk [tilespmem:v8+s3+$0x0], $0xffff  }
0x6d5: {  	v29 =	vshll.u32 v9, $0x10;
	v1 =	vand.u32 $0xFFFF0000, v9;
	v9 =	vld.idx.msk [tilespmem:v19+s3+$0x0], $0xffff  }
0x6d6: {  	v15 =	vld.idx.msk [tilespmem:v12+s3+$0x0], $0xffff;
	v12 =	vadd.s32 $0x400, v31  }
0x6d7: {  	v14 =	vadd.f32 v1, v14;
	v1 =	vshll.u32 v10, $0x10;
	v10 =	vand.u32 $0xFFFF0000, v10;
	v2 =	vld.idx.msk [tilespmem:v20+s3+$0x0], $0xffff  }
0x6d8: {  	v19 =	vshll.u32 v16, $0x10;
	v23 =	vand.u32 $0xFFFF0000, v16;
	v11 =	vadd.f32 v1, v11;
	v8 =	vld.idx.msk [tilespmem:v21+s3+$0x0], $0xffff  }
.Ltmp15:
0x6d9: {  	v3 =	vadd.f32 v10, v3;
	v22 =	vand.u32 $0xFFFF0000, v25;
	v4 =	vadd.f32 v19, v4;
	v1 =	vld.idx.msk [tilespmem:v24+s3+$0x0], $0xffff;
	(pc) =	sbr.rel @p0 .LBB2_32-.Ltmp15, $4  }
0x6da: {  	v5 =	vadd.f32 v29, v5;
	v10 =	vshll.u32 v18, $0x10;
	v19 =	vshll.u32 v25, $0x10;
	v17 =	vld.idx.msk [tilespmem:v17+s3+$0x0], $0xffff  }
0x6db: {  	v16 =	vshll.u32 v9, $0x10;
	v24 =	vand.u32 $0xFFFF0000, v9;
	v10 =	vadd.f32 v10, v4;
	v9 =	vld.idx.msk [tilespmem:v28+s3+$0x0], $0xffff  }
0x6dc: {  	v18 =	vand.u32 $0xFFFF0000, v18;
	v5 =	vadd.f32 v16, v5;
	v4 =	vand.u32 $0xFFFF0000, v15;
	v16 =	vld.idx.msk [tilespmem:v26+s3+$0x0], $0xffff  }
0x6dd: {  	s21 =	sadd.s32 $0x800, s21;
	v20 =	vshll.u32 v27, $0x10;
	v25 =	vand.u32 $0xFFFF0000, v27;
	v21 =	vand.u32 $0xFFFF0000, v2;
	v12 =	vld.idx.msk [tilespmem:v12+s3+$0x0], $0xffff  }
0x6de: {  	v6 =	vadd.f32 v23, v6;
	v47 =	vand.u32 $0xFFFF0000, v0;
	v48 =	vld [tilespmem:$0xCC70]  }
0x6df: {  	v15 =	vshll.u32 v15, $0x10;
	v7 =	vadd.f32 v22, v7;
	v26 =	vand.u32 $0xFFFF0000, v1;
	v51 =	vld [tilespmem:$0xCCF0]  }
0x6e0: {  	v14 =	vadd.f32 v24, v14;
	v49 =	vshll.u32 v8, $0x10;
	v13 =	vadd.f32 v19, v13;
	v54 =	vld [tilespmem:$0xCD70]  }
0x6e1: {  	v53 =	vshll.u32 v0, $0x10;
	v56 =	vld [tilespmem:$0xCDF0];
	v59 =	vand.u32 $0xFFFF0000, v8;
	v2 =	vshll.u32 v2, $0x10  }
0x6e2: {  	v60 =	vld [tilespmem:$0xCE70];
	v35 =	vshll.u32 v1, $0x10;
	v50 =	vshll.u32 v17, $0x10;
	v52 =	vand.u32 $0xFFFF0000, v17  }
0x6e3: {  	v0 =	vadd.f32 v53, v10;
	v2 =	vadd.f32 v2, v5;
	v22 =	vadd.s32 $0x400, v48  }
0x6e4: {  	v62 =	vld [tilespmem:$0xCEF0];
	v7 =	vadd.f32 v25, v7;
	v11 =	vadd.f32 v50, v11;
	v61 =	vadd.s32 $0x400, v51  }
0x6e5: {  	v6 =	vadd.f32 v18, v6;
	v55 =	vand.u32 $0xFFFF0000, v9;
	v28 =	vadd.s32 $0x400, v54  }
0x6e6: {  	v29 =	vld [tilespmem:$0xCF70];
	v13 =	vadd.f32 v20, v13;
	v14 =	vadd.f32 v21, v14;
	v20 =	vadd.s32 $0x400, v56  }
0x6e7: {  	v30 =	vld [tilespmem:$0xCFF0];
	v3 =	vadd.f32 v52, v3;
	v31 =	vshll.u32 v9, $0x10;
	v34 =	vadd.s32 $0x400, v60  }
0x6e8: {  	v57 =	vand.u32 $0xFFFF0000, v16;
	v58 =	vshll.u32 v16, $0x10;
	v0 =	vadd.f32 v31, v0;
	v33 =	vld.idx.msk [tilespmem:v22+s3+$0x0], $0xffff  }
0x6e9: {  	v1 =	vadd.f32 v35, v2;
	v7 =	vadd.f32 v57, v7;
	v37 =	vadd.s32 $0x400, v62;
	v36 =	vld.idx.msk [tilespmem:v61+s3+$0x0], $0xffff  }
0x6ea: {  	v6 =	vadd.f32 v47, v6;
	v63 =	vand.u32 $0xFFFF0000, v12;
	v11 =	vadd.f32 v15, v11;
	v38 =	vld.idx.msk [tilespmem:v28+s3+$0x0], $0xffff  }
0x6eb: {  	v3 =	vadd.f32 v4, v3;
	v13 =	vadd.f32 v58, v13;
	v39 =	vadd.s32 $0x400, v29;
	v40 =	vld.idx.msk [tilespmem:v20+s3+$0x0], $0xffff  }
0x6ec: {  	v14 =	vadd.f32 v26, v14;
	v41 =	vadd.s32 $0x400, v30;
	v7 =	vadd.f32 v63, v7;
	v4 =	vld.idx.msk [tilespmem:v34+s3+$0x0], $0xffff  }
0x6ed: {  	v32 =	vshll.u32 v12, $0x10;
	v11 =	vadd.f32 v49, v11;
	v3 =	vadd.f32 v59, v3  }
0x6ee: {  	v6 =	vadd.f32 v55, v6;
	v12 =	vadd.f32 v32, v13;
	v10 =	vld.idx.msk [tilespmem:v37+s3+$0x0], $0xffff  }
0x6ef: {  	v42 =	vshll.u32 v33, $0x10;
	v5 =	vand.u32 $0xFFFF0000, v33;
	v43 =	vshll.u32 v36, $0x10  }
0x6f0: {  	v45 =	vld.idx.msk [tilespmem:v39+s3+$0x0], $0xffff;
	v9 =	vand.u32 $0xFFFF0000, v36;
	v44 =	vshll.u32 v38, $0x10;
	v2 =	vand.u32 $0xFFFF0000, v38  }
0x6f1: {  	v47 =	vld.idx.msk [tilespmem:v41+s3+$0x0], $0xffff;
	v46 =	vshll.u32 v40, $0x10;
	v8 =	vand.u32 $0xFFFF0000, v40;
	v49 =	vshll.u32 v4, $0x10  }
0x6f2: {  	v4 =	vand.u32 $0xFFFF0000, v4;
	v1 =	vadd.f32 v42, v1;
	v5 =	vadd.f32 v5, v14  }
0x6f3: {  	v50 =	vshll.u32 v10, $0x10;
	v12 =	vadd.f32 v43, v12;
	v7 =	vadd.f32 v9, v7  }
0x6f4: {  	v51 =	vand.u32 $0xFFFF0000, v10;
	v0 =	vadd.f32 v44, v0;
	v2 =	vadd.f32 v2, v6  }
0x6f5: {  	v52 =	vshll.u32 v45, $0x10;
	v48 =	vadd.f32 v46, v11;
	v3 =	vadd.f32 v8, v3  }
0x6f6: {  	v53 =	vshll.u32 v47, $0x10;
	v1 =	vadd.f32 v49, v1;
	v4 =	vadd.f32 v4, v5  }
0x6f7: {  	v54 =	vand.u32 $0xFFFF0000, v45;
	v5 =	vadd.f32 v50, v12;
	v7 =	vadd.f32 v51, v7  }
0x6f8: {  	v55 =	vand.u32 $0xFFFF0000, v47;
	v0 =	vadd.f32 v52, v0;
	v6 =	vadd.f32 v53, v48  }
0x6f9: {  	v57 =	vld [tilespmem:$0xD0F0];
	v2 =	vadd.f32 v54, v2;
	v3 =	vadd.f32 v55, v3  }
0x6fa: {  	v56 =	vld [tilespmem:$0xD070];
	v1 =	vadd.f32 v5, v1;
	v0 =	vadd.f32 v6, v0  }
0x6fb: {  	v4 =	vadd.f32 v7, v4;
	v2 =	vadd.f32 v3, v2;
	_ =	sdelay $0x1  }
0x6fc: {  	v0 =	vadd.f32 v0, v1;
	v58 =	vadd.f32 v2, v4;
	_ =	sdelay $0x1  }
0x6fd: {  	v0 =	vadd.f32 v0, v56;
	v1 =	vadd.f32 v58, v57;
	_ =	sdelay $0x1  }
0x6fe: {  	v0 =	vmul.f32 $4.999999890e-03, v0;
	v1 =	vmul.f32 $4.999999890e-03, v1;
	_ =	sdelay $0x1  }
0x6ff: {  	v59 =	vmul.f32 $9.999999770e-03, v0;
	v60 =	vmul.f32 $9.999999770e-03, v1  }
0x700: {  	vm0 =	vge.f32 v0, $0.0e+00;
	vm1 =	vge.f32 v1, $0.0e+00  }
0x701: {  	v0 =	vsel vm0, v0, v59;
	v1 =	vsel vm1, v1, v60  }
0x702: {  	v2 =	vmax.f32 v0, v1  }
0x703: {  	v0 =	vsub.f32 v0, v2  }
0x704: {  	v1 =	vsub.f32 v1, v2  }
0x705: {  	v61 =	vmul.f32 $1.442695020e+00, v0  }
0x706: {  	v62 =	vmul.f32 $1.442695020e+00, v1  }
0x707: {  	(erf) = vpow2.f32 v61  }
0x708: {  	(erf) = vpow2.f32 v62;
	_ =	sdelay $0x7  }
0x709: {  	v2 =	vpop (erf)  }
0x70a: {  	v3 =	vpop (erf)  }
0x70b: {  	v2 =	vadd.f32 v3, v2;
	_ =	sdelay $0x1  }
0x70c: {  	v3 =	vadd.f32 $1.000000000e+00, v2;
	_ =	sdelay $0x1  }
0x70d: {  	(erf) = vrcp.f32 v3;
	_ =	sdelay $0x7  }
0x70e: {  	v2 =	vadd.f32 $-1.000000000e+00, v2  }
0x70f: {  	v3 =	vpop (erf)  }
0x710: {  	v2 =	vmul.f32 v3, v2;
	_ =	sdelay $0x1  }
0x711: {  	v3 =	vmul.f32 v2, v2;
	_ =	sdelay $0x1  }
0x712: {  	v63 =	vmul.f32 $2.857142980e-01, v3;
	_ =	sdelay $0x1  }
0x713: {  	v4 =	vadd.f32 $4.000000060e-01, v63;
	_ =	sdelay $0x1  }
0x714: {  	v4 =	vmul.f32 v4, v3;
	_ =	sdelay $0x1  }
0x715: {  	v4 =	vadd.f32 $6.666666860e-01, v4;
	_ =	sdelay $0x1  }
0x716: {  	v3 =	vmul.f32 v4, v3;
	_ =	sdelay $0x1  }
0x717: {  	v3 =	vadd.f32 $2.000000000e+00, v3;
	_ =	sdelay $0x1  }
0x718: {  	v2 =	vmul.f32 v3, v2;
	_ =	sdelay $0x1  }
0x719: {  	v0 =	vsub.f32 v0, v2  }
0x71a: {  	v1 =	vsub.f32 v1, v2  }
0x71b: {  	[tilespmem:$0xD170] =	vst v0  }
0x71c: {  	[tilespmem:$0xD1F0] =	vst v1  }
0x71d: {  	[hbm4b:s6+s3] =	stream.linear.scatter [tilespmem:s16], [sflag:$0x4], $0x80, $0x38;
	[tilespmem:$0xD200] =	vst v63  }
0x71e: {  	s19 =	sadd.s32 $0x1, s19;
	_ =	swait.ge [sflag:s17], $0x80  }
0x71f: {  	p0 =	sne.s32 s19, s8;
	[sflag:s17] =	ssyncset.done $0x0  }
.Ltmp16:
0x720: {  	[sflag:s17] =	ssyncadd.s32 $0xFFFFFF80;
	(pc) =	sbr.rel @p0 .LBB2_1-.Ltmp16, $4  }
0x721: {  	[hbm4b:s7+s3] =	stream.linear.scatter [tilespmem:s18], [sflag:$0x4], $0x80, $0x38;
	[tilespmem:$0xD200] =	vst v63  }
0x722: {  	_ =	swait.ge [sflag:s17], $0x80  }
0x723: {  	[sflag:s17] =	ssyncset.done $0x0  }
0x724: {  	[sflag:s17] =	ssyncadd.s32 $0xFFFFFF80  }
0x725: {  	_ =	sfence.sel $0x180000  }
0x726: {  	[bflag:$0x0] =	sbarrier.arrive $0xFFFF  }
0x727: {  	p0 =	sne.s32 s2, $0x0;
	_ =	strace $0x90000047  }
0x728: {  	s0 =	sadd.s32 @!p0 $0x100000, s0;
	[bflag:$0x2] =	sbarrier.arrive $0xFFFF  }
0x729: {  	[sflag:s0] =	ssyncadd.tile.s32 @!p0 $0x1;
	_ =	shalt  }
.Lfunc_end2:
_tile_overlayer_lowered:
.L_overlay_start_2:
0x72a: {  	(tag) =	ssettag $0x2  }
0x72b: {  	s0 =	rddreg [dreg:$0x0];
	s2 =	stileid.u32  }
0x72c: {  	s1 =	rddreg [dreg:$0x1];
	p0 =	sne.s32 s2, $0x0  }
0x72d: {  	s3 =	rddreg [dreg:$0x2];
	[bflag:$0x3] =	sbarrier.arrive $0xFFFF;
	s2 =	simm.s32 @!p0 $0x1C04  }
0x72e: {  	[timem:s3], [sflag:s2] =	dma.local @!p0 [hbm:s0], s1  }
0x72f: {  	s0 =	simm.s32 @!p0 $0x4  }
0x730: {  	_ =	swait.ge @!p0 [sflag:s0], s1  }
0x731: {  	s1 =	ssub.s32 @!p0 $0x0, s1;
	[sflag:s0] =	ssyncset.done @!p0 $0x0  }
0x732: {  	[sflag:s0] =	ssyncadd.s32 @!p0 s1  }
0x733: {  	[bflag:$0x3] =	sbarrier.arrive $0xFFFF  }
0x734: {  	_ =	shalt  }

</sc_bundles>
